<compile_context>
chip_gen: v7x
topology: tpu7x:2x2x1
jax: 0.10.2.dev20260603
libtpu: 0.0.44.dev20260713+nightly
codegen_flags: <defaults>
</compile_context>

<pallas_src>
import functools

import jax
import jax.numpy as jnp
from jax import lax
from jax.experimental import pallas as pl
from jax.experimental.pallas import tpu as pltpu
from jax.experimental.pallas import tpu_sc as plsc

D_MODEL = 64
LANES = 16
NUM_CORES = 2
NUM_SUBCORES = 16
NUM_WORKERS = NUM_CORES * NUM_SUBCORES


@functools.lru_cache(maxsize=None)
def _build(B: int, T: int, V: int, D: int):
    assert T % NUM_WORKERS == 0 and D % LANES == 0
    CH = T // NUM_WORKERS
    assert CH % 8 == 0 and CH <= 128
    mesh = plsc.VectorSubcoreMesh(core_axis_name="c", subcore_axis_name="s")

    @functools.partial(
        pl.kernel,
        mesh=mesh,
        compiler_params=pltpu.CompilerParams(use_tc_tiling_on_sc=False),
        out_type=jax.ShapeDtypeStruct((B, T, D), jnp.float32),
        scratch_types=[
            pltpu.VMEM((B, CH), jnp.int32),
            pltpu.VMEM((B // 2, 2 * CH), jnp.int32),
            pltpu.VMEM((CH, D), jnp.float32),
            pltpu.VMEM((8, 2 * CH, D), jnp.float32),
        ] + [pltpu.SemaphoreType.DMA] * 10,
    )
    def k(x_hbm, tok_hbm, pos_hbm, out_hbm, idx_v, idx2_v, pos_v, rows_v,
          *sems):
        w = lax.axis_index("s") * NUM_CORES + lax.axis_index("c")
        t0 = w * CH
        pltpu.sync_copy(pos_hbm.at[pl.ds(t0, CH)], pos_v)
        pltpu.sync_copy(x_hbm.at[:, pl.ds(t0, CH)], idx_v)
        for bb in range(B):
            for kk in range(CH // LANES):
                idx2_v[bb // 2,
                       pl.ds((bb % 2) * CH + kk * LANES, LANES)] = (
                    idx_v[bb, pl.ds(kk * LANES, LANES)])

        NCH = B // 2
        gsems = sems[:8]
        osems = sems[8:]
        ghandles = [None] * NCH
        ohandles = [None] * NCH

        for cidx in range(NCH):
            ghandles[cidx] = pltpu.async_copy(
                tok_hbm.at[idx2_v.at[cidx]], rows_v.at[cidx], gsems[cidx])

        for cidx in range(NCH):
            ghandles[cidx].wait()
            rows = rows_v.at[cidx]

            def body(r, carry):
                for half in range(2):
                    for kk in range(D // LANES):
                        sl = pl.ds(kk * LANES, LANES)
                        rr = half * CH + r
                        rows[rr, sl] = rows[rr, sl] + pos_v[r, sl]
                return carry

            lax.fori_loop(0, CH, body, 0)
            h0 = pltpu.async_copy(
                rows_v.at[cidx, pl.ds(0, CH)],
                out_hbm.at[2 * cidx, pl.ds(t0, CH)], osems[cidx % 2])
            h1 = pltpu.async_copy(
                rows_v.at[cidx, pl.ds(CH, CH)],
                out_hbm.at[2 * cidx + 1, pl.ds(t0, CH)], osems[cidx % 2])
            ohandles[cidx] = (h0, h1)
        for cidx in range(NCH):
            ohandles[cidx][0].wait()
            ohandles[cidx][1].wait()

    return k


def kernel(x, tok_emb, pos_emb):
    B, T = x.shape
    V, D = tok_emb.shape
    k = _build(B, T, V, D)
    return k(x.astype(jnp.int32), tok_emb, pos_emb)

# --- scband reference (transcript-rebuilt; emitter-appended) ---
"""Pipeline reference for scband-embedding-layer-21603685499198 (READ-ONLY COPY).

The authoritative reference and input builder live on the scoring server;
editing this copy changes nothing except your own understanding.
"""

import jax, jax.numpy as jnp
import numpy as np

VOCAB = 100000
D_MODEL = 64
MAX_SEQ = 2048
B = 16
T = 2048

def setup_inputs(seed: int = 0) -> dict:
    key = jax.random.key(seed)
    k1, k2, k3 = jax.random.split(key, 3)
    x = jax.random.randint(k1, (B, T), 0, VOCAB, dtype=jnp.int64 if jax.config.jax_enable_x64 else jnp.int32)
    tok_emb = jax.random.normal(k2, (VOCAB, D_MODEL), dtype=jnp.float32) * 0.02
    pos_emb = jax.random.normal(k3, (MAX_SEQ, D_MODEL), dtype=jnp.float32) * 0.02
    return {"x": x, "tok_emb": tok_emb, "pos_emb": pos_emb}

def reference(x, tok_emb, pos_emb):
    # token embedding lookup (gather)
    h = jnp.take(tok_emb, x, axis=0)  # [B, T, D]
    # positional embedding lookup
    Tlen = x.shape[1]
    pos = jnp.arange(Tlen)[None, :]  # [1, T]
    h = h + jnp.take(pos_emb, pos, axis=0)  # broadcast add [1, T, D]
    # dropout with p=0.0 is identity
    return h

if __name__ == "__main__":
    import jax
    _d = setup_inputs()
    print(jax.jit(kernel)(*tuple(_d.values())))

</pallas_src>

<mosaic_0001>
#map = affine_map<(d0, d1) -> (0, 0)>
#map1 = affine_map<(d0, d1) -> (0, 0, 0)>
module attributes {stable_mosaic.version = 14 : i64} {
  func.func @k(%arg0: i32, %arg1: i32, %arg2: memref<16x2048xi32, #tpu.memory_space<hbm>>, %arg3: memref<100000x64xf32, #tpu.memory_space<hbm>>, %arg4: memref<2048x64xf32, #tpu.memory_space<hbm>>, %arg5: memref<16x2048x64xf32, #tpu.memory_space<hbm>>, %arg6: memref<16x64xi32, #tpu.memory_space<vmem>>, %arg7: memref<8x128xi32, #tpu.memory_space<vmem>>, %arg8: memref<64x64xf32, #tpu.memory_space<vmem>>, %arg9: memref<8x128x64xf32, #tpu.memory_space<vmem>>, %arg10: memref<!tpu.dma_semaphore, #tpu.memory_space<semaphore_mem>>, %arg11: memref<!tpu.dma_semaphore, #tpu.memory_space<semaphore_mem>>, %arg12: memref<!tpu.dma_semaphore, #tpu.memory_space<semaphore_mem>>, %arg13: memref<!tpu.dma_semaphore, #tpu.memory_space<semaphore_mem>>, %arg14: memref<!tpu.dma_semaphore, #tpu.memory_space<semaphore_mem>>, %arg15: memref<!tpu.dma_semaphore, #tpu.memory_space<semaphore_mem>>, %arg16: memref<!tpu.dma_semaphore, #tpu.memory_space<semaphore_mem>>, %arg17: memref<!tpu.dma_semaphore, #tpu.memory_space<semaphore_mem>>, %arg18: memref<!tpu.dma_semaphore, #tpu.memory_space<semaphore_mem>>, %arg19: memref<!tpu.dma_semaphore, #tpu.memory_space<semaphore_mem>>) attributes {dimension_semantics = [#tpu.dimension_semantics<core_parallel>, #tpu.dimension_semantics<subcore_parallel>], iteration_bounds = array<i64: 2, 16>, scalar_prefetch = 0 : i64, scratch_operands = 14 : i64, tpu.core_type = #tpu.core_type<sc_vector_subcore>, window_params = [{transform_indices = #map}, {transform_indices = #map}, {transform_indices = #map}, {transform_indices = #map1}]} {
    %mul3A = arith.constant 2 : i32
    %mul3A_0 = arith.muli %arg1, %mul3A : i32
    %add3A = arith.addi %mul3A_0, %arg0 : i32
    %mul3A_1 = arith.constant 64 : i32
    %mul3A_2 = arith.muli %add3A, %mul3A_1 : i32
    "tpu.region"() ({
      %run_scoped3A = tpu.sem_alloc : memref<!tpu.dma_semaphore, #tpu.memory_space<semaphore_mem>>
      %dma_start3A_1462 = arith.constant 0 : i32
      %dma_start3A_1463 = tpu.memref_slice %arg4[%mul3A_2, %dma_start3A_1462] : memref<2048x64xf32, #tpu.memory_space<hbm>> -> memref<64x64xf32, #tpu.memory_space<hbm>>
      %dma_start3A_1464 = arith.constant 0 : i32
      %dma_start3A_1465 = tpu.memref_slice %arg4[%mul3A_2, %dma_start3A_1464] : memref<2048x64xf32, #tpu.memory_space<hbm>> -> memref<64x64xf32, #tpu.memory_space<hbm>>
      tpu.enqueue_dma source(%dma_start3A_1465 : memref<64x64xf32, #tpu.memory_space<hbm>>) target(%arg8 : memref<64x64xf32, #tpu.memory_space<vmem>>) target_semaphore(%run_scoped3A : memref<!tpu.dma_semaphore, #tpu.memory_space<semaphore_mem>>)
      %dma_wait3A_1466 = arith.constant 0 : i32
      %dma_wait3A_1467 = tpu.memref_slice %arg4[%mul3A_2, %dma_wait3A_1466] : memref<2048x64xf32, #tpu.memory_space<hbm>> -> memref<64x64xf32, #tpu.memory_space<hbm>>
      %dma_wait3A_1468 = arith.constant 0 : i32
      %dma_wait3A_1469 = tpu.memref_slice %arg4[%mul3A_2, %dma_wait3A_1468] : memref<2048x64xf32, #tpu.memory_space<hbm>> -> memref<64x64xf32, #tpu.memory_space<hbm>>
      tpu.wait_dma2 semaphore(%run_scoped3A : memref<!tpu.dma_semaphore, #tpu.memory_space<semaphore_mem>>) src(%dma_wait3A_1469 : memref<64x64xf32, #tpu.memory_space<hbm>>) dst(%arg8 : memref<64x64xf32, #tpu.memory_space<vmem>>)
      tpu.yield
    }) : () -> ()
    "tpu.region"() ({
      %run_scoped3A = tpu.sem_alloc : memref<!tpu.dma_semaphore, #tpu.memory_space<semaphore_mem>>
      %dma_start3A_1462 = arith.constant 0 : i32
      %dma_start3A_1463 = tpu.memref_slice %arg2[%dma_start3A_1462, %mul3A_2] : memref<16x2048xi32, #tpu.memory_space<hbm>> -> memref<16x64xi32, #tpu.memory_space<hbm>>
      %dma_start3A_1464 = arith.constant 0 : i32
      %dma_start3A_1465 = tpu.memref_slice %arg2[%dma_start3A_1464, %mul3A_2] : memref<16x2048xi32, #tpu.memory_space<hbm>> -> memref<16x64xi32, #tpu.memory_space<hbm>>
      tpu.enqueue_dma source(%dma_start3A_1465 : memref<16x64xi32, #tpu.memory_space<hbm>>) target(%arg6 : memref<16x64xi32, #tpu.memory_space<vmem>>) target_semaphore(%run_scoped3A : memref<!tpu.dma_semaphore, #tpu.memory_space<semaphore_mem>>)
      %dma_wait3A_1466 = arith.constant 0 : i32
      %dma_wait3A_1467 = tpu.memref_slice %arg2[%dma_wait3A_1466, %mul3A_2] : memref<16x2048xi32, #tpu.memory_space<hbm>> -> memref<16x64xi32, #tpu.memory_space<hbm>>
      %dma_wait3A_1468 = arith.constant 0 : i32
      %dma_wait3A_1469 = tpu.memref_slice %arg2[%dma_wait3A_1468, %mul3A_2] : memref<16x2048xi32, #tpu.memory_space<hbm>> -> memref<16x64xi32, #tpu.memory_space<hbm>>
      tpu.wait_dma2 semaphore(%run_scoped3A : memref<!tpu.dma_semaphore, #tpu.memory_space<semaphore_mem>>) src(%dma_wait3A_1469 : memref<16x64xi32, #tpu.memory_space<hbm>>) dst(%arg6 : memref<16x64xi32, #tpu.memory_space<vmem>>)
      tpu.yield
    }) : () -> ()
    %get3A = arith.constant 0 : i32
    %get3A_3 = arith.index_cast %get3A : i32 to index
    %get3A_4 = arith.constant 0 : index
    %get3A_5 = tpu.vector_load %arg6[%get3A_3, %get3A_4] {strides = array<i32>} : memref<16x64xi32, #tpu.memory_space<vmem>>, vector<1x16xi32>,
    %get3A_6 = vector.shape_cast %get3A_5 : vector<1x16xi32> to vector<16xi32>
    %swap3A = arith.constant 0 : i32
    %swap3A_7 = arith.index_cast %swap3A : i32 to index
    %swap3A_8 = arith.constant 0 : index
    %swap3A_9 = tpu.vector_load %arg7[%swap3A_7, %swap3A_8] {strides = array<i32>} : memref<8x128xi32, #tpu.memory_space<vmem>>, vector<1x16xi32>,
    %swap3A_10 = vector.shape_cast %swap3A_9 : vector<1x16xi32> to vector<16xi32>
    %swap3A_11 = vector.shape_cast %get3A_6 : vector<16xi32> to vector<1x16xi32>
    tpu.vector_store %arg7[%swap3A_7, %swap3A_8], %swap3A_11 {strides = array<i32>} : memref<8x128xi32, #tpu.memory_space<vmem>>, vector<1x16xi32>,
    %get3A_12 = arith.constant 0 : i32
    %get3A_13 = arith.index_cast %get3A_12 : i32 to index
    %get3A_14 = arith.constant 16 : index
    %get3A_15 = tpu.vector_load %arg6[%get3A_13, %get3A_14] {strides = array<i32>} : memref<16x64xi32, #tpu.memory_space<vmem>>, vector<1x16xi32>,
    %get3A_16 = vector.shape_cast %get3A_15 : vector<1x16xi32> to vector<16xi32>
    %swap3A_17 = arith.constant 0 : i32
    %swap3A_18 = arith.index_cast %swap3A_17 : i32 to index
    %swap3A_19 = arith.constant 16 : index
    %swap3A_20 = tpu.vector_load %arg7[%swap3A_18, %swap3A_19] {strides = array<i32>} : memref<8x128xi32, #tpu.memory_space<vmem>>, vector<1x16xi32>,
    %swap3A_21 = vector.shape_cast %swap3A_20 : vector<1x16xi32> to vector<16xi32>
    %swap3A_22 = vector.shape_cast %get3A_16 : vector<16xi32> to vector<1x16xi32>
    tpu.vector_store %arg7[%swap3A_18, %swap3A_19], %swap3A_22 {strides = array<i32>} : memref<8x128xi32, #tpu.memory_space<vmem>>, vector<1x16xi32>,
    %get3A_23 = arith.constant 0 : i32
    %get3A_24 = arith.index_cast %get3A_23 : i32 to index
    %get3A_25 = arith.constant 32 : index
    %get3A_26 = tpu.vector_load %arg6[%get3A_24, %get3A_25] {strides = array<i32>} : memref<16x64xi32, #tpu.memory_space<vmem>>, vector<1x16xi32>,
    %get3A_27 = vector.shape_cast %get3A_26 : vector<1x16xi32> to vector<16xi32>
    %swap3A_28 = arith.constant 0 : i32
    %swap3A_29 = arith.index_cast %swap3A_28 : i32 to index
    %swap3A_30 = arith.constant 32 : index
    %swap3A_31 = tpu.vector_load %arg7[%swap3A_29, %swap3A_30] {strides = array<i32>} : memref<8x128xi32, #tpu.memory_space<vmem>>, vector<1x16xi32>,
    %swap3A_32 = vector.shape_cast %swap3A_31 : vector<1x16xi32> to vector<16xi32>
    %swap3A_33 = vector.shape_cast %get3A_27 : vector<16xi32> to vector<1x16xi32>
    tpu.vector_store %arg7[%swap3A_29, %swap3A_30], %swap3A_33 {strides = array<i32>} : memref<8x128xi32, #tpu.memory_space<vmem>>, vector<1x16xi32>,
    %get3A_34 = arith.constant 0 : i32
    %get3A_35 = arith.index_cast %get3A_34 : i32 to index
    %get3A_36 = arith.constant 48 : index
    %get3A_37 = tpu.vector_load %arg6[%get3A_35, %get3A_36] {strides = array<i32>} : memref<16x64xi32, #tpu.memory_space<vmem>>, vector<1x16xi32>,
    %get3A_38 = vector.shape_cast %get3A_37 : vector<1x16xi32> to vector<16xi32>
    %swap3A_39 = arith.constant 0 : i32
    %swap3A_40 = arith.index_cast %swap3A_39 : i32 to index
    %swap3A_41 = arith.constant 48 : index
    %swap3A_42 = tpu.vector_load %arg7[%swap3A_40, %swap3A_41] {strides = array<i32>} : memref<8x128xi32, #tpu.memory_space<vmem>>, vector<1x16xi32>,
    %swap3A_43 = vector.shape_cast %swap3A_42 : vector<1x16xi32> to vector<16xi32>
    %swap3A_44 = vector.shape_cast %get3A_38 : vector<16xi32> to vector<1x16xi32>
    tpu.vector_store %arg7[%swap3A_40, %swap3A_41], %swap3A_44 {strides = array<i32>} : memref<8x128xi32, #tpu.memory_space<vmem>>, vector<1x16xi32>,
    %get3A_45 = arith.constant 1 : i32
    %get3A_46 = arith.index_cast %get3A_45 : i32 to index
    %get3A_47 = arith.constant 0 : index
    %get3A_48 = tpu.vector_load %arg6[%get3A_46, %get3A_47] {strides = array<i32>} : memref<16x64xi32, #tpu.memory_space<vmem>>, vector<1x16xi32>,
    %get3A_49 = vector.shape_cast %get3A_48 : vector<1x16xi32> to vector<16xi32>
    %swap3A_50 = arith.constant 0 : i32
    %swap3A_51 = arith.index_cast %swap3A_50 : i32 to index
    %swap3A_52 = arith.constant 64 : index
    %swap3A_53 = tpu.vector_load %arg7[%swap3A_51, %swap3A_52] {strides = array<i32>} : memref<8x128xi32, #tpu.memory_space<vmem>>, vector<1x16xi32>,
    %swap3A_54 = vector.shape_cast %swap3A_53 : vector<1x16xi32> to vector<16xi32>
    %swap3A_55 = vector.shape_cast %get3A_49 : vector<16xi32> to vector<1x16xi32>
    tpu.vector_store %arg7[%swap3A_51, %swap3A_52], %swap3A_55 {strides = array<i32>} : memref<8x128xi32, #tpu.memory_space<vmem>>, vector<1x16xi32>,
    %get3A_56 = arith.constant 1 : i32
    %get3A_57 = arith.index_cast %get3A_56 : i32 to index
    %get3A_58 = arith.constant 16 : index
    %get3A_59 = tpu.vector_load %arg6[%get3A_57, %get3A_58] {strides = array<i32>} : memref<16x64xi32, #tpu.memory_space<vmem>>, vector<1x16xi32>,
    %get3A_60 = vector.shape_cast %get3A_59 : vector<1x16xi32> to vector<16xi32>
    %swap3A_61 = arith.constant 0 : i32
    %swap3A_62 = arith.index_cast %swap3A_61 : i32 to index
    %swap3A_63 = arith.constant 80 : index
    %swap3A_64 = tpu.vector_load %arg7[%swap3A_62, %swap3A_63] {strides = array<i32>} : memref<8x128xi32, #tpu.memory_space<vmem>>, vector<1x16xi32>,
    %swap3A_65 = vector.shape_cast %swap3A_64 : vector<1x16xi32> to vector<16xi32>
    %swap3A_66 = vector.shape_cast %get3A_60 : vector<16xi32> to vector<1x16xi32>
    tpu.vector_store %arg7[%swap3A_62, %swap3A_63], %swap3A_66 {strides = array<i32>} : memref<8x128xi32, #tpu.memory_space<vmem>>, vector<1x16xi32>,
    %get3A_67 = arith.constant 1 : i32
    %get3A_68 = arith.index_cast %get3A_67 : i32 to index
    %get3A_69 = arith.constant 32 : index
    %get3A_70 = tpu.vector_load %arg6[%get3A_68, %get3A_69] {strides = array<i32>} : memref<16x64xi32, #tpu.memory_space<vmem>>, vector<1x16xi32>,
    %get3A_71 = vector.shape_cast %get3A_70 : vector<1x16xi32> to vector<16xi32>
    %swap3A_72 = arith.constant 0 : i32
    %swap3A_73 = arith.index_cast %swap3A_72 : i32 to index
    %swap3A_74 = arith.constant 96 : index
    %swap3A_75 = tpu.vector_load %arg7[%swap3A_73, %swap3A_74] {strides = array<i32>} : memref<8x128xi32, #tpu.memory_space<vmem>>, vector<1x16xi32>,
    %swap3A_76 = vector.shape_cast %swap3A_75 : vector<1x16xi32> to vector<16xi32>
    %swap3A_77 = vector.shape_cast %get3A_71 : vector<16xi32> to vector<1x16xi32>
    tpu.vector_store %arg7[%swap3A_73, %swap3A_74], %swap3A_77 {strides = array<i32>} : memref<8x128xi32, #tpu.memory_space<vmem>>, vector<1x16xi32>,
    %get3A_78 = arith.constant 1 : i32
    %get3A_79 = arith.index_cast %get3A_78 : i32 to index
    %get3A_80 = arith.constant 48 : index
    %get3A_81 = tpu.vector_load %arg6[%get3A_79, %get3A_80] {strides = array<i32>} : memref<16x64xi32, #tpu.memory_space<vmem>>, vector<1x16xi32>,
    %get3A_82 = vector.shape_cast %get3A_81 : vector<1x16xi32> to vector<16xi32>
    %swap3A_83 = arith.constant 0 : i32
    %swap3A_84 = arith.index_cast %swap3A_83 : i32 to index
    %swap3A_85 = arith.constant 112 : index
    %swap3A_86 = tpu.vector_load %arg7[%swap3A_84, %swap3A_85] {strides = array<i32>} : memref<8x128xi32, #tpu.memory_space<vmem>>, vector<1x16xi32>,
    %swap3A_87 = vector.shape_cast %swap3A_86 : vector<1x16xi32> to vector<16xi32>
    %swap3A_88 = vector.shape_cast %get3A_82 : vector<16xi32> to vector<1x16xi32>
    tpu.vector_store %arg7[%swap3A_84, %swap3A_85], %swap3A_88 {strides = array<i32>} : memref<8x128xi32, #tpu.memory_space<vmem>>, vector<1x16xi32>,
    %get3A_89 = arith.constant 2 : i32
    %get3A_90 = arith.index_cast %get3A_89 : i32 to index
    %get3A_91 = arith.constant 0 : index
    %get3A_92 = tpu.vector_load %arg6[%get3A_90, %get3A_91] {strides = array<i32>} : memref<16x64xi32, #tpu.memory_space<vmem>>, vector<1x16xi32>,
    %get3A_93 = vector.shape_cast %get3A_92 : vector<1x16xi32> to vector<16xi32>
    %swap3A_94 = arith.constant 1 : i32
    %swap3A_95 = arith.index_cast %swap3A_94 : i32 to index
    %swap3A_96 = arith.constant 0 : index
    %swap3A_97 = tpu.vector_load %arg7[%swap3A_95, %swap3A_96] {strides = array<i32>} : memref<8x128xi32, #tpu.memory_space<vmem>>, vector<1x16xi32>,
    %swap3A_98 = vector.shape_cast %swap3A_97 : vector<1x16xi32> to vector<16xi32>
    %swap3A_99 = vector.shape_cast %get3A_93 : vector<16xi32> to vector<1x16xi32>
    tpu.vector_store %arg7[%swap3A_95, %swap3A_96], %swap3A_99 {strides = array<i32>} : memref<8x128xi32, #tpu.memory_space<vmem>>, vector<1x16xi32>,
    %get3A_100 = arith.constant 2 : i32
    %get3A_101 = arith.index_cast %get3A_100 : i32 to index
    %get3A_102 = arith.constant 16 : index
    %get3A_103 = tpu.vector_load %arg6[%get3A_101, %get3A_102] {strides = array<i32>} : memref<16x64xi32, #tpu.memory_space<vmem>>, vector<1x16xi32>,
    %get3A_104 = vector.shape_cast %get3A_103 : vector<1x16xi32> to vector<16xi32>
    %swap3A_105 = arith.constant 1 : i32
    %swap3A_106 = arith.index_cast %swap3A_105 : i32 to index
    %swap3A_107 = arith.constant 16 : index
    %swap3A_108 = tpu.vector_load %arg7[%swap3A_106, %swap3A_107] {strides = array<i32>} : memref<8x128xi32, #tpu.memory_space<vmem>>, vector<1x16xi32>,
    %swap3A_109 = vector.shape_cast %swap3A_108 : vector<1x16xi32> to vector<16xi32>
    %swap3A_110 = vector.shape_cast %get3A_104 : vector<16xi32> to vector<1x16xi32>
    tpu.vector_store %arg7[%swap3A_106, %swap3A_107], %swap3A_110 {strides = array<i32>} : memref<8x128xi32, #tpu.memory_space<vmem>>, vector<1x16xi32>,
    %get3A_111 = arith.constant 2 : i32
    %get3A_112 = arith.index_cast %get3A_111 : i32 to index
    %get3A_113 = arith.constant 32 : index
    %get3A_114 = tpu.vector_load %arg6[%get3A_112, %get3A_113] {strides = array<i32>} : memref<16x64xi32, #tpu.memory_space<vmem>>, vector<1x16xi32>,
    %get3A_115 = vector.shape_cast %get3A_114 : vector<1x16xi32> to vector<16xi32>
    %swap3A_116 = arith.constant 1 : i32
    %swap3A_117 = arith.index_cast %swap3A_116 : i32 to index
    %swap3A_118 = arith.constant 32 : index
    %swap3A_119 = tpu.vector_load %arg7[%swap3A_117, %swap3A_118] {strides = array<i32>} : memref<8x128xi32, #tpu.memory_space<vmem>>, vector<1x16xi32>,
    %swap3A_120 = vector.shape_cast %swap3A_119 : vector<1x16xi32> to vector<16xi32>
    %swap3A_121 = vector.shape_cast %get3A_115 : vector<16xi32> to vector<1x16xi32>
    tpu.vector_store %arg7[%swap3A_117, %swap3A_118], %swap3A_121 {strides = array<i32>} : memref<8x128xi32, #tpu.memory_space<vmem>>, vector<1x16xi32>,
    %get3A_122 = arith.constant 2 : i32
    %get3A_123 = arith.index_cast %get3A_122 : i32 to index
    %get3A_124 = arith.constant 48 : index
    %get3A_125 = tpu.vector_load %arg6[%get3A_123, %get3A_124] {strides = array<i32>} : memref<16x64xi32, #tpu.memory_space<vmem>>, vector<1x16xi32>,
    %get3A_126 = vector.shape_cast %get3A_125 : vector<1x16xi32> to vector<16xi32>
    %swap3A_127 = arith.constant 1 : i32
    %swap3A_128 = arith.index_cast %swap3A_127 : i32 to index
    %swap3A_129 = arith.constant 48 : index
    %swap3A_130 = tpu.vector_load %arg7[%swap3A_128, %swap3A_129] {strides = array<i32>} : memref<8x128xi32, #tpu.memory_space<vmem>>, vector<1x16xi32>,
    %swap3A_131 = vector.shape_cast %swap3A_130 : vector<1x16xi32> to vector<16xi32>
    %swap3A_132 = vector.shape_cast %get3A_126 : vector<16xi32> to vector<1x16xi32>
    tpu.vector_store %arg7[%swap3A_128, %swap3A_129], %swap3A_132 {strides = array<i32>} : memref<8x128xi32, #tpu.memory_space<vmem>>, vector<1x16xi32>,
    %get3A_133 = arith.constant 3 : i32
    %get3A_134 = arith.index_cast %get3A_133 : i32 to index
    %get3A_135 = arith.constant 0 : index
    %get3A_136 = tpu.vector_load %arg6[%get3A_134, %get3A_135] {strides = array<i32>} : memref<16x64xi32, #tpu.memory_space<vmem>>, vector<1x16xi32>,
    %get3A_137 = vector.shape_cast %get3A_136 : vector<1x16xi32> to vector<16xi32>
    %swap3A_138 = arith.constant 1 : i32
    %swap3A_139 = arith.index_cast %swap3A_138 : i32 to index
    %swap3A_140 = arith.constant 64 : index
    %swap3A_141 = tpu.vector_load %arg7[%swap3A_139, %swap3A_140] {strides = array<i32>} : memref<8x128xi32, #tpu.memory_space<vmem>>, vector<1x16xi32>,
    %swap3A_142 = vector.shape_cast %swap3A_141 : vector<1x16xi32> to vector<16xi32>
    %swap3A_143 = vector.shape_cast %get3A_137 : vector<16xi32> to vector<1x16xi32>
    tpu.vector_store %arg7[%swap3A_139, %swap3A_140], %swap3A_143 {strides = array<i32>} : memref<8x128xi32, #tpu.memory_space<vmem>>, vector<1x16xi32>,
    %get3A_144 = arith.constant 3 : i32
    %get3A_145 = arith.index_cast %get3A_144 : i32 to index
    %get3A_146 = arith.constant 16 : index
    %get3A_147 = tpu.vector_load %arg6[%get3A_145, %get3A_146] {strides = array<i32>} : memref<16x64xi32, #tpu.memory_space<vmem>>, vector<1x16xi32>,
    %get3A_148 = vector.shape_cast %get3A_147 : vector<1x16xi32> to vector<16xi32>
    %swap3A_149 = arith.constant 1 : i32
    %swap3A_150 = arith.index_cast %swap3A_149 : i32 to index
    %swap3A_151 = arith.constant 80 : index
    %swap3A_152 = tpu.vector_load %arg7[%swap3A_150, %swap3A_151] {strides = array<i32>} : memref<8x128xi32, #tpu.memory_space<vmem>>, vector<1x16xi32>,
    %swap3A_153 = vector.shape_cast %swap3A_152 : vector<1x16xi32> to vector<16xi32>
    %swap3A_154 = vector.shape_cast %get3A_148 : vector<16xi32> to vector<1x16xi32>
    tpu.vector_store %arg7[%swap3A_150, %swap3A_151], %swap3A_154 {strides = array<i32>} : memref<8x128xi32, #tpu.memory_space<vmem>>, vector<1x16xi32>,
    %get3A_155 = arith.constant 3 : i32
    %get3A_156 = arith.index_cast %get3A_155 : i32 to index
    %get3A_157 = arith.constant 32 : index
    %get3A_158 = tpu.vector_load %arg6[%get3A_156, %get3A_157] {strides = array<i32>} : memref<16x64xi32, #tpu.memory_space<vmem>>, vector<1x16xi32>,
    %get3A_159 = vector.shape_cast %get3A_158 : vector<1x16xi32> to vector<16xi32>
    %swap3A_160 = arith.constant 1 : i32
    %swap3A_161 = arith.index_cast %swap3A_160 : i32 to index
    %swap3A_162 = arith.constant 96 : index
    %swap3A_163 = tpu.vector_load %arg7[%swap3A_161, %swap3A_162] {strides = array<i32>} : memref<8x128xi32, #tpu.memory_space<vmem>>, vector<1x16xi32>,
    %swap3A_164 = vector.shape_cast %swap3A_163 : vector<1x16xi32> to vector<16xi32>
    %swap3A_165 = vector.shape_cast %get3A_159 : vector<16xi32> to vector<1x16xi32>
    tpu.vector_store %arg7[%swap3A_161, %swap3A_162], %swap3A_165 {strides = array<i32>} : memref<8x128xi32, #tpu.memory_space<vmem>>, vector<1x16xi32>,
    %get3A_166 = arith.constant 3 : i32
    %get3A_167 = arith.index_cast %get3A_166 : i32 to index
    %get3A_168 = arith.constant 48 : index
    %get3A_169 = tpu.vector_load %arg6[%get3A_167, %get3A_168] {strides = array<i32>} : memref<16x64xi32, #tpu.memory_space<vmem>>, vector<1x16xi32>,
    %get3A_170 = vector.shape_cast %get3A_169 : vector<1x16xi32> to vector<16xi32>
    %swap3A_171 = arith.constant 1 : i32
    %swap3A_172 = arith.index_cast %swap3A_171 : i32 to index
    %swap3A_173 = arith.constant 112 : index
    %swap3A_174 = tpu.vector_load %arg7[%swap3A_172, %swap3A_173] {strides = array<i32>} : memref<8x128xi32, #tpu.memory_space<vmem>>, vector<1x16xi32>,
    %swap3A_175 = vector.shape_cast %swap3A_174 : vector<1x16xi32> to vector<16xi32>
    %swap3A_176 = vector.shape_cast %get3A_170 : vector<16xi32> to vector<1x16xi32>
    tpu.vector_store %arg7[%swap3A_172, %swap3A_173], %swap3A_176 {strides = array<i32>} : memref<8x128xi32, #tpu.memory_space<vmem>>, vector<1x16xi32>,
    %get3A_177 = arith.constant 4 : i32
    %get3A_178 = arith.index_cast %get3A_177 : i32 to index
    %get3A_179 = arith.constant 0 : index
    %get3A_180 = tpu.vector_load %arg6[%get3A_178, %get3A_179] {strides = array<i32>} : memref<16x64xi32, #tpu.memory_space<vmem>>, vector<1x16xi32>,
    %get3A_181 = vector.shape_cast %get3A_180 : vector<1x16xi32> to vector<16xi32>
    %swap3A_182 = arith.constant 2 : i32
    %swap3A_183 = arith.index_cast %swap3A_182 : i32 to index
    %swap3A_184 = arith.constant 0 : index
    %swap3A_185 = tpu.vector_load %arg7[%swap3A_183, %swap3A_184] {strides = array<i32>} : memref<8x128xi32, #tpu.memory_space<vmem>>, vector<1x16xi32>,
    %swap3A_186 = vector.shape_cast %swap3A_185 : vector<1x16xi32> to vector<16xi32>
    %swap3A_187 = vector.shape_cast %get3A_181 : vector<16xi32> to vector<1x16xi32>
    tpu.vector_store %arg7[%swap3A_183, %swap3A_184], %swap3A_187 {strides = array<i32>} : memref<8x128xi32, #tpu.memory_space<vmem>>, vector<1x16xi32>,
    %get3A_188 = arith.constant 4 : i32
    %get3A_189 = arith.index_cast %get3A_188 : i32 to index
    %get3A_190 = arith.constant 16 : index
    %get3A_191 = tpu.vector_load %arg6[%get3A_189, %get3A_190] {strides = array<i32>} : memref<16x64xi32, #tpu.memory_space<vmem>>, vector<1x16xi32>,
    %get3A_192 = vector.shape_cast %get3A_191 : vector<1x16xi32> to vector<16xi32>
    %swap3A_193 = arith.constant 2 : i32
    %swap3A_194 = arith.index_cast %swap3A_193 : i32 to index
    %swap3A_195 = arith.constant 16 : index
    %swap3A_196 = tpu.vector_load %arg7[%swap3A_194, %swap3A_195] {strides = array<i32>} : memref<8x128xi32, #tpu.memory_space<vmem>>, vector<1x16xi32>,
    %swap3A_197 = vector.shape_cast %swap3A_196 : vector<1x16xi32> to vector<16xi32>
    %swap3A_198 = vector.shape_cast %get3A_192 : vector<16xi32> to vector<1x16xi32>
    tpu.vector_store %arg7[%swap3A_194, %swap3A_195], %swap3A_198 {strides = array<i32>} : memref<8x128xi32, #tpu.memory_space<vmem>>, vector<1x16xi32>,
    %get3A_199 = arith.constant 4 : i32
    %get3A_200 = arith.index_cast %get3A_199 : i32 to index
    %get3A_201 = arith.constant 32 : index
    %get3A_202 = tpu.vector_load %arg6[%get3A_200, %get3A_201] {strides = array<i32>} : memref<16x64xi32, #tpu.memory_space<vmem>>, vector<1x16xi32>,
    %get3A_203 = vector.shape_cast %get3A_202 : vector<1x16xi32> to vector<16xi32>
    %swap3A_204 = arith.constant 2 : i32
    %swap3A_205 = arith.index_cast %swap3A_204 : i32 to index
    %swap3A_206 = arith.constant 32 : index
    %swap3A_207 = tpu.vector_load %arg7[%swap3A_205, %swap3A_206] {strides = array<i32>} : memref<8x128xi32, #tpu.memory_space<vmem>>, vector<1x16xi32>,
    %swap3A_208 = vector.shape_cast %swap3A_207 : vector<1x16xi32> to vector<16xi32>
    %swap3A_209 = vector.shape_cast %get3A_203 : vector<16xi32> to vector<1x16xi32>
    tpu.vector_store %arg7[%swap3A_205, %swap3A_206], %swap3A_209 {strides = array<i32>} : memref<8x128xi32, #tpu.memory_space<vmem>>, vector<1x16xi32>,
    %get3A_210 = arith.constant 4 : i32
    %get3A_211 = arith.index_cast %get3A_210 : i32 to index
    %get3A_212 = arith.constant 48 : index
    %get3A_213 = tpu.vector_load %arg6[%get3A_211, %get3A_212] {strides = array<i32>} : memref<16x64xi32, #tpu.memory_space<vmem>>, vector<1x16xi32>,
    %get3A_214 = vector.shape_cast %get3A_213 : vector<1x16xi32> to vector<16xi32>
    %swap3A_215 = arith.constant 2 : i32
    %swap3A_216 = arith.index_cast %swap3A_215 : i32 to index
    %swap3A_217 = arith.constant 48 : index
    %swap3A_218 = tpu.vector_load %arg7[%swap3A_216, %swap3A_217] {strides = array<i32>} : memref<8x128xi32, #tpu.memory_space<vmem>>, vector<1x16xi32>,
    %swap3A_219 = vector.shape_cast %swap3A_218 : vector<1x16xi32> to vector<16xi32>
    %swap3A_220 = vector.shape_cast %get3A_214 : vector<16xi32> to vector<1x16xi32>
    tpu.vector_store %arg7[%swap3A_216, %swap3A_217], %swap3A_220 {strides = array<i32>} : memref<8x128xi32, #tpu.memory_space<vmem>>, vector<1x16xi32>,
    %get3A_221 = arith.constant 5 : i32
    %get3A_222 = arith.index_cast %get3A_221 : i32 to index
    %get3A_223 = arith.constant 0 : index
    %get3A_224 = tpu.vector_load %arg6[%get3A_222, %get3A_223] {strides = array<i32>} : memref<16x64xi32, #tpu.memory_space<vmem>>, vector<1x16xi32>,
    %get3A_225 = vector.shape_cast %get3A_224 : vector<1x16xi32> to vector<16xi32>
    %swap3A_226 = arith.constant 2 : i32
    %swap3A_227 = arith.index_cast %swap3A_226 : i32 to index
    %swap3A_228 = arith.constant 64 : index
    %swap3A_229 = tpu.vector_load %arg7[%swap3A_227, %swap3A_228] {strides = array<i32>} : memref<8x128xi32, #tpu.memory_space<vmem>>, vector<1x16xi32>,
    %swap3A_230 = vector.shape_cast %swap3A_229 : vector<1x16xi32> to vector<16xi32>
    %swap3A_231 = vector.shape_cast %get3A_225 : vector<16xi32> to vector<1x16xi32>
    tpu.vector_store %arg7[%swap3A_227, %swap3A_228], %swap3A_231 {strides = array<i32>} : memref<8x128xi32, #tpu.memory_space<vmem>>, vector<1x16xi32>,
    %get3A_232 = arith.constant 5 : i32
    %get3A_233 = arith.index_cast %get3A_232 : i32 to index
    %get3A_234 = arith.constant 16 : index
    %get3A_235 = tpu.vector_load %arg6[%get3A_233, %get3A_234] {strides = array<i32>} : memref<16x64xi32, #tpu.memory_space<vmem>>, vector<1x16xi32>,
    %get3A_236 = vector.shape_cast %get3A_235 : vector<1x16xi32> to vector<16xi32>
    %swap3A_237 = arith.constant 2 : i32
    %swap3A_238 = arith.index_cast %swap3A_237 : i32 to index
    %swap3A_239 = arith.constant 80 : index
    %swap3A_240 = tpu.vector_load %arg7[%swap3A_238, %swap3A_239] {strides = array<i32>} : memref<8x128xi32, #tpu.memory_space<vmem>>, vector<1x16xi32>,
    %swap3A_241 = vector.shape_cast %swap3A_240 : vector<1x16xi32> to vector<16xi32>
    %swap3A_242 = vector.shape_cast %get3A_236 : vector<16xi32> to vector<1x16xi32>
    tpu.vector_store %arg7[%swap3A_238, %swap3A_239], %swap3A_242 {strides = array<i32>} : memref<8x128xi32, #tpu.memory_space<vmem>>, vector<1x16xi32>,
    %get3A_243 = arith.constant 5 : i32
    %get3A_244 = arith.index_cast %get3A_243 : i32 to index
    %get3A_245 = arith.constant 32 : index
    %get3A_246 = tpu.vector_load %arg6[%get3A_244, %get3A_245] {strides = array<i32>} : memref<16x64xi32, #tpu.memory_space<vmem>>, vector<1x16xi32>,
    %get3A_247 = vector.shape_cast %get3A_246 : vector<1x16xi32> to vector<16xi32>
    %swap3A_248 = arith.constant 2 : i32
    %swap3A_249 = arith.index_cast %swap3A_248 : i32 to index
    %swap3A_250 = arith.constant 96 : index
    %swap3A_251 = tpu.vector_load %arg7[%swap3A_249, %swap3A_250] {strides = array<i32>} : memref<8x128xi32, #tpu.memory_space<vmem>>, vector<1x16xi32>,
    %swap3A_252 = vector.shape_cast %swap3A_251 : vector<1x16xi32> to vector<16xi32>
    %swap3A_253 = vector.shape_cast %get3A_247 : vector<16xi32> to vector<1x16xi32>
    tpu.vector_store %arg7[%swap3A_249, %swap3A_250], %swap3A_253 {strides = array<i32>} : memref<8x128xi32, #tpu.memory_space<vmem>>, vector<1x16xi32>,
    %get3A_254 = arith.constant 5 : i32
    %get3A_255 = arith.index_cast %get3A_254 : i32 to index
    %get3A_256 = arith.constant 48 : index
    %get3A_257 = tpu.vector_load %arg6[%get3A_255, %get3A_256] {strides = array<i32>} : memref<16x64xi32, #tpu.memory_space<vmem>>, vector<1x16xi32>,
    %get3A_258 = vector.shape_cast %get3A_257 : vector<1x16xi32> to vector<16xi32>
    %swap3A_259 = arith.constant 2 : i32
    %swap3A_260 = arith.index_cast %swap3A_259 : i32 to index
    %swap3A_261 = arith.constant 112 : index
    %swap3A_262 = tpu.vector_load %arg7[%swap3A_260, %swap3A_261] {strides = array<i32>} : memref<8x128xi32, #tpu.memory_space<vmem>>, vector<1x16xi32>,
    %swap3A_263 = vector.shape_cast %swap3A_262 : vector<1x16xi32> to vector<16xi32>
    %swap3A_264 = vector.shape_cast %get3A_258 : vector<16xi32> to vector<1x16xi32>
    tpu.vector_store %arg7[%swap3A_260, %swap3A_261], %swap3A_264 {strides = array<i32>} : memref<8x128xi32, #tpu.memory_space<vmem>>, vector<1x16xi32>,
    %get3A_265 = arith.constant 6 : i32
    %get3A_266 = arith.index_cast %get3A_265 : i32 to index
    %get3A_267 = arith.constant 0 : index
    %get3A_268 = tpu.vector_load %arg6[%get3A_266, %get3A_267] {strides = array<i32>} : memref<16x64xi32, #tpu.memory_space<vmem>>, vector<1x16xi32>,
    %get3A_269 = vector.shape_cast %get3A_268 : vector<1x16xi32> to vector<16xi32>
    %swap3A_270 = arith.constant 3 : i32
    %swap3A_271 = arith.index_cast %swap3A_270 : i32 to index
    %swap3A_272 = arith.constant 0 : index
    %swap3A_273 = tpu.vector_load %arg7[%swap3A_271, %swap3A_272] {strides = array<i32>} : memref<8x128xi32, #tpu.memory_space<vmem>>, vector<1x16xi32>,
    %swap3A_274 = vector.shape_cast %swap3A_273 : vector<1x16xi32> to vector<16xi32>
    %swap3A_275 = vector.shape_cast %get3A_269 : vector<16xi32> to vector<1x16xi32>
    tpu.vector_store %arg7[%swap3A_271, %swap3A_272], %swap3A_275 {strides = array<i32>} : memref<8x128xi32, #tpu.memory_space<vmem>>, vector<1x16xi32>,
    %get3A_276 = arith.constant 6 : i32
    %get3A_277 = arith.index_cast %get3A_276 : i32 to index
    %get3A_278 = arith.constant 16 : index
    %get3A_279 = tpu.vector_load %arg6[%get3A_277, %get3A_278] {strides = array<i32>} : memref<16x64xi32, #tpu.memory_space<vmem>>, vector<1x16xi32>,
    %get3A_280 = vector.shape_cast %get3A_279 : vector<1x16xi32> to vector<16xi32>
    %swap3A_281 = arith.constant 3 : i32
    %swap3A_282 = arith.index_cast %swap3A_281 : i32 to index
    %swap3A_283 = arith.constant 16 : index
    %swap3A_284 = tpu.vector_load %arg7[%swap3A_282, %swap3A_283] {strides = array<i32>} : memref<8x128xi32, #tpu.memory_space<vmem>>, vector<1x16xi32>,
    %swap3A_285 = vector.shape_cast %swap3A_284 : vector<1x16xi32> to vector<16xi32>
    %swap3A_286 = vector.shape_cast %get3A_280 : vector<16xi32> to vector<1x16xi32>
    tpu.vector_store %arg7[%swap3A_282, %swap3A_283], %swap3A_286 {strides = array<i32>} : memref<8x128xi32, #tpu.memory_space<vmem>>, vector<1x16xi32>,
    %get3A_287 = arith.constant 6 : i32
    %get3A_288 = arith.index_cast %get3A_287 : i32 to index
    %get3A_289 = arith.constant 32 : index
    %get3A_290 = tpu.vector_load %arg6[%get3A_288, %get3A_289] {strides = array<i32>} : memref<16x64xi32, #tpu.memory_space<vmem>>, vector<1x16xi32>,
    %get3A_291 = vector.shape_cast %get3A_290 : vector<1x16xi32> to vector<16xi32>
    %swap3A_292 = arith.constant 3 : i32
    %swap3A_293 = arith.index_cast %swap3A_292 : i32 to index
    %swap3A_294 = arith.constant 32 : index
    %swap3A_295 = tpu.vector_load %arg7[%swap3A_293, %swap3A_294] {strides = array<i32>} : memref<8x128xi32, #tpu.memory_space<vmem>>, vector<1x16xi32>,
    %swap3A_296 = vector.shape_cast %swap3A_295 : vector<1x16xi32> to vector<16xi32>
    %swap3A_297 = vector.shape_cast %get3A_291 : vector<16xi32> to vector<1x16xi32>
    tpu.vector_store %arg7[%swap3A_293, %swap3A_294], %swap3A_297 {strides = array<i32>} : memref<8x128xi32, #tpu.memory_space<vmem>>, vector<1x16xi32>,
    %get3A_298 = arith.constant 6 : i32
    %get3A_299 = arith.index_cast %get3A_298 : i32 to index
    %get3A_300 = arith.constant 48 : index
    %get3A_301 = tpu.vector_load %arg6[%get3A_299, %get3A_300] {strides = array<i32>} : memref<16x64xi32, #tpu.memory_space<vmem>>, vector<1x16xi32>,
    %get3A_302 = vector.shape_cast %get3A_301 : vector<1x16xi32> to vector<16xi32>
    %swap3A_303 = arith.constant 3 : i32
    %swap3A_304 = arith.index_cast %swap3A_303 : i32 to index
    %swap3A_305 = arith.constant 48 : index
    %swap3A_306 = tpu.vector_load %arg7[%swap3A_304, %swap3A_305] {strides = array<i32>} : memref<8x128xi32, #tpu.memory_space<vmem>>, vector<1x16xi32>,
    %swap3A_307 = vector.shape_cast %swap3A_306 : vector<1x16xi32> to vector<16xi32>
    %swap3A_308 = vector.shape_cast %get3A_302 : vector<16xi32> to vector<1x16xi32>
    tpu.vector_store %arg7[%swap3A_304, %swap3A_305], %swap3A_308 {strides = array<i32>} : memref<8x128xi32, #tpu.memory_space<vmem>>, vector<1x16xi32>,
    %get3A_309 = arith.constant 7 : i32
    %get3A_310 = arith.index_cast %get3A_309 : i32 to index
    %get3A_311 = arith.constant 0 : index
    %get3A_312 = tpu.vector_load %arg6[%get3A_310, %get3A_311] {strides = array<i32>} : memref<16x64xi32, #tpu.memory_space<vmem>>, vector<1x16xi32>,
    %get3A_313 = vector.shape_cast %get3A_312 : vector<1x16xi32> to vector<16xi32>
    %swap3A_314 = arith.constant 3 : i32
    %swap3A_315 = arith.index_cast %swap3A_314 : i32 to index
    %swap3A_316 = arith.constant 64 : index
    %swap3A_317 = tpu.vector_load %arg7[%swap3A_315, %swap3A_316] {strides = array<i32>} : memref<8x128xi32, #tpu.memory_space<vmem>>, vector<1x16xi32>,
    %swap3A_318 = vector.shape_cast %swap3A_317 : vector<1x16xi32> to vector<16xi32>
    %swap3A_319 = vector.shape_cast %get3A_313 : vector<16xi32> to vector<1x16xi32>
    tpu.vector_store %arg7[%swap3A_315, %swap3A_316], %swap3A_319 {strides = array<i32>} : memref<8x128xi32, #tpu.memory_space<vmem>>, vector<1x16xi32>,
    %get3A_320 = arith.constant 7 : i32
    %get3A_321 = arith.index_cast %get3A_320 : i32 to index
    %get3A_322 = arith.constant 16 : index
    %get3A_323 = tpu.vector_load %arg6[%get3A_321, %get3A_322] {strides = array<i32>} : memref<16x64xi32, #tpu.memory_space<vmem>>, vector<1x16xi32>,
    %get3A_324 = vector.shape_cast %get3A_323 : vector<1x16xi32> to vector<16xi32>
    %swap3A_325 = arith.constant 3 : i32
    %swap3A_326 = arith.index_cast %swap3A_325 : i32 to index
    %swap3A_327 = arith.constant 80 : index
    %swap3A_328 = tpu.vector_load %arg7[%swap3A_326, %swap3A_327] {strides = array<i32>} : memref<8x128xi32, #tpu.memory_space<vmem>>, vector<1x16xi32>,
    %swap3A_329 = vector.shape_cast %swap3A_328 : vector<1x16xi32> to vector<16xi32>
    %swap3A_330 = vector.shape_cast %get3A_324 : vector<16xi32> to vector<1x16xi32>
    tpu.vector_store %arg7[%swap3A_326, %swap3A_327], %swap3A_330 {strides = array<i32>} : memref<8x128xi32, #tpu.memory_space<vmem>>, vector<1x16xi32>,
    %get3A_331 = arith.constant 7 : i32
    %get3A_332 = arith.index_cast %get3A_331 : i32 to index
    %get3A_333 = arith.constant 32 : index
    %get3A_334 = tpu.vector_load %arg6[%get3A_332, %get3A_333] {strides = array<i32>} : memref<16x64xi32, #tpu.memory_space<vmem>>, vector<1x16xi32>,
    %get3A_335 = vector.shape_cast %get3A_334 : vector<1x16xi32> to vector<16xi32>
    %swap3A_336 = arith.constant 3 : i32
    %swap3A_337 = arith.index_cast %swap3A_336 : i32 to index
    %swap3A_338 = arith.constant 96 : index
    %swap3A_339 = tpu.vector_load %arg7[%swap3A_337, %swap3A_338] {strides = array<i32>} : memref<8x128xi32, #tpu.memory_space<vmem>>, vector<1x16xi32>,
    %swap3A_340 = vector.shape_cast %swap3A_339 : vector<1x16xi32> to vector<16xi32>
    %swap3A_341 = vector.shape_cast %get3A_335 : vector<16xi32> to vector<1x16xi32>
    tpu.vector_store %arg7[%swap3A_337, %swap3A_338], %swap3A_341 {strides = array<i32>} : memref<8x128xi32, #tpu.memory_space<vmem>>, vector<1x16xi32>,
    %get3A_342 = arith.constant 7 : i32
    %get3A_343 = arith.index_cast %get3A_342 : i32 to index
    %get3A_344 = arith.constant 48 : index
    %get3A_345 = tpu.vector_load %arg6[%get3A_343, %get3A_344] {strides = array<i32>} : memref<16x64xi32, #tpu.memory_space<vmem>>, vector<1x16xi32>,
    %get3A_346 = vector.shape_cast %get3A_345 : vector<1x16xi32> to vector<16xi32>
    %swap3A_347 = arith.constant 3 : i32
    %swap3A_348 = arith.index_cast %swap3A_347 : i32 to index
    %swap3A_349 = arith.constant 112 : index
    %swap3A_350 = tpu.vector_load %arg7[%swap3A_348, %swap3A_349] {strides = array<i32>} : memref<8x128xi32, #tpu.memory_space<vmem>>, vector<1x16xi32>,
    %swap3A_351 = vector.shape_cast %swap3A_350 : vector<1x16xi32> to vector<16xi32>
    %swap3A_352 = vector.shape_cast %get3A_346 : vector<16xi32> to vector<1x16xi32>
    tpu.vector_store %arg7[%swap3A_348, %swap3A_349], %swap3A_352 {strides = array<i32>} : memref<8x128xi32, #tpu.memory_space<vmem>>, vector<1x16xi32>,
    %get3A_353 = arith.constant 8 : i32
    %get3A_354 = arith.index_cast %get3A_353 : i32 to index
    %get3A_355 = arith.constant 0 : index
    %get3A_356 = tpu.vector_load %arg6[%get3A_354, %get3A_355] {strides = array<i32>} : memref<16x64xi32, #tpu.memory_space<vmem>>, vector<1x16xi32>,
    %get3A_357 = vector.shape_cast %get3A_356 : vector<1x16xi32> to vector<16xi32>
    %swap3A_358 = arith.constant 4 : i32
    %swap3A_359 = arith.index_cast %swap3A_358 : i32 to index
    %swap3A_360 = arith.constant 0 : index
    %swap3A_361 = tpu.vector_load %arg7[%swap3A_359, %swap3A_360] {strides = array<i32>} : memref<8x128xi32, #tpu.memory_space<vmem>>, vector<1x16xi32>,
    %swap3A_362 = vector.shape_cast %swap3A_361 : vector<1x16xi32> to vector<16xi32>
    %swap3A_363 = vector.shape_cast %get3A_357 : vector<16xi32> to vector<1x16xi32>
    tpu.vector_store %arg7[%swap3A_359, %swap3A_360], %swap3A_363 {strides = array<i32>} : memref<8x128xi32, #tpu.memory_space<vmem>>, vector<1x16xi32>,
    %get3A_364 = arith.constant 8 : i32
    %get3A_365 = arith.index_cast %get3A_364 : i32 to index
    %get3A_366 = arith.constant 16 : index
    %get3A_367 = tpu.vector_load %arg6[%get3A_365, %get3A_366] {strides = array<i32>} : memref<16x64xi32, #tpu.memory_space<vmem>>, vector<1x16xi32>,
    %get3A_368 = vector.shape_cast %get3A_367 : vector<1x16xi32> to vector<16xi32>
    %swap3A_369 = arith.constant 4 : i32
    %swap3A_370 = arith.index_cast %swap3A_369 : i32 to index
    %swap3A_371 = arith.constant 16 : index
    %swap3A_372 = tpu.vector_load %arg7[%swap3A_370, %swap3A_371] {strides = array<i32>} : memref<8x128xi32, #tpu.memory_space<vmem>>, vector<1x16xi32>,
    %swap3A_373 = vector.shape_cast %swap3A_372 : vector<1x16xi32> to vector<16xi32>
    %swap3A_374 = vector.shape_cast %get3A_368 : vector<16xi32> to vector<1x16xi32>
    tpu.vector_store %arg7[%swap3A_370, %swap3A_371], %swap3A_374 {strides = array<i32>} : memref<8x128xi32, #tpu.memory_space<vmem>>, vector<1x16xi32>,
    %get3A_375 = arith.constant 8 : i32
    %get3A_376 = arith.index_cast %get3A_375 : i32 to index
    %get3A_377 = arith.constant 32 : index
    %get3A_378 = tpu.vector_load %arg6[%get3A_376, %get3A_377] {strides = array<i32>} : memref<16x64xi32, #tpu.memory_space<vmem>>, vector<1x16xi32>,
    %get3A_379 = vector.shape_cast %get3A_378 : vector<1x16xi32> to vector<16xi32>
    %swap3A_380 = arith.constant 4 : i32
    %swap3A_381 = arith.index_cast %swap3A_380 : i32 to index
    %swap3A_382 = arith.constant 32 : index
    %swap3A_383 = tpu.vector_load %arg7[%swap3A_381, %swap3A_382] {strides = array<i32>} : memref<8x128xi32, #tpu.memory_space<vmem>>, vector<1x16xi32>,
    %swap3A_384 = vector.shape_cast %swap3A_383 : vector<1x16xi32> to vector<16xi32>
    %swap3A_385 = vector.shape_cast %get3A_379 : vector<16xi32> to vector<1x16xi32>
    tpu.vector_store %arg7[%swap3A_381, %swap3A_382], %swap3A_385 {strides = array<i32>} : memref<8x128xi32, #tpu.memory_space<vmem>>, vector<1x16xi32>,
    %get3A_386 = arith.constant 8 : i32
    %get3A_387 = arith.index_cast %get3A_386 : i32 to index
    %get3A_388 = arith.constant 48 : index
    %get3A_389 = tpu.vector_load %arg6[%get3A_387, %get3A_388] {strides = array<i32>} : memref<16x64xi32, #tpu.memory_space<vmem>>, vector<1x16xi32>,
    %get3A_390 = vector.shape_cast %get3A_389 : vector<1x16xi32> to vector<16xi32>
    %swap3A_391 = arith.constant 4 : i32
    %swap3A_392 = arith.index_cast %swap3A_391 : i32 to index
    %swap3A_393 = arith.constant 48 : index
    %swap3A_394 = tpu.vector_load %arg7[%swap3A_392, %swap3A_393] {strides = array<i32>} : memref<8x128xi32, #tpu.memory_space<vmem>>, vector<1x16xi32>,
    %swap3A_395 = vector.shape_cast %swap3A_394 : vector<1x16xi32> to vector<16xi32>
    %swap3A_396 = vector.shape_cast %get3A_390 : vector<16xi32> to vector<1x16xi32>
    tpu.vector_store %arg7[%swap3A_392, %swap3A_393], %swap3A_396 {strides = array<i32>} : memref<8x128xi32, #tpu.memory_space<vmem>>, vector<1x16xi32>,
    %get3A_397 = arith.constant 9 : i32
    %get3A_398 = arith.index_cast %get3A_397 : i32 to index
    %get3A_399 = arith.constant 0 : index
    %get3A_400 = tpu.vector_load %arg6[%get3A_398, %get3A_399] {strides = array<i32>} : memref<16x64xi32, #tpu.memory_space<vmem>>, vector<1x16xi32>,
    %get3A_401 = vector.shape_cast %get3A_400 : vector<1x16xi32> to vector<16xi32>
    %swap3A_402 = arith.constant 4 : i32
    %swap3A_403 = arith.index_cast %swap3A_402 : i32 to index
    %swap3A_404 = arith.constant 64 : index
    %swap3A_405 = tpu.vector_load %arg7[%swap3A_403, %swap3A_404] {strides = array<i32>} : memref<8x128xi32, #tpu.memory_space<vmem>>, vector<1x16xi32>,
    %swap3A_406 = vector.shape_cast %swap3A_405 : vector<1x16xi32> to vector<16xi32>
    %swap3A_407 = vector.shape_cast %get3A_401 : vector<16xi32> to vector<1x16xi32>
    tpu.vector_store %arg7[%swap3A_403, %swap3A_404], %swap3A_407 {strides = array<i32>} : memref<8x128xi32, #tpu.memory_space<vmem>>, vector<1x16xi32>,
    %get3A_408 = arith.constant 9 : i32
    %get3A_409 = arith.index_cast %get3A_408 : i32 to index
    %get3A_410 = arith.constant 16 : index
    %get3A_411 = tpu.vector_load %arg6[%get3A_409, %get3A_410] {strides = array<i32>} : memref<16x64xi32, #tpu.memory_space<vmem>>, vector<1x16xi32>,
    %get3A_412 = vector.shape_cast %get3A_411 : vector<1x16xi32> to vector<16xi32>
    %swap3A_413 = arith.constant 4 : i32
    %swap3A_414 = arith.index_cast %swap3A_413 : i32 to index
    %swap3A_415 = arith.constant 80 : index
    %swap3A_416 = tpu.vector_load %arg7[%swap3A_414, %swap3A_415] {strides = array<i32>} : memref<8x128xi32, #tpu.memory_space<vmem>>, vector<1x16xi32>,
    %swap3A_417 = vector.shape_cast %swap3A_416 : vector<1x16xi32> to vector<16xi32>
    %swap3A_418 = vector.shape_cast %get3A_412 : vector<16xi32> to vector<1x16xi32>
    tpu.vector_store %arg7[%swap3A_414, %swap3A_415], %swap3A_418 {strides = array<i32>} : memref<8x128xi32, #tpu.memory_space<vmem>>, vector<1x16xi32>,
    %get3A_419 = arith.constant 9 : i32
    %get3A_420 = arith.index_cast %get3A_419 : i32 to index
    %get3A_421 = arith.constant 32 : index
    %get3A_422 = tpu.vector_load %arg6[%get3A_420, %get3A_421] {strides = array<i32>} : memref<16x64xi32, #tpu.memory_space<vmem>>, vector<1x16xi32>,
    %get3A_423 = vector.shape_cast %get3A_422 : vector<1x16xi32> to vector<16xi32>
    %swap3A_424 = arith.constant 4 : i32
    %swap3A_425 = arith.index_cast %swap3A_424 : i32 to index
    %swap3A_426 = arith.constant 96 : index
    %swap3A_427 = tpu.vector_load %arg7[%swap3A_425, %swap3A_426] {strides = array<i32>} : memref<8x128xi32, #tpu.memory_space<vmem>>, vector<1x16xi32>,
    %swap3A_428 = vector.shape_cast %swap3A_427 : vector<1x16xi32> to vector<16xi32>
    %swap3A_429 = vector.shape_cast %get3A_423 : vector<16xi32> to vector<1x16xi32>
    tpu.vector_store %arg7[%swap3A_425, %swap3A_426], %swap3A_429 {strides = array<i32>} : memref<8x128xi32, #tpu.memory_space<vmem>>, vector<1x16xi32>,
    %get3A_430 = arith.constant 9 : i32
    %get3A_431 = arith.index_cast %get3A_430 : i32 to index
    %get3A_432 = arith.constant 48 : index
    %get3A_433 = tpu.vector_load %arg6[%get3A_431, %get3A_432] {strides = array<i32>} : memref<16x64xi32, #tpu.memory_space<vmem>>, vector<1x16xi32>,
    %get3A_434 = vector.shape_cast %get3A_433 : vector<1x16xi32> to vector<16xi32>
    %swap3A_435 = arith.constant 4 : i32
    %swap3A_436 = arith.index_cast %swap3A_435 : i32 to index
    %swap3A_437 = arith.constant 112 : index
    %swap3A_438 = tpu.vector_load %arg7[%swap3A_436, %swap3A_437] {strides = array<i32>} : memref<8x128xi32, #tpu.memory_space<vmem>>, vector<1x16xi32>,
    %swap3A_439 = vector.shape_cast %swap3A_438 : vector<1x16xi32> to vector<16xi32>
    %swap3A_440 = vector.shape_cast %get3A_434 : vector<16xi32> to vector<1x16xi32>
    tpu.vector_store %arg7[%swap3A_436, %swap3A_437], %swap3A_440 {strides = array<i32>} : memref<8x128xi32, #tpu.memory_space<vmem>>, vector<1x16xi32>,
    %get3A_441 = arith.constant 10 : i32
    %get3A_442 = arith.index_cast %get3A_441 : i32 to index
    %get3A_443 = arith.constant 0 : index
    %get3A_444 = tpu.vector_load %arg6[%get3A_442, %get3A_443] {strides = array<i32>} : memref<16x64xi32, #tpu.memory_space<vmem>>, vector<1x16xi32>,
    %get3A_445 = vector.shape_cast %get3A_444 : vector<1x16xi32> to vector<16xi32>
    %swap3A_446 = arith.constant 5 : i32
    %swap3A_447 = arith.index_cast %swap3A_446 : i32 to index
    %swap3A_448 = arith.constant 0 : index
    %swap3A_449 = tpu.vector_load %arg7[%swap3A_447, %swap3A_448] {strides = array<i32>} : memref<8x128xi32, #tpu.memory_space<vmem>>, vector<1x16xi32>,
    %swap3A_450 = vector.shape_cast %swap3A_449 : vector<1x16xi32> to vector<16xi32>
    %swap3A_451 = vector.shape_cast %get3A_445 : vector<16xi32> to vector<1x16xi32>
    tpu.vector_store %arg7[%swap3A_447, %swap3A_448], %swap3A_451 {strides = array<i32>} : memref<8x128xi32, #tpu.memory_space<vmem>>, vector<1x16xi32>,
    %get3A_452 = arith.constant 10 : i32
    %get3A_453 = arith.index_cast %get3A_452 : i32 to index
    %get3A_454 = arith.constant 16 : index
    %get3A_455 = tpu.vector_load %arg6[%get3A_453, %get3A_454] {strides = array<i32>} : memref<16x64xi32, #tpu.memory_space<vmem>>, vector<1x16xi32>,
    %get3A_456 = vector.shape_cast %get3A_455 : vector<1x16xi32> to vector<16xi32>
    %swap3A_457 = arith.constant 5 : i32
    %swap3A_458 = arith.index_cast %swap3A_457 : i32 to index
    %swap3A_459 = arith.constant 16 : index
    %swap3A_460 = tpu.vector_load %arg7[%swap3A_458, %swap3A_459] {strides = array<i32>} : memref<8x128xi32, #tpu.memory_space<vmem>>, vector<1x16xi32>,
    %swap3A_461 = vector.shape_cast %swap3A_460 : vector<1x16xi32> to vector<16xi32>
    %swap3A_462 = vector.shape_cast %get3A_456 : vector<16xi32> to vector<1x16xi32>
    tpu.vector_store %arg7[%swap3A_458, %swap3A_459], %swap3A_462 {strides = array<i32>} : memref<8x128xi32, #tpu.memory_space<vmem>>, vector<1x16xi32>,
    %get3A_463 = arith.constant 10 : i32
    %get3A_464 = arith.index_cast %get3A_463 : i32 to index
    %get3A_465 = arith.constant 32 : index
    %get3A_466 = tpu.vector_load %arg6[%get3A_464, %get3A_465] {strides = array<i32>} : memref<16x64xi32, #tpu.memory_space<vmem>>, vector<1x16xi32>,
    %get3A_467 = vector.shape_cast %get3A_466 : vector<1x16xi32> to vector<16xi32>
    %swap3A_468 = arith.constant 5 : i32
    %swap3A_469 = arith.index_cast %swap3A_468 : i32 to index
    %swap3A_470 = arith.constant 32 : index
    %swap3A_471 = tpu.vector_load %arg7[%swap3A_469, %swap3A_470] {strides = array<i32>} : memref<8x128xi32, #tpu.memory_space<vmem>>, vector<1x16xi32>,
    %swap3A_472 = vector.shape_cast %swap3A_471 : vector<1x16xi32> to vector<16xi32>
    %swap3A_473 = vector.shape_cast %get3A_467 : vector<16xi32> to vector<1x16xi32>
    tpu.vector_store %arg7[%swap3A_469, %swap3A_470], %swap3A_473 {strides = array<i32>} : memref<8x128xi32, #tpu.memory_space<vmem>>, vector<1x16xi32>,
    %get3A_474 = arith.constant 10 : i32
    %get3A_475 = arith.index_cast %get3A_474 : i32 to index
    %get3A_476 = arith.constant 48 : index
    %get3A_477 = tpu.vector_load %arg6[%get3A_475, %get3A_476] {strides = array<i32>} : memref<16x64xi32, #tpu.memory_space<vmem>>, vector<1x16xi32>,
    %get3A_478 = vector.shape_cast %get3A_477 : vector<1x16xi32> to vector<16xi32>
    %swap3A_479 = arith.constant 5 : i32
    %swap3A_480 = arith.index_cast %swap3A_479 : i32 to index
    %swap3A_481 = arith.constant 48 : index
    %swap3A_482 = tpu.vector_load %arg7[%swap3A_480, %swap3A_481] {strides = array<i32>} : memref<8x128xi32, #tpu.memory_space<vmem>>, vector<1x16xi32>,
    %swap3A_483 = vector.shape_cast %swap3A_482 : vector<1x16xi32> to vector<16xi32>
    %swap3A_484 = vector.shape_cast %get3A_478 : vector<16xi32> to vector<1x16xi32>
    tpu.vector_store %arg7[%swap3A_480, %swap3A_481], %swap3A_484 {strides = array<i32>} : memref<8x128xi32, #tpu.memory_space<vmem>>, vector<1x16xi32>,
    %get3A_485 = arith.constant 11 : i32
    %get3A_486 = arith.index_cast %get3A_485 : i32 to index
    %get3A_487 = arith.constant 0 : index
    %get3A_488 = tpu.vector_load %arg6[%get3A_486, %get3A_487] {strides = array<i32>} : memref<16x64xi32, #tpu.memory_space<vmem>>, vector<1x16xi32>,
    %get3A_489 = vector.shape_cast %get3A_488 : vector<1x16xi32> to vector<16xi32>
    %swap3A_490 = arith.constant 5 : i32
    %swap3A_491 = arith.index_cast %swap3A_490 : i32 to index
    %swap3A_492 = arith.constant 64 : index
    %swap3A_493 = tpu.vector_load %arg7[%swap3A_491, %swap3A_492] {strides = array<i32>} : memref<8x128xi32, #tpu.memory_space<vmem>>, vector<1x16xi32>,
    %swap3A_494 = vector.shape_cast %swap3A_493 : vector<1x16xi32> to vector<16xi32>
    %swap3A_495 = vector.shape_cast %get3A_489 : vector<16xi32> to vector<1x16xi32>
    tpu.vector_store %arg7[%swap3A_491, %swap3A_492], %swap3A_495 {strides = array<i32>} : memref<8x128xi32, #tpu.memory_space<vmem>>, vector<1x16xi32>,
    %get3A_496 = arith.constant 11 : i32
    %get3A_497 = arith.index_cast %get3A_496 : i32 to index
    %get3A_498 = arith.constant 16 : index
    %get3A_499 = tpu.vector_load %arg6[%get3A_497, %get3A_498] {strides = array<i32>} : memref<16x64xi32, #tpu.memory_space<vmem>>, vector<1x16xi32>,
    %get3A_500 = vector.shape_cast %get3A_499 : vector<1x16xi32> to vector<16xi32>
    %swap3A_501 = arith.constant 5 : i32
    %swap3A_502 = arith.index_cast %swap3A_501 : i32 to index
    %swap3A_503 = arith.constant 80 : index
    %swap3A_504 = tpu.vector_load %arg7[%swap3A_502, %swap3A_503] {strides = array<i32>} : memref<8x128xi32, #tpu.memory_space<vmem>>, vector<1x16xi32>,
    %swap3A_505 = vector.shape_cast %swap3A_504 : vector<1x16xi32> to vector<16xi32>
    %swap3A_506 = vector.shape_cast %get3A_500 : vector<16xi32> to vector<1x16xi32>
    tpu.vector_store %arg7[%swap3A_502, %swap3A_503], %swap3A_506 {strides = array<i32>} : memref<8x128xi32, #tpu.memory_space<vmem>>, vector<1x16xi32>,
    %get3A_507 = arith.constant 11 : i32
    %get3A_508 = arith.index_cast %get3A_507 : i32 to index
    %get3A_509 = arith.constant 32 : index
    %get3A_510 = tpu.vector_load %arg6[%get3A_508, %get3A_509] {strides = array<i32>} : memref<16x64xi32, #tpu.memory_space<vmem>>, vector<1x16xi32>,
    %get3A_511 = vector.shape_cast %get3A_510 : vector<1x16xi32> to vector<16xi32>
    %swap3A_512 = arith.constant 5 : i32
    %swap3A_513 = arith.index_cast %swap3A_512 : i32 to index
    %swap3A_514 = arith.constant 96 : index
    %swap3A_515 = tpu.vector_load %arg7[%swap3A_513, %swap3A_514] {strides = array<i32>} : memref<8x128xi32, #tpu.memory_space<vmem>>, vector<1x16xi32>,
    %swap3A_516 = vector.shape_cast %swap3A_515 : vector<1x16xi32> to vector<16xi32>
    %swap3A_517 = vector.shape_cast %get3A_511 : vector<16xi32> to vector<1x16xi32>
    tpu.vector_store %arg7[%swap3A_513, %swap3A_514], %swap3A_517 {strides = array<i32>} : memref<8x128xi32, #tpu.memory_space<vmem>>, vector<1x16xi32>,
    %get3A_518 = arith.constant 11 : i32
    %get3A_519 = arith.index_cast %get3A_518 : i32 to index
    %get3A_520 = arith.constant 48 : index
    %get3A_521 = tpu.vector_load %arg6[%get3A_519, %get3A_520] {strides = array<i32>} : memref<16x64xi32, #tpu.memory_space<vmem>>, vector<1x16xi32>,
    %get3A_522 = vector.shape_cast %get3A_521 : vector<1x16xi32> to vector<16xi32>
    %swap3A_523 = arith.constant 5 : i32
    %swap3A_524 = arith.index_cast %swap3A_523 : i32 to index
    %swap3A_525 = arith.constant 112 : index
    %swap3A_526 = tpu.vector_load %arg7[%swap3A_524, %swap3A_525] {strides = array<i32>} : memref<8x128xi32, #tpu.memory_space<vmem>>, vector<1x16xi32>,
    %swap3A_527 = vector.shape_cast %swap3A_526 : vector<1x16xi32> to vector<16xi32>
    %swap3A_528 = vector.shape_cast %get3A_522 : vector<16xi32> to vector<1x16xi32>
    tpu.vector_store %arg7[%swap3A_524, %swap3A_525], %swap3A_528 {strides = array<i32>} : memref<8x128xi32, #tpu.memory_space<vmem>>, vector<1x16xi32>,
    %get3A_529 = arith.constant 12 : i32
    %get3A_530 = arith.index_cast %get3A_529 : i32 to index
    %get3A_531 = arith.constant 0 : index
    %get3A_532 = tpu.vector_load %arg6[%get3A_530, %get3A_531] {strides = array<i32>} : memref<16x64xi32, #tpu.memory_space<vmem>>, vector<1x16xi32>,
    %get3A_533 = vector.shape_cast %get3A_532 : vector<1x16xi32> to vector<16xi32>
    %swap3A_534 = arith.constant 6 : i32
    %swap3A_535 = arith.index_cast %swap3A_534 : i32 to index
    %swap3A_536 = arith.constant 0 : index
    %swap3A_537 = tpu.vector_load %arg7[%swap3A_535, %swap3A_536] {strides = array<i32>} : memref<8x128xi32, #tpu.memory_space<vmem>>, vector<1x16xi32>,
    %swap3A_538 = vector.shape_cast %swap3A_537 : vector<1x16xi32> to vector<16xi32>
    %swap3A_539 = vector.shape_cast %get3A_533 : vector<16xi32> to vector<1x16xi32>
    tpu.vector_store %arg7[%swap3A_535, %swap3A_536], %swap3A_539 {strides = array<i32>} : memref<8x128xi32, #tpu.memory_space<vmem>>, vector<1x16xi32>,
    %get3A_540 = arith.constant 12 : i32
    %get3A_541 = arith.index_cast %get3A_540 : i32 to index
    %get3A_542 = arith.constant 16 : index
    %get3A_543 = tpu.vector_load %arg6[%get3A_541, %get3A_542] {strides = array<i32>} : memref<16x64xi32, #tpu.memory_space<vmem>>, vector<1x16xi32>,
    %get3A_544 = vector.shape_cast %get3A_543 : vector<1x16xi32> to vector<16xi32>
    %swap3A_545 = arith.constant 6 : i32
    %swap3A_546 = arith.index_cast %swap3A_545 : i32 to index
    %swap3A_547 = arith.constant 16 : index
    %swap3A_548 = tpu.vector_load %arg7[%swap3A_546, %swap3A_547] {strides = array<i32>} : memref<8x128xi32, #tpu.memory_space<vmem>>, vector<1x16xi32>,
    %swap3A_549 = vector.shape_cast %swap3A_548 : vector<1x16xi32> to vector<16xi32>
    %swap3A_550 = vector.shape_cast %get3A_544 : vector<16xi32> to vector<1x16xi32>
    tpu.vector_store %arg7[%swap3A_546, %swap3A_547], %swap3A_550 {strides = array<i32>} : memref<8x128xi32, #tpu.memory_space<vmem>>, vector<1x16xi32>,
    %get3A_551 = arith.constant 12 : i32
    %get3A_552 = arith.index_cast %get3A_551 : i32 to index
    %get3A_553 = arith.constant 32 : index
    %get3A_554 = tpu.vector_load %arg6[%get3A_552, %get3A_553] {strides = array<i32>} : memref<16x64xi32, #tpu.memory_space<vmem>>, vector<1x16xi32>,
    %get3A_555 = vector.shape_cast %get3A_554 : vector<1x16xi32> to vector<16xi32>
    %swap3A_556 = arith.constant 6 : i32
    %swap3A_557 = arith.index_cast %swap3A_556 : i32 to index
    %swap3A_558 = arith.constant 32 : index
    %swap3A_559 = tpu.vector_load %arg7[%swap3A_557, %swap3A_558] {strides = array<i32>} : memref<8x128xi32, #tpu.memory_space<vmem>>, vector<1x16xi32>,
    %swap3A_560 = vector.shape_cast %swap3A_559 : vector<1x16xi32> to vector<16xi32>
    %swap3A_561 = vector.shape_cast %get3A_555 : vector<16xi32> to vector<1x16xi32>
    tpu.vector_store %arg7[%swap3A_557, %swap3A_558], %swap3A_561 {strides = array<i32>} : memref<8x128xi32, #tpu.memory_space<vmem>>, vector<1x16xi32>,
    %get3A_562 = arith.constant 12 : i32
    %get3A_563 = arith.index_cast %get3A_562 : i32 to index
    %get3A_564 = arith.constant 48 : index
    %get3A_565 = tpu.vector_load %arg6[%get3A_563, %get3A_564] {strides = array<i32>} : memref<16x64xi32, #tpu.memory_space<vmem>>, vector<1x16xi32>,
    %get3A_566 = vector.shape_cast %get3A_565 : vector<1x16xi32> to vector<16xi32>
    %swap3A_567 = arith.constant 6 : i32
    %swap3A_568 = arith.index_cast %swap3A_567 : i32 to index
    %swap3A_569 = arith.constant 48 : index
    %swap3A_570 = tpu.vector_load %arg7[%swap3A_568, %swap3A_569] {strides = array<i32>} : memref<8x128xi32, #tpu.memory_space<vmem>>, vector<1x16xi32>,
    %swap3A_571 = vector.shape_cast %swap3A_570 : vector<1x16xi32> to vector<16xi32>
    %swap3A_572 = vector.shape_cast %get3A_566 : vector<16xi32> to vector<1x16xi32>
    tpu.vector_store %arg7[%swap3A_568, %swap3A_569], %swap3A_572 {strides = array<i32>} : memref<8x128xi32, #tpu.memory_space<vmem>>, vector<1x16xi32>,
    %get3A_573 = arith.constant 13 : i32
    %get3A_574 = arith.index_cast %get3A_573 : i32 to index
    %get3A_575 = arith.constant 0 : index
    %get3A_576 = tpu.vector_load %arg6[%get3A_574, %get3A_575] {strides = array<i32>} : memref<16x64xi32, #tpu.memory_space<vmem>>, vector<1x16xi32>,
    %get3A_577 = vector.shape_cast %get3A_576 : vector<1x16xi32> to vector<16xi32>
    %swap3A_578 = arith.constant 6 : i32
    %swap3A_579 = arith.index_cast %swap3A_578 : i32 to index
    %swap3A_580 = arith.constant 64 : index
    %swap3A_581 = tpu.vector_load %arg7[%swap3A_579, %swap3A_580] {strides = array<i32>} : memref<8x128xi32, #tpu.memory_space<vmem>>, vector<1x16xi32>,
    %swap3A_582 = vector.shape_cast %swap3A_581 : vector<1x16xi32> to vector<16xi32>
    %swap3A_583 = vector.shape_cast %get3A_577 : vector<16xi32> to vector<1x16xi32>
    tpu.vector_store %arg7[%swap3A_579, %swap3A_580], %swap3A_583 {strides = array<i32>} : memref<8x128xi32, #tpu.memory_space<vmem>>, vector<1x16xi32>,
    %get3A_584 = arith.constant 13 : i32
    %get3A_585 = arith.index_cast %get3A_584 : i32 to index
    %get3A_586 = arith.constant 16 : index
    %get3A_587 = tpu.vector_load %arg6[%get3A_585, %get3A_586] {strides = array<i32>} : memref<16x64xi32, #tpu.memory_space<vmem>>, vector<1x16xi32>,
    %get3A_588 = vector.shape_cast %get3A_587 : vector<1x16xi32> to vector<16xi32>
    %swap3A_589 = arith.constant 6 : i32
    %swap3A_590 = arith.index_cast %swap3A_589 : i32 to index
    %swap3A_591 = arith.constant 80 : index
    %swap3A_592 = tpu.vector_load %arg7[%swap3A_590, %swap3A_591] {strides = array<i32>} : memref<8x128xi32, #tpu.memory_space<vmem>>, vector<1x16xi32>,
    %swap3A_593 = vector.shape_cast %swap3A_592 : vector<1x16xi32> to vector<16xi32>
    %swap3A_594 = vector.shape_cast %get3A_588 : vector<16xi32> to vector<1x16xi32>
    tpu.vector_store %arg7[%swap3A_590, %swap3A_591], %swap3A_594 {strides = array<i32>} : memref<8x128xi32, #tpu.memory_space<vmem>>, vector<1x16xi32>,
    %get3A_595 = arith.constant 13 : i32
    %get3A_596 = arith.index_cast %get3A_595 : i32 to index
    %get3A_597 = arith.constant 32 : index
    %get3A_598 = tpu.vector_load %arg6[%get3A_596, %get3A_597] {strides = array<i32>} : memref<16x64xi32, #tpu.memory_space<vmem>>, vector<1x16xi32>,
    %get3A_599 = vector.shape_cast %get3A_598 : vector<1x16xi32> to vector<16xi32>
    %swap3A_600 = arith.constant 6 : i32
    %swap3A_601 = arith.index_cast %swap3A_600 : i32 to index
    %swap3A_602 = arith.constant 96 : index
    %swap3A_603 = tpu.vector_load %arg7[%swap3A_601, %swap3A_602] {strides = array<i32>} : memref<8x128xi32, #tpu.memory_space<vmem>>, vector<1x16xi32>,
    %swap3A_604 = vector.shape_cast %swap3A_603 : vector<1x16xi32> to vector<16xi32>
    %swap3A_605 = vector.shape_cast %get3A_599 : vector<16xi32> to vector<1x16xi32>
    tpu.vector_store %arg7[%swap3A_601, %swap3A_602], %swap3A_605 {strides = array<i32>} : memref<8x128xi32, #tpu.memory_space<vmem>>, vector<1x16xi32>,
    %get3A_606 = arith.constant 13 : i32
    %get3A_607 = arith.index_cast %get3A_606 : i32 to index
    %get3A_608 = arith.constant 48 : index
    %get3A_609 = tpu.vector_load %arg6[%get3A_607, %get3A_608] {strides = array<i32>} : memref<16x64xi32, #tpu.memory_space<vmem>>, vector<1x16xi32>,
    %get3A_610 = vector.shape_cast %get3A_609 : vector<1x16xi32> to vector<16xi32>
    %swap3A_611 = arith.constant 6 : i32
    %swap3A_612 = arith.index_cast %swap3A_611 : i32 to index
    %swap3A_613 = arith.constant 112 : index
    %swap3A_614 = tpu.vector_load %arg7[%swap3A_612, %swap3A_613] {strides = array<i32>} : memref<8x128xi32, #tpu.memory_space<vmem>>, vector<1x16xi32>,
    %swap3A_615 = vector.shape_cast %swap3A_614 : vector<1x16xi32> to vector<16xi32>
    %swap3A_616 = vector.shape_cast %get3A_610 : vector<16xi32> to vector<1x16xi32>
    tpu.vector_store %arg7[%swap3A_612, %swap3A_613], %swap3A_616 {strides = array<i32>} : memref<8x128xi32, #tpu.memory_space<vmem>>, vector<1x16xi32>,
    %get3A_617 = arith.constant 14 : i32
    %get3A_618 = arith.index_cast %get3A_617 : i32 to index
    %get3A_619 = arith.constant 0 : index
    %get3A_620 = tpu.vector_load %arg6[%get3A_618, %get3A_619] {strides = array<i32>} : memref<16x64xi32, #tpu.memory_space<vmem>>, vector<1x16xi32>,
    %get3A_621 = vector.shape_cast %get3A_620 : vector<1x16xi32> to vector<16xi32>
    %swap3A_622 = arith.constant 7 : i32
    %swap3A_623 = arith.index_cast %swap3A_622 : i32 to index
    %swap3A_624 = arith.constant 0 : index
    %swap3A_625 = tpu.vector_load %arg7[%swap3A_623, %swap3A_624] {strides = array<i32>} : memref<8x128xi32, #tpu.memory_space<vmem>>, vector<1x16xi32>,
    %swap3A_626 = vector.shape_cast %swap3A_625 : vector<1x16xi32> to vector<16xi32>
    %swap3A_627 = vector.shape_cast %get3A_621 : vector<16xi32> to vector<1x16xi32>
    tpu.vector_store %arg7[%swap3A_623, %swap3A_624], %swap3A_627 {strides = array<i32>} : memref<8x128xi32, #tpu.memory_space<vmem>>, vector<1x16xi32>,
    %get3A_628 = arith.constant 14 : i32
    %get3A_629 = arith.index_cast %get3A_628 : i32 to index
    %get3A_630 = arith.constant 16 : index
    %get3A_631 = tpu.vector_load %arg6[%get3A_629, %get3A_630] {strides = array<i32>} : memref<16x64xi32, #tpu.memory_space<vmem>>, vector<1x16xi32>,
    %get3A_632 = vector.shape_cast %get3A_631 : vector<1x16xi32> to vector<16xi32>
    %swap3A_633 = arith.constant 7 : i32
    %swap3A_634 = arith.index_cast %swap3A_633 : i32 to index
    %swap3A_635 = arith.constant 16 : index
    %swap3A_636 = tpu.vector_load %arg7[%swap3A_634, %swap3A_635] {strides = array<i32>} : memref<8x128xi32, #tpu.memory_space<vmem>>, vector<1x16xi32>,
    %swap3A_637 = vector.shape_cast %swap3A_636 : vector<1x16xi32> to vector<16xi32>
    %swap3A_638 = vector.shape_cast %get3A_632 : vector<16xi32> to vector<1x16xi32>
    tpu.vector_store %arg7[%swap3A_634, %swap3A_635], %swap3A_638 {strides = array<i32>} : memref<8x128xi32, #tpu.memory_space<vmem>>, vector<1x16xi32>,
    %get3A_639 = arith.constant 14 : i32
    %get3A_640 = arith.index_cast %get3A_639 : i32 to index
    %get3A_641 = arith.constant 32 : index
    %get3A_642 = tpu.vector_load %arg6[%get3A_640, %get3A_641] {strides = array<i32>} : memref<16x64xi32, #tpu.memory_space<vmem>>, vector<1x16xi32>,
    %get3A_643 = vector.shape_cast %get3A_642 : vector<1x16xi32> to vector<16xi32>
    %swap3A_644 = arith.constant 7 : i32
    %swap3A_645 = arith.index_cast %swap3A_644 : i32 to index
    %swap3A_646 = arith.constant 32 : index
    %swap3A_647 = tpu.vector_load %arg7[%swap3A_645, %swap3A_646] {strides = array<i32>} : memref<8x128xi32, #tpu.memory_space<vmem>>, vector<1x16xi32>,
    %swap3A_648 = vector.shape_cast %swap3A_647 : vector<1x16xi32> to vector<16xi32>
    %swap3A_649 = vector.shape_cast %get3A_643 : vector<16xi32> to vector<1x16xi32>
    tpu.vector_store %arg7[%swap3A_645, %swap3A_646], %swap3A_649 {strides = array<i32>} : memref<8x128xi32, #tpu.memory_space<vmem>>, vector<1x16xi32>,
    %get3A_650 = arith.constant 14 : i32
    %get3A_651 = arith.index_cast %get3A_650 : i32 to index
    %get3A_652 = arith.constant 48 : index
    %get3A_653 = tpu.vector_load %arg6[%get3A_651, %get3A_652] {strides = array<i32>} : memref<16x64xi32, #tpu.memory_space<vmem>>, vector<1x16xi32>,
    %get3A_654 = vector.shape_cast %get3A_653 : vector<1x16xi32> to vector<16xi32>
    %swap3A_655 = arith.constant 7 : i32
    %swap3A_656 = arith.index_cast %swap3A_655 : i32 to index
    %swap3A_657 = arith.constant 48 : index
    %swap3A_658 = tpu.vector_load %arg7[%swap3A_656, %swap3A_657] {strides = array<i32>} : memref<8x128xi32, #tpu.memory_space<vmem>>, vector<1x16xi32>,
    %swap3A_659 = vector.shape_cast %swap3A_658 : vector<1x16xi32> to vector<16xi32>
    %swap3A_660 = vector.shape_cast %get3A_654 : vector<16xi32> to vector<1x16xi32>
    tpu.vector_store %arg7[%swap3A_656, %swap3A_657], %swap3A_660 {strides = array<i32>} : memref<8x128xi32, #tpu.memory_space<vmem>>, vector<1x16xi32>,
    %get3A_661 = arith.constant 15 : i32
    %get3A_662 = arith.index_cast %get3A_661 : i32 to index
    %get3A_663 = arith.constant 0 : index
    %get3A_664 = tpu.vector_load %arg6[%get3A_662, %get3A_663] {strides = array<i32>} : memref<16x64xi32, #tpu.memory_space<vmem>>, vector<1x16xi32>,
    %get3A_665 = vector.shape_cast %get3A_664 : vector<1x16xi32> to vector<16xi32>
    %swap3A_666 = arith.constant 7 : i32
    %swap3A_667 = arith.index_cast %swap3A_666 : i32 to index
    %swap3A_668 = arith.constant 64 : index
    %swap3A_669 = tpu.vector_load %arg7[%swap3A_667, %swap3A_668] {strides = array<i32>} : memref<8x128xi32, #tpu.memory_space<vmem>>, vector<1x16xi32>,
    %swap3A_670 = vector.shape_cast %swap3A_669 : vector<1x16xi32> to vector<16xi32>
    %swap3A_671 = vector.shape_cast %get3A_665 : vector<16xi32> to vector<1x16xi32>
    tpu.vector_store %arg7[%swap3A_667, %swap3A_668], %swap3A_671 {strides = array<i32>} : memref<8x128xi32, #tpu.memory_space<vmem>>, vector<1x16xi32>,
    %get3A_672 = arith.constant 15 : i32
    %get3A_673 = arith.index_cast %get3A_672 : i32 to index
    %get3A_674 = arith.constant 16 : index
    %get3A_675 = tpu.vector_load %arg6[%get3A_673, %get3A_674] {strides = array<i32>} : memref<16x64xi32, #tpu.memory_space<vmem>>, vector<1x16xi32>,
    %get3A_676 = vector.shape_cast %get3A_675 : vector<1x16xi32> to vector<16xi32>
    %swap3A_677 = arith.constant 7 : i32
    %swap3A_678 = arith.index_cast %swap3A_677 : i32 to index
    %swap3A_679 = arith.constant 80 : index
    %swap3A_680 = tpu.vector_load %arg7[%swap3A_678, %swap3A_679] {strides = array<i32>} : memref<8x128xi32, #tpu.memory_space<vmem>>, vector<1x16xi32>,
    %swap3A_681 = vector.shape_cast %swap3A_680 : vector<1x16xi32> to vector<16xi32>
    %swap3A_682 = vector.shape_cast %get3A_676 : vector<16xi32> to vector<1x16xi32>
    tpu.vector_store %arg7[%swap3A_678, %swap3A_679], %swap3A_682 {strides = array<i32>} : memref<8x128xi32, #tpu.memory_space<vmem>>, vector<1x16xi32>,
    %get3A_683 = arith.constant 15 : i32
    %get3A_684 = arith.index_cast %get3A_683 : i32 to index
    %get3A_685 = arith.constant 32 : index
    %get3A_686 = tpu.vector_load %arg6[%get3A_684, %get3A_685] {strides = array<i32>} : memref<16x64xi32, #tpu.memory_space<vmem>>, vector<1x16xi32>,
    %get3A_687 = vector.shape_cast %get3A_686 : vector<1x16xi32> to vector<16xi32>
    %swap3A_688 = arith.constant 7 : i32
    %swap3A_689 = arith.index_cast %swap3A_688 : i32 to index
    %swap3A_690 = arith.constant 96 : index
    %swap3A_691 = tpu.vector_load %arg7[%swap3A_689, %swap3A_690] {strides = array<i32>} : memref<8x128xi32, #tpu.memory_space<vmem>>, vector<1x16xi32>,
    %swap3A_692 = vector.shape_cast %swap3A_691 : vector<1x16xi32> to vector<16xi32>
    %swap3A_693 = vector.shape_cast %get3A_687 : vector<16xi32> to vector<1x16xi32>
    tpu.vector_store %arg7[%swap3A_689, %swap3A_690], %swap3A_693 {strides = array<i32>} : memref<8x128xi32, #tpu.memory_space<vmem>>, vector<1x16xi32>,
    %get3A_694 = arith.constant 15 : i32
    %get3A_695 = arith.index_cast %get3A_694 : i32 to index
    %get3A_696 = arith.constant 48 : index
    %get3A_697 = tpu.vector_load %arg6[%get3A_695, %get3A_696] {strides = array<i32>} : memref<16x64xi32, #tpu.memory_space<vmem>>, vector<1x16xi32>,
    %get3A_698 = vector.shape_cast %get3A_697 : vector<1x16xi32> to vector<16xi32>
    %swap3A_699 = arith.constant 7 : i32
    %swap3A_700 = arith.index_cast %swap3A_699 : i32 to index
    %swap3A_701 = arith.constant 112 : index
    %swap3A_702 = tpu.vector_load %arg7[%swap3A_700, %swap3A_701] {strides = array<i32>} : memref<8x128xi32, #tpu.memory_space<vmem>>, vector<1x16xi32>,
    %swap3A_703 = vector.shape_cast %swap3A_702 : vector<1x16xi32> to vector<16xi32>
    %swap3A_704 = vector.shape_cast %get3A_698 : vector<16xi32> to vector<1x16xi32>
    tpu.vector_store %arg7[%swap3A_700, %swap3A_701], %swap3A_704 {strides = array<i32>} : memref<8x128xi32, #tpu.memory_space<vmem>>, vector<1x16xi32>,
    %dma_start3A = arith.constant 0 : i32
    %dma_start3A_705 = arith.constant 0 : i32
    %dma_start3A_706 = arith.constant 0 : i32
    %dma_start3A_707 = arith.constant 0 : i32
    %dma_start3A_708 = tpu.memref_slice %arg9[%dma_start3A_705, %dma_start3A_706, %dma_start3A_707] : memref<8x128x64xf32, #tpu.memory_space<vmem>> -> memref<1x128x64xf32, #tpu.memory_space<vmem>>
    %dma_start3A_709 = tpu.memref_squeeze %dma_start3A_708 : memref<1x128x64xf32, #tpu.memory_space<vmem>> -> memref<128x64xf32, #tpu.memory_space<vmem>>
    %dma_start3A_710 = arith.constant 0 : i32
    %dma_start3A_711 = tpu.memref_slice %arg7[%dma_start3A, %dma_start3A_710] : memref<8x128xi32, #tpu.memory_space<vmem>> -> memref<1x128xi32, #tpu.memory_space<vmem>>
    %dma_start3A_712 = tpu.memref_squeeze %dma_start3A_711 : memref<1x128xi32, #tpu.memory_space<vmem>> -> memref<128xi32, #tpu.memory_space<vmem>>
    %dma_start3A_713 = arith.constant 0 : i32
    %dma_start3A_714 = arith.constant 0 : i32
    %dma_start3A_715 = tpu.memref_slice %arg3[%dma_start3A_713, %dma_start3A_714] : memref<100000x64xf32, #tpu.memory_space<hbm>> -> memref<100000x64xf32, #tpu.memory_space<hbm>>
    tpu.enqueue_indirect_dma source(%dma_start3A_715 : memref<100000x64xf32, #tpu.memory_space<hbm>>) target(%dma_start3A_709 : memref<128x64xf32, #tpu.memory_space<vmem>>) offsets(%dma_start3A_712 : memref<128xi32, #tpu.memory_space<vmem>>) semaphore(%arg10 : memref<!tpu.dma_semaphore, #tpu.memory_space<semaphore_mem>>)
    %dma_start3A_716 = arith.constant 1 : i32
    %dma_start3A_717 = arith.constant 1 : i32
    %dma_start3A_718 = arith.constant 0 : i32
    %dma_start3A_719 = arith.constant 0 : i32
    %dma_start3A_720 = tpu.memref_slice %arg9[%dma_start3A_717, %dma_start3A_718, %dma_start3A_719] : memref<8x128x64xf32, #tpu.memory_space<vmem>> -> memref<1x128x64xf32, #tpu.memory_space<vmem>>
    %dma_start3A_721 = tpu.memref_squeeze %dma_start3A_720 : memref<1x128x64xf32, #tpu.memory_space<vmem>> -> memref<128x64xf32, #tpu.memory_space<vmem>>
    %dma_start3A_722 = arith.constant 0 : i32
    %dma_start3A_723 = tpu.memref_slice %arg7[%dma_start3A_716, %dma_start3A_722] : memref<8x128xi32, #tpu.memory_space<vmem>> -> memref<1x128xi32, #tpu.memory_space<vmem>>
    %dma_start3A_724 = tpu.memref_squeeze %dma_start3A_723 : memref<1x128xi32, #tpu.memory_space<vmem>> -> memref<128xi32, #tpu.memory_space<vmem>>
    %dma_start3A_725 = arith.constant 0 : i32
    %dma_start3A_726 = arith.constant 0 : i32
    %dma_start3A_727 = tpu.memref_slice %arg3[%dma_start3A_725, %dma_start3A_726] : memref<100000x64xf32, #tpu.memory_space<hbm>> -> memref<100000x64xf32, #tpu.memory_space<hbm>>
    tpu.enqueue_indirect_dma source(%dma_start3A_727 : memref<100000x64xf32, #tpu.memory_space<hbm>>) target(%dma_start3A_721 : memref<128x64xf32, #tpu.memory_space<vmem>>) offsets(%dma_start3A_724 : memref<128xi32, #tpu.memory_space<vmem>>) semaphore(%arg11 : memref<!tpu.dma_semaphore, #tpu.memory_space<semaphore_mem>>)
    %dma_start3A_728 = arith.constant 2 : i32
    %dma_start3A_729 = arith.constant 2 : i32
    %dma_start3A_730 = arith.constant 0 : i32
    %dma_start3A_731 = arith.constant 0 : i32
    %dma_start3A_732 = tpu.memref_slice %arg9[%dma_start3A_729, %dma_start3A_730, %dma_start3A_731] : memref<8x128x64xf32, #tpu.memory_space<vmem>> -> memref<1x128x64xf32, #tpu.memory_space<vmem>>
    %dma_start3A_733 = tpu.memref_squeeze %dma_start3A_732 : memref<1x128x64xf32, #tpu.memory_space<vmem>> -> memref<128x64xf32, #tpu.memory_space<vmem>>
    %dma_start3A_734 = arith.constant 0 : i32
    %dma_start3A_735 = tpu.memref_slice %arg7[%dma_start3A_728, %dma_start3A_734] : memref<8x128xi32, #tpu.memory_space<vmem>> -> memref<1x128xi32, #tpu.memory_space<vmem>>
    %dma_start3A_736 = tpu.memref_squeeze %dma_start3A_735 : memref<1x128xi32, #tpu.memory_space<vmem>> -> memref<128xi32, #tpu.memory_space<vmem>>
    %dma_start3A_737 = arith.constant 0 : i32
    %dma_start3A_738 = arith.constant 0 : i32
    %dma_start3A_739 = tpu.memref_slice %arg3[%dma_start3A_737, %dma_start3A_738] : memref<100000x64xf32, #tpu.memory_space<hbm>> -> memref<100000x64xf32, #tpu.memory_space<hbm>>
    tpu.enqueue_indirect_dma source(%dma_start3A_739 : memref<100000x64xf32, #tpu.memory_space<hbm>>) target(%dma_start3A_733 : memref<128x64xf32, #tpu.memory_space<vmem>>) offsets(%dma_start3A_736 : memref<128xi32, #tpu.memory_space<vmem>>) semaphore(%arg12 : memref<!tpu.dma_semaphore, #tpu.memory_space<semaphore_mem>>)
    %dma_start3A_740 = arith.constant 3 : i32
    %dma_start3A_741 = arith.constant 3 : i32
    %dma_start3A_742 = arith.constant 0 : i32
    %dma_start3A_743 = arith.constant 0 : i32
    %dma_start3A_744 = tpu.memref_slice %arg9[%dma_start3A_741, %dma_start3A_742, %dma_start3A_743] : memref<8x128x64xf32, #tpu.memory_space<vmem>> -> memref<1x128x64xf32, #tpu.memory_space<vmem>>
    %dma_start3A_745 = tpu.memref_squeeze %dma_start3A_744 : memref<1x128x64xf32, #tpu.memory_space<vmem>> -> memref<128x64xf32, #tpu.memory_space<vmem>>
    %dma_start3A_746 = arith.constant 0 : i32
    %dma_start3A_747 = tpu.memref_slice %arg7[%dma_start3A_740, %dma_start3A_746] : memref<8x128xi32, #tpu.memory_space<vmem>> -> memref<1x128xi32, #tpu.memory_space<vmem>>
    %dma_start3A_748 = tpu.memref_squeeze %dma_start3A_747 : memref<1x128xi32, #tpu.memory_space<vmem>> -> memref<128xi32, #tpu.memory_space<vmem>>
    %dma_start3A_749 = arith.constant 0 : i32
    %dma_start3A_750 = arith.constant 0 : i32
    %dma_start3A_751 = tpu.memref_slice %arg3[%dma_start3A_749, %dma_start3A_750] : memref<100000x64xf32, #tpu.memory_space<hbm>> -> memref<100000x64xf32, #tpu.memory_space<hbm>>
    tpu.enqueue_indirect_dma source(%dma_start3A_751 : memref<100000x64xf32, #tpu.memory_space<hbm>>) target(%dma_start3A_745 : memref<128x64xf32, #tpu.memory_space<vmem>>) offsets(%dma_start3A_748 : memref<128xi32, #tpu.memory_space<vmem>>) semaphore(%arg13 : memref<!tpu.dma_semaphore, #tpu.memory_space<semaphore_mem>>)
    %dma_start3A_752 = arith.constant 4 : i32
    %dma_start3A_753 = arith.constant 4 : i32
    %dma_start3A_754 = arith.constant 0 : i32
    %dma_start3A_755 = arith.constant 0 : i32
    %dma_start3A_756 = tpu.memref_slice %arg9[%dma_start3A_753, %dma_start3A_754, %dma_start3A_755] : memref<8x128x64xf32, #tpu.memory_space<vmem>> -> memref<1x128x64xf32, #tpu.memory_space<vmem>>
    %dma_start3A_757 = tpu.memref_squeeze %dma_start3A_756 : memref<1x128x64xf32, #tpu.memory_space<vmem>> -> memref<128x64xf32, #tpu.memory_space<vmem>>
    %dma_start3A_758 = arith.constant 0 : i32
    %dma_start3A_759 = tpu.memref_slice %arg7[%dma_start3A_752, %dma_start3A_758] : memref<8x128xi32, #tpu.memory_space<vmem>> -> memref<1x128xi32, #tpu.memory_space<vmem>>
    %dma_start3A_760 = tpu.memref_squeeze %dma_start3A_759 : memref<1x128xi32, #tpu.memory_space<vmem>> -> memref<128xi32, #tpu.memory_space<vmem>>
    %dma_start3A_761 = arith.constant 0 : i32
    %dma_start3A_762 = arith.constant 0 : i32
    %dma_start3A_763 = tpu.memref_slice %arg3[%dma_start3A_761, %dma_start3A_762] : memref<100000x64xf32, #tpu.memory_space<hbm>> -> memref<100000x64xf32, #tpu.memory_space<hbm>>
    tpu.enqueue_indirect_dma source(%dma_start3A_763 : memref<100000x64xf32, #tpu.memory_space<hbm>>) target(%dma_start3A_757 : memref<128x64xf32, #tpu.memory_space<vmem>>) offsets(%dma_start3A_760 : memref<128xi32, #tpu.memory_space<vmem>>) semaphore(%arg14 : memref<!tpu.dma_semaphore, #tpu.memory_space<semaphore_mem>>)
    %dma_start3A_764 = arith.constant 5 : i32
    %dma_start3A_765 = arith.constant 5 : i32
    %dma_start3A_766 = arith.constant 0 : i32
    %dma_start3A_767 = arith.constant 0 : i32
    %dma_start3A_768 = tpu.memref_slice %arg9[%dma_start3A_765, %dma_start3A_766, %dma_start3A_767] : memref<8x128x64xf32, #tpu.memory_space<vmem>> -> memref<1x128x64xf32, #tpu.memory_space<vmem>>
    %dma_start3A_769 = tpu.memref_squeeze %dma_start3A_768 : memref<1x128x64xf32, #tpu.memory_space<vmem>> -> memref<128x64xf32, #tpu.memory_space<vmem>>
    %dma_start3A_770 = arith.constant 0 : i32
    %dma_start3A_771 = tpu.memref_slice %arg7[%dma_start3A_764, %dma_start3A_770] : memref<8x128xi32, #tpu.memory_space<vmem>> -> memref<1x128xi32, #tpu.memory_space<vmem>>
    %dma_start3A_772 = tpu.memref_squeeze %dma_start3A_771 : memref<1x128xi32, #tpu.memory_space<vmem>> -> memref<128xi32, #tpu.memory_space<vmem>>
    %dma_start3A_773 = arith.constant 0 : i32
    %dma_start3A_774 = arith.constant 0 : i32
    %dma_start3A_775 = tpu.memref_slice %arg3[%dma_start3A_773, %dma_start3A_774] : memref<100000x64xf32, #tpu.memory_space<hbm>> -> memref<100000x64xf32, #tpu.memory_space<hbm>>
    tpu.enqueue_indirect_dma source(%dma_start3A_775 : memref<100000x64xf32, #tpu.memory_space<hbm>>) target(%dma_start3A_769 : memref<128x64xf32, #tpu.memory_space<vmem>>) offsets(%dma_start3A_772 : memref<128xi32, #tpu.memory_space<vmem>>) semaphore(%arg15 : memref<!tpu.dma_semaphore, #tpu.memory_space<semaphore_mem>>)
    %dma_start3A_776 = arith.constant 6 : i32
    %dma_start3A_777 = arith.constant 6 : i32
    %dma_start3A_778 = arith.constant 0 : i32
    %dma_start3A_779 = arith.constant 0 : i32
    %dma_start3A_780 = tpu.memref_slice %arg9[%dma_start3A_777, %dma_start3A_778, %dma_start3A_779] : memref<8x128x64xf32, #tpu.memory_space<vmem>> -> memref<1x128x64xf32, #tpu.memory_space<vmem>>
    %dma_start3A_781 = tpu.memref_squeeze %dma_start3A_780 : memref<1x128x64xf32, #tpu.memory_space<vmem>> -> memref<128x64xf32, #tpu.memory_space<vmem>>
    %dma_start3A_782 = arith.constant 0 : i32
    %dma_start3A_783 = tpu.memref_slice %arg7[%dma_start3A_776, %dma_start3A_782] : memref<8x128xi32, #tpu.memory_space<vmem>> -> memref<1x128xi32, #tpu.memory_space<vmem>>
    %dma_start3A_784 = tpu.memref_squeeze %dma_start3A_783 : memref<1x128xi32, #tpu.memory_space<vmem>> -> memref<128xi32, #tpu.memory_space<vmem>>
    %dma_start3A_785 = arith.constant 0 : i32
    %dma_start3A_786 = arith.constant 0 : i32
    %dma_start3A_787 = tpu.memref_slice %arg3[%dma_start3A_785, %dma_start3A_786] : memref<100000x64xf32, #tpu.memory_space<hbm>> -> memref<100000x64xf32, #tpu.memory_space<hbm>>
    tpu.enqueue_indirect_dma source(%dma_start3A_787 : memref<100000x64xf32, #tpu.memory_space<hbm>>) target(%dma_start3A_781 : memref<128x64xf32, #tpu.memory_space<vmem>>) offsets(%dma_start3A_784 : memref<128xi32, #tpu.memory_space<vmem>>) semaphore(%arg16 : memref<!tpu.dma_semaphore, #tpu.memory_space<semaphore_mem>>)
    %dma_start3A_788 = arith.constant 7 : i32
    %dma_start3A_789 = arith.constant 7 : i32
    %dma_start3A_790 = arith.constant 0 : i32
    %dma_start3A_791 = arith.constant 0 : i32
    %dma_start3A_792 = tpu.memref_slice %arg9[%dma_start3A_789, %dma_start3A_790, %dma_start3A_791] : memref<8x128x64xf32, #tpu.memory_space<vmem>> -> memref<1x128x64xf32, #tpu.memory_space<vmem>>
    %dma_start3A_793 = tpu.memref_squeeze %dma_start3A_792 : memref<1x128x64xf32, #tpu.memory_space<vmem>> -> memref<128x64xf32, #tpu.memory_space<vmem>>
    %dma_start3A_794 = arith.constant 0 : i32
    %dma_start3A_795 = tpu.memref_slice %arg7[%dma_start3A_788, %dma_start3A_794] : memref<8x128xi32, #tpu.memory_space<vmem>> -> memref<1x128xi32, #tpu.memory_space<vmem>>
    %dma_start3A_796 = tpu.memref_squeeze %dma_start3A_795 : memref<1x128xi32, #tpu.memory_space<vmem>> -> memref<128xi32, #tpu.memory_space<vmem>>
    %dma_start3A_797 = arith.constant 0 : i32
    %dma_start3A_798 = arith.constant 0 : i32
    %dma_start3A_799 = tpu.memref_slice %arg3[%dma_start3A_797, %dma_start3A_798] : memref<100000x64xf32, #tpu.memory_space<hbm>> -> memref<100000x64xf32, #tpu.memory_space<hbm>>
    tpu.enqueue_indirect_dma source(%dma_start3A_799 : memref<100000x64xf32, #tpu.memory_space<hbm>>) target(%dma_start3A_793 : memref<128x64xf32, #tpu.memory_space<vmem>>) offsets(%dma_start3A_796 : memref<128xi32, #tpu.memory_space<vmem>>) semaphore(%arg17 : memref<!tpu.dma_semaphore, #tpu.memory_space<semaphore_mem>>)
    %dma_wait3A = arith.constant 0 : i32
    %dma_wait3A_800 = arith.constant 0 : i32
    %dma_wait3A_801 = arith.constant 0 : i32
    %dma_wait3A_802 = arith.constant 0 : i32
    %dma_wait3A_803 = tpu.memref_slice %arg9[%dma_wait3A_800, %dma_wait3A_801, %dma_wait3A_802] : memref<8x128x64xf32, #tpu.memory_space<vmem>> -> memref<1x128x64xf32, #tpu.memory_space<vmem>>
    %dma_wait3A_804 = tpu.memref_squeeze %dma_wait3A_803 : memref<1x128x64xf32, #tpu.memory_space<vmem>> -> memref<128x64xf32, #tpu.memory_space<vmem>>
    %dma_wait3A_805 = arith.constant 0 : i32
    %dma_wait3A_806 = tpu.memref_slice %arg7[%dma_wait3A, %dma_wait3A_805] : memref<8x128xi32, #tpu.memory_space<vmem>> -> memref<1x128xi32, #tpu.memory_space<vmem>>
    %dma_wait3A_807 = tpu.memref_squeeze %dma_wait3A_806 : memref<1x128xi32, #tpu.memory_space<vmem>> -> memref<128xi32, #tpu.memory_space<vmem>>
    %dma_wait3A_808 = arith.constant 0 : i32
    %dma_wait3A_809 = arith.constant 0 : i32
    %dma_wait3A_810 = tpu.memref_slice %arg3[%dma_wait3A_808, %dma_wait3A_809] : memref<100000x64xf32, #tpu.memory_space<hbm>> -> memref<100000x64xf32, #tpu.memory_space<hbm>>
    tpu.wait_indirect_dma semaphore(%arg10 : memref<!tpu.dma_semaphore, #tpu.memory_space<semaphore_mem>>) src(%dma_wait3A_810 : memref<100000x64xf32, #tpu.memory_space<hbm>>) dst(%dma_wait3A_804 : memref<128x64xf32, #tpu.memory_space<vmem>>)
    %scan3A = arith.constant 0 : i32
    %scan3A_811 = arith.constant 0 : i32
    %scan3A_812 = arith.constant 0 : i32
    %scan3A_813 = arith.constant 64 : i32
    %scan3A_814 = arith.addi %scan3A_812, %scan3A_813 : i32
    %scan3A_815 = arith.constant 1 : i32
    scf.for %scan3A_1462 = %scan3A_812 to %scan3A_814 step %scan3A_815  : i32 {
      %add3A_1463 = arith.constant 0 : i32
      %add3A_1464 = arith.addi %add3A_1463, %scan3A_1462 : i32
      %get3A_1465 = arith.constant 0 : i32
      %get3A_1466 = arith.constant 0 : i32
      %get3A_1467 = tpu.memref_slice %arg9[%scan3A_811, %get3A_1465, %get3A_1466] : memref<8x128x64xf32, #tpu.memory_space<vmem>> -> memref<1x128x64xf32, #tpu.memory_space<vmem>>
      %get3A_1468 = tpu.memref_squeeze %get3A_1467 : memref<1x128x64xf32, #tpu.memory_space<vmem>> -> memref<128x64xf32, #tpu.memory_space<vmem>>
      %get3A_1469 = arith.index_cast %add3A_1464 : i32 to index
      %get3A_1470 = arith.constant 0 : index
      %get3A_1471 = tpu.vector_load %get3A_1468[%get3A_1469, %get3A_1470] {strides = array<i32>} : memref<128x64xf32, #tpu.memory_space<vmem>>, vector<1x16xf32>,
      %get3A_1472 = vector.shape_cast %get3A_1471 : vector<1x16xf32> to vector<16xf32>
      %get3A_1473 = arith.index_cast %scan3A_1462 : i32 to index
      %get3A_1474 = arith.constant 0 : index
      %get3A_1475 = tpu.vector_load %arg8[%get3A_1473, %get3A_1474] {strides = array<i32>} : memref<64x64xf32, #tpu.memory_space<vmem>>, vector<1x16xf32>,
      %get3A_1476 = vector.shape_cast %get3A_1475 : vector<1x16xf32> to vector<16xf32>
      %add3A_1477 = arith.addf %get3A_1472, %get3A_1476 : vector<16xf32>
      %swap3A_1478 = arith.constant 0 : i32
      %swap3A_1479 = arith.constant 0 : i32
      %swap3A_1480 = tpu.memref_slice %arg9[%scan3A_811, %swap3A_1478, %swap3A_1479] : memref<8x128x64xf32, #tpu.memory_space<vmem>> -> memref<1x128x64xf32, #tpu.memory_space<vmem>>
      %swap3A_1481 = tpu.memref_squeeze %swap3A_1480 : memref<1x128x64xf32, #tpu.memory_space<vmem>> -> memref<128x64xf32, #tpu.memory_space<vmem>>
      %swap3A_1482 = arith.index_cast %add3A_1464 : i32 to index
      %swap3A_1483 = arith.constant 0 : index
      %swap3A_1484 = tpu.vector_load %swap3A_1481[%swap3A_1482, %swap3A_1483] {strides = array<i32>} : memref<128x64xf32, #tpu.memory_space<vmem>>, vector<1x16xf32>,
      %swap3A_1485 = vector.shape_cast %swap3A_1484 : vector<1x16xf32> to vector<16xf32>
      %swap3A_1486 = vector.shape_cast %add3A_1477 : vector<16xf32> to vector<1x16xf32>
      tpu.vector_store %swap3A_1481[%swap3A_1482, %swap3A_1483], %swap3A_1486 {strides = array<i32>} : memref<128x64xf32, #tpu.memory_space<vmem>>, vector<1x16xf32>,
      %add3A_1487 = arith.constant 0 : i32
      %add3A_1488 = arith.addi %add3A_1487, %scan3A_1462 : i32
      %get3A_1489 = arith.constant 0 : i32
      %get3A_1490 = arith.constant 0 : i32
      %get3A_1491 = tpu.memref_slice %arg9[%scan3A_811, %get3A_1489, %get3A_1490] : memref<8x128x64xf32, #tpu.memory_space<vmem>> -> memref<1x128x64xf32, #tpu.memory_space<vmem>>
      %get3A_1492 = tpu.memref_squeeze %get3A_1491 : memref<1x128x64xf32, #tpu.memory_space<vmem>> -> memref<128x64xf32, #tpu.memory_space<vmem>>
      %get3A_1493 = arith.index_cast %add3A_1488 : i32 to index
      %get3A_1494 = arith.constant 16 : index
      %get3A_1495 = tpu.vector_load %get3A_1492[%get3A_1493, %get3A_1494] {strides = array<i32>} : memref<128x64xf32, #tpu.memory_space<vmem>>, vector<1x16xf32>,
      %get3A_1496 = vector.shape_cast %get3A_1495 : vector<1x16xf32> to vector<16xf32>
      %get3A_1497 = arith.index_cast %scan3A_1462 : i32 to index
      %get3A_1498 = arith.constant 16 : index
      %get3A_1499 = tpu.vector_load %arg8[%get3A_1497, %get3A_1498] {strides = array<i32>} : memref<64x64xf32, #tpu.memory_space<vmem>>, vector<1x16xf32>,
      %get3A_1500 = vector.shape_cast %get3A_1499 : vector<1x16xf32> to vector<16xf32>
      %add3A_1501 = arith.addf %get3A_1496, %get3A_1500 : vector<16xf32>
      %swap3A_1502 = arith.constant 0 : i32
      %swap3A_1503 = arith.constant 0 : i32
      %swap3A_1504 = tpu.memref_slice %arg9[%scan3A_811, %swap3A_1502, %swap3A_1503] : memref<8x128x64xf32, #tpu.memory_space<vmem>> -> memref<1x128x64xf32, #tpu.memory_space<vmem>>
      %swap3A_1505 = tpu.memref_squeeze %swap3A_1504 : memref<1x128x64xf32, #tpu.memory_space<vmem>> -> memref<128x64xf32, #tpu.memory_space<vmem>>
      %swap3A_1506 = arith.index_cast %add3A_1488 : i32 to index
      %swap3A_1507 = arith.constant 16 : index
      %swap3A_1508 = tpu.vector_load %swap3A_1505[%swap3A_1506, %swap3A_1507] {strides = array<i32>} : memref<128x64xf32, #tpu.memory_space<vmem>>, vector<1x16xf32>,
      %swap3A_1509 = vector.shape_cast %swap3A_1508 : vector<1x16xf32> to vector<16xf32>
      %swap3A_1510 = vector.shape_cast %add3A_1501 : vector<16xf32> to vector<1x16xf32>
      tpu.vector_store %swap3A_1505[%swap3A_1506, %swap3A_1507], %swap3A_1510 {strides = array<i32>} : memref<128x64xf32, #tpu.memory_space<vmem>>, vector<1x16xf32>,
      %add3A_1511 = arith.constant 0 : i32
      %add3A_1512 = arith.addi %add3A_1511, %scan3A_1462 : i32
      %get3A_1513 = arith.constant 0 : i32
      %get3A_1514 = arith.constant 0 : i32
      %get3A_1515 = tpu.memref_slice %arg9[%scan3A_811, %get3A_1513, %get3A_1514] : memref<8x128x64xf32, #tpu.memory_space<vmem>> -> memref<1x128x64xf32, #tpu.memory_space<vmem>>
      %get3A_1516 = tpu.memref_squeeze %get3A_1515 : memref<1x128x64xf32, #tpu.memory_space<vmem>> -> memref<128x64xf32, #tpu.memory_space<vmem>>
      %get3A_1517 = arith.index_cast %add3A_1512 : i32 to index
      %get3A_1518 = arith.constant 32 : index
      %get3A_1519 = tpu.vector_load %get3A_1516[%get3A_1517, %get3A_1518] {strides = array<i32>} : memref<128x64xf32, #tpu.memory_space<vmem>>, vector<1x16xf32>,
      %get3A_1520 = vector.shape_cast %get3A_1519 : vector<1x16xf32> to vector<16xf32>
      %get3A_1521 = arith.index_cast %scan3A_1462 : i32 to index
      %get3A_1522 = arith.constant 32 : index
      %get3A_1523 = tpu.vector_load %arg8[%get3A_1521, %get3A_1522] {strides = array<i32>} : memref<64x64xf32, #tpu.memory_space<vmem>>, vector<1x16xf32>,
      %get3A_1524 = vector.shape_cast %get3A_1523 : vector<1x16xf32> to vector<16xf32>
      %add3A_1525 = arith.addf %get3A_1520, %get3A_1524 : vector<16xf32>
      %swap3A_1526 = arith.constant 0 : i32
      %swap3A_1527 = arith.constant 0 : i32
      %swap3A_1528 = tpu.memref_slice %arg9[%scan3A_811, %swap3A_1526, %swap3A_1527] : memref<8x128x64xf32, #tpu.memory_space<vmem>> -> memref<1x128x64xf32, #tpu.memory_space<vmem>>
      %swap3A_1529 = tpu.memref_squeeze %swap3A_1528 : memref<1x128x64xf32, #tpu.memory_space<vmem>> -> memref<128x64xf32, #tpu.memory_space<vmem>>
      %swap3A_1530 = arith.index_cast %add3A_1512 : i32 to index
      %swap3A_1531 = arith.constant 32 : index
      %swap3A_1532 = tpu.vector_load %swap3A_1529[%swap3A_1530, %swap3A_1531] {strides = array<i32>} : memref<128x64xf32, #tpu.memory_space<vmem>>, vector<1x16xf32>,
      %swap3A_1533 = vector.shape_cast %swap3A_1532 : vector<1x16xf32> to vector<16xf32>
      %swap3A_1534 = vector.shape_cast %add3A_1525 : vector<16xf32> to vector<1x16xf32>
      tpu.vector_store %swap3A_1529[%swap3A_1530, %swap3A_1531], %swap3A_1534 {strides = array<i32>} : memref<128x64xf32, #tpu.memory_space<vmem>>, vector<1x16xf32>,
      %add3A_1535 = arith.constant 0 : i32
      %add3A_1536 = arith.addi %add3A_1535, %scan3A_1462 : i32
      %get3A_1537 = arith.constant 0 : i32
      %get3A_1538 = arith.constant 0 : i32
      %get3A_1539 = tpu.memref_slice %arg9[%scan3A_811, %get3A_1537, %get3A_1538] : memref<8x128x64xf32, #tpu.memory_space<vmem>> -> memref<1x128x64xf32, #tpu.memory_space<vmem>>
      %get3A_1540 = tpu.memref_squeeze %get3A_1539 : memref<1x128x64xf32, #tpu.memory_space<vmem>> -> memref<128x64xf32, #tpu.memory_space<vmem>>
      %get3A_1541 = arith.index_cast %add3A_1536 : i32 to index
      %get3A_1542 = arith.constant 48 : index
      %get3A_1543 = tpu.vector_load %get3A_1540[%get3A_1541, %get3A_1542] {strides = array<i32>} : memref<128x64xf32, #tpu.memory_space<vmem>>, vector<1x16xf32>,
      %get3A_1544 = vector.shape_cast %get3A_1543 : vector<1x16xf32> to vector<16xf32>
      %get3A_1545 = arith.index_cast %scan3A_1462 : i32 to index
      %get3A_1546 = arith.constant 48 : index
      %get3A_1547 = tpu.vector_load %arg8[%get3A_1545, %get3A_1546] {strides = array<i32>} : memref<64x64xf32, #tpu.memory_space<vmem>>, vector<1x16xf32>,
      %get3A_1548 = vector.shape_cast %get3A_1547 : vector<1x16xf32> to vector<16xf32>
      %add3A_1549 = arith.addf %get3A_1544, %get3A_1548 : vector<16xf32>
      %swap3A_1550 = arith.constant 0 : i32
      %swap3A_1551 = arith.constant 0 : i32
      %swap3A_1552 = tpu.memref_slice %arg9[%scan3A_811, %swap3A_1550, %swap3A_1551] : memref<8x128x64xf32, #tpu.memory_space<vmem>> -> memref<1x128x64xf32, #tpu.memory_space<vmem>>
      %swap3A_1553 = tpu.memref_squeeze %swap3A_1552 : memref<1x128x64xf32, #tpu.memory_space<vmem>> -> memref<128x64xf32, #tpu.memory_space<vmem>>
      %swap3A_1554 = arith.index_cast %add3A_1536 : i32 to index
      %swap3A_1555 = arith.constant 48 : index
      %swap3A_1556 = tpu.vector_load %swap3A_1553[%swap3A_1554, %swap3A_1555] {strides = array<i32>} : memref<128x64xf32, #tpu.memory_space<vmem>>, vector<1x16xf32>,
      %swap3A_1557 = vector.shape_cast %swap3A_1556 : vector<1x16xf32> to vector<16xf32>
      %swap3A_1558 = vector.shape_cast %add3A_1549 : vector<16xf32> to vector<1x16xf32>
      tpu.vector_store %swap3A_1553[%swap3A_1554, %swap3A_1555], %swap3A_1558 {strides = array<i32>} : memref<128x64xf32, #tpu.memory_space<vmem>>, vector<1x16xf32>,
      %add3A_1559 = arith.constant 64 : i32
      %add3A_1560 = arith.addi %add3A_1559, %scan3A_1462 : i32
      %get3A_1561 = arith.constant 0 : i32
      %get3A_1562 = arith.constant 0 : i32
      %get3A_1563 = tpu.memref_slice %arg9[%scan3A_811, %get3A_1561, %get3A_1562] : memref<8x128x64xf32, #tpu.memory_space<vmem>> -> memref<1x128x64xf32, #tpu.memory_space<vmem>>
      %get3A_1564 = tpu.memref_squeeze %get3A_1563 : memref<1x128x64xf32, #tpu.memory_space<vmem>> -> memref<128x64xf32, #tpu.memory_space<vmem>>
      %get3A_1565 = arith.index_cast %add3A_1560 : i32 to index
      %get3A_1566 = arith.constant 0 : index
      %get3A_1567 = tpu.vector_load %get3A_1564[%get3A_1565, %get3A_1566] {strides = array<i32>} : memref<128x64xf32, #tpu.memory_space<vmem>>, vector<1x16xf32>,
      %get3A_1568 = vector.shape_cast %get3A_1567 : vector<1x16xf32> to vector<16xf32>
      %get3A_1569 = arith.index_cast %scan3A_1462 : i32 to index
      %get3A_1570 = arith.constant 0 : index
      %get3A_1571 = tpu.vector_load %arg8[%get3A_1569, %get3A_1570] {strides = array<i32>} : memref<64x64xf32, #tpu.memory_space<vmem>>, vector<1x16xf32>,
      %get3A_1572 = vector.shape_cast %get3A_1571 : vector<1x16xf32> to vector<16xf32>
      %add3A_1573 = arith.addf %get3A_1568, %get3A_1572 : vector<16xf32>
      %swap3A_1574 = arith.constant 0 : i32
      %swap3A_1575 = arith.constant 0 : i32
      %swap3A_1576 = tpu.memref_slice %arg9[%scan3A_811, %swap3A_1574, %swap3A_1575] : memref<8x128x64xf32, #tpu.memory_space<vmem>> -> memref<1x128x64xf32, #tpu.memory_space<vmem>>
      %swap3A_1577 = tpu.memref_squeeze %swap3A_1576 : memref<1x128x64xf32, #tpu.memory_space<vmem>> -> memref<128x64xf32, #tpu.memory_space<vmem>>
      %swap3A_1578 = arith.index_cast %add3A_1560 : i32 to index
      %swap3A_1579 = arith.constant 0 : index
      %swap3A_1580 = tpu.vector_load %swap3A_1577[%swap3A_1578, %swap3A_1579] {strides = array<i32>} : memref<128x64xf32, #tpu.memory_space<vmem>>, vector<1x16xf32>,
      %swap3A_1581 = vector.shape_cast %swap3A_1580 : vector<1x16xf32> to vector<16xf32>
      %swap3A_1582 = vector.shape_cast %add3A_1573 : vector<16xf32> to vector<1x16xf32>
      tpu.vector_store %swap3A_1577[%swap3A_1578, %swap3A_1579], %swap3A_1582 {strides = array<i32>} : memref<128x64xf32, #tpu.memory_space<vmem>>, vector<1x16xf32>,
      %add3A_1583 = arith.constant 64 : i32
      %add3A_1584 = arith.addi %add3A_1583, %scan3A_1462 : i32
      %get3A_1585 = arith.constant 0 : i32
      %get3A_1586 = arith.constant 0 : i32
      %get3A_1587 = tpu.memref_slice %arg9[%scan3A_811, %get3A_1585, %get3A_1586] : memref<8x128x64xf32, #tpu.memory_space<vmem>> -> memref<1x128x64xf32, #tpu.memory_space<vmem>>
      %get3A_1588 = tpu.memref_squeeze %get3A_1587 : memref<1x128x64xf32, #tpu.memory_space<vmem>> -> memref<128x64xf32, #tpu.memory_space<vmem>>
      %get3A_1589 = arith.index_cast %add3A_1584 : i32 to index
      %get3A_1590 = arith.constant 16 : index
      %get3A_1591 = tpu.vector_load %get3A_1588[%get3A_1589, %get3A_1590] {strides = array<i32>} : memref<128x64xf32, #tpu.memory_space<vmem>>, vector<1x16xf32>,
      %get3A_1592 = vector.shape_cast %get3A_1591 : vector<1x16xf32> to vector<16xf32>
      %get3A_1593 = arith.index_cast %scan3A_1462 : i32 to index
      %get3A_1594 = arith.constant 16 : index
      %get3A_1595 = tpu.vector_load %arg8[%get3A_1593, %get3A_1594] {strides = array<i32>} : memref<64x64xf32, #tpu.memory_space<vmem>>, vector<1x16xf32>,
      %get3A_1596 = vector.shape_cast %get3A_1595 : vector<1x16xf32> to vector<16xf32>
      %add3A_1597 = arith.addf %get3A_1592, %get3A_1596 : vector<16xf32>
      %swap3A_1598 = arith.constant 0 : i32
      %swap3A_1599 = arith.constant 0 : i32
      %swap3A_1600 = tpu.memref_slice %arg9[%scan3A_811, %swap3A_1598, %swap3A_1599] : memref<8x128x64xf32, #tpu.memory_space<vmem>> -> memref<1x128x64xf32, #tpu.memory_space<vmem>>
      %swap3A_1601 = tpu.memref_squeeze %swap3A_1600 : memref<1x128x64xf32, #tpu.memory_space<vmem>> -> memref<128x64xf32, #tpu.memory_space<vmem>>
      %swap3A_1602 = arith.index_cast %add3A_1584 : i32 to index
      %swap3A_1603 = arith.constant 16 : index
      %swap3A_1604 = tpu.vector_load %swap3A_1601[%swap3A_1602, %swap3A_1603] {strides = array<i32>} : memref<128x64xf32, #tpu.memory_space<vmem>>, vector<1x16xf32>,
      %swap3A_1605 = vector.shape_cast %swap3A_1604 : vector<1x16xf32> to vector<16xf32>
      %swap3A_1606 = vector.shape_cast %add3A_1597 : vector<16xf32> to vector<1x16xf32>
      tpu.vector_store %swap3A_1601[%swap3A_1602, %swap3A_1603], %swap3A_1606 {strides = array<i32>} : memref<128x64xf32, #tpu.memory_space<vmem>>, vector<1x16xf32>,
      %add3A_1607 = arith.constant 64 : i32
      %add3A_1608 = arith.addi %add3A_1607, %scan3A_1462 : i32
      %get3A_1609 = arith.constant 0 : i32
      %get3A_1610 = arith.constant 0 : i32
      %get3A_1611 = tpu.memref_slice %arg9[%scan3A_811, %get3A_1609, %get3A_1610] : memref<8x128x64xf32, #tpu.memory_space<vmem>> -> memref<1x128x64xf32, #tpu.memory_space<vmem>>
      %get3A_1612 = tpu.memref_squeeze %get3A_1611 : memref<1x128x64xf32, #tpu.memory_space<vmem>> -> memref<128x64xf32, #tpu.memory_space<vmem>>
      %get3A_1613 = arith.index_cast %add3A_1608 : i32 to index
      %get3A_1614 = arith.constant 32 : index
      %get3A_1615 = tpu.vector_load %get3A_1612[%get3A_1613, %get3A_1614] {strides = array<i32>} : memref<128x64xf32, #tpu.memory_space<vmem>>, vector<1x16xf32>,
      %get3A_1616 = vector.shape_cast %get3A_1615 : vector<1x16xf32> to vector<16xf32>
      %get3A_1617 = arith.index_cast %scan3A_1462 : i32 to index
      %get3A_1618 = arith.constant 32 : index
      %get3A_1619 = tpu.vector_load %arg8[%get3A_1617, %get3A_1618] {strides = array<i32>} : memref<64x64xf32, #tpu.memory_space<vmem>>, vector<1x16xf32>,
      %get3A_1620 = vector.shape_cast %get3A_1619 : vector<1x16xf32> to vector<16xf32>
      %add3A_1621 = arith.addf %get3A_1616, %get3A_1620 : vector<16xf32>
      %swap3A_1622 = arith.constant 0 : i32
      %swap3A_1623 = arith.constant 0 : i32
      %swap3A_1624 = tpu.memref_slice %arg9[%scan3A_811, %swap3A_1622, %swap3A_1623] : memref<8x128x64xf32, #tpu.memory_space<vmem>> -> memref<1x128x64xf32, #tpu.memory_space<vmem>>
      %swap3A_1625 = tpu.memref_squeeze %swap3A_1624 : memref<1x128x64xf32, #tpu.memory_space<vmem>> -> memref<128x64xf32, #tpu.memory_space<vmem>>
      %swap3A_1626 = arith.index_cast %add3A_1608 : i32 to index
      %swap3A_1627 = arith.constant 32 : index
      %swap3A_1628 = tpu.vector_load %swap3A_1625[%swap3A_1626, %swap3A_1627] {strides = array<i32>} : memref<128x64xf32, #tpu.memory_space<vmem>>, vector<1x16xf32>,
      %swap3A_1629 = vector.shape_cast %swap3A_1628 : vector<1x16xf32> to vector<16xf32>
      %swap3A_1630 = vector.shape_cast %add3A_1621 : vector<16xf32> to vector<1x16xf32>
      tpu.vector_store %swap3A_1625[%swap3A_1626, %swap3A_1627], %swap3A_1630 {strides = array<i32>} : memref<128x64xf32, #tpu.memory_space<vmem>>, vector<1x16xf32>,
      %add3A_1631 = arith.constant 64 : i32
      %add3A_1632 = arith.addi %add3A_1631, %scan3A_1462 : i32
      %get3A_1633 = arith.constant 0 : i32
      %get3A_1634 = arith.constant 0 : i32
      %get3A_1635 = tpu.memref_slice %arg9[%scan3A_811, %get3A_1633, %get3A_1634] : memref<8x128x64xf32, #tpu.memory_space<vmem>> -> memref<1x128x64xf32, #tpu.memory_space<vmem>>
      %get3A_1636 = tpu.memref_squeeze %get3A_1635 : memref<1x128x64xf32, #tpu.memory_space<vmem>> -> memref<128x64xf32, #tpu.memory_space<vmem>>
      %get3A_1637 = arith.index_cast %add3A_1632 : i32 to index
      %get3A_1638 = arith.constant 48 : index
      %get3A_1639 = tpu.vector_load %get3A_1636[%get3A_1637, %get3A_1638] {strides = array<i32>} : memref<128x64xf32, #tpu.memory_space<vmem>>, vector<1x16xf32>,
      %get3A_1640 = vector.shape_cast %get3A_1639 : vector<1x16xf32> to vector<16xf32>
      %get3A_1641 = arith.index_cast %scan3A_1462 : i32 to index
      %get3A_1642 = arith.constant 48 : index
      %get3A_1643 = tpu.vector_load %arg8[%get3A_1641, %get3A_1642] {strides = array<i32>} : memref<64x64xf32, #tpu.memory_space<vmem>>, vector<1x16xf32>,
      %get3A_1644 = vector.shape_cast %get3A_1643 : vector<1x16xf32> to vector<16xf32>
      %add3A_1645 = arith.addf %get3A_1640, %get3A_1644 : vector<16xf32>
      %swap3A_1646 = arith.constant 0 : i32
      %swap3A_1647 = arith.constant 0 : i32
      %swap3A_1648 = tpu.memref_slice %arg9[%scan3A_811, %swap3A_1646, %swap3A_1647] : memref<8x128x64xf32, #tpu.memory_space<vmem>> -> memref<1x128x64xf32, #tpu.memory_space<vmem>>
      %swap3A_1649 = tpu.memref_squeeze %swap3A_1648 : memref<1x128x64xf32, #tpu.memory_space<vmem>> -> memref<128x64xf32, #tpu.memory_space<vmem>>
      %swap3A_1650 = arith.index_cast %add3A_1632 : i32 to index
      %swap3A_1651 = arith.constant 48 : index
      %swap3A_1652 = tpu.vector_load %swap3A_1649[%swap3A_1650, %swap3A_1651] {strides = array<i32>} : memref<128x64xf32, #tpu.memory_space<vmem>>, vector<1x16xf32>,
      %swap3A_1653 = vector.shape_cast %swap3A_1652 : vector<1x16xf32> to vector<16xf32>
      %swap3A_1654 = vector.shape_cast %add3A_1645 : vector<16xf32> to vector<1x16xf32>
      tpu.vector_store %swap3A_1649[%swap3A_1650, %swap3A_1651], %swap3A_1654 {strides = array<i32>} : memref<128x64xf32, #tpu.memory_space<vmem>>, vector<1x16xf32>,
    }
    %scan3A_816 = arith.constant 64 : i32
    %dma_start3A_817 = arith.constant 0 : i32
    %dma_start3A_818 = arith.constant 0 : i32
    %dma_start3A_819 = arith.constant 0 : i32
    %dma_start3A_820 = arith.constant 0 : i32
    %dma_start3A_821 = tpu.memref_slice %arg9[%dma_start3A_817, %dma_start3A_819, %dma_start3A_820] : memref<8x128x64xf32, #tpu.memory_space<vmem>> -> memref<1x64x64xf32, #tpu.memory_space<vmem>>
    %dma_start3A_822 = tpu.memref_squeeze %dma_start3A_821 : memref<1x64x64xf32, #tpu.memory_space<vmem>> -> memref<64x64xf32, #tpu.memory_space<vmem>>
    %dma_start3A_823 = arith.constant 0 : i32
    %dma_start3A_824 = tpu.memref_slice %arg5[%dma_start3A_818, %mul3A_2, %dma_start3A_823] : memref<16x2048x64xf32, #tpu.memory_space<hbm>> -> memref<1x64x64xf32, #tpu.memory_space<hbm>>
    %dma_start3A_825 = tpu.memref_squeeze %dma_start3A_824 : memref<1x64x64xf32, #tpu.memory_space<hbm>> -> memref<64x64xf32, #tpu.memory_space<hbm>>
    %dma_start3A_826 = arith.constant 0 : i32
    %dma_start3A_827 = tpu.memref_slice %arg5[%dma_start3A_818, %mul3A_2, %dma_start3A_826] : memref<16x2048x64xf32, #tpu.memory_space<hbm>> -> memref<1x64x64xf32, #tpu.memory_space<hbm>>
    %dma_start3A_828 = tpu.memref_squeeze %dma_start3A_827 : memref<1x64x64xf32, #tpu.memory_space<hbm>> -> memref<64x64xf32, #tpu.memory_space<hbm>>
    %dma_start3A_829 = arith.constant 0 : i32
    %dma_start3A_830 = arith.constant 0 : i32
    %dma_start3A_831 = tpu.memref_slice %arg9[%dma_start3A_817, %dma_start3A_829, %dma_start3A_830] : memref<8x128x64xf32, #tpu.memory_space<vmem>> -> memref<1x64x64xf32, #tpu.memory_space<vmem>>
    %dma_start3A_832 = tpu.memref_squeeze %dma_start3A_831 : memref<1x64x64xf32, #tpu.memory_space<vmem>> -> memref<64x64xf32, #tpu.memory_space<vmem>>
    tpu.enqueue_dma source(%dma_start3A_832 : memref<64x64xf32, #tpu.memory_space<vmem>>) target(%dma_start3A_828 : memref<64x64xf32, #tpu.memory_space<hbm>>) target_semaphore(%arg18 : memref<!tpu.dma_semaphore, #tpu.memory_space<semaphore_mem>>)
    %dma_start3A_833 = arith.constant 0 : i32
    %dma_start3A_834 = arith.constant 1 : i32
    %dma_start3A_835 = arith.constant 64 : i32
    %dma_start3A_836 = arith.constant 0 : i32
    %dma_start3A_837 = tpu.memref_slice %arg9[%dma_start3A_833, %dma_start3A_835, %dma_start3A_836] : memref<8x128x64xf32, #tpu.memory_space<vmem>> -> memref<1x64x64xf32, #tpu.memory_space<vmem>>
    %dma_start3A_838 = tpu.memref_squeeze %dma_start3A_837 : memref<1x64x64xf32, #tpu.memory_space<vmem>> -> memref<64x64xf32, #tpu.memory_space<vmem>>
    %dma_start3A_839 = arith.constant 0 : i32
    %dma_start3A_840 = tpu.memref_slice %arg5[%dma_start3A_834, %mul3A_2, %dma_start3A_839] : memref<16x2048x64xf32, #tpu.memory_space<hbm>> -> memref<1x64x64xf32, #tpu.memory_space<hbm>>
    %dma_start3A_841 = tpu.memref_squeeze %dma_start3A_840 : memref<1x64x64xf32, #tpu.memory_space<hbm>> -> memref<64x64xf32, #tpu.memory_space<hbm>>
    %dma_start3A_842 = arith.constant 0 : i32
    %dma_start3A_843 = tpu.memref_slice %arg5[%dma_start3A_834, %mul3A_2, %dma_start3A_842] : memref<16x2048x64xf32, #tpu.memory_space<hbm>> -> memref<1x64x64xf32, #tpu.memory_space<hbm>>
    %dma_start3A_844 = tpu.memref_squeeze %dma_start3A_843 : memref<1x64x64xf32, #tpu.memory_space<hbm>> -> memref<64x64xf32, #tpu.memory_space<hbm>>
    %dma_start3A_845 = arith.constant 64 : i32
    %dma_start3A_846 = arith.constant 0 : i32
    %dma_start3A_847 = tpu.memref_slice %arg9[%dma_start3A_833, %dma_start3A_845, %dma_start3A_846] : memref<8x128x64xf32, #tpu.memory_space<vmem>> -> memref<1x64x64xf32, #tpu.memory_space<vmem>>
    %dma_start3A_848 = tpu.memref_squeeze %dma_start3A_847 : memref<1x64x64xf32, #tpu.memory_space<vmem>> -> memref<64x64xf32, #tpu.memory_space<vmem>>
    tpu.enqueue_dma source(%dma_start3A_848 : memref<64x64xf32, #tpu.memory_space<vmem>>) target(%dma_start3A_844 : memref<64x64xf32, #tpu.memory_space<hbm>>) target_semaphore(%arg18 : memref<!tpu.dma_semaphore, #tpu.memory_space<semaphore_mem>>)
    %dma_wait3A_849 = arith.constant 1 : i32
    %dma_wait3A_850 = arith.constant 1 : i32
    %dma_wait3A_851 = arith.constant 0 : i32
    %dma_wait3A_852 = arith.constant 0 : i32
    %dma_wait3A_853 = tpu.memref_slice %arg9[%dma_wait3A_850, %dma_wait3A_851, %dma_wait3A_852] : memref<8x128x64xf32, #tpu.memory_space<vmem>> -> memref<1x128x64xf32, #tpu.memory_space<vmem>>
    %dma_wait3A_854 = tpu.memref_squeeze %dma_wait3A_853 : memref<1x128x64xf32, #tpu.memory_space<vmem>> -> memref<128x64xf32, #tpu.memory_space<vmem>>
    %dma_wait3A_855 = arith.constant 0 : i32
    %dma_wait3A_856 = tpu.memref_slice %arg7[%dma_wait3A_849, %dma_wait3A_855] : memref<8x128xi32, #tpu.memory_space<vmem>> -> memref<1x128xi32, #tpu.memory_space<vmem>>
    %dma_wait3A_857 = tpu.memref_squeeze %dma_wait3A_856 : memref<1x128xi32, #tpu.memory_space<vmem>> -> memref<128xi32, #tpu.memory_space<vmem>>
    %dma_wait3A_858 = arith.constant 0 : i32
    %dma_wait3A_859 = arith.constant 0 : i32
    %dma_wait3A_860 = tpu.memref_slice %arg3[%dma_wait3A_858, %dma_wait3A_859] : memref<100000x64xf32, #tpu.memory_space<hbm>> -> memref<100000x64xf32, #tpu.memory_space<hbm>>
    tpu.wait_indirect_dma semaphore(%arg11 : memref<!tpu.dma_semaphore, #tpu.memory_space<semaphore_mem>>) src(%dma_wait3A_860 : memref<100000x64xf32, #tpu.memory_space<hbm>>) dst(%dma_wait3A_854 : memref<128x64xf32, #tpu.memory_space<vmem>>)
    %scan3A_861 = arith.constant 0 : i32
    %scan3A_862 = arith.constant 1 : i32
    %scan3A_863 = arith.constant 0 : i32
    %scan3A_864 = arith.constant 64 : i32
    %scan3A_865 = arith.addi %scan3A_863, %scan3A_864 : i32
    %scan3A_866 = arith.constant 1 : i32
    scf.for %scan3A_1462 = %scan3A_863 to %scan3A_865 step %scan3A_866  : i32 {
      %add3A_1463 = arith.constant 0 : i32
      %add3A_1464 = arith.addi %add3A_1463, %scan3A_1462 : i32
      %get3A_1465 = arith.constant 0 : i32
      %get3A_1466 = arith.constant 0 : i32
      %get3A_1467 = tpu.memref_slice %arg9[%scan3A_862, %get3A_1465, %get3A_1466] : memref<8x128x64xf32, #tpu.memory_space<vmem>> -> memref<1x128x64xf32, #tpu.memory_space<vmem>>
      %get3A_1468 = tpu.memref_squeeze %get3A_1467 : memref<1x128x64xf32, #tpu.memory_space<vmem>> -> memref<128x64xf32, #tpu.memory_space<vmem>>
      %get3A_1469 = arith.index_cast %add3A_1464 : i32 to index
      %get3A_1470 = arith.constant 0 : index
      %get3A_1471 = tpu.vector_load %get3A_1468[%get3A_1469, %get3A_1470] {strides = array<i32>} : memref<128x64xf32, #tpu.memory_space<vmem>>, vector<1x16xf32>,
      %get3A_1472 = vector.shape_cast %get3A_1471 : vector<1x16xf32> to vector<16xf32>
      %get3A_1473 = arith.index_cast %scan3A_1462 : i32 to index
      %get3A_1474 = arith.constant 0 : index
      %get3A_1475 = tpu.vector_load %arg8[%get3A_1473, %get3A_1474] {strides = array<i32>} : memref<64x64xf32, #tpu.memory_space<vmem>>, vector<1x16xf32>,
      %get3A_1476 = vector.shape_cast %get3A_1475 : vector<1x16xf32> to vector<16xf32>
      %add3A_1477 = arith.addf %get3A_1472, %get3A_1476 : vector<16xf32>
      %swap3A_1478 = arith.constant 0 : i32
      %swap3A_1479 = arith.constant 0 : i32
      %swap3A_1480 = tpu.memref_slice %arg9[%scan3A_862, %swap3A_1478, %swap3A_1479] : memref<8x128x64xf32, #tpu.memory_space<vmem>> -> memref<1x128x64xf32, #tpu.memory_space<vmem>>
      %swap3A_1481 = tpu.memref_squeeze %swap3A_1480 : memref<1x128x64xf32, #tpu.memory_space<vmem>> -> memref<128x64xf32, #tpu.memory_space<vmem>>
      %swap3A_1482 = arith.index_cast %add3A_1464 : i32 to index
      %swap3A_1483 = arith.constant 0 : index
      %swap3A_1484 = tpu.vector_load %swap3A_1481[%swap3A_1482, %swap3A_1483] {strides = array<i32>} : memref<128x64xf32, #tpu.memory_space<vmem>>, vector<1x16xf32>,
      %swap3A_1485 = vector.shape_cast %swap3A_1484 : vector<1x16xf32> to vector<16xf32>
      %swap3A_1486 = vector.shape_cast %add3A_1477 : vector<16xf32> to vector<1x16xf32>
      tpu.vector_store %swap3A_1481[%swap3A_1482, %swap3A_1483], %swap3A_1486 {strides = array<i32>} : memref<128x64xf32, #tpu.memory_space<vmem>>, vector<1x16xf32>,
      %add3A_1487 = arith.constant 0 : i32
      %add3A_1488 = arith.addi %add3A_1487, %scan3A_1462 : i32
      %get3A_1489 = arith.constant 0 : i32
      %get3A_1490 = arith.constant 0 : i32
      %get3A_1491 = tpu.memref_slice %arg9[%scan3A_862, %get3A_1489, %get3A_1490] : memref<8x128x64xf32, #tpu.memory_space<vmem>> -> memref<1x128x64xf32, #tpu.memory_space<vmem>>
      %get3A_1492 = tpu.memref_squeeze %get3A_1491 : memref<1x128x64xf32, #tpu.memory_space<vmem>> -> memref<128x64xf32, #tpu.memory_space<vmem>>
      %get3A_1493 = arith.index_cast %add3A_1488 : i32 to index
      %get3A_1494 = arith.constant 16 : index
      %get3A_1495 = tpu.vector_load %get3A_1492[%get3A_1493, %get3A_1494] {strides = array<i32>} : memref<128x64xf32, #tpu.memory_space<vmem>>, vector<1x16xf32>,
      %get3A_1496 = vector.shape_cast %get3A_1495 : vector<1x16xf32> to vector<16xf32>
      %get3A_1497 = arith.index_cast %scan3A_1462 : i32 to index
      %get3A_1498 = arith.constant 16 : index
      %get3A_1499 = tpu.vector_load %arg8[%get3A_1497, %get3A_1498] {strides = array<i32>} : memref<64x64xf32, #tpu.memory_space<vmem>>, vector<1x16xf32>,
      %get3A_1500 = vector.shape_cast %get3A_1499 : vector<1x16xf32> to vector<16xf32>
      %add3A_1501 = arith.addf %get3A_1496, %get3A_1500 : vector<16xf32>
      %swap3A_1502 = arith.constant 0 : i32
      %swap3A_1503 = arith.constant 0 : i32
      %swap3A_1504 = tpu.memref_slice %arg9[%scan3A_862, %swap3A_1502, %swap3A_1503] : memref<8x128x64xf32, #tpu.memory_space<vmem>> -> memref<1x128x64xf32, #tpu.memory_space<vmem>>
      %swap3A_1505 = tpu.memref_squeeze %swap3A_1504 : memref<1x128x64xf32, #tpu.memory_space<vmem>> -> memref<128x64xf32, #tpu.memory_space<vmem>>
      %swap3A_1506 = arith.index_cast %add3A_1488 : i32 to index
      %swap3A_1507 = arith.constant 16 : index
      %swap3A_1508 = tpu.vector_load %swap3A_1505[%swap3A_1506, %swap3A_1507] {strides = array<i32>} : memref<128x64xf32, #tpu.memory_space<vmem>>, vector<1x16xf32>,
      %swap3A_1509 = vector.shape_cast %swap3A_1508 : vector<1x16xf32> to vector<16xf32>
      %swap3A_1510 = vector.shape_cast %add3A_1501 : vector<16xf32> to vector<1x16xf32>
      tpu.vector_store %swap3A_1505[%swap3A_1506, %swap3A_1507], %swap3A_1510 {strides = array<i32>} : memref<128x64xf32, #tpu.memory_space<vmem>>, vector<1x16xf32>,
      %add3A_1511 = arith.constant 0 : i32
      %add3A_1512 = arith.addi %add3A_1511, %scan3A_1462 : i32
      %get3A_1513 = arith.constant 0 : i32
      %get3A_1514 = arith.constant 0 : i32
      %get3A_1515 = tpu.memref_slice %arg9[%scan3A_862, %get3A_1513, %get3A_1514] : memref<8x128x64xf32, #tpu.memory_space<vmem>> -> memref<1x128x64xf32, #tpu.memory_space<vmem>>
      %get3A_1516 = tpu.memref_squeeze %get3A_1515 : memref<1x128x64xf32, #tpu.memory_space<vmem>> -> memref<128x64xf32, #tpu.memory_space<vmem>>
      %get3A_1517 = arith.index_cast %add3A_1512 : i32 to index
      %get3A_1518 = arith.constant 32 : index
      %get3A_1519 = tpu.vector_load %get3A_1516[%get3A_1517, %get3A_1518] {strides = array<i32>} : memref<128x64xf32, #tpu.memory_space<vmem>>, vector<1x16xf32>,
      %get3A_1520 = vector.shape_cast %get3A_1519 : vector<1x16xf32> to vector<16xf32>
      %get3A_1521 = arith.index_cast %scan3A_1462 : i32 to index
      %get3A_1522 = arith.constant 32 : index
      %get3A_1523 = tpu.vector_load %arg8[%get3A_1521, %get3A_1522] {strides = array<i32>} : memref<64x64xf32, #tpu.memory_space<vmem>>, vector<1x16xf32>,
      %get3A_1524 = vector.shape_cast %get3A_1523 : vector<1x16xf32> to vector<16xf32>
      %add3A_1525 = arith.addf %get3A_1520, %get3A_1524 : vector<16xf32>
      %swap3A_1526 = arith.constant 0 : i32
      %swap3A_1527 = arith.constant 0 : i32
      %swap3A_1528 = tpu.memref_slice %arg9[%scan3A_862, %swap3A_1526, %swap3A_1527] : memref<8x128x64xf32, #tpu.memory_space<vmem>> -> memref<1x128x64xf32, #tpu.memory_space<vmem>>
      %swap3A_1529 = tpu.memref_squeeze %swap3A_1528 : memref<1x128x64xf32, #tpu.memory_space<vmem>> -> memref<128x64xf32, #tpu.memory_space<vmem>>
      %swap3A_1530 = arith.index_cast %add3A_1512 : i32 to index
      %swap3A_1531 = arith.constant 32 : index
      %swap3A_1532 = tpu.vector_load %swap3A_1529[%swap3A_1530, %swap3A_1531] {strides = array<i32>} : memref<128x64xf32, #tpu.memory_space<vmem>>, vector<1x16xf32>,
      %swap3A_1533 = vector.shape_cast %swap3A_1532 : vector<1x16xf32> to vector<16xf32>
      %swap3A_1534 = vector.shape_cast %add3A_1525 : vector<16xf32> to vector<1x16xf32>
      tpu.vector_store %swap3A_1529[%swap3A_1530, %swap3A_1531], %swap3A_1534 {strides = array<i32>} : memref<128x64xf32, #tpu.memory_space<vmem>>, vector<1x16xf32>,
      %add3A_1535 = arith.constant 0 : i32
      %add3A_1536 = arith.addi %add3A_1535, %scan3A_1462 : i32
      %get3A_1537 = arith.constant 0 : i32
      %get3A_1538 = arith.constant 0 : i32
      %get3A_1539 = tpu.memref_slice %arg9[%scan3A_862, %get3A_1537, %get3A_1538] : memref<8x128x64xf32, #tpu.memory_space<vmem>> -> memref<1x128x64xf32, #tpu.memory_space<vmem>>
      %get3A_1540 = tpu.memref_squeeze %get3A_1539 : memref<1x128x64xf32, #tpu.memory_space<vmem>> -> memref<128x64xf32, #tpu.memory_space<vmem>>
      %get3A_1541 = arith.index_cast %add3A_1536 : i32 to index
      %get3A_1542 = arith.constant 48 : index
      %get3A_1543 = tpu.vector_load %get3A_1540[%get3A_1541, %get3A_1542] {strides = array<i32>} : memref<128x64xf32, #tpu.memory_space<vmem>>, vector<1x16xf32>,
      %get3A_1544 = vector.shape_cast %get3A_1543 : vector<1x16xf32> to vector<16xf32>
      %get3A_1545 = arith.index_cast %scan3A_1462 : i32 to index
      %get3A_1546 = arith.constant 48 : index
      %get3A_1547 = tpu.vector_load %arg8[%get3A_1545, %get3A_1546] {strides = array<i32>} : memref<64x64xf32, #tpu.memory_space<vmem>>, vector<1x16xf32>,
      %get3A_1548 = vector.shape_cast %get3A_1547 : vector<1x16xf32> to vector<16xf32>
      %add3A_1549 = arith.addf %get3A_1544, %get3A_1548 : vector<16xf32>
      %swap3A_1550 = arith.constant 0 : i32
      %swap3A_1551 = arith.constant 0 : i32
      %swap3A_1552 = tpu.memref_slice %arg9[%scan3A_862, %swap3A_1550, %swap3A_1551] : memref<8x128x64xf32, #tpu.memory_space<vmem>> -> memref<1x128x64xf32, #tpu.memory_space<vmem>>
      %swap3A_1553 = tpu.memref_squeeze %swap3A_1552 : memref<1x128x64xf32, #tpu.memory_space<vmem>> -> memref<128x64xf32, #tpu.memory_space<vmem>>
      %swap3A_1554 = arith.index_cast %add3A_1536 : i32 to index
      %swap3A_1555 = arith.constant 48 : index
      %swap3A_1556 = tpu.vector_load %swap3A_1553[%swap3A_1554, %swap3A_1555] {strides = array<i32>} : memref<128x64xf32, #tpu.memory_space<vmem>>, vector<1x16xf32>,
      %swap3A_1557 = vector.shape_cast %swap3A_1556 : vector<1x16xf32> to vector<16xf32>
      %swap3A_1558 = vector.shape_cast %add3A_1549 : vector<16xf32> to vector<1x16xf32>
      tpu.vector_store %swap3A_1553[%swap3A_1554, %swap3A_1555], %swap3A_1558 {strides = array<i32>} : memref<128x64xf32, #tpu.memory_space<vmem>>, vector<1x16xf32>,
      %add3A_1559 = arith.constant 64 : i32
      %add3A_1560 = arith.addi %add3A_1559, %scan3A_1462 : i32
      %get3A_1561 = arith.constant 0 : i32
      %get3A_1562 = arith.constant 0 : i32
      %get3A_1563 = tpu.memref_slice %arg9[%scan3A_862, %get3A_1561, %get3A_1562] : memref<8x128x64xf32, #tpu.memory_space<vmem>> -> memref<1x128x64xf32, #tpu.memory_space<vmem>>
      %get3A_1564 = tpu.memref_squeeze %get3A_1563 : memref<1x128x64xf32, #tpu.memory_space<vmem>> -> memref<128x64xf32, #tpu.memory_space<vmem>>
      %get3A_1565 = arith.index_cast %add3A_1560 : i32 to index
      %get3A_1566 = arith.constant 0 : index
      %get3A_1567 = tpu.vector_load %get3A_1564[%get3A_1565, %get3A_1566] {strides = array<i32>} : memref<128x64xf32, #tpu.memory_space<vmem>>, vector<1x16xf32>,
      %get3A_1568 = vector.shape_cast %get3A_1567 : vector<1x16xf32> to vector<16xf32>
      %get3A_1569 = arith.index_cast %scan3A_1462 : i32 to index
      %get3A_1570 = arith.constant 0 : index
      %get3A_1571 = tpu.vector_load %arg8[%get3A_1569, %get3A_1570] {strides = array<i32>} : memref<64x64xf32, #tpu.memory_space<vmem>>, vector<1x16xf32>,
      %get3A_1572 = vector.shape_cast %get3A_1571 : vector<1x16xf32> to vector<16xf32>
      %add3A_1573 = arith.addf %get3A_1568, %get3A_1572 : vector<16xf32>
      %swap3A_1574 = arith.constant 0 : i32
      %swap3A_1575 = arith.constant 0 : i32
      %swap3A_1576 = tpu.memref_slice %arg9[%scan3A_862, %swap3A_1574, %swap3A_1575] : memref<8x128x64xf32, #tpu.memory_space<vmem>> -> memref<1x128x64xf32, #tpu.memory_space<vmem>>
      %swap3A_1577 = tpu.memref_squeeze %swap3A_1576 : memref<1x128x64xf32, #tpu.memory_space<vmem>> -> memref<128x64xf32, #tpu.memory_space<vmem>>
      %swap3A_1578 = arith.index_cast %add3A_1560 : i32 to index
      %swap3A_1579 = arith.constant 0 : index
      %swap3A_1580 = tpu.vector_load %swap3A_1577[%swap3A_1578, %swap3A_1579] {strides = array<i32>} : memref<128x64xf32, #tpu.memory_space<vmem>>, vector<1x16xf32>,
      %swap3A_1581 = vector.shape_cast %swap3A_1580 : vector<1x16xf32> to vector<16xf32>
      %swap3A_1582 = vector.shape_cast %add3A_1573 : vector<16xf32> to vector<1x16xf32>
      tpu.vector_store %swap3A_1577[%swap3A_1578, %swap3A_1579], %swap3A_1582 {strides = array<i32>} : memref<128x64xf32, #tpu.memory_space<vmem>>, vector<1x16xf32>,
      %add3A_1583 = arith.constant 64 : i32
      %add3A_1584 = arith.addi %add3A_1583, %scan3A_1462 : i32
      %get3A_1585 = arith.constant 0 : i32
      %get3A_1586 = arith.constant 0 : i32
      %get3A_1587 = tpu.memref_slice %arg9[%scan3A_862, %get3A_1585, %get3A_1586] : memref<8x128x64xf32, #tpu.memory_space<vmem>> -> memref<1x128x64xf32, #tpu.memory_space<vmem>>
      %get3A_1588 = tpu.memref_squeeze %get3A_1587 : memref<1x128x64xf32, #tpu.memory_space<vmem>> -> memref<128x64xf32, #tpu.memory_space<vmem>>
      %get3A_1589 = arith.index_cast %add3A_1584 : i32 to index
      %get3A_1590 = arith.constant 16 : index
      %get3A_1591 = tpu.vector_load %get3A_1588[%get3A_1589, %get3A_1590] {strides = array<i32>} : memref<128x64xf32, #tpu.memory_space<vmem>>, vector<1x16xf32>,
      %get3A_1592 = vector.shape_cast %get3A_1591 : vector<1x16xf32> to vector<16xf32>
      %get3A_1593 = arith.index_cast %scan3A_1462 : i32 to index
      %get3A_1594 = arith.constant 16 : index
      %get3A_1595 = tpu.vector_load %arg8[%get3A_1593, %get3A_1594] {strides = array<i32>} : memref<64x64xf32, #tpu.memory_space<vmem>>, vector<1x16xf32>,
      %get3A_1596 = vector.shape_cast %get3A_1595 : vector<1x16xf32> to vector<16xf32>
      %add3A_1597 = arith.addf %get3A_1592, %get3A_1596 : vector<16xf32>
      %swap3A_1598 = arith.constant 0 : i32
      %swap3A_1599 = arith.constant 0 : i32
      %swap3A_1600 = tpu.memref_slice %arg9[%scan3A_862, %swap3A_1598, %swap3A_1599] : memref<8x128x64xf32, #tpu.memory_space<vmem>> -> memref<1x128x64xf32, #tpu.memory_space<vmem>>
      %swap3A_1601 = tpu.memref_squeeze %swap3A_1600 : memref<1x128x64xf32, #tpu.memory_space<vmem>> -> memref<128x64xf32, #tpu.memory_space<vmem>>
      %swap3A_1602 = arith.index_cast %add3A_1584 : i32 to index
      %swap3A_1603 = arith.constant 16 : index
      %swap3A_1604 = tpu.vector_load %swap3A_1601[%swap3A_1602, %swap3A_1603] {strides = array<i32>} : memref<128x64xf32, #tpu.memory_space<vmem>>, vector<1x16xf32>,
      %swap3A_1605 = vector.shape_cast %swap3A_1604 : vector<1x16xf32> to vector<16xf32>
      %swap3A_1606 = vector.shape_cast %add3A_1597 : vector<16xf32> to vector<1x16xf32>
      tpu.vector_store %swap3A_1601[%swap3A_1602, %swap3A_1603], %swap3A_1606 {strides = array<i32>} : memref<128x64xf32, #tpu.memory_space<vmem>>, vector<1x16xf32>,
      %add3A_1607 = arith.constant 64 : i32
      %add3A_1608 = arith.addi %add3A_1607, %scan3A_1462 : i32
      %get3A_1609 = arith.constant 0 : i32
      %get3A_1610 = arith.constant 0 : i32
      %get3A_1611 = tpu.memref_slice %arg9[%scan3A_862, %get3A_1609, %get3A_1610] : memref<8x128x64xf32, #tpu.memory_space<vmem>> -> memref<1x128x64xf32, #tpu.memory_space<vmem>>
      %get3A_1612 = tpu.memref_squeeze %get3A_1611 : memref<1x128x64xf32, #tpu.memory_space<vmem>> -> memref<128x64xf32, #tpu.memory_space<vmem>>
      %get3A_1613 = arith.index_cast %add3A_1608 : i32 to index
      %get3A_1614 = arith.constant 32 : index
      %get3A_1615 = tpu.vector_load %get3A_1612[%get3A_1613, %get3A_1614] {strides = array<i32>} : memref<128x64xf32, #tpu.memory_space<vmem>>, vector<1x16xf32>,
      %get3A_1616 = vector.shape_cast %get3A_1615 : vector<1x16xf32> to vector<16xf32>
      %get3A_1617 = arith.index_cast %scan3A_1462 : i32 to index
      %get3A_1618 = arith.constant 32 : index
      %get3A_1619 = tpu.vector_load %arg8[%get3A_1617, %get3A_1618] {strides = array<i32>} : memref<64x64xf32, #tpu.memory_space<vmem>>, vector<1x16xf32>,
      %get3A_1620 = vector.shape_cast %get3A_1619 : vector<1x16xf32> to vector<16xf32>
      %add3A_1621 = arith.addf %get3A_1616, %get3A_1620 : vector<16xf32>
      %swap3A_1622 = arith.constant 0 : i32
      %swap3A_1623 = arith.constant 0 : i32
      %swap3A_1624 = tpu.memref_slice %arg9[%scan3A_862, %swap3A_1622, %swap3A_1623] : memref<8x128x64xf32, #tpu.memory_space<vmem>> -> memref<1x128x64xf32, #tpu.memory_space<vmem>>
      %swap3A_1625 = tpu.memref_squeeze %swap3A_1624 : memref<1x128x64xf32, #tpu.memory_space<vmem>> -> memref<128x64xf32, #tpu.memory_space<vmem>>
      %swap3A_1626 = arith.index_cast %add3A_1608 : i32 to index
      %swap3A_1627 = arith.constant 32 : index
      %swap3A_1628 = tpu.vector_load %swap3A_1625[%swap3A_1626, %swap3A_1627] {strides = array<i32>} : memref<128x64xf32, #tpu.memory_space<vmem>>, vector<1x16xf32>,
      %swap3A_1629 = vector.shape_cast %swap3A_1628 : vector<1x16xf32> to vector<16xf32>
      %swap3A_1630 = vector.shape_cast %add3A_1621 : vector<16xf32> to vector<1x16xf32>
      tpu.vector_store %swap3A_1625[%swap3A_1626, %swap3A_1627], %swap3A_1630 {strides = array<i32>} : memref<128x64xf32, #tpu.memory_space<vmem>>, vector<1x16xf32>,
      %add3A_1631 = arith.constant 64 : i32
      %add3A_1632 = arith.addi %add3A_1631, %scan3A_1462 : i32
      %get3A_1633 = arith.constant 0 : i32
      %get3A_1634 = arith.constant 0 : i32
      %get3A_1635 = tpu.memref_slice %arg9[%scan3A_862, %get3A_1633, %get3A_1634] : memref<8x128x64xf32, #tpu.memory_space<vmem>> -> memref<1x128x64xf32, #tpu.memory_space<vmem>>
      %get3A_1636 = tpu.memref_squeeze %get3A_1635 : memref<1x128x64xf32, #tpu.memory_space<vmem>> -> memref<128x64xf32, #tpu.memory_space<vmem>>
      %get3A_1637 = arith.index_cast %add3A_1632 : i32 to index
      %get3A_1638 = arith.constant 48 : index
      %get3A_1639 = tpu.vector_load %get3A_1636[%get3A_1637, %get3A_1638] {strides = array<i32>} : memref<128x64xf32, #tpu.memory_space<vmem>>, vector<1x16xf32>,
      %get3A_1640 = vector.shape_cast %get3A_1639 : vector<1x16xf32> to vector<16xf32>
      %get3A_1641 = arith.index_cast %scan3A_1462 : i32 to index
      %get3A_1642 = arith.constant 48 : index
      %get3A_1643 = tpu.vector_load %arg8[%get3A_1641, %get3A_1642] {strides = array<i32>} : memref<64x64xf32, #tpu.memory_space<vmem>>, vector<1x16xf32>,
      %get3A_1644 = vector.shape_cast %get3A_1643 : vector<1x16xf32> to vector<16xf32>
      %add3A_1645 = arith.addf %get3A_1640, %get3A_1644 : vector<16xf32>
      %swap3A_1646 = arith.constant 0 : i32
      %swap3A_1647 = arith.constant 0 : i32
      %swap3A_1648 = tpu.memref_slice %arg9[%scan3A_862, %swap3A_1646, %swap3A_1647] : memref<8x128x64xf32, #tpu.memory_space<vmem>> -> memref<1x128x64xf32, #tpu.memory_space<vmem>>
      %swap3A_1649 = tpu.memref_squeeze %swap3A_1648 : memref<1x128x64xf32, #tpu.memory_space<vmem>> -> memref<128x64xf32, #tpu.memory_space<vmem>>
      %swap3A_1650 = arith.index_cast %add3A_1632 : i32 to index
      %swap3A_1651 = arith.constant 48 : index
      %swap3A_1652 = tpu.vector_load %swap3A_1649[%swap3A_1650, %swap3A_1651] {strides = array<i32>} : memref<128x64xf32, #tpu.memory_space<vmem>>, vector<1x16xf32>,
      %swap3A_1653 = vector.shape_cast %swap3A_1652 : vector<1x16xf32> to vector<16xf32>
      %swap3A_1654 = vector.shape_cast %add3A_1645 : vector<16xf32> to vector<1x16xf32>
      tpu.vector_store %swap3A_1649[%swap3A_1650, %swap3A_1651], %swap3A_1654 {strides = array<i32>} : memref<128x64xf32, #tpu.memory_space<vmem>>, vector<1x16xf32>,
    }
    %scan3A_867 = arith.constant 64 : i32
    %dma_start3A_868 = arith.constant 1 : i32
    %dma_start3A_869 = arith.constant 2 : i32
    %dma_start3A_870 = arith.constant 0 : i32
    %dma_start3A_871 = arith.constant 0 : i32
    %dma_start3A_872 = tpu.memref_slice %arg9[%dma_start3A_868, %dma_start3A_870, %dma_start3A_871] : memref<8x128x64xf32, #tpu.memory_space<vmem>> -> memref<1x64x64xf32, #tpu.memory_space<vmem>>
    %dma_start3A_873 = tpu.memref_squeeze %dma_start3A_872 : memref<1x64x64xf32, #tpu.memory_space<vmem>> -> memref<64x64xf32, #tpu.memory_space<vmem>>
    %dma_start3A_874 = arith.constant 0 : i32
    %dma_start3A_875 = tpu.memref_slice %arg5[%dma_start3A_869, %mul3A_2, %dma_start3A_874] : memref<16x2048x64xf32, #tpu.memory_space<hbm>> -> memref<1x64x64xf32, #tpu.memory_space<hbm>>
    %dma_start3A_876 = tpu.memref_squeeze %dma_start3A_875 : memref<1x64x64xf32, #tpu.memory_space<hbm>> -> memref<64x64xf32, #tpu.memory_space<hbm>>
    %dma_start3A_877 = arith.constant 0 : i32
    %dma_start3A_878 = tpu.memref_slice %arg5[%dma_start3A_869, %mul3A_2, %dma_start3A_877] : memref<16x2048x64xf32, #tpu.memory_space<hbm>> -> memref<1x64x64xf32, #tpu.memory_space<hbm>>
    %dma_start3A_879 = tpu.memref_squeeze %dma_start3A_878 : memref<1x64x64xf32, #tpu.memory_space<hbm>> -> memref<64x64xf32, #tpu.memory_space<hbm>>
    %dma_start3A_880 = arith.constant 0 : i32
    %dma_start3A_881 = arith.constant 0 : i32
    %dma_start3A_882 = tpu.memref_slice %arg9[%dma_start3A_868, %dma_start3A_880, %dma_start3A_881] : memref<8x128x64xf32, #tpu.memory_space<vmem>> -> memref<1x64x64xf32, #tpu.memory_space<vmem>>
    %dma_start3A_883 = tpu.memref_squeeze %dma_start3A_882 : memref<1x64x64xf32, #tpu.memory_space<vmem>> -> memref<64x64xf32, #tpu.memory_space<vmem>>
    tpu.enqueue_dma source(%dma_start3A_883 : memref<64x64xf32, #tpu.memory_space<vmem>>) target(%dma_start3A_879 : memref<64x64xf32, #tpu.memory_space<hbm>>) target_semaphore(%arg19 : memref<!tpu.dma_semaphore, #tpu.memory_space<semaphore_mem>>)
    %dma_start3A_884 = arith.constant 1 : i32
    %dma_start3A_885 = arith.constant 3 : i32
    %dma_start3A_886 = arith.constant 64 : i32
    %dma_start3A_887 = arith.constant 0 : i32
    %dma_start3A_888 = tpu.memref_slice %arg9[%dma_start3A_884, %dma_start3A_886, %dma_start3A_887] : memref<8x128x64xf32, #tpu.memory_space<vmem>> -> memref<1x64x64xf32, #tpu.memory_space<vmem>>
    %dma_start3A_889 = tpu.memref_squeeze %dma_start3A_888 : memref<1x64x64xf32, #tpu.memory_space<vmem>> -> memref<64x64xf32, #tpu.memory_space<vmem>>
    %dma_start3A_890 = arith.constant 0 : i32
    %dma_start3A_891 = tpu.memref_slice %arg5[%dma_start3A_885, %mul3A_2, %dma_start3A_890] : memref<16x2048x64xf32, #tpu.memory_space<hbm>> -> memref<1x64x64xf32, #tpu.memory_space<hbm>>
    %dma_start3A_892 = tpu.memref_squeeze %dma_start3A_891 : memref<1x64x64xf32, #tpu.memory_space<hbm>> -> memref<64x64xf32, #tpu.memory_space<hbm>>
    %dma_start3A_893 = arith.constant 0 : i32
    %dma_start3A_894 = tpu.memref_slice %arg5[%dma_start3A_885, %mul3A_2, %dma_start3A_893] : memref<16x2048x64xf32, #tpu.memory_space<hbm>> -> memref<1x64x64xf32, #tpu.memory_space<hbm>>
    %dma_start3A_895 = tpu.memref_squeeze %dma_start3A_894 : memref<1x64x64xf32, #tpu.memory_space<hbm>> -> memref<64x64xf32, #tpu.memory_space<hbm>>
    %dma_start3A_896 = arith.constant 64 : i32
    %dma_start3A_897 = arith.constant 0 : i32
    %dma_start3A_898 = tpu.memref_slice %arg9[%dma_start3A_884, %dma_start3A_896, %dma_start3A_897] : memref<8x128x64xf32, #tpu.memory_space<vmem>> -> memref<1x64x64xf32, #tpu.memory_space<vmem>>
    %dma_start3A_899 = tpu.memref_squeeze %dma_start3A_898 : memref<1x64x64xf32, #tpu.memory_space<vmem>> -> memref<64x64xf32, #tpu.memory_space<vmem>>
    tpu.enqueue_dma source(%dma_start3A_899 : memref<64x64xf32, #tpu.memory_space<vmem>>) target(%dma_start3A_895 : memref<64x64xf32, #tpu.memory_space<hbm>>) target_semaphore(%arg19 : memref<!tpu.dma_semaphore, #tpu.memory_space<semaphore_mem>>)
    %dma_wait3A_900 = arith.constant 2 : i32
    %dma_wait3A_901 = arith.constant 2 : i32
    %dma_wait3A_902 = arith.constant 0 : i32
    %dma_wait3A_903 = arith.constant 0 : i32
    %dma_wait3A_904 = tpu.memref_slice %arg9[%dma_wait3A_901, %dma_wait3A_902, %dma_wait3A_903] : memref<8x128x64xf32, #tpu.memory_space<vmem>> -> memref<1x128x64xf32, #tpu.memory_space<vmem>>
    %dma_wait3A_905 = tpu.memref_squeeze %dma_wait3A_904 : memref<1x128x64xf32, #tpu.memory_space<vmem>> -> memref<128x64xf32, #tpu.memory_space<vmem>>
    %dma_wait3A_906 = arith.constant 0 : i32
    %dma_wait3A_907 = tpu.memref_slice %arg7[%dma_wait3A_900, %dma_wait3A_906] : memref<8x128xi32, #tpu.memory_space<vmem>> -> memref<1x128xi32, #tpu.memory_space<vmem>>
    %dma_wait3A_908 = tpu.memref_squeeze %dma_wait3A_907 : memref<1x128xi32, #tpu.memory_space<vmem>> -> memref<128xi32, #tpu.memory_space<vmem>>
    %dma_wait3A_909 = arith.constant 0 : i32
    %dma_wait3A_910 = arith.constant 0 : i32
    %dma_wait3A_911 = tpu.memref_slice %arg3[%dma_wait3A_909, %dma_wait3A_910] : memref<100000x64xf32, #tpu.memory_space<hbm>> -> memref<100000x64xf32, #tpu.memory_space<hbm>>
    tpu.wait_indirect_dma semaphore(%arg12 : memref<!tpu.dma_semaphore, #tpu.memory_space<semaphore_mem>>) src(%dma_wait3A_911 : memref<100000x64xf32, #tpu.memory_space<hbm>>) dst(%dma_wait3A_905 : memref<128x64xf32, #tpu.memory_space<vmem>>)
    %scan3A_912 = arith.constant 0 : i32
    %scan3A_913 = arith.constant 2 : i32
    %scan3A_914 = arith.constant 0 : i32
    %scan3A_915 = arith.constant 64 : i32
    %scan3A_916 = arith.addi %scan3A_914, %scan3A_915 : i32
    %scan3A_917 = arith.constant 1 : i32
    scf.for %scan3A_1462 = %scan3A_914 to %scan3A_916 step %scan3A_917  : i32 {
      %add3A_1463 = arith.constant 0 : i32
      %add3A_1464 = arith.addi %add3A_1463, %scan3A_1462 : i32
      %get3A_1465 = arith.constant 0 : i32
      %get3A_1466 = arith.constant 0 : i32
      %get3A_1467 = tpu.memref_slice %arg9[%scan3A_913, %get3A_1465, %get3A_1466] : memref<8x128x64xf32, #tpu.memory_space<vmem>> -> memref<1x128x64xf32, #tpu.memory_space<vmem>>
      %get3A_1468 = tpu.memref_squeeze %get3A_1467 : memref<1x128x64xf32, #tpu.memory_space<vmem>> -> memref<128x64xf32, #tpu.memory_space<vmem>>
      %get3A_1469 = arith.index_cast %add3A_1464 : i32 to index
      %get3A_1470 = arith.constant 0 : index
      %get3A_1471 = tpu.vector_load %get3A_1468[%get3A_1469, %get3A_1470] {strides = array<i32>} : memref<128x64xf32, #tpu.memory_space<vmem>>, vector<1x16xf32>,
      %get3A_1472 = vector.shape_cast %get3A_1471 : vector<1x16xf32> to vector<16xf32>
      %get3A_1473 = arith.index_cast %scan3A_1462 : i32 to index
      %get3A_1474 = arith.constant 0 : index
      %get3A_1475 = tpu.vector_load %arg8[%get3A_1473, %get3A_1474] {strides = array<i32>} : memref<64x64xf32, #tpu.memory_space<vmem>>, vector<1x16xf32>,
      %get3A_1476 = vector.shape_cast %get3A_1475 : vector<1x16xf32> to vector<16xf32>
      %add3A_1477 = arith.addf %get3A_1472, %get3A_1476 : vector<16xf32>
      %swap3A_1478 = arith.constant 0 : i32
      %swap3A_1479 = arith.constant 0 : i32
      %swap3A_1480 = tpu.memref_slice %arg9[%scan3A_913, %swap3A_1478, %swap3A_1479] : memref<8x128x64xf32, #tpu.memory_space<vmem>> -> memref<1x128x64xf32, #tpu.memory_space<vmem>>
      %swap3A_1481 = tpu.memref_squeeze %swap3A_1480 : memref<1x128x64xf32, #tpu.memory_space<vmem>> -> memref<128x64xf32, #tpu.memory_space<vmem>>
      %swap3A_1482 = arith.index_cast %add3A_1464 : i32 to index
      %swap3A_1483 = arith.constant 0 : index
      %swap3A_1484 = tpu.vector_load %swap3A_1481[%swap3A_1482, %swap3A_1483] {strides = array<i32>} : memref<128x64xf32, #tpu.memory_space<vmem>>, vector<1x16xf32>,
      %swap3A_1485 = vector.shape_cast %swap3A_1484 : vector<1x16xf32> to vector<16xf32>
      %swap3A_1486 = vector.shape_cast %add3A_1477 : vector<16xf32> to vector<1x16xf32>
      tpu.vector_store %swap3A_1481[%swap3A_1482, %swap3A_1483], %swap3A_1486 {strides = array<i32>} : memref<128x64xf32, #tpu.memory_space<vmem>>, vector<1x16xf32>,
      %add3A_1487 = arith.constant 0 : i32
      %add3A_1488 = arith.addi %add3A_1487, %scan3A_1462 : i32
      %get3A_1489 = arith.constant 0 : i32
      %get3A_1490 = arith.constant 0 : i32
      %get3A_1491 = tpu.memref_slice %arg9[%scan3A_913, %get3A_1489, %get3A_1490] : memref<8x128x64xf32, #tpu.memory_space<vmem>> -> memref<1x128x64xf32, #tpu.memory_space<vmem>>
      %get3A_1492 = tpu.memref_squeeze %get3A_1491 : memref<1x128x64xf32, #tpu.memory_space<vmem>> -> memref<128x64xf32, #tpu.memory_space<vmem>>
      %get3A_1493 = arith.index_cast %add3A_1488 : i32 to index
      %get3A_1494 = arith.constant 16 : index
      %get3A_1495 = tpu.vector_load %get3A_1492[%get3A_1493, %get3A_1494] {strides = array<i32>} : memref<128x64xf32, #tpu.memory_space<vmem>>, vector<1x16xf32>,
      %get3A_1496 = vector.shape_cast %get3A_1495 : vector<1x16xf32> to vector<16xf32>
      %get3A_1497 = arith.index_cast %scan3A_1462 : i32 to index
      %get3A_1498 = arith.constant 16 : index
      %get3A_1499 = tpu.vector_load %arg8[%get3A_1497, %get3A_1498] {strides = array<i32>} : memref<64x64xf32, #tpu.memory_space<vmem>>, vector<1x16xf32>,
      %get3A_1500 = vector.shape_cast %get3A_1499 : vector<1x16xf32> to vector<16xf32>
      %add3A_1501 = arith.addf %get3A_1496, %get3A_1500 : vector<16xf32>
      %swap3A_1502 = arith.constant 0 : i32
      %swap3A_1503 = arith.constant 0 : i32
      %swap3A_1504 = tpu.memref_slice %arg9[%scan3A_913, %swap3A_1502, %swap3A_1503] : memref<8x128x64xf32, #tpu.memory_space<vmem>> -> memref<1x128x64xf32, #tpu.memory_space<vmem>>
      %swap3A_1505 = tpu.memref_squeeze %swap3A_1504 : memref<1x128x64xf32, #tpu.memory_space<vmem>> -> memref<128x64xf32, #tpu.memory_space<vmem>>
      %swap3A_1506 = arith.index_cast %add3A_1488 : i32 to index
      %swap3A_1507 = arith.constant 16 : index
      %swap3A_1508 = tpu.vector_load %swap3A_1505[%swap3A_1506, %swap3A_1507] {strides = array<i32>} : memref<128x64xf32, #tpu.memory_space<vmem>>, vector<1x16xf32>,
      %swap3A_1509 = vector.shape_cast %swap3A_1508 : vector<1x16xf32> to vector<16xf32>
      %swap3A_1510 = vector.shape_cast %add3A_1501 : vector<16xf32> to vector<1x16xf32>
      tpu.vector_store %swap3A_1505[%swap3A_1506, %swap3A_1507], %swap3A_1510 {strides = array<i32>} : memref<128x64xf32, #tpu.memory_space<vmem>>, vector<1x16xf32>,
      %add3A_1511 = arith.constant 0 : i32
      %add3A_1512 = arith.addi %add3A_1511, %scan3A_1462 : i32
      %get3A_1513 = arith.constant 0 : i32
      %get3A_1514 = arith.constant 0 : i32
      %get3A_1515 = tpu.memref_slice %arg9[%scan3A_913, %get3A_1513, %get3A_1514] : memref<8x128x64xf32, #tpu.memory_space<vmem>> -> memref<1x128x64xf32, #tpu.memory_space<vmem>>
      %get3A_1516 = tpu.memref_squeeze %get3A_1515 : memref<1x128x64xf32, #tpu.memory_space<vmem>> -> memref<128x64xf32, #tpu.memory_space<vmem>>
      %get3A_1517 = arith.index_cast %add3A_1512 : i32 to index
      %get3A_1518 = arith.constant 32 : index
      %get3A_1519 = tpu.vector_load %get3A_1516[%get3A_1517, %get3A_1518] {strides = array<i32>} : memref<128x64xf32, #tpu.memory_space<vmem>>, vector<1x16xf32>,
      %get3A_1520 = vector.shape_cast %get3A_1519 : vector<1x16xf32> to vector<16xf32>
      %get3A_1521 = arith.index_cast %scan3A_1462 : i32 to index
      %get3A_1522 = arith.constant 32 : index
      %get3A_1523 = tpu.vector_load %arg8[%get3A_1521, %get3A_1522] {strides = array<i32>} : memref<64x64xf32, #tpu.memory_space<vmem>>, vector<1x16xf32>,
      %get3A_1524 = vector.shape_cast %get3A_1523 : vector<1x16xf32> to vector<16xf32>
      %add3A_1525 = arith.addf %get3A_1520, %get3A_1524 : vector<16xf32>
      %swap3A_1526 = arith.constant 0 : i32
      %swap3A_1527 = arith.constant 0 : i32
      %swap3A_1528 = tpu.memref_slice %arg9[%scan3A_913, %swap3A_1526, %swap3A_1527] : memref<8x128x64xf32, #tpu.memory_space<vmem>> -> memref<1x128x64xf32, #tpu.memory_space<vmem>>
      %swap3A_1529 = tpu.memref_squeeze %swap3A_1528 : memref<1x128x64xf32, #tpu.memory_space<vmem>> -> memref<128x64xf32, #tpu.memory_space<vmem>>
      %swap3A_1530 = arith.index_cast %add3A_1512 : i32 to index
      %swap3A_1531 = arith.constant 32 : index
      %swap3A_1532 = tpu.vector_load %swap3A_1529[%swap3A_1530, %swap3A_1531] {strides = array<i32>} : memref<128x64xf32, #tpu.memory_space<vmem>>, vector<1x16xf32>,
      %swap3A_1533 = vector.shape_cast %swap3A_1532 : vector<1x16xf32> to vector<16xf32>
      %swap3A_1534 = vector.shape_cast %add3A_1525 : vector<16xf32> to vector<1x16xf32>
      tpu.vector_store %swap3A_1529[%swap3A_1530, %swap3A_1531], %swap3A_1534 {strides = array<i32>} : memref<128x64xf32, #tpu.memory_space<vmem>>, vector<1x16xf32>,
      %add3A_1535 = arith.constant 0 : i32
      %add3A_1536 = arith.addi %add3A_1535, %scan3A_1462 : i32
      %get3A_1537 = arith.constant 0 : i32
      %get3A_1538 = arith.constant 0 : i32
      %get3A_1539 = tpu.memref_slice %arg9[%scan3A_913, %get3A_1537, %get3A_1538] : memref<8x128x64xf32, #tpu.memory_space<vmem>> -> memref<1x128x64xf32, #tpu.memory_space<vmem>>
      %get3A_1540 = tpu.memref_squeeze %get3A_1539 : memref<1x128x64xf32, #tpu.memory_space<vmem>> -> memref<128x64xf32, #tpu.memory_space<vmem>>
      %get3A_1541 = arith.index_cast %add3A_1536 : i32 to index
      %get3A_1542 = arith.constant 48 : index
      %get3A_1543 = tpu.vector_load %get3A_1540[%get3A_1541, %get3A_1542] {strides = array<i32>} : memref<128x64xf32, #tpu.memory_space<vmem>>, vector<1x16xf32>,
      %get3A_1544 = vector.shape_cast %get3A_1543 : vector<1x16xf32> to vector<16xf32>
      %get3A_1545 = arith.index_cast %scan3A_1462 : i32 to index
      %get3A_1546 = arith.constant 48 : index
      %get3A_1547 = tpu.vector_load %arg8[%get3A_1545, %get3A_1546] {strides = array<i32>} : memref<64x64xf32, #tpu.memory_space<vmem>>, vector<1x16xf32>,
      %get3A_1548 = vector.shape_cast %get3A_1547 : vector<1x16xf32> to vector<16xf32>
      %add3A_1549 = arith.addf %get3A_1544, %get3A_1548 : vector<16xf32>
      %swap3A_1550 = arith.constant 0 : i32
      %swap3A_1551 = arith.constant 0 : i32
      %swap3A_1552 = tpu.memref_slice %arg9[%scan3A_913, %swap3A_1550, %swap3A_1551] : memref<8x128x64xf32, #tpu.memory_space<vmem>> -> memref<1x128x64xf32, #tpu.memory_space<vmem>>
      %swap3A_1553 = tpu.memref_squeeze %swap3A_1552 : memref<1x128x64xf32, #tpu.memory_space<vmem>> -> memref<128x64xf32, #tpu.memory_space<vmem>>
      %swap3A_1554 = arith.index_cast %add3A_1536 : i32 to index
      %swap3A_1555 = arith.constant 48 : index
      %swap3A_1556 = tpu.vector_load %swap3A_1553[%swap3A_1554, %swap3A_1555] {strides = array<i32>} : memref<128x64xf32, #tpu.memory_space<vmem>>, vector<1x16xf32>,
      %swap3A_1557 = vector.shape_cast %swap3A_1556 : vector<1x16xf32> to vector<16xf32>
      %swap3A_1558 = vector.shape_cast %add3A_1549 : vector<16xf32> to vector<1x16xf32>
      tpu.vector_store %swap3A_1553[%swap3A_1554, %swap3A_1555], %swap3A_1558 {strides = array<i32>} : memref<128x64xf32, #tpu.memory_space<vmem>>, vector<1x16xf32>,
      %add3A_1559 = arith.constant 64 : i32
      %add3A_1560 = arith.addi %add3A_1559, %scan3A_1462 : i32
      %get3A_1561 = arith.constant 0 : i32
      %get3A_1562 = arith.constant 0 : i32
      %get3A_1563 = tpu.memref_slice %arg9[%scan3A_913, %get3A_1561, %get3A_1562] : memref<8x128x64xf32, #tpu.memory_space<vmem>> -> memref<1x128x64xf32, #tpu.memory_space<vmem>>
      %get3A_1564 = tpu.memref_squeeze %get3A_1563 : memref<1x128x64xf32, #tpu.memory_space<vmem>> -> memref<128x64xf32, #tpu.memory_space<vmem>>
      %get3A_1565 = arith.index_cast %add3A_1560 : i32 to index
      %get3A_1566 = arith.constant 0 : index
      %get3A_1567 = tpu.vector_load %get3A_1564[%get3A_1565, %get3A_1566] {strides = array<i32>} : memref<128x64xf32, #tpu.memory_space<vmem>>, vector<1x16xf32>,
      %get3A_1568 = vector.shape_cast %get3A_1567 : vector<1x16xf32> to vector<16xf32>
      %get3A_1569 = arith.index_cast %scan3A_1462 : i32 to index
      %get3A_1570 = arith.constant 0 : index
      %get3A_1571 = tpu.vector_load %arg8[%get3A_1569, %get3A_1570] {strides = array<i32>} : memref<64x64xf32, #tpu.memory_space<vmem>>, vector<1x16xf32>,
      %get3A_1572 = vector.shape_cast %get3A_1571 : vector<1x16xf32> to vector<16xf32>
      %add3A_1573 = arith.addf %get3A_1568, %get3A_1572 : vector<16xf32>
      %swap3A_1574 = arith.constant 0 : i32
      %swap3A_1575 = arith.constant 0 : i32
      %swap3A_1576 = tpu.memref_slice %arg9[%scan3A_913, %swap3A_1574, %swap3A_1575] : memref<8x128x64xf32, #tpu.memory_space<vmem>> -> memref<1x128x64xf32, #tpu.memory_space<vmem>>
      %swap3A_1577 = tpu.memref_squeeze %swap3A_1576 : memref<1x128x64xf32, #tpu.memory_space<vmem>> -> memref<128x64xf32, #tpu.memory_space<vmem>>
      %swap3A_1578 = arith.index_cast %add3A_1560 : i32 to index
      %swap3A_1579 = arith.constant 0 : index
      %swap3A_1580 = tpu.vector_load %swap3A_1577[%swap3A_1578, %swap3A_1579] {strides = array<i32>} : memref<128x64xf32, #tpu.memory_space<vmem>>, vector<1x16xf32>,
      %swap3A_1581 = vector.shape_cast %swap3A_1580 : vector<1x16xf32> to vector<16xf32>
      %swap3A_1582 = vector.shape_cast %add3A_1573 : vector<16xf32> to vector<1x16xf32>
      tpu.vector_store %swap3A_1577[%swap3A_1578, %swap3A_1579], %swap3A_1582 {strides = array<i32>} : memref<128x64xf32, #tpu.memory_space<vmem>>, vector<1x16xf32>,
      %add3A_1583 = arith.constant 64 : i32
      %add3A_1584 = arith.addi %add3A_1583, %scan3A_1462 : i32
      %get3A_1585 = arith.constant 0 : i32
      %get3A_1586 = arith.constant 0 : i32
      %get3A_1587 = tpu.memref_slice %arg9[%scan3A_913, %get3A_1585, %get3A_1586] : memref<8x128x64xf32, #tpu.memory_space<vmem>> -> memref<1x128x64xf32, #tpu.memory_space<vmem>>
      %get3A_1588 = tpu.memref_squeeze %get3A_1587 : memref<1x128x64xf32, #tpu.memory_space<vmem>> -> memref<128x64xf32, #tpu.memory_space<vmem>>
      %get3A_1589 = arith.index_cast %add3A_1584 : i32 to index
      %get3A_1590 = arith.constant 16 : index
      %get3A_1591 = tpu.vector_load %get3A_1588[%get3A_1589, %get3A_1590] {strides = array<i32>} : memref<128x64xf32, #tpu.memory_space<vmem>>, vector<1x16xf32>,
      %get3A_1592 = vector.shape_cast %get3A_1591 : vector<1x16xf32> to vector<16xf32>
      %get3A_1593 = arith.index_cast %scan3A_1462 : i32 to index
      %get3A_1594 = arith.constant 16 : index
      %get3A_1595 = tpu.vector_load %arg8[%get3A_1593, %get3A_1594] {strides = array<i32>} : memref<64x64xf32, #tpu.memory_space<vmem>>, vector<1x16xf32>,
      %get3A_1596 = vector.shape_cast %get3A_1595 : vector<1x16xf32> to vector<16xf32>
      %add3A_1597 = arith.addf %get3A_1592, %get3A_1596 : vector<16xf32>
      %swap3A_1598 = arith.constant 0 : i32
      %swap3A_1599 = arith.constant 0 : i32
      %swap3A_1600 = tpu.memref_slice %arg9[%scan3A_913, %swap3A_1598, %swap3A_1599] : memref<8x128x64xf32, #tpu.memory_space<vmem>> -> memref<1x128x64xf32, #tpu.memory_space<vmem>>
      %swap3A_1601 = tpu.memref_squeeze %swap3A_1600 : memref<1x128x64xf32, #tpu.memory_space<vmem>> -> memref<128x64xf32, #tpu.memory_space<vmem>>
      %swap3A_1602 = arith.index_cast %add3A_1584 : i32 to index
      %swap3A_1603 = arith.constant 16 : index
      %swap3A_1604 = tpu.vector_load %swap3A_1601[%swap3A_1602, %swap3A_1603] {strides = array<i32>} : memref<128x64xf32, #tpu.memory_space<vmem>>, vector<1x16xf32>,
      %swap3A_1605 = vector.shape_cast %swap3A_1604 : vector<1x16xf32> to vector<16xf32>
      %swap3A_1606 = vector.shape_cast %add3A_1597 : vector<16xf32> to vector<1x16xf32>
      tpu.vector_store %swap3A_1601[%swap3A_1602, %swap3A_1603], %swap3A_1606 {strides = array<i32>} : memref<128x64xf32, #tpu.memory_space<vmem>>, vector<1x16xf32>,
      %add3A_1607 = arith.constant 64 : i32
      %add3A_1608 = arith.addi %add3A_1607, %scan3A_1462 : i32
      %get3A_1609 = arith.constant 0 : i32
      %get3A_1610 = arith.constant 0 : i32
      %get3A_1611 = tpu.memref_slice %arg9[%scan3A_913, %get3A_1609, %get3A_1610] : memref<8x128x64xf32, #tpu.memory_space<vmem>> -> memref<1x128x64xf32, #tpu.memory_space<vmem>>
      %get3A_1612 = tpu.memref_squeeze %get3A_1611 : memref<1x128x64xf32, #tpu.memory_space<vmem>> -> memref<128x64xf32, #tpu.memory_space<vmem>>
      %get3A_1613 = arith.index_cast %add3A_1608 : i32 to index
      %get3A_1614 = arith.constant 32 : index
      %get3A_1615 = tpu.vector_load %get3A_1612[%get3A_1613, %get3A_1614] {strides = array<i32>} : memref<128x64xf32, #tpu.memory_space<vmem>>, vector<1x16xf32>,
      %get3A_1616 = vector.shape_cast %get3A_1615 : vector<1x16xf32> to vector<16xf32>
      %get3A_1617 = arith.index_cast %scan3A_1462 : i32 to index
      %get3A_1618 = arith.constant 32 : index
      %get3A_1619 = tpu.vector_load %arg8[%get3A_1617, %get3A_1618] {strides = array<i32>} : memref<64x64xf32, #tpu.memory_space<vmem>>, vector<1x16xf32>,
      %get3A_1620 = vector.shape_cast %get3A_1619 : vector<1x16xf32> to vector<16xf32>
      %add3A_1621 = arith.addf %get3A_1616, %get3A_1620 : vector<16xf32>
      %swap3A_1622 = arith.constant 0 : i32
      %swap3A_1623 = arith.constant 0 : i32
      %swap3A_1624 = tpu.memref_slice %arg9[%scan3A_913, %swap3A_1622, %swap3A_1623] : memref<8x128x64xf32, #tpu.memory_space<vmem>> -> memref<1x128x64xf32, #tpu.memory_space<vmem>>
      %swap3A_1625 = tpu.memref_squeeze %swap3A_1624 : memref<1x128x64xf32, #tpu.memory_space<vmem>> -> memref<128x64xf32, #tpu.memory_space<vmem>>
      %swap3A_1626 = arith.index_cast %add3A_1608 : i32 to index
      %swap3A_1627 = arith.constant 32 : index
      %swap3A_1628 = tpu.vector_load %swap3A_1625[%swap3A_1626, %swap3A_1627] {strides = array<i32>} : memref<128x64xf32, #tpu.memory_space<vmem>>, vector<1x16xf32>,
      %swap3A_1629 = vector.shape_cast %swap3A_1628 : vector<1x16xf32> to vector<16xf32>
      %swap3A_1630 = vector.shape_cast %add3A_1621 : vector<16xf32> to vector<1x16xf32>
      tpu.vector_store %swap3A_1625[%swap3A_1626, %swap3A_1627], %swap3A_1630 {strides = array<i32>} : memref<128x64xf32, #tpu.memory_space<vmem>>, vector<1x16xf32>,
      %add3A_1631 = arith.constant 64 : i32
      %add3A_1632 = arith.addi %add3A_1631, %scan3A_1462 : i32
      %get3A_1633 = arith.constant 0 : i32
      %get3A_1634 = arith.constant 0 : i32
      %get3A_1635 = tpu.memref_slice %arg9[%scan3A_913, %get3A_1633, %get3A_1634] : memref<8x128x64xf32, #tpu.memory_space<vmem>> -> memref<1x128x64xf32, #tpu.memory_space<vmem>>
      %get3A_1636 = tpu.memref_squeeze %get3A_1635 : memref<1x128x64xf32, #tpu.memory_space<vmem>> -> memref<128x64xf32, #tpu.memory_space<vmem>>
      %get3A_1637 = arith.index_cast %add3A_1632 : i32 to index
      %get3A_1638 = arith.constant 48 : index
      %get3A_1639 = tpu.vector_load %get3A_1636[%get3A_1637, %get3A_1638] {strides = array<i32>} : memref<128x64xf32, #tpu.memory_space<vmem>>, vector<1x16xf32>,
      %get3A_1640 = vector.shape_cast %get3A_1639 : vector<1x16xf32> to vector<16xf32>
      %get3A_1641 = arith.index_cast %scan3A_1462 : i32 to index
      %get3A_1642 = arith.constant 48 : index
      %get3A_1643 = tpu.vector_load %arg8[%get3A_1641, %get3A_1642] {strides = array<i32>} : memref<64x64xf32, #tpu.memory_space<vmem>>, vector<1x16xf32>,
      %get3A_1644 = vector.shape_cast %get3A_1643 : vector<1x16xf32> to vector<16xf32>
      %add3A_1645 = arith.addf %get3A_1640, %get3A_1644 : vector<16xf32>
      %swap3A_1646 = arith.constant 0 : i32
      %swap3A_1647 = arith.constant 0 : i32
      %swap3A_1648 = tpu.memref_slice %arg9[%scan3A_913, %swap3A_1646, %swap3A_1647] : memref<8x128x64xf32, #tpu.memory_space<vmem>> -> memref<1x128x64xf32, #tpu.memory_space<vmem>>
      %swap3A_1649 = tpu.memref_squeeze %swap3A_1648 : memref<1x128x64xf32, #tpu.memory_space<vmem>> -> memref<128x64xf32, #tpu.memory_space<vmem>>
      %swap3A_1650 = arith.index_cast %add3A_1632 : i32 to index
      %swap3A_1651 = arith.constant 48 : index
      %swap3A_1652 = tpu.vector_load %swap3A_1649[%swap3A_1650, %swap3A_1651] {strides = array<i32>} : memref<128x64xf32, #tpu.memory_space<vmem>>, vector<1x16xf32>,
      %swap3A_1653 = vector.shape_cast %swap3A_1652 : vector<1x16xf32> to vector<16xf32>
      %swap3A_1654 = vector.shape_cast %add3A_1645 : vector<16xf32> to vector<1x16xf32>
      tpu.vector_store %swap3A_1649[%swap3A_1650, %swap3A_1651], %swap3A_1654 {strides = array<i32>} : memref<128x64xf32, #tpu.memory_space<vmem>>, vector<1x16xf32>,
    }
    %scan3A_918 = arith.constant 64 : i32
    %dma_start3A_919 = arith.constant 2 : i32
    %dma_start3A_920 = arith.constant 4 : i32
    %dma_start3A_921 = arith.constant 0 : i32
    %dma_start3A_922 = arith.constant 0 : i32
    %dma_start3A_923 = tpu.memref_slice %arg9[%dma_start3A_919, %dma_start3A_921, %dma_start3A_922] : memref<8x128x64xf32, #tpu.memory_space<vmem>> -> memref<1x64x64xf32, #tpu.memory_space<vmem>>
    %dma_start3A_924 = tpu.memref_squeeze %dma_start3A_923 : memref<1x64x64xf32, #tpu.memory_space<vmem>> -> memref<64x64xf32, #tpu.memory_space<vmem>>
    %dma_start3A_925 = arith.constant 0 : i32
    %dma_start3A_926 = tpu.memref_slice %arg5[%dma_start3A_920, %mul3A_2, %dma_start3A_925] : memref<16x2048x64xf32, #tpu.memory_space<hbm>> -> memref<1x64x64xf32, #tpu.memory_space<hbm>>
    %dma_start3A_927 = tpu.memref_squeeze %dma_start3A_926 : memref<1x64x64xf32, #tpu.memory_space<hbm>> -> memref<64x64xf32, #tpu.memory_space<hbm>>
    %dma_start3A_928 = arith.constant 0 : i32
    %dma_start3A_929 = tpu.memref_slice %arg5[%dma_start3A_920, %mul3A_2, %dma_start3A_928] : memref<16x2048x64xf32, #tpu.memory_space<hbm>> -> memref<1x64x64xf32, #tpu.memory_space<hbm>>
    %dma_start3A_930 = tpu.memref_squeeze %dma_start3A_929 : memref<1x64x64xf32, #tpu.memory_space<hbm>> -> memref<64x64xf32, #tpu.memory_space<hbm>>
    %dma_start3A_931 = arith.constant 0 : i32
    %dma_start3A_932 = arith.constant 0 : i32
    %dma_start3A_933 = tpu.memref_slice %arg9[%dma_start3A_919, %dma_start3A_931, %dma_start3A_932] : memref<8x128x64xf32, #tpu.memory_space<vmem>> -> memref<1x64x64xf32, #tpu.memory_space<vmem>>
    %dma_start3A_934 = tpu.memref_squeeze %dma_start3A_933 : memref<1x64x64xf32, #tpu.memory_space<vmem>> -> memref<64x64xf32, #tpu.memory_space<vmem>>
    tpu.enqueue_dma source(%dma_start3A_934 : memref<64x64xf32, #tpu.memory_space<vmem>>) target(%dma_start3A_930 : memref<64x64xf32, #tpu.memory_space<hbm>>) target_semaphore(%arg18 : memref<!tpu.dma_semaphore, #tpu.memory_space<semaphore_mem>>)
    %dma_start3A_935 = arith.constant 2 : i32
    %dma_start3A_936 = arith.constant 5 : i32
    %dma_start3A_937 = arith.constant 64 : i32
    %dma_start3A_938 = arith.constant 0 : i32
    %dma_start3A_939 = tpu.memref_slice %arg9[%dma_start3A_935, %dma_start3A_937, %dma_start3A_938] : memref<8x128x64xf32, #tpu.memory_space<vmem>> -> memref<1x64x64xf32, #tpu.memory_space<vmem>>
    %dma_start3A_940 = tpu.memref_squeeze %dma_start3A_939 : memref<1x64x64xf32, #tpu.memory_space<vmem>> -> memref<64x64xf32, #tpu.memory_space<vmem>>
    %dma_start3A_941 = arith.constant 0 : i32
    %dma_start3A_942 = tpu.memref_slice %arg5[%dma_start3A_936, %mul3A_2, %dma_start3A_941] : memref<16x2048x64xf32, #tpu.memory_space<hbm>> -> memref<1x64x64xf32, #tpu.memory_space<hbm>>
    %dma_start3A_943 = tpu.memref_squeeze %dma_start3A_942 : memref<1x64x64xf32, #tpu.memory_space<hbm>> -> memref<64x64xf32, #tpu.memory_space<hbm>>
    %dma_start3A_944 = arith.constant 0 : i32
    %dma_start3A_945 = tpu.memref_slice %arg5[%dma_start3A_936, %mul3A_2, %dma_start3A_944] : memref<16x2048x64xf32, #tpu.memory_space<hbm>> -> memref<1x64x64xf32, #tpu.memory_space<hbm>>
    %dma_start3A_946 = tpu.memref_squeeze %dma_start3A_945 : memref<1x64x64xf32, #tpu.memory_space<hbm>> -> memref<64x64xf32, #tpu.memory_space<hbm>>
    %dma_start3A_947 = arith.constant 64 : i32
    %dma_start3A_948 = arith.constant 0 : i32
    %dma_start3A_949 = tpu.memref_slice %arg9[%dma_start3A_935, %dma_start3A_947, %dma_start3A_948] : memref<8x128x64xf32, #tpu.memory_space<vmem>> -> memref<1x64x64xf32, #tpu.memory_space<vmem>>
    %dma_start3A_950 = tpu.memref_squeeze %dma_start3A_949 : memref<1x64x64xf32, #tpu.memory_space<vmem>> -> memref<64x64xf32, #tpu.memory_space<vmem>>
    tpu.enqueue_dma source(%dma_start3A_950 : memref<64x64xf32, #tpu.memory_space<vmem>>) target(%dma_start3A_946 : memref<64x64xf32, #tpu.memory_space<hbm>>) target_semaphore(%arg18 : memref<!tpu.dma_semaphore, #tpu.memory_space<semaphore_mem>>)
    %dma_wait3A_951 = arith.constant 3 : i32
    %dma_wait3A_952 = arith.constant 3 : i32
    %dma_wait3A_953 = arith.constant 0 : i32
    %dma_wait3A_954 = arith.constant 0 : i32
    %dma_wait3A_955 = tpu.memref_slice %arg9[%dma_wait3A_952, %dma_wait3A_953, %dma_wait3A_954] : memref<8x128x64xf32, #tpu.memory_space<vmem>> -> memref<1x128x64xf32, #tpu.memory_space<vmem>>
    %dma_wait3A_956 = tpu.memref_squeeze %dma_wait3A_955 : memref<1x128x64xf32, #tpu.memory_space<vmem>> -> memref<128x64xf32, #tpu.memory_space<vmem>>
    %dma_wait3A_957 = arith.constant 0 : i32
    %dma_wait3A_958 = tpu.memref_slice %arg7[%dma_wait3A_951, %dma_wait3A_957] : memref<8x128xi32, #tpu.memory_space<vmem>> -> memref<1x128xi32, #tpu.memory_space<vmem>>
    %dma_wait3A_959 = tpu.memref_squeeze %dma_wait3A_958 : memref<1x128xi32, #tpu.memory_space<vmem>> -> memref<128xi32, #tpu.memory_space<vmem>>
    %dma_wait3A_960 = arith.constant 0 : i32
    %dma_wait3A_961 = arith.constant 0 : i32
    %dma_wait3A_962 = tpu.memref_slice %arg3[%dma_wait3A_960, %dma_wait3A_961] : memref<100000x64xf32, #tpu.memory_space<hbm>> -> memref<100000x64xf32, #tpu.memory_space<hbm>>
    tpu.wait_indirect_dma semaphore(%arg13 : memref<!tpu.dma_semaphore, #tpu.memory_space<semaphore_mem>>) src(%dma_wait3A_962 : memref<100000x64xf32, #tpu.memory_space<hbm>>) dst(%dma_wait3A_956 : memref<128x64xf32, #tpu.memory_space<vmem>>)
    %scan3A_963 = arith.constant 0 : i32
    %scan3A_964 = arith.constant 3 : i32
    %scan3A_965 = arith.constant 0 : i32
    %scan3A_966 = arith.constant 64 : i32
    %scan3A_967 = arith.addi %scan3A_965, %scan3A_966 : i32
    %scan3A_968 = arith.constant 1 : i32
    scf.for %scan3A_1462 = %scan3A_965 to %scan3A_967 step %scan3A_968  : i32 {
      %add3A_1463 = arith.constant 0 : i32
      %add3A_1464 = arith.addi %add3A_1463, %scan3A_1462 : i32
      %get3A_1465 = arith.constant 0 : i32
      %get3A_1466 = arith.constant 0 : i32
      %get3A_1467 = tpu.memref_slice %arg9[%scan3A_964, %get3A_1465, %get3A_1466] : memref<8x128x64xf32, #tpu.memory_space<vmem>> -> memref<1x128x64xf32, #tpu.memory_space<vmem>>
      %get3A_1468 = tpu.memref_squeeze %get3A_1467 : memref<1x128x64xf32, #tpu.memory_space<vmem>> -> memref<128x64xf32, #tpu.memory_space<vmem>>
      %get3A_1469 = arith.index_cast %add3A_1464 : i32 to index
      %get3A_1470 = arith.constant 0 : index
      %get3A_1471 = tpu.vector_load %get3A_1468[%get3A_1469, %get3A_1470] {strides = array<i32>} : memref<128x64xf32, #tpu.memory_space<vmem>>, vector<1x16xf32>,
      %get3A_1472 = vector.shape_cast %get3A_1471 : vector<1x16xf32> to vector<16xf32>
      %get3A_1473 = arith.index_cast %scan3A_1462 : i32 to index
      %get3A_1474 = arith.constant 0 : index
      %get3A_1475 = tpu.vector_load %arg8[%get3A_1473, %get3A_1474] {strides = array<i32>} : memref<64x64xf32, #tpu.memory_space<vmem>>, vector<1x16xf32>,
      %get3A_1476 = vector.shape_cast %get3A_1475 : vector<1x16xf32> to vector<16xf32>
      %add3A_1477 = arith.addf %get3A_1472, %get3A_1476 : vector<16xf32>
      %swap3A_1478 = arith.constant 0 : i32
      %swap3A_1479 = arith.constant 0 : i32
      %swap3A_1480 = tpu.memref_slice %arg9[%scan3A_964, %swap3A_1478, %swap3A_1479] : memref<8x128x64xf32, #tpu.memory_space<vmem>> -> memref<1x128x64xf32, #tpu.memory_space<vmem>>
      %swap3A_1481 = tpu.memref_squeeze %swap3A_1480 : memref<1x128x64xf32, #tpu.memory_space<vmem>> -> memref<128x64xf32, #tpu.memory_space<vmem>>
      %swap3A_1482 = arith.index_cast %add3A_1464 : i32 to index
      %swap3A_1483 = arith.constant 0 : index
      %swap3A_1484 = tpu.vector_load %swap3A_1481[%swap3A_1482, %swap3A_1483] {strides = array<i32>} : memref<128x64xf32, #tpu.memory_space<vmem>>, vector<1x16xf32>,
      %swap3A_1485 = vector.shape_cast %swap3A_1484 : vector<1x16xf32> to vector<16xf32>
      %swap3A_1486 = vector.shape_cast %add3A_1477 : vector<16xf32> to vector<1x16xf32>
      tpu.vector_store %swap3A_1481[%swap3A_1482, %swap3A_1483], %swap3A_1486 {strides = array<i32>} : memref<128x64xf32, #tpu.memory_space<vmem>>, vector<1x16xf32>,
      %add3A_1487 = arith.constant 0 : i32
      %add3A_1488 = arith.addi %add3A_1487, %scan3A_1462 : i32
      %get3A_1489 = arith.constant 0 : i32
      %get3A_1490 = arith.constant 0 : i32
      %get3A_1491 = tpu.memref_slice %arg9[%scan3A_964, %get3A_1489, %get3A_1490] : memref<8x128x64xf32, #tpu.memory_space<vmem>> -> memref<1x128x64xf32, #tpu.memory_space<vmem>>
      %get3A_1492 = tpu.memref_squeeze %get3A_1491 : memref<1x128x64xf32, #tpu.memory_space<vmem>> -> memref<128x64xf32, #tpu.memory_space<vmem>>
      %get3A_1493 = arith.index_cast %add3A_1488 : i32 to index
      %get3A_1494 = arith.constant 16 : index
      %get3A_1495 = tpu.vector_load %get3A_1492[%get3A_1493, %get3A_1494] {strides = array<i32>} : memref<128x64xf32, #tpu.memory_space<vmem>>, vector<1x16xf32>,
      %get3A_1496 = vector.shape_cast %get3A_1495 : vector<1x16xf32> to vector<16xf32>
      %get3A_1497 = arith.index_cast %scan3A_1462 : i32 to index
      %get3A_1498 = arith.constant 16 : index
      %get3A_1499 = tpu.vector_load %arg8[%get3A_1497, %get3A_1498] {strides = array<i32>} : memref<64x64xf32, #tpu.memory_space<vmem>>, vector<1x16xf32>,
      %get3A_1500 = vector.shape_cast %get3A_1499 : vector<1x16xf32> to vector<16xf32>
      %add3A_1501 = arith.addf %get3A_1496, %get3A_1500 : vector<16xf32>
      %swap3A_1502 = arith.constant 0 : i32
      %swap3A_1503 = arith.constant 0 : i32
      %swap3A_1504 = tpu.memref_slice %arg9[%scan3A_964, %swap3A_1502, %swap3A_1503] : memref<8x128x64xf32, #tpu.memory_space<vmem>> -> memref<1x128x64xf32, #tpu.memory_space<vmem>>
      %swap3A_1505 = tpu.memref_squeeze %swap3A_1504 : memref<1x128x64xf32, #tpu.memory_space<vmem>> -> memref<128x64xf32, #tpu.memory_space<vmem>>
      %swap3A_1506 = arith.index_cast %add3A_1488 : i32 to index
      %swap3A_1507 = arith.constant 16 : index
      %swap3A_1508 = tpu.vector_load %swap3A_1505[%swap3A_1506, %swap3A_1507] {strides = array<i32>} : memref<128x64xf32, #tpu.memory_space<vmem>>, vector<1x16xf32>,
      %swap3A_1509 = vector.shape_cast %swap3A_1508 : vector<1x16xf32> to vector<16xf32>
      %swap3A_1510 = vector.shape_cast %add3A_1501 : vector<16xf32> to vector<1x16xf32>
      tpu.vector_store %swap3A_1505[%swap3A_1506, %swap3A_1507], %swap3A_1510 {strides = array<i32>} : memref<128x64xf32, #tpu.memory_space<vmem>>, vector<1x16xf32>,
      %add3A_1511 = arith.constant 0 : i32
      %add3A_1512 = arith.addi %add3A_1511, %scan3A_1462 : i32
      %get3A_1513 = arith.constant 0 : i32
      %get3A_1514 = arith.constant 0 : i32
      %get3A_1515 = tpu.memref_slice %arg9[%scan3A_964, %get3A_1513, %get3A_1514] : memref<8x128x64xf32, #tpu.memory_space<vmem>> -> memref<1x128x64xf32, #tpu.memory_space<vmem>>
      %get3A_1516 = tpu.memref_squeeze %get3A_1515 : memref<1x128x64xf32, #tpu.memory_space<vmem>> -> memref<128x64xf32, #tpu.memory_space<vmem>>
      %get3A_1517 = arith.index_cast %add3A_1512 : i32 to index
      %get3A_1518 = arith.constant 32 : index
      %get3A_1519 = tpu.vector_load %get3A_1516[%get3A_1517, %get3A_1518] {strides = array<i32>} : memref<128x64xf32, #tpu.memory_space<vmem>>, vector<1x16xf32>,
      %get3A_1520 = vector.shape_cast %get3A_1519 : vector<1x16xf32> to vector<16xf32>
      %get3A_1521 = arith.index_cast %scan3A_1462 : i32 to index
      %get3A_1522 = arith.constant 32 : index
      %get3A_1523 = tpu.vector_load %arg8[%get3A_1521, %get3A_1522] {strides = array<i32>} : memref<64x64xf32, #tpu.memory_space<vmem>>, vector<1x16xf32>,
      %get3A_1524 = vector.shape_cast %get3A_1523 : vector<1x16xf32> to vector<16xf32>
      %add3A_1525 = arith.addf %get3A_1520, %get3A_1524 : vector<16xf32>
      %swap3A_1526 = arith.constant 0 : i32
      %swap3A_1527 = arith.constant 0 : i32
      %swap3A_1528 = tpu.memref_slice %arg9[%scan3A_964, %swap3A_1526, %swap3A_1527] : memref<8x128x64xf32, #tpu.memory_space<vmem>> -> memref<1x128x64xf32, #tpu.memory_space<vmem>>
      %swap3A_1529 = tpu.memref_squeeze %swap3A_1528 : memref<1x128x64xf32, #tpu.memory_space<vmem>> -> memref<128x64xf32, #tpu.memory_space<vmem>>
      %swap3A_1530 = arith.index_cast %add3A_1512 : i32 to index
      %swap3A_1531 = arith.constant 32 : index
      %swap3A_1532 = tpu.vector_load %swap3A_1529[%swap3A_1530, %swap3A_1531] {strides = array<i32>} : memref<128x64xf32, #tpu.memory_space<vmem>>, vector<1x16xf32>,
      %swap3A_1533 = vector.shape_cast %swap3A_1532 : vector<1x16xf32> to vector<16xf32>
      %swap3A_1534 = vector.shape_cast %add3A_1525 : vector<16xf32> to vector<1x16xf32>
      tpu.vector_store %swap3A_1529[%swap3A_1530, %swap3A_1531], %swap3A_1534 {strides = array<i32>} : memref<128x64xf32, #tpu.memory_space<vmem>>, vector<1x16xf32>,
      %add3A_1535 = arith.constant 0 : i32
      %add3A_1536 = arith.addi %add3A_1535, %scan3A_1462 : i32
      %get3A_1537 = arith.constant 0 : i32
      %get3A_1538 = arith.constant 0 : i32
      %get3A_1539 = tpu.memref_slice %arg9[%scan3A_964, %get3A_1537, %get3A_1538] : memref<8x128x64xf32, #tpu.memory_space<vmem>> -> memref<1x128x64xf32, #tpu.memory_space<vmem>>
      %get3A_1540 = tpu.memref_squeeze %get3A_1539 : memref<1x128x64xf32, #tpu.memory_space<vmem>> -> memref<128x64xf32, #tpu.memory_space<vmem>>
      %get3A_1541 = arith.index_cast %add3A_1536 : i32 to index
      %get3A_1542 = arith.constant 48 : index
      %get3A_1543 = tpu.vector_load %get3A_1540[%get3A_1541, %get3A_1542] {strides = array<i32>} : memref<128x64xf32, #tpu.memory_space<vmem>>, vector<1x16xf32>,
      %get3A_1544 = vector.shape_cast %get3A_1543 : vector<1x16xf32> to vector<16xf32>
      %get3A_1545 = arith.index_cast %scan3A_1462 : i32 to index
      %get3A_1546 = arith.constant 48 : index
      %get3A_1547 = tpu.vector_load %arg8[%get3A_1545, %get3A_1546] {strides = array<i32>} : memref<64x64xf32, #tpu.memory_space<vmem>>, vector<1x16xf32>,
      %get3A_1548 = vector.shape_cast %get3A_1547 : vector<1x16xf32> to vector<16xf32>
      %add3A_1549 = arith.addf %get3A_1544, %get3A_1548 : vector<16xf32>
      %swap3A_1550 = arith.constant 0 : i32
      %swap3A_1551 = arith.constant 0 : i32
      %swap3A_1552 = tpu.memref_slice %arg9[%scan3A_964, %swap3A_1550, %swap3A_1551] : memref<8x128x64xf32, #tpu.memory_space<vmem>> -> memref<1x128x64xf32, #tpu.memory_space<vmem>>
      %swap3A_1553 = tpu.memref_squeeze %swap3A_1552 : memref<1x128x64xf32, #tpu.memory_space<vmem>> -> memref<128x64xf32, #tpu.memory_space<vmem>>
      %swap3A_1554 = arith.index_cast %add3A_1536 : i32 to index
      %swap3A_1555 = arith.constant 48 : index
      %swap3A_1556 = tpu.vector_load %swap3A_1553[%swap3A_1554, %swap3A_1555] {strides = array<i32>} : memref<128x64xf32, #tpu.memory_space<vmem>>, vector<1x16xf32>,
      %swap3A_1557 = vector.shape_cast %swap3A_1556 : vector<1x16xf32> to vector<16xf32>
      %swap3A_1558 = vector.shape_cast %add3A_1549 : vector<16xf32> to vector<1x16xf32>
      tpu.vector_store %swap3A_1553[%swap3A_1554, %swap3A_1555], %swap3A_1558 {strides = array<i32>} : memref<128x64xf32, #tpu.memory_space<vmem>>, vector<1x16xf32>,
      %add3A_1559 = arith.constant 64 : i32
      %add3A_1560 = arith.addi %add3A_1559, %scan3A_1462 : i32
      %get3A_1561 = arith.constant 0 : i32
      %get3A_1562 = arith.constant 0 : i32
      %get3A_1563 = tpu.memref_slice %arg9[%scan3A_964, %get3A_1561, %get3A_1562] : memref<8x128x64xf32, #tpu.memory_space<vmem>> -> memref<1x128x64xf32, #tpu.memory_space<vmem>>
      %get3A_1564 = tpu.memref_squeeze %get3A_1563 : memref<1x128x64xf32, #tpu.memory_space<vmem>> -> memref<128x64xf32, #tpu.memory_space<vmem>>
      %get3A_1565 = arith.index_cast %add3A_1560 : i32 to index
      %get3A_1566 = arith.constant 0 : index
      %get3A_1567 = tpu.vector_load %get3A_1564[%get3A_1565, %get3A_1566] {strides = array<i32>} : memref<128x64xf32, #tpu.memory_space<vmem>>, vector<1x16xf32>,
      %get3A_1568 = vector.shape_cast %get3A_1567 : vector<1x16xf32> to vector<16xf32>
      %get3A_1569 = arith.index_cast %scan3A_1462 : i32 to index
      %get3A_1570 = arith.constant 0 : index
      %get3A_1571 = tpu.vector_load %arg8[%get3A_1569, %get3A_1570] {strides = array<i32>} : memref<64x64xf32, #tpu.memory_space<vmem>>, vector<1x16xf32>,
      %get3A_1572 = vector.shape_cast %get3A_1571 : vector<1x16xf32> to vector<16xf32>
      %add3A_1573 = arith.addf %get3A_1568, %get3A_1572 : vector<16xf32>
      %swap3A_1574 = arith.constant 0 : i32
      %swap3A_1575 = arith.constant 0 : i32
      %swap3A_1576 = tpu.memref_slice %arg9[%scan3A_964, %swap3A_1574, %swap3A_1575] : memref<8x128x64xf32, #tpu.memory_space<vmem>> -> memref<1x128x64xf32, #tpu.memory_space<vmem>>
      %swap3A_1577 = tpu.memref_squeeze %swap3A_1576 : memref<1x128x64xf32, #tpu.memory_space<vmem>> -> memref<128x64xf32, #tpu.memory_space<vmem>>
      %swap3A_1578 = arith.index_cast %add3A_1560 : i32 to index
      %swap3A_1579 = arith.constant 0 : index
      %swap3A_1580 = tpu.vector_load %swap3A_1577[%swap3A_1578, %swap3A_1579] {strides = array<i32>} : memref<128x64xf32, #tpu.memory_space<vmem>>, vector<1x16xf32>,
      %swap3A_1581 = vector.shape_cast %swap3A_1580 : vector<1x16xf32> to vector<16xf32>
      %swap3A_1582 = vector.shape_cast %add3A_1573 : vector<16xf32> to vector<1x16xf32>
      tpu.vector_store %swap3A_1577[%swap3A_1578, %swap3A_1579], %swap3A_1582 {strides = array<i32>} : memref<128x64xf32, #tpu.memory_space<vmem>>, vector<1x16xf32>,
      %add3A_1583 = arith.constant 64 : i32
      %add3A_1584 = arith.addi %add3A_1583, %scan3A_1462 : i32
      %get3A_1585 = arith.constant 0 : i32
      %get3A_1586 = arith.constant 0 : i32
      %get3A_1587 = tpu.memref_slice %arg9[%scan3A_964, %get3A_1585, %get3A_1586] : memref<8x128x64xf32, #tpu.memory_space<vmem>> -> memref<1x128x64xf32, #tpu.memory_space<vmem>>
      %get3A_1588 = tpu.memref_squeeze %get3A_1587 : memref<1x128x64xf32, #tpu.memory_space<vmem>> -> memref<128x64xf32, #tpu.memory_space<vmem>>
      %get3A_1589 = arith.index_cast %add3A_1584 : i32 to index
      %get3A_1590 = arith.constant 16 : index
      %get3A_1591 = tpu.vector_load %get3A_1588[%get3A_1589, %get3A_1590] {strides = array<i32>} : memref<128x64xf32, #tpu.memory_space<vmem>>, vector<1x16xf32>,
      %get3A_1592 = vector.shape_cast %get3A_1591 : vector<1x16xf32> to vector<16xf32>
      %get3A_1593 = arith.index_cast %scan3A_1462 : i32 to index
      %get3A_1594 = arith.constant 16 : index
      %get3A_1595 = tpu.vector_load %arg8[%get3A_1593, %get3A_1594] {strides = array<i32>} : memref<64x64xf32, #tpu.memory_space<vmem>>, vector<1x16xf32>,
      %get3A_1596 = vector.shape_cast %get3A_1595 : vector<1x16xf32> to vector<16xf32>
      %add3A_1597 = arith.addf %get3A_1592, %get3A_1596 : vector<16xf32>
      %swap3A_1598 = arith.constant 0 : i32
      %swap3A_1599 = arith.constant 0 : i32
      %swap3A_1600 = tpu.memref_slice %arg9[%scan3A_964, %swap3A_1598, %swap3A_1599] : memref<8x128x64xf32, #tpu.memory_space<vmem>> -> memref<1x128x64xf32, #tpu.memory_space<vmem>>
      %swap3A_1601 = tpu.memref_squeeze %swap3A_1600 : memref<1x128x64xf32, #tpu.memory_space<vmem>> -> memref<128x64xf32, #tpu.memory_space<vmem>>
      %swap3A_1602 = arith.index_cast %add3A_1584 : i32 to index
      %swap3A_1603 = arith.constant 16 : index
      %swap3A_1604 = tpu.vector_load %swap3A_1601[%swap3A_1602, %swap3A_1603] {strides = array<i32>} : memref<128x64xf32, #tpu.memory_space<vmem>>, vector<1x16xf32>,
      %swap3A_1605 = vector.shape_cast %swap3A_1604 : vector<1x16xf32> to vector<16xf32>
      %swap3A_1606 = vector.shape_cast %add3A_1597 : vector<16xf32> to vector<1x16xf32>
      tpu.vector_store %swap3A_1601[%swap3A_1602, %swap3A_1603], %swap3A_1606 {strides = array<i32>} : memref<128x64xf32, #tpu.memory_space<vmem>>, vector<1x16xf32>,
      %add3A_1607 = arith.constant 64 : i32
      %add3A_1608 = arith.addi %add3A_1607, %scan3A_1462 : i32
      %get3A_1609 = arith.constant 0 : i32
      %get3A_1610 = arith.constant 0 : i32
      %get3A_1611 = tpu.memref_slice %arg9[%scan3A_964, %get3A_1609, %get3A_1610] : memref<8x128x64xf32, #tpu.memory_space<vmem>> -> memref<1x128x64xf32, #tpu.memory_space<vmem>>
      %get3A_1612 = tpu.memref_squeeze %get3A_1611 : memref<1x128x64xf32, #tpu.memory_space<vmem>> -> memref<128x64xf32, #tpu.memory_space<vmem>>
      %get3A_1613 = arith.index_cast %add3A_1608 : i32 to index
      %get3A_1614 = arith.constant 32 : index
      %get3A_1615 = tpu.vector_load %get3A_1612[%get3A_1613, %get3A_1614] {strides = array<i32>} : memref<128x64xf32, #tpu.memory_space<vmem>>, vector<1x16xf32>,
      %get3A_1616 = vector.shape_cast %get3A_1615 : vector<1x16xf32> to vector<16xf32>
      %get3A_1617 = arith.index_cast %scan3A_1462 : i32 to index
      %get3A_1618 = arith.constant 32 : index
      %get3A_1619 = tpu.vector_load %arg8[%get3A_1617, %get3A_1618] {strides = array<i32>} : memref<64x64xf32, #tpu.memory_space<vmem>>, vector<1x16xf32>,
      %get3A_1620 = vector.shape_cast %get3A_1619 : vector<1x16xf32> to vector<16xf32>
      %add3A_1621 = arith.addf %get3A_1616, %get3A_1620 : vector<16xf32>
      %swap3A_1622 = arith.constant 0 : i32
      %swap3A_1623 = arith.constant 0 : i32
      %swap3A_1624 = tpu.memref_slice %arg9[%scan3A_964, %swap3A_1622, %swap3A_1623] : memref<8x128x64xf32, #tpu.memory_space<vmem>> -> memref<1x128x64xf32, #tpu.memory_space<vmem>>
      %swap3A_1625 = tpu.memref_squeeze %swap3A_1624 : memref<1x128x64xf32, #tpu.memory_space<vmem>> -> memref<128x64xf32, #tpu.memory_space<vmem>>
      %swap3A_1626 = arith.index_cast %add3A_1608 : i32 to index
      %swap3A_1627 = arith.constant 32 : index
      %swap3A_1628 = tpu.vector_load %swap3A_1625[%swap3A_1626, %swap3A_1627] {strides = array<i32>} : memref<128x64xf32, #tpu.memory_space<vmem>>, vector<1x16xf32>,
      %swap3A_1629 = vector.shape_cast %swap3A_1628 : vector<1x16xf32> to vector<16xf32>
      %swap3A_1630 = vector.shape_cast %add3A_1621 : vector<16xf32> to vector<1x16xf32>
      tpu.vector_store %swap3A_1625[%swap3A_1626, %swap3A_1627], %swap3A_1630 {strides = array<i32>} : memref<128x64xf32, #tpu.memory_space<vmem>>, vector<1x16xf32>,
      %add3A_1631 = arith.constant 64 : i32
      %add3A_1632 = arith.addi %add3A_1631, %scan3A_1462 : i32
      %get3A_1633 = arith.constant 0 : i32
      %get3A_1634 = arith.constant 0 : i32
      %get3A_1635 = tpu.memref_slice %arg9[%scan3A_964, %get3A_1633, %get3A_1634] : memref<8x128x64xf32, #tpu.memory_space<vmem>> -> memref<1x128x64xf32, #tpu.memory_space<vmem>>
      %get3A_1636 = tpu.memref_squeeze %get3A_1635 : memref<1x128x64xf32, #tpu.memory_space<vmem>> -> memref<128x64xf32, #tpu.memory_space<vmem>>
      %get3A_1637 = arith.index_cast %add3A_1632 : i32 to index
      %get3A_1638 = arith.constant 48 : index
      %get3A_1639 = tpu.vector_load %get3A_1636[%get3A_1637, %get3A_1638] {strides = array<i32>} : memref<128x64xf32, #tpu.memory_space<vmem>>, vector<1x16xf32>,
      %get3A_1640 = vector.shape_cast %get3A_1639 : vector<1x16xf32> to vector<16xf32>
      %get3A_1641 = arith.index_cast %scan3A_1462 : i32 to index
      %get3A_1642 = arith.constant 48 : index
      %get3A_1643 = tpu.vector_load %arg8[%get3A_1641, %get3A_1642] {strides = array<i32>} : memref<64x64xf32, #tpu.memory_space<vmem>>, vector<1x16xf32>,
      %get3A_1644 = vector.shape_cast %get3A_1643 : vector<1x16xf32> to vector<16xf32>
      %add3A_1645 = arith.addf %get3A_1640, %get3A_1644 : vector<16xf32>
      %swap3A_1646 = arith.constant 0 : i32
      %swap3A_1647 = arith.constant 0 : i32
      %swap3A_1648 = tpu.memref_slice %arg9[%scan3A_964, %swap3A_1646, %swap3A_1647] : memref<8x128x64xf32, #tpu.memory_space<vmem>> -> memref<1x128x64xf32, #tpu.memory_space<vmem>>
      %swap3A_1649 = tpu.memref_squeeze %swap3A_1648 : memref<1x128x64xf32, #tpu.memory_space<vmem>> -> memref<128x64xf32, #tpu.memory_space<vmem>>
      %swap3A_1650 = arith.index_cast %add3A_1632 : i32 to index
      %swap3A_1651 = arith.constant 48 : index
      %swap3A_1652 = tpu.vector_load %swap3A_1649[%swap3A_1650, %swap3A_1651] {strides = array<i32>} : memref<128x64xf32, #tpu.memory_space<vmem>>, vector<1x16xf32>,
      %swap3A_1653 = vector.shape_cast %swap3A_1652 : vector<1x16xf32> to vector<16xf32>
      %swap3A_1654 = vector.shape_cast %add3A_1645 : vector<16xf32> to vector<1x16xf32>
      tpu.vector_store %swap3A_1649[%swap3A_1650, %swap3A_1651], %swap3A_1654 {strides = array<i32>} : memref<128x64xf32, #tpu.memory_space<vmem>>, vector<1x16xf32>,
    }
    %scan3A_969 = arith.constant 64 : i32
    %dma_start3A_970 = arith.constant 3 : i32
    %dma_start3A_971 = arith.constant 6 : i32
    %dma_start3A_972 = arith.constant 0 : i32
    %dma_start3A_973 = arith.constant 0 : i32
    %dma_start3A_974 = tpu.memref_slice %arg9[%dma_start3A_970, %dma_start3A_972, %dma_start3A_973] : memref<8x128x64xf32, #tpu.memory_space<vmem>> -> memref<1x64x64xf32, #tpu.memory_space<vmem>>
    %dma_start3A_975 = tpu.memref_squeeze %dma_start3A_974 : memref<1x64x64xf32, #tpu.memory_space<vmem>> -> memref<64x64xf32, #tpu.memory_space<vmem>>
    %dma_start3A_976 = arith.constant 0 : i32
    %dma_start3A_977 = tpu.memref_slice %arg5[%dma_start3A_971, %mul3A_2, %dma_start3A_976] : memref<16x2048x64xf32, #tpu.memory_space<hbm>> -> memref<1x64x64xf32, #tpu.memory_space<hbm>>
    %dma_start3A_978 = tpu.memref_squeeze %dma_start3A_977 : memref<1x64x64xf32, #tpu.memory_space<hbm>> -> memref<64x64xf32, #tpu.memory_space<hbm>>
    %dma_start3A_979 = arith.constant 0 : i32
    %dma_start3A_980 = tpu.memref_slice %arg5[%dma_start3A_971, %mul3A_2, %dma_start3A_979] : memref<16x2048x64xf32, #tpu.memory_space<hbm>> -> memref<1x64x64xf32, #tpu.memory_space<hbm>>
    %dma_start3A_981 = tpu.memref_squeeze %dma_start3A_980 : memref<1x64x64xf32, #tpu.memory_space<hbm>> -> memref<64x64xf32, #tpu.memory_space<hbm>>
    %dma_start3A_982 = arith.constant 0 : i32
    %dma_start3A_983 = arith.constant 0 : i32
    %dma_start3A_984 = tpu.memref_slice %arg9[%dma_start3A_970, %dma_start3A_982, %dma_start3A_983] : memref<8x128x64xf32, #tpu.memory_space<vmem>> -> memref<1x64x64xf32, #tpu.memory_space<vmem>>
    %dma_start3A_985 = tpu.memref_squeeze %dma_start3A_984 : memref<1x64x64xf32, #tpu.memory_space<vmem>> -> memref<64x64xf32, #tpu.memory_space<vmem>>
    tpu.enqueue_dma source(%dma_start3A_985 : memref<64x64xf32, #tpu.memory_space<vmem>>) target(%dma_start3A_981 : memref<64x64xf32, #tpu.memory_space<hbm>>) target_semaphore(%arg19 : memref<!tpu.dma_semaphore, #tpu.memory_space<semaphore_mem>>)
    %dma_start3A_986 = arith.constant 3 : i32
    %dma_start3A_987 = arith.constant 7 : i32
    %dma_start3A_988 = arith.constant 64 : i32
    %dma_start3A_989 = arith.constant 0 : i32
    %dma_start3A_990 = tpu.memref_slice %arg9[%dma_start3A_986, %dma_start3A_988, %dma_start3A_989] : memref<8x128x64xf32, #tpu.memory_space<vmem>> -> memref<1x64x64xf32, #tpu.memory_space<vmem>>
    %dma_start3A_991 = tpu.memref_squeeze %dma_start3A_990 : memref<1x64x64xf32, #tpu.memory_space<vmem>> -> memref<64x64xf32, #tpu.memory_space<vmem>>
    %dma_start3A_992 = arith.constant 0 : i32
    %dma_start3A_993 = tpu.memref_slice %arg5[%dma_start3A_987, %mul3A_2, %dma_start3A_992] : memref<16x2048x64xf32, #tpu.memory_space<hbm>> -> memref<1x64x64xf32, #tpu.memory_space<hbm>>
    %dma_start3A_994 = tpu.memref_squeeze %dma_start3A_993 : memref<1x64x64xf32, #tpu.memory_space<hbm>> -> memref<64x64xf32, #tpu.memory_space<hbm>>
    %dma_start3A_995 = arith.constant 0 : i32
    %dma_start3A_996 = tpu.memref_slice %arg5[%dma_start3A_987, %mul3A_2, %dma_start3A_995] : memref<16x2048x64xf32, #tpu.memory_space<hbm>> -> memref<1x64x64xf32, #tpu.memory_space<hbm>>
    %dma_start3A_997 = tpu.memref_squeeze %dma_start3A_996 : memref<1x64x64xf32, #tpu.memory_space<hbm>> -> memref<64x64xf32, #tpu.memory_space<hbm>>
    %dma_start3A_998 = arith.constant 64 : i32
    %dma_start3A_999 = arith.constant 0 : i32
    %dma_start3A_1000 = tpu.memref_slice %arg9[%dma_start3A_986, %dma_start3A_998, %dma_start3A_999] : memref<8x128x64xf32, #tpu.memory_space<vmem>> -> memref<1x64x64xf32, #tpu.memory_space<vmem>>
    %dma_start3A_1001 = tpu.memref_squeeze %dma_start3A_1000 : memref<1x64x64xf32, #tpu.memory_space<vmem>> -> memref<64x64xf32, #tpu.memory_space<vmem>>
    tpu.enqueue_dma source(%dma_start3A_1001 : memref<64x64xf32, #tpu.memory_space<vmem>>) target(%dma_start3A_997 : memref<64x64xf32, #tpu.memory_space<hbm>>) target_semaphore(%arg19 : memref<!tpu.dma_semaphore, #tpu.memory_space<semaphore_mem>>)
    %dma_wait3A_1002 = arith.constant 4 : i32
    %dma_wait3A_1003 = arith.constant 4 : i32
    %dma_wait3A_1004 = arith.constant 0 : i32
    %dma_wait3A_1005 = arith.constant 0 : i32
    %dma_wait3A_1006 = tpu.memref_slice %arg9[%dma_wait3A_1003, %dma_wait3A_1004, %dma_wait3A_1005] : memref<8x128x64xf32, #tpu.memory_space<vmem>> -> memref<1x128x64xf32, #tpu.memory_space<vmem>>
    %dma_wait3A_1007 = tpu.memref_squeeze %dma_wait3A_1006 : memref<1x128x64xf32, #tpu.memory_space<vmem>> -> memref<128x64xf32, #tpu.memory_space<vmem>>
    %dma_wait3A_1008 = arith.constant 0 : i32
    %dma_wait3A_1009 = tpu.memref_slice %arg7[%dma_wait3A_1002, %dma_wait3A_1008] : memref<8x128xi32, #tpu.memory_space<vmem>> -> memref<1x128xi32, #tpu.memory_space<vmem>>
    %dma_wait3A_1010 = tpu.memref_squeeze %dma_wait3A_1009 : memref<1x128xi32, #tpu.memory_space<vmem>> -> memref<128xi32, #tpu.memory_space<vmem>>
    %dma_wait3A_1011 = arith.constant 0 : i32
    %dma_wait3A_1012 = arith.constant 0 : i32
    %dma_wait3A_1013 = tpu.memref_slice %arg3[%dma_wait3A_1011, %dma_wait3A_1012] : memref<100000x64xf32, #tpu.memory_space<hbm>> -> memref<100000x64xf32, #tpu.memory_space<hbm>>
    tpu.wait_indirect_dma semaphore(%arg14 : memref<!tpu.dma_semaphore, #tpu.memory_space<semaphore_mem>>) src(%dma_wait3A_1013 : memref<100000x64xf32, #tpu.memory_space<hbm>>) dst(%dma_wait3A_1007 : memref<128x64xf32, #tpu.memory_space<vmem>>)
    %scan3A_1014 = arith.constant 0 : i32
    %scan3A_1015 = arith.constant 4 : i32
    %scan3A_1016 = arith.constant 0 : i32
    %scan3A_1017 = arith.constant 64 : i32
    %scan3A_1018 = arith.addi %scan3A_1016, %scan3A_1017 : i32
    %scan3A_1019 = arith.constant 1 : i32
    scf.for %scan3A_1462 = %scan3A_1016 to %scan3A_1018 step %scan3A_1019  : i32 {
      %add3A_1463 = arith.constant 0 : i32
      %add3A_1464 = arith.addi %add3A_1463, %scan3A_1462 : i32
      %get3A_1465 = arith.constant 0 : i32
      %get3A_1466 = arith.constant 0 : i32
      %get3A_1467 = tpu.memref_slice %arg9[%scan3A_1015, %get3A_1465, %get3A_1466] : memref<8x128x64xf32, #tpu.memory_space<vmem>> -> memref<1x128x64xf32, #tpu.memory_space<vmem>>
      %get3A_1468 = tpu.memref_squeeze %get3A_1467 : memref<1x128x64xf32, #tpu.memory_space<vmem>> -> memref<128x64xf32, #tpu.memory_space<vmem>>
      %get3A_1469 = arith.index_cast %add3A_1464 : i32 to index
      %get3A_1470 = arith.constant 0 : index
      %get3A_1471 = tpu.vector_load %get3A_1468[%get3A_1469, %get3A_1470] {strides = array<i32>} : memref<128x64xf32, #tpu.memory_space<vmem>>, vector<1x16xf32>,
      %get3A_1472 = vector.shape_cast %get3A_1471 : vector<1x16xf32> to vector<16xf32>
      %get3A_1473 = arith.index_cast %scan3A_1462 : i32 to index
      %get3A_1474 = arith.constant 0 : index
      %get3A_1475 = tpu.vector_load %arg8[%get3A_1473, %get3A_1474] {strides = array<i32>} : memref<64x64xf32, #tpu.memory_space<vmem>>, vector<1x16xf32>,
      %get3A_1476 = vector.shape_cast %get3A_1475 : vector<1x16xf32> to vector<16xf32>
      %add3A_1477 = arith.addf %get3A_1472, %get3A_1476 : vector<16xf32>
      %swap3A_1478 = arith.constant 0 : i32
      %swap3A_1479 = arith.constant 0 : i32
      %swap3A_1480 = tpu.memref_slice %arg9[%scan3A_1015, %swap3A_1478, %swap3A_1479] : memref<8x128x64xf32, #tpu.memory_space<vmem>> -> memref<1x128x64xf32, #tpu.memory_space<vmem>>
      %swap3A_1481 = tpu.memref_squeeze %swap3A_1480 : memref<1x128x64xf32, #tpu.memory_space<vmem>> -> memref<128x64xf32, #tpu.memory_space<vmem>>
      %swap3A_1482 = arith.index_cast %add3A_1464 : i32 to index
      %swap3A_1483 = arith.constant 0 : index
      %swap3A_1484 = tpu.vector_load %swap3A_1481[%swap3A_1482, %swap3A_1483] {strides = array<i32>} : memref<128x64xf32, #tpu.memory_space<vmem>>, vector<1x16xf32>,
      %swap3A_1485 = vector.shape_cast %swap3A_1484 : vector<1x16xf32> to vector<16xf32>
      %swap3A_1486 = vector.shape_cast %add3A_1477 : vector<16xf32> to vector<1x16xf32>
      tpu.vector_store %swap3A_1481[%swap3A_1482, %swap3A_1483], %swap3A_1486 {strides = array<i32>} : memref<128x64xf32, #tpu.memory_space<vmem>>, vector<1x16xf32>,
      %add3A_1487 = arith.constant 0 : i32
      %add3A_1488 = arith.addi %add3A_1487, %scan3A_1462 : i32
      %get3A_1489 = arith.constant 0 : i32
      %get3A_1490 = arith.constant 0 : i32
      %get3A_1491 = tpu.memref_slice %arg9[%scan3A_1015, %get3A_1489, %get3A_1490] : memref<8x128x64xf32, #tpu.memory_space<vmem>> -> memref<1x128x64xf32, #tpu.memory_space<vmem>>
      %get3A_1492 = tpu.memref_squeeze %get3A_1491 : memref<1x128x64xf32, #tpu.memory_space<vmem>> -> memref<128x64xf32, #tpu.memory_space<vmem>>
      %get3A_1493 = arith.index_cast %add3A_1488 : i32 to index
      %get3A_1494 = arith.constant 16 : index
      %get3A_1495 = tpu.vector_load %get3A_1492[%get3A_1493, %get3A_1494] {strides = array<i32>} : memref<128x64xf32, #tpu.memory_space<vmem>>, vector<1x16xf32>,
      %get3A_1496 = vector.shape_cast %get3A_1495 : vector<1x16xf32> to vector<16xf32>
      %get3A_1497 = arith.index_cast %scan3A_1462 : i32 to index
      %get3A_1498 = arith.constant 16 : index
      %get3A_1499 = tpu.vector_load %arg8[%get3A_1497, %get3A_1498] {strides = array<i32>} : memref<64x64xf32, #tpu.memory_space<vmem>>, vector<1x16xf32>,
      %get3A_1500 = vector.shape_cast %get3A_1499 : vector<1x16xf32> to vector<16xf32>
      %add3A_1501 = arith.addf %get3A_1496, %get3A_1500 : vector<16xf32>
      %swap3A_1502 = arith.constant 0 : i32
      %swap3A_1503 = arith.constant 0 : i32
      %swap3A_1504 = tpu.memref_slice %arg9[%scan3A_1015, %swap3A_1502, %swap3A_1503] : memref<8x128x64xf32, #tpu.memory_space<vmem>> -> memref<1x128x64xf32, #tpu.memory_space<vmem>>
      %swap3A_1505 = tpu.memref_squeeze %swap3A_1504 : memref<1x128x64xf32, #tpu.memory_space<vmem>> -> memref<128x64xf32, #tpu.memory_space<vmem>>
      %swap3A_1506 = arith.index_cast %add3A_1488 : i32 to index
      %swap3A_1507 = arith.constant 16 : index
      %swap3A_1508 = tpu.vector_load %swap3A_1505[%swap3A_1506, %swap3A_1507] {strides = array<i32>} : memref<128x64xf32, #tpu.memory_space<vmem>>, vector<1x16xf32>,
      %swap3A_1509 = vector.shape_cast %swap3A_1508 : vector<1x16xf32> to vector<16xf32>
      %swap3A_1510 = vector.shape_cast %add3A_1501 : vector<16xf32> to vector<1x16xf32>
      tpu.vector_store %swap3A_1505[%swap3A_1506, %swap3A_1507], %swap3A_1510 {strides = array<i32>} : memref<128x64xf32, #tpu.memory_space<vmem>>, vector<1x16xf32>,
      %add3A_1511 = arith.constant 0 : i32
      %add3A_1512 = arith.addi %add3A_1511, %scan3A_1462 : i32
      %get3A_1513 = arith.constant 0 : i32
      %get3A_1514 = arith.constant 0 : i32
      %get3A_1515 = tpu.memref_slice %arg9[%scan3A_1015, %get3A_1513, %get3A_1514] : memref<8x128x64xf32, #tpu.memory_space<vmem>> -> memref<1x128x64xf32, #tpu.memory_space<vmem>>
      %get3A_1516 = tpu.memref_squeeze %get3A_1515 : memref<1x128x64xf32, #tpu.memory_space<vmem>> -> memref<128x64xf32, #tpu.memory_space<vmem>>
      %get3A_1517 = arith.index_cast %add3A_1512 : i32 to index
      %get3A_1518 = arith.constant 32 : index
      %get3A_1519 = tpu.vector_load %get3A_1516[%get3A_1517, %get3A_1518] {strides = array<i32>} : memref<128x64xf32, #tpu.memory_space<vmem>>, vector<1x16xf32>,
      %get3A_1520 = vector.shape_cast %get3A_1519 : vector<1x16xf32> to vector<16xf32>
      %get3A_1521 = arith.index_cast %scan3A_1462 : i32 to index
      %get3A_1522 = arith.constant 32 : index
      %get3A_1523 = tpu.vector_load %arg8[%get3A_1521, %get3A_1522] {strides = array<i32>} : memref<64x64xf32, #tpu.memory_space<vmem>>, vector<1x16xf32>,
      %get3A_1524 = vector.shape_cast %get3A_1523 : vector<1x16xf32> to vector<16xf32>
      %add3A_1525 = arith.addf %get3A_1520, %get3A_1524 : vector<16xf32>
      %swap3A_1526 = arith.constant 0 : i32
      %swap3A_1527 = arith.constant 0 : i32
      %swap3A_1528 = tpu.memref_slice %arg9[%scan3A_1015, %swap3A_1526, %swap3A_1527] : memref<8x128x64xf32, #tpu.memory_space<vmem>> -> memref<1x128x64xf32, #tpu.memory_space<vmem>>
      %swap3A_1529 = tpu.memref_squeeze %swap3A_1528 : memref<1x128x64xf32, #tpu.memory_space<vmem>> -> memref<128x64xf32, #tpu.memory_space<vmem>>
      %swap3A_1530 = arith.index_cast %add3A_1512 : i32 to index
      %swap3A_1531 = arith.constant 32 : index
      %swap3A_1532 = tpu.vector_load %swap3A_1529[%swap3A_1530, %swap3A_1531] {strides = array<i32>} : memref<128x64xf32, #tpu.memory_space<vmem>>, vector<1x16xf32>,
      %swap3A_1533 = vector.shape_cast %swap3A_1532 : vector<1x16xf32> to vector<16xf32>
      %swap3A_1534 = vector.shape_cast %add3A_1525 : vector<16xf32> to vector<1x16xf32>
      tpu.vector_store %swap3A_1529[%swap3A_1530, %swap3A_1531], %swap3A_1534 {strides = array<i32>} : memref<128x64xf32, #tpu.memory_space<vmem>>, vector<1x16xf32>,
      %add3A_1535 = arith.constant 0 : i32
      %add3A_1536 = arith.addi %add3A_1535, %scan3A_1462 : i32
      %get3A_1537 = arith.constant 0 : i32
      %get3A_1538 = arith.constant 0 : i32
      %get3A_1539 = tpu.memref_slice %arg9[%scan3A_1015, %get3A_1537, %get3A_1538] : memref<8x128x64xf32, #tpu.memory_space<vmem>> -> memref<1x128x64xf32, #tpu.memory_space<vmem>>
      %get3A_1540 = tpu.memref_squeeze %get3A_1539 : memref<1x128x64xf32, #tpu.memory_space<vmem>> -> memref<128x64xf32, #tpu.memory_space<vmem>>
      %get3A_1541 = arith.index_cast %add3A_1536 : i32 to index
      %get3A_1542 = arith.constant 48 : index
      %get3A_1543 = tpu.vector_load %get3A_1540[%get3A_1541, %get3A_1542] {strides = array<i32>} : memref<128x64xf32, #tpu.memory_space<vmem>>, vector<1x16xf32>,
      %get3A_1544 = vector.shape_cast %get3A_1543 : vector<1x16xf32> to vector<16xf32>
      %get3A_1545 = arith.index_cast %scan3A_1462 : i32 to index
      %get3A_1546 = arith.constant 48 : index
      %get3A_1547 = tpu.vector_load %arg8[%get3A_1545, %get3A_1546] {strides = array<i32>} : memref<64x64xf32, #tpu.memory_space<vmem>>, vector<1x16xf32>,
      %get3A_1548 = vector.shape_cast %get3A_1547 : vector<1x16xf32> to vector<16xf32>
      %add3A_1549 = arith.addf %get3A_1544, %get3A_1548 : vector<16xf32>
      %swap3A_1550 = arith.constant 0 : i32
      %swap3A_1551 = arith.constant 0 : i32
      %swap3A_1552 = tpu.memref_slice %arg9[%scan3A_1015, %swap3A_1550, %swap3A_1551] : memref<8x128x64xf32, #tpu.memory_space<vmem>> -> memref<1x128x64xf32, #tpu.memory_space<vmem>>
      %swap3A_1553 = tpu.memref_squeeze %swap3A_1552 : memref<1x128x64xf32, #tpu.memory_space<vmem>> -> memref<128x64xf32, #tpu.memory_space<vmem>>
      %swap3A_1554 = arith.index_cast %add3A_1536 : i32 to index
      %swap3A_1555 = arith.constant 48 : index
      %swap3A_1556 = tpu.vector_load %swap3A_1553[%swap3A_1554, %swap3A_1555] {strides = array<i32>} : memref<128x64xf32, #tpu.memory_space<vmem>>, vector<1x16xf32>,
      %swap3A_1557 = vector.shape_cast %swap3A_1556 : vector<1x16xf32> to vector<16xf32>
      %swap3A_1558 = vector.shape_cast %add3A_1549 : vector<16xf32> to vector<1x16xf32>
      tpu.vector_store %swap3A_1553[%swap3A_1554, %swap3A_1555], %swap3A_1558 {strides = array<i32>} : memref<128x64xf32, #tpu.memory_space<vmem>>, vector<1x16xf32>,
      %add3A_1559 = arith.constant 64 : i32
      %add3A_1560 = arith.addi %add3A_1559, %scan3A_1462 : i32
      %get3A_1561 = arith.constant 0 : i32
      %get3A_1562 = arith.constant 0 : i32
      %get3A_1563 = tpu.memref_slice %arg9[%scan3A_1015, %get3A_1561, %get3A_1562] : memref<8x128x64xf32, #tpu.memory_space<vmem>> -> memref<1x128x64xf32, #tpu.memory_space<vmem>>
      %get3A_1564 = tpu.memref_squeeze %get3A_1563 : memref<1x128x64xf32, #tpu.memory_space<vmem>> -> memref<128x64xf32, #tpu.memory_space<vmem>>
      %get3A_1565 = arith.index_cast %add3A_1560 : i32 to index
      %get3A_1566 = arith.constant 0 : index
      %get3A_1567 = tpu.vector_load %get3A_1564[%get3A_1565, %get3A_1566] {strides = array<i32>} : memref<128x64xf32, #tpu.memory_space<vmem>>, vector<1x16xf32>,
      %get3A_1568 = vector.shape_cast %get3A_1567 : vector<1x16xf32> to vector<16xf32>
      %get3A_1569 = arith.index_cast %scan3A_1462 : i32 to index
      %get3A_1570 = arith.constant 0 : index
      %get3A_1571 = tpu.vector_load %arg8[%get3A_1569, %get3A_1570] {strides = array<i32>} : memref<64x64xf32, #tpu.memory_space<vmem>>, vector<1x16xf32>,
      %get3A_1572 = vector.shape_cast %get3A_1571 : vector<1x16xf32> to vector<16xf32>
      %add3A_1573 = arith.addf %get3A_1568, %get3A_1572 : vector<16xf32>
      %swap3A_1574 = arith.constant 0 : i32
      %swap3A_1575 = arith.constant 0 : i32
      %swap3A_1576 = tpu.memref_slice %arg9[%scan3A_1015, %swap3A_1574, %swap3A_1575] : memref<8x128x64xf32, #tpu.memory_space<vmem>> -> memref<1x128x64xf32, #tpu.memory_space<vmem>>
      %swap3A_1577 = tpu.memref_squeeze %swap3A_1576 : memref<1x128x64xf32, #tpu.memory_space<vmem>> -> memref<128x64xf32, #tpu.memory_space<vmem>>
      %swap3A_1578 = arith.index_cast %add3A_1560 : i32 to index
      %swap3A_1579 = arith.constant 0 : index
      %swap3A_1580 = tpu.vector_load %swap3A_1577[%swap3A_1578, %swap3A_1579] {strides = array<i32>} : memref<128x64xf32, #tpu.memory_space<vmem>>, vector<1x16xf32>,
      %swap3A_1581 = vector.shape_cast %swap3A_1580 : vector<1x16xf32> to vector<16xf32>
      %swap3A_1582 = vector.shape_cast %add3A_1573 : vector<16xf32> to vector<1x16xf32>
      tpu.vector_store %swap3A_1577[%swap3A_1578, %swap3A_1579], %swap3A_1582 {strides = array<i32>} : memref<128x64xf32, #tpu.memory_space<vmem>>, vector<1x16xf32>,
      %add3A_1583 = arith.constant 64 : i32
      %add3A_1584 = arith.addi %add3A_1583, %scan3A_1462 : i32
      %get3A_1585 = arith.constant 0 : i32
      %get3A_1586 = arith.constant 0 : i32
      %get3A_1587 = tpu.memref_slice %arg9[%scan3A_1015, %get3A_1585, %get3A_1586] : memref<8x128x64xf32, #tpu.memory_space<vmem>> -> memref<1x128x64xf32, #tpu.memory_space<vmem>>
      %get3A_1588 = tpu.memref_squeeze %get3A_1587 : memref<1x128x64xf32, #tpu.memory_space<vmem>> -> memref<128x64xf32, #tpu.memory_space<vmem>>
      %get3A_1589 = arith.index_cast %add3A_1584 : i32 to index
      %get3A_1590 = arith.constant 16 : index
      %get3A_1591 = tpu.vector_load %get3A_1588[%get3A_1589, %get3A_1590] {strides = array<i32>} : memref<128x64xf32, #tpu.memory_space<vmem>>, vector<1x16xf32>,
      %get3A_1592 = vector.shape_cast %get3A_1591 : vector<1x16xf32> to vector<16xf32>
      %get3A_1593 = arith.index_cast %scan3A_1462 : i32 to index
      %get3A_1594 = arith.constant 16 : index
      %get3A_1595 = tpu.vector_load %arg8[%get3A_1593, %get3A_1594] {strides = array<i32>} : memref<64x64xf32, #tpu.memory_space<vmem>>, vector<1x16xf32>,
      %get3A_1596 = vector.shape_cast %get3A_1595 : vector<1x16xf32> to vector<16xf32>
      %add3A_1597 = arith.addf %get3A_1592, %get3A_1596 : vector<16xf32>
      %swap3A_1598 = arith.constant 0 : i32
      %swap3A_1599 = arith.constant 0 : i32
      %swap3A_1600 = tpu.memref_slice %arg9[%scan3A_1015, %swap3A_1598, %swap3A_1599] : memref<8x128x64xf32, #tpu.memory_space<vmem>> -> memref<1x128x64xf32, #tpu.memory_space<vmem>>
      %swap3A_1601 = tpu.memref_squeeze %swap3A_1600 : memref<1x128x64xf32, #tpu.memory_space<vmem>> -> memref<128x64xf32, #tpu.memory_space<vmem>>
      %swap3A_1602 = arith.index_cast %add3A_1584 : i32 to index
      %swap3A_1603 = arith.constant 16 : index
      %swap3A_1604 = tpu.vector_load %swap3A_1601[%swap3A_1602, %swap3A_1603] {strides = array<i32>} : memref<128x64xf32, #tpu.memory_space<vmem>>, vector<1x16xf32>,
      %swap3A_1605 = vector.shape_cast %swap3A_1604 : vector<1x16xf32> to vector<16xf32>
      %swap3A_1606 = vector.shape_cast %add3A_1597 : vector<16xf32> to vector<1x16xf32>
      tpu.vector_store %swap3A_1601[%swap3A_1602, %swap3A_1603], %swap3A_1606 {strides = array<i32>} : memref<128x64xf32, #tpu.memory_space<vmem>>, vector<1x16xf32>,
      %add3A_1607 = arith.constant 64 : i32
      %add3A_1608 = arith.addi %add3A_1607, %scan3A_1462 : i32
      %get3A_1609 = arith.constant 0 : i32
      %get3A_1610 = arith.constant 0 : i32
      %get3A_1611 = tpu.memref_slice %arg9[%scan3A_1015, %get3A_1609, %get3A_1610] : memref<8x128x64xf32, #tpu.memory_space<vmem>> -> memref<1x128x64xf32, #tpu.memory_space<vmem>>
      %get3A_1612 = tpu.memref_squeeze %get3A_1611 : memref<1x128x64xf32, #tpu.memory_space<vmem>> -> memref<128x64xf32, #tpu.memory_space<vmem>>
      %get3A_1613 = arith.index_cast %add3A_1608 : i32 to index
      %get3A_1614 = arith.constant 32 : index
      %get3A_1615 = tpu.vector_load %get3A_1612[%get3A_1613, %get3A_1614] {strides = array<i32>} : memref<128x64xf32, #tpu.memory_space<vmem>>, vector<1x16xf32>,
      %get3A_1616 = vector.shape_cast %get3A_1615 : vector<1x16xf32> to vector<16xf32>
      %get3A_1617 = arith.index_cast %scan3A_1462 : i32 to index
      %get3A_1618 = arith.constant 32 : index
      %get3A_1619 = tpu.vector_load %arg8[%get3A_1617, %get3A_1618] {strides = array<i32>} : memref<64x64xf32, #tpu.memory_space<vmem>>, vector<1x16xf32>,
      %get3A_1620 = vector.shape_cast %get3A_1619 : vector<1x16xf32> to vector<16xf32>
      %add3A_1621 = arith.addf %get3A_1616, %get3A_1620 : vector<16xf32>
      %swap3A_1622 = arith.constant 0 : i32
      %swap3A_1623 = arith.constant 0 : i32
      %swap3A_1624 = tpu.memref_slice %arg9[%scan3A_1015, %swap3A_1622, %swap3A_1623] : memref<8x128x64xf32, #tpu.memory_space<vmem>> -> memref<1x128x64xf32, #tpu.memory_space<vmem>>
      %swap3A_1625 = tpu.memref_squeeze %swap3A_1624 : memref<1x128x64xf32, #tpu.memory_space<vmem>> -> memref<128x64xf32, #tpu.memory_space<vmem>>
      %swap3A_1626 = arith.index_cast %add3A_1608 : i32 to index
      %swap3A_1627 = arith.constant 32 : index
      %swap3A_1628 = tpu.vector_load %swap3A_1625[%swap3A_1626, %swap3A_1627] {strides = array<i32>} : memref<128x64xf32, #tpu.memory_space<vmem>>, vector<1x16xf32>,
      %swap3A_1629 = vector.shape_cast %swap3A_1628 : vector<1x16xf32> to vector<16xf32>
      %swap3A_1630 = vector.shape_cast %add3A_1621 : vector<16xf32> to vector<1x16xf32>
      tpu.vector_store %swap3A_1625[%swap3A_1626, %swap3A_1627], %swap3A_1630 {strides = array<i32>} : memref<128x64xf32, #tpu.memory_space<vmem>>, vector<1x16xf32>,
      %add3A_1631 = arith.constant 64 : i32
      %add3A_1632 = arith.addi %add3A_1631, %scan3A_1462 : i32
      %get3A_1633 = arith.constant 0 : i32
      %get3A_1634 = arith.constant 0 : i32
      %get3A_1635 = tpu.memref_slice %arg9[%scan3A_1015, %get3A_1633, %get3A_1634] : memref<8x128x64xf32, #tpu.memory_space<vmem>> -> memref<1x128x64xf32, #tpu.memory_space<vmem>>
      %get3A_1636 = tpu.memref_squeeze %get3A_1635 : memref<1x128x64xf32, #tpu.memory_space<vmem>> -> memref<128x64xf32, #tpu.memory_space<vmem>>
      %get3A_1637 = arith.index_cast %add3A_1632 : i32 to index
      %get3A_1638 = arith.constant 48 : index
      %get3A_1639 = tpu.vector_load %get3A_1636[%get3A_1637, %get3A_1638] {strides = array<i32>} : memref<128x64xf32, #tpu.memory_space<vmem>>, vector<1x16xf32>,
      %get3A_1640 = vector.shape_cast %get3A_1639 : vector<1x16xf32> to vector<16xf32>
      %get3A_1641 = arith.index_cast %scan3A_1462 : i32 to index
      %get3A_1642 = arith.constant 48 : index
      %get3A_1643 = tpu.vector_load %arg8[%get3A_1641, %get3A_1642] {strides = array<i32>} : memref<64x64xf32, #tpu.memory_space<vmem>>, vector<1x16xf32>,
      %get3A_1644 = vector.shape_cast %get3A_1643 : vector<1x16xf32> to vector<16xf32>
      %add3A_1645 = arith.addf %get3A_1640, %get3A_1644 : vector<16xf32>
      %swap3A_1646 = arith.constant 0 : i32
      %swap3A_1647 = arith.constant 0 : i32
      %swap3A_1648 = tpu.memref_slice %arg9[%scan3A_1015, %swap3A_1646, %swap3A_1647] : memref<8x128x64xf32, #tpu.memory_space<vmem>> -> memref<1x128x64xf32, #tpu.memory_space<vmem>>
      %swap3A_1649 = tpu.memref_squeeze %swap3A_1648 : memref<1x128x64xf32, #tpu.memory_space<vmem>> -> memref<128x64xf32, #tpu.memory_space<vmem>>
      %swap3A_1650 = arith.index_cast %add3A_1632 : i32 to index
      %swap3A_1651 = arith.constant 48 : index
      %swap3A_1652 = tpu.vector_load %swap3A_1649[%swap3A_1650, %swap3A_1651] {strides = array<i32>} : memref<128x64xf32, #tpu.memory_space<vmem>>, vector<1x16xf32>,
      %swap3A_1653 = vector.shape_cast %swap3A_1652 : vector<1x16xf32> to vector<16xf32>
      %swap3A_1654 = vector.shape_cast %add3A_1645 : vector<16xf32> to vector<1x16xf32>
      tpu.vector_store %swap3A_1649[%swap3A_1650, %swap3A_1651], %swap3A_1654 {strides = array<i32>} : memref<128x64xf32, #tpu.memory_space<vmem>>, vector<1x16xf32>,
    }
    %scan3A_1020 = arith.constant 64 : i32
    %dma_start3A_1021 = arith.constant 4 : i32
    %dma_start3A_1022 = arith.constant 8 : i32
    %dma_start3A_1023 = arith.constant 0 : i32
    %dma_start3A_1024 = arith.constant 0 : i32
    %dma_start3A_1025 = tpu.memref_slice %arg9[%dma_start3A_1021, %dma_start3A_1023, %dma_start3A_1024] : memref<8x128x64xf32, #tpu.memory_space<vmem>> -> memref<1x64x64xf32, #tpu.memory_space<vmem>>
    %dma_start3A_1026 = tpu.memref_squeeze %dma_start3A_1025 : memref<1x64x64xf32, #tpu.memory_space<vmem>> -> memref<64x64xf32, #tpu.memory_space<vmem>>
    %dma_start3A_1027 = arith.constant 0 : i32
    %dma_start3A_1028 = tpu.memref_slice %arg5[%dma_start3A_1022, %mul3A_2, %dma_start3A_1027] : memref<16x2048x64xf32, #tpu.memory_space<hbm>> -> memref<1x64x64xf32, #tpu.memory_space<hbm>>
    %dma_start3A_1029 = tpu.memref_squeeze %dma_start3A_1028 : memref<1x64x64xf32, #tpu.memory_space<hbm>> -> memref<64x64xf32, #tpu.memory_space<hbm>>
    %dma_start3A_1030 = arith.constant 0 : i32
    %dma_start3A_1031 = tpu.memref_slice %arg5[%dma_start3A_1022, %mul3A_2, %dma_start3A_1030] : memref<16x2048x64xf32, #tpu.memory_space<hbm>> -> memref<1x64x64xf32, #tpu.memory_space<hbm>>
    %dma_start3A_1032 = tpu.memref_squeeze %dma_start3A_1031 : memref<1x64x64xf32, #tpu.memory_space<hbm>> -> memref<64x64xf32, #tpu.memory_space<hbm>>
    %dma_start3A_1033 = arith.constant 0 : i32
    %dma_start3A_1034 = arith.constant 0 : i32
    %dma_start3A_1035 = tpu.memref_slice %arg9[%dma_start3A_1021, %dma_start3A_1033, %dma_start3A_1034] : memref<8x128x64xf32, #tpu.memory_space<vmem>> -> memref<1x64x64xf32, #tpu.memory_space<vmem>>
    %dma_start3A_1036 = tpu.memref_squeeze %dma_start3A_1035 : memref<1x64x64xf32, #tpu.memory_space<vmem>> -> memref<64x64xf32, #tpu.memory_space<vmem>>
    tpu.enqueue_dma source(%dma_start3A_1036 : memref<64x64xf32, #tpu.memory_space<vmem>>) target(%dma_start3A_1032 : memref<64x64xf32, #tpu.memory_space<hbm>>) target_semaphore(%arg18 : memref<!tpu.dma_semaphore, #tpu.memory_space<semaphore_mem>>)
    %dma_start3A_1037 = arith.constant 4 : i32
    %dma_start3A_1038 = arith.constant 9 : i32
    %dma_start3A_1039 = arith.constant 64 : i32
    %dma_start3A_1040 = arith.constant 0 : i32
    %dma_start3A_1041 = tpu.memref_slice %arg9[%dma_start3A_1037, %dma_start3A_1039, %dma_start3A_1040] : memref<8x128x64xf32, #tpu.memory_space<vmem>> -> memref<1x64x64xf32, #tpu.memory_space<vmem>>
    %dma_start3A_1042 = tpu.memref_squeeze %dma_start3A_1041 : memref<1x64x64xf32, #tpu.memory_space<vmem>> -> memref<64x64xf32, #tpu.memory_space<vmem>>
    %dma_start3A_1043 = arith.constant 0 : i32
    %dma_start3A_1044 = tpu.memref_slice %arg5[%dma_start3A_1038, %mul3A_2, %dma_start3A_1043] : memref<16x2048x64xf32, #tpu.memory_space<hbm>> -> memref<1x64x64xf32, #tpu.memory_space<hbm>>
    %dma_start3A_1045 = tpu.memref_squeeze %dma_start3A_1044 : memref<1x64x64xf32, #tpu.memory_space<hbm>> -> memref<64x64xf32, #tpu.memory_space<hbm>>
    %dma_start3A_1046 = arith.constant 0 : i32
    %dma_start3A_1047 = tpu.memref_slice %arg5[%dma_start3A_1038, %mul3A_2, %dma_start3A_1046] : memref<16x2048x64xf32, #tpu.memory_space<hbm>> -> memref<1x64x64xf32, #tpu.memory_space<hbm>>
    %dma_start3A_1048 = tpu.memref_squeeze %dma_start3A_1047 : memref<1x64x64xf32, #tpu.memory_space<hbm>> -> memref<64x64xf32, #tpu.memory_space<hbm>>
    %dma_start3A_1049 = arith.constant 64 : i32
    %dma_start3A_1050 = arith.constant 0 : i32
    %dma_start3A_1051 = tpu.memref_slice %arg9[%dma_start3A_1037, %dma_start3A_1049, %dma_start3A_1050] : memref<8x128x64xf32, #tpu.memory_space<vmem>> -> memref<1x64x64xf32, #tpu.memory_space<vmem>>
    %dma_start3A_1052 = tpu.memref_squeeze %dma_start3A_1051 : memref<1x64x64xf32, #tpu.memory_space<vmem>> -> memref<64x64xf32, #tpu.memory_space<vmem>>
    tpu.enqueue_dma source(%dma_start3A_1052 : memref<64x64xf32, #tpu.memory_space<vmem>>) target(%dma_start3A_1048 : memref<64x64xf32, #tpu.memory_space<hbm>>) target_semaphore(%arg18 : memref<!tpu.dma_semaphore, #tpu.memory_space<semaphore_mem>>)
    %dma_wait3A_1053 = arith.constant 5 : i32
    %dma_wait3A_1054 = arith.constant 5 : i32
    %dma_wait3A_1055 = arith.constant 0 : i32
    %dma_wait3A_1056 = arith.constant 0 : i32
    %dma_wait3A_1057 = tpu.memref_slice %arg9[%dma_wait3A_1054, %dma_wait3A_1055, %dma_wait3A_1056] : memref<8x128x64xf32, #tpu.memory_space<vmem>> -> memref<1x128x64xf32, #tpu.memory_space<vmem>>
    %dma_wait3A_1058 = tpu.memref_squeeze %dma_wait3A_1057 : memref<1x128x64xf32, #tpu.memory_space<vmem>> -> memref<128x64xf32, #tpu.memory_space<vmem>>
    %dma_wait3A_1059 = arith.constant 0 : i32
    %dma_wait3A_1060 = tpu.memref_slice %arg7[%dma_wait3A_1053, %dma_wait3A_1059] : memref<8x128xi32, #tpu.memory_space<vmem>> -> memref<1x128xi32, #tpu.memory_space<vmem>>
    %dma_wait3A_1061 = tpu.memref_squeeze %dma_wait3A_1060 : memref<1x128xi32, #tpu.memory_space<vmem>> -> memref<128xi32, #tpu.memory_space<vmem>>
    %dma_wait3A_1062 = arith.constant 0 : i32
    %dma_wait3A_1063 = arith.constant 0 : i32
    %dma_wait3A_1064 = tpu.memref_slice %arg3[%dma_wait3A_1062, %dma_wait3A_1063] : memref<100000x64xf32, #tpu.memory_space<hbm>> -> memref<100000x64xf32, #tpu.memory_space<hbm>>
    tpu.wait_indirect_dma semaphore(%arg15 : memref<!tpu.dma_semaphore, #tpu.memory_space<semaphore_mem>>) src(%dma_wait3A_1064 : memref<100000x64xf32, #tpu.memory_space<hbm>>) dst(%dma_wait3A_1058 : memref<128x64xf32, #tpu.memory_space<vmem>>)
    %scan3A_1065 = arith.constant 0 : i32
    %scan3A_1066 = arith.constant 5 : i32
    %scan3A_1067 = arith.constant 0 : i32
    %scan3A_1068 = arith.constant 64 : i32
    %scan3A_1069 = arith.addi %scan3A_1067, %scan3A_1068 : i32
    %scan3A_1070 = arith.constant 1 : i32
    scf.for %scan3A_1462 = %scan3A_1067 to %scan3A_1069 step %scan3A_1070  : i32 {
      %add3A_1463 = arith.constant 0 : i32
      %add3A_1464 = arith.addi %add3A_1463, %scan3A_1462 : i32
      %get3A_1465 = arith.constant 0 : i32
      %get3A_1466 = arith.constant 0 : i32
      %get3A_1467 = tpu.memref_slice %arg9[%scan3A_1066, %get3A_1465, %get3A_1466] : memref<8x128x64xf32, #tpu.memory_space<vmem>> -> memref<1x128x64xf32, #tpu.memory_space<vmem>>
      %get3A_1468 = tpu.memref_squeeze %get3A_1467 : memref<1x128x64xf32, #tpu.memory_space<vmem>> -> memref<128x64xf32, #tpu.memory_space<vmem>>
      %get3A_1469 = arith.index_cast %add3A_1464 : i32 to index
      %get3A_1470 = arith.constant 0 : index
      %get3A_1471 = tpu.vector_load %get3A_1468[%get3A_1469, %get3A_1470] {strides = array<i32>} : memref<128x64xf32, #tpu.memory_space<vmem>>, vector<1x16xf32>,
      %get3A_1472 = vector.shape_cast %get3A_1471 : vector<1x16xf32> to vector<16xf32>
      %get3A_1473 = arith.index_cast %scan3A_1462 : i32 to index
      %get3A_1474 = arith.constant 0 : index
      %get3A_1475 = tpu.vector_load %arg8[%get3A_1473, %get3A_1474] {strides = array<i32>} : memref<64x64xf32, #tpu.memory_space<vmem>>, vector<1x16xf32>,
      %get3A_1476 = vector.shape_cast %get3A_1475 : vector<1x16xf32> to vector<16xf32>
      %add3A_1477 = arith.addf %get3A_1472, %get3A_1476 : vector<16xf32>
      %swap3A_1478 = arith.constant 0 : i32
      %swap3A_1479 = arith.constant 0 : i32
      %swap3A_1480 = tpu.memref_slice %arg9[%scan3A_1066, %swap3A_1478, %swap3A_1479] : memref<8x128x64xf32, #tpu.memory_space<vmem>> -> memref<1x128x64xf32, #tpu.memory_space<vmem>>
      %swap3A_1481 = tpu.memref_squeeze %swap3A_1480 : memref<1x128x64xf32, #tpu.memory_space<vmem>> -> memref<128x64xf32, #tpu.memory_space<vmem>>
      %swap3A_1482 = arith.index_cast %add3A_1464 : i32 to index
      %swap3A_1483 = arith.constant 0 : index
      %swap3A_1484 = tpu.vector_load %swap3A_1481[%swap3A_1482, %swap3A_1483] {strides = array<i32>} : memref<128x64xf32, #tpu.memory_space<vmem>>, vector<1x16xf32>,
      %swap3A_1485 = vector.shape_cast %swap3A_1484 : vector<1x16xf32> to vector<16xf32>
      %swap3A_1486 = vector.shape_cast %add3A_1477 : vector<16xf32> to vector<1x16xf32>
      tpu.vector_store %swap3A_1481[%swap3A_1482, %swap3A_1483], %swap3A_1486 {strides = array<i32>} : memref<128x64xf32, #tpu.memory_space<vmem>>, vector<1x16xf32>,
      %add3A_1487 = arith.constant 0 : i32
      %add3A_1488 = arith.addi %add3A_1487, %scan3A_1462 : i32
      %get3A_1489 = arith.constant 0 : i32
      %get3A_1490 = arith.constant 0 : i32
      %get3A_1491 = tpu.memref_slice %arg9[%scan3A_1066, %get3A_1489, %get3A_1490] : memref<8x128x64xf32, #tpu.memory_space<vmem>> -> memref<1x128x64xf32, #tpu.memory_space<vmem>>
      %get3A_1492 = tpu.memref_squeeze %get3A_1491 : memref<1x128x64xf32, #tpu.memory_space<vmem>> -> memref<128x64xf32, #tpu.memory_space<vmem>>
      %get3A_1493 = arith.index_cast %add3A_1488 : i32 to index
      %get3A_1494 = arith.constant 16 : index
      %get3A_1495 = tpu.vector_load %get3A_1492[%get3A_1493, %get3A_1494] {strides = array<i32>} : memref<128x64xf32, #tpu.memory_space<vmem>>, vector<1x16xf32>,
      %get3A_1496 = vector.shape_cast %get3A_1495 : vector<1x16xf32> to vector<16xf32>
      %get3A_1497 = arith.index_cast %scan3A_1462 : i32 to index
      %get3A_1498 = arith.constant 16 : index
      %get3A_1499 = tpu.vector_load %arg8[%get3A_1497, %get3A_1498] {strides = array<i32>} : memref<64x64xf32, #tpu.memory_space<vmem>>, vector<1x16xf32>,
      %get3A_1500 = vector.shape_cast %get3A_1499 : vector<1x16xf32> to vector<16xf32>
      %add3A_1501 = arith.addf %get3A_1496, %get3A_1500 : vector<16xf32>
      %swap3A_1502 = arith.constant 0 : i32
      %swap3A_1503 = arith.constant 0 : i32
      %swap3A_1504 = tpu.memref_slice %arg9[%scan3A_1066, %swap3A_1502, %swap3A_1503] : memref<8x128x64xf32, #tpu.memory_space<vmem>> -> memref<1x128x64xf32, #tpu.memory_space<vmem>>
      %swap3A_1505 = tpu.memref_squeeze %swap3A_1504 : memref<1x128x64xf32, #tpu.memory_space<vmem>> -> memref<128x64xf32, #tpu.memory_space<vmem>>
      %swap3A_1506 = arith.index_cast %add3A_1488 : i32 to index
      %swap3A_1507 = arith.constant 16 : index
      %swap3A_1508 = tpu.vector_load %swap3A_1505[%swap3A_1506, %swap3A_1507] {strides = array<i32>} : memref<128x64xf32, #tpu.memory_space<vmem>>, vector<1x16xf32>,
      %swap3A_1509 = vector.shape_cast %swap3A_1508 : vector<1x16xf32> to vector<16xf32>
      %swap3A_1510 = vector.shape_cast %add3A_1501 : vector<16xf32> to vector<1x16xf32>
      tpu.vector_store %swap3A_1505[%swap3A_1506, %swap3A_1507], %swap3A_1510 {strides = array<i32>} : memref<128x64xf32, #tpu.memory_space<vmem>>, vector<1x16xf32>,
      %add3A_1511 = arith.constant 0 : i32
      %add3A_1512 = arith.addi %add3A_1511, %scan3A_1462 : i32
      %get3A_1513 = arith.constant 0 : i32
      %get3A_1514 = arith.constant 0 : i32
      %get3A_1515 = tpu.memref_slice %arg9[%scan3A_1066, %get3A_1513, %get3A_1514] : memref<8x128x64xf32, #tpu.memory_space<vmem>> -> memref<1x128x64xf32, #tpu.memory_space<vmem>>
      %get3A_1516 = tpu.memref_squeeze %get3A_1515 : memref<1x128x64xf32, #tpu.memory_space<vmem>> -> memref<128x64xf32, #tpu.memory_space<vmem>>
      %get3A_1517 = arith.index_cast %add3A_1512 : i32 to index
      %get3A_1518 = arith.constant 32 : index
      %get3A_1519 = tpu.vector_load %get3A_1516[%get3A_1517, %get3A_1518] {strides = array<i32>} : memref<128x64xf32, #tpu.memory_space<vmem>>, vector<1x16xf32>,
      %get3A_1520 = vector.shape_cast %get3A_1519 : vector<1x16xf32> to vector<16xf32>
      %get3A_1521 = arith.index_cast %scan3A_1462 : i32 to index
      %get3A_1522 = arith.constant 32 : index
      %get3A_1523 = tpu.vector_load %arg8[%get3A_1521, %get3A_1522] {strides = array<i32>} : memref<64x64xf32, #tpu.memory_space<vmem>>, vector<1x16xf32>,
      %get3A_1524 = vector.shape_cast %get3A_1523 : vector<1x16xf32> to vector<16xf32>
      %add3A_1525 = arith.addf %get3A_1520, %get3A_1524 : vector<16xf32>
      %swap3A_1526 = arith.constant 0 : i32
      %swap3A_1527 = arith.constant 0 : i32
      %swap3A_1528 = tpu.memref_slice %arg9[%scan3A_1066, %swap3A_1526, %swap3A_1527] : memref<8x128x64xf32, #tpu.memory_space<vmem>> -> memref<1x128x64xf32, #tpu.memory_space<vmem>>
      %swap3A_1529 = tpu.memref_squeeze %swap3A_1528 : memref<1x128x64xf32, #tpu.memory_space<vmem>> -> memref<128x64xf32, #tpu.memory_space<vmem>>
      %swap3A_1530 = arith.index_cast %add3A_1512 : i32 to index
      %swap3A_1531 = arith.constant 32 : index
      %swap3A_1532 = tpu.vector_load %swap3A_1529[%swap3A_1530, %swap3A_1531] {strides = array<i32>} : memref<128x64xf32, #tpu.memory_space<vmem>>, vector<1x16xf32>,
      %swap3A_1533 = vector.shape_cast %swap3A_1532 : vector<1x16xf32> to vector<16xf32>
      %swap3A_1534 = vector.shape_cast %add3A_1525 : vector<16xf32> to vector<1x16xf32>
      tpu.vector_store %swap3A_1529[%swap3A_1530, %swap3A_1531], %swap3A_1534 {strides = array<i32>} : memref<128x64xf32, #tpu.memory_space<vmem>>, vector<1x16xf32>,
      %add3A_1535 = arith.constant 0 : i32
      %add3A_1536 = arith.addi %add3A_1535, %scan3A_1462 : i32
      %get3A_1537 = arith.constant 0 : i32
      %get3A_1538 = arith.constant 0 : i32
      %get3A_1539 = tpu.memref_slice %arg9[%scan3A_1066, %get3A_1537, %get3A_1538] : memref<8x128x64xf32, #tpu.memory_space<vmem>> -> memref<1x128x64xf32, #tpu.memory_space<vmem>>
      %get3A_1540 = tpu.memref_squeeze %get3A_1539 : memref<1x128x64xf32, #tpu.memory_space<vmem>> -> memref<128x64xf32, #tpu.memory_space<vmem>>
      %get3A_1541 = arith.index_cast %add3A_1536 : i32 to index
      %get3A_1542 = arith.constant 48 : index
      %get3A_1543 = tpu.vector_load %get3A_1540[%get3A_1541, %get3A_1542] {strides = array<i32>} : memref<128x64xf32, #tpu.memory_space<vmem>>, vector<1x16xf32>,
      %get3A_1544 = vector.shape_cast %get3A_1543 : vector<1x16xf32> to vector<16xf32>
      %get3A_1545 = arith.index_cast %scan3A_1462 : i32 to index
      %get3A_1546 = arith.constant 48 : index
      %get3A_1547 = tpu.vector_load %arg8[%get3A_1545, %get3A_1546] {strides = array<i32>} : memref<64x64xf32, #tpu.memory_space<vmem>>, vector<1x16xf32>,
      %get3A_1548 = vector.shape_cast %get3A_1547 : vector<1x16xf32> to vector<16xf32>
      %add3A_1549 = arith.addf %get3A_1544, %get3A_1548 : vector<16xf32>
      %swap3A_1550 = arith.constant 0 : i32
      %swap3A_1551 = arith.constant 0 : i32
      %swap3A_1552 = tpu.memref_slice %arg9[%scan3A_1066, %swap3A_1550, %swap3A_1551] : memref<8x128x64xf32, #tpu.memory_space<vmem>> -> memref<1x128x64xf32, #tpu.memory_space<vmem>>
      %swap3A_1553 = tpu.memref_squeeze %swap3A_1552 : memref<1x128x64xf32, #tpu.memory_space<vmem>> -> memref<128x64xf32, #tpu.memory_space<vmem>>
      %swap3A_1554 = arith.index_cast %add3A_1536 : i32 to index
      %swap3A_1555 = arith.constant 48 : index
      %swap3A_1556 = tpu.vector_load %swap3A_1553[%swap3A_1554, %swap3A_1555] {strides = array<i32>} : memref<128x64xf32, #tpu.memory_space<vmem>>, vector<1x16xf32>,
      %swap3A_1557 = vector.shape_cast %swap3A_1556 : vector<1x16xf32> to vector<16xf32>
      %swap3A_1558 = vector.shape_cast %add3A_1549 : vector<16xf32> to vector<1x16xf32>
      tpu.vector_store %swap3A_1553[%swap3A_1554, %swap3A_1555], %swap3A_1558 {strides = array<i32>} : memref<128x64xf32, #tpu.memory_space<vmem>>, vector<1x16xf32>,
      %add3A_1559 = arith.constant 64 : i32
      %add3A_1560 = arith.addi %add3A_1559, %scan3A_1462 : i32
      %get3A_1561 = arith.constant 0 : i32
      %get3A_1562 = arith.constant 0 : i32
      %get3A_1563 = tpu.memref_slice %arg9[%scan3A_1066, %get3A_1561, %get3A_1562] : memref<8x128x64xf32, #tpu.memory_space<vmem>> -> memref<1x128x64xf32, #tpu.memory_space<vmem>>
      %get3A_1564 = tpu.memref_squeeze %get3A_1563 : memref<1x128x64xf32, #tpu.memory_space<vmem>> -> memref<128x64xf32, #tpu.memory_space<vmem>>
      %get3A_1565 = arith.index_cast %add3A_1560 : i32 to index
      %get3A_1566 = arith.constant 0 : index
      %get3A_1567 = tpu.vector_load %get3A_1564[%get3A_1565, %get3A_1566] {strides = array<i32>} : memref<128x64xf32, #tpu.memory_space<vmem>>, vector<1x16xf32>,
      %get3A_1568 = vector.shape_cast %get3A_1567 : vector<1x16xf32> to vector<16xf32>
      %get3A_1569 = arith.index_cast %scan3A_1462 : i32 to index
      %get3A_1570 = arith.constant 0 : index
      %get3A_1571 = tpu.vector_load %arg8[%get3A_1569, %get3A_1570] {strides = array<i32>} : memref<64x64xf32, #tpu.memory_space<vmem>>, vector<1x16xf32>,
      %get3A_1572 = vector.shape_cast %get3A_1571 : vector<1x16xf32> to vector<16xf32>
      %add3A_1573 = arith.addf %get3A_1568, %get3A_1572 : vector<16xf32>
      %swap3A_1574 = arith.constant 0 : i32
      %swap3A_1575 = arith.constant 0 : i32
      %swap3A_1576 = tpu.memref_slice %arg9[%scan3A_1066, %swap3A_1574, %swap3A_1575] : memref<8x128x64xf32, #tpu.memory_space<vmem>> -> memref<1x128x64xf32, #tpu.memory_space<vmem>>
      %swap3A_1577 = tpu.memref_squeeze %swap3A_1576 : memref<1x128x64xf32, #tpu.memory_space<vmem>> -> memref<128x64xf32, #tpu.memory_space<vmem>>
      %swap3A_1578 = arith.index_cast %add3A_1560 : i32 to index
      %swap3A_1579 = arith.constant 0 : index
      %swap3A_1580 = tpu.vector_load %swap3A_1577[%swap3A_1578, %swap3A_1579] {strides = array<i32>} : memref<128x64xf32, #tpu.memory_space<vmem>>, vector<1x16xf32>,
      %swap3A_1581 = vector.shape_cast %swap3A_1580 : vector<1x16xf32> to vector<16xf32>
      %swap3A_1582 = vector.shape_cast %add3A_1573 : vector<16xf32> to vector<1x16xf32>
      tpu.vector_store %swap3A_1577[%swap3A_1578, %swap3A_1579], %swap3A_1582 {strides = array<i32>} : memref<128x64xf32, #tpu.memory_space<vmem>>, vector<1x16xf32>,
      %add3A_1583 = arith.constant 64 : i32
      %add3A_1584 = arith.addi %add3A_1583, %scan3A_1462 : i32
      %get3A_1585 = arith.constant 0 : i32
      %get3A_1586 = arith.constant 0 : i32
      %get3A_1587 = tpu.memref_slice %arg9[%scan3A_1066, %get3A_1585, %get3A_1586] : memref<8x128x64xf32, #tpu.memory_space<vmem>> -> memref<1x128x64xf32, #tpu.memory_space<vmem>>
      %get3A_1588 = tpu.memref_squeeze %get3A_1587 : memref<1x128x64xf32, #tpu.memory_space<vmem>> -> memref<128x64xf32, #tpu.memory_space<vmem>>
      %get3A_1589 = arith.index_cast %add3A_1584 : i32 to index
      %get3A_1590 = arith.constant 16 : index
      %get3A_1591 = tpu.vector_load %get3A_1588[%get3A_1589, %get3A_1590] {strides = array<i32>} : memref<128x64xf32, #tpu.memory_space<vmem>>, vector<1x16xf32>,
      %get3A_1592 = vector.shape_cast %get3A_1591 : vector<1x16xf32> to vector<16xf32>
      %get3A_1593 = arith.index_cast %scan3A_1462 : i32 to index
      %get3A_1594 = arith.constant 16 : index
      %get3A_1595 = tpu.vector_load %arg8[%get3A_1593, %get3A_1594] {strides = array<i32>} : memref<64x64xf32, #tpu.memory_space<vmem>>, vector<1x16xf32>,
      %get3A_1596 = vector.shape_cast %get3A_1595 : vector<1x16xf32> to vector<16xf32>
      %add3A_1597 = arith.addf %get3A_1592, %get3A_1596 : vector<16xf32>
      %swap3A_1598 = arith.constant 0 : i32
      %swap3A_1599 = arith.constant 0 : i32
      %swap3A_1600 = tpu.memref_slice %arg9[%scan3A_1066, %swap3A_1598, %swap3A_1599] : memref<8x128x64xf32, #tpu.memory_space<vmem>> -> memref<1x128x64xf32, #tpu.memory_space<vmem>>
      %swap3A_1601 = tpu.memref_squeeze %swap3A_1600 : memref<1x128x64xf32, #tpu.memory_space<vmem>> -> memref<128x64xf32, #tpu.memory_space<vmem>>
      %swap3A_1602 = arith.index_cast %add3A_1584 : i32 to index
      %swap3A_1603 = arith.constant 16 : index
      %swap3A_1604 = tpu.vector_load %swap3A_1601[%swap3A_1602, %swap3A_1603] {strides = array<i32>} : memref<128x64xf32, #tpu.memory_space<vmem>>, vector<1x16xf32>,
      %swap3A_1605 = vector.shape_cast %swap3A_1604 : vector<1x16xf32> to vector<16xf32>
      %swap3A_1606 = vector.shape_cast %add3A_1597 : vector<16xf32> to vector<1x16xf32>
      tpu.vector_store %swap3A_1601[%swap3A_1602, %swap3A_1603], %swap3A_1606 {strides = array<i32>} : memref<128x64xf32, #tpu.memory_space<vmem>>, vector<1x16xf32>,
      %add3A_1607 = arith.constant 64 : i32
      %add3A_1608 = arith.addi %add3A_1607, %scan3A_1462 : i32
      %get3A_1609 = arith.constant 0 : i32
      %get3A_1610 = arith.constant 0 : i32
      %get3A_1611 = tpu.memref_slice %arg9[%scan3A_1066, %get3A_1609, %get3A_1610] : memref<8x128x64xf32, #tpu.memory_space<vmem>> -> memref<1x128x64xf32, #tpu.memory_space<vmem>>
      %get3A_1612 = tpu.memref_squeeze %get3A_1611 : memref<1x128x64xf32, #tpu.memory_space<vmem>> -> memref<128x64xf32, #tpu.memory_space<vmem>>
      %get3A_1613 = arith.index_cast %add3A_1608 : i32 to index
      %get3A_1614 = arith.constant 32 : index
      %get3A_1615 = tpu.vector_load %get3A_1612[%get3A_1613, %get3A_1614] {strides = array<i32>} : memref<128x64xf32, #tpu.memory_space<vmem>>, vector<1x16xf32>,
      %get3A_1616 = vector.shape_cast %get3A_1615 : vector<1x16xf32> to vector<16xf32>
      %get3A_1617 = arith.index_cast %scan3A_1462 : i32 to index
      %get3A_1618 = arith.constant 32 : index
      %get3A_1619 = tpu.vector_load %arg8[%get3A_1617, %get3A_1618] {strides = array<i32>} : memref<64x64xf32, #tpu.memory_space<vmem>>, vector<1x16xf32>,
      %get3A_1620 = vector.shape_cast %get3A_1619 : vector<1x16xf32> to vector<16xf32>
      %add3A_1621 = arith.addf %get3A_1616, %get3A_1620 : vector<16xf32>
      %swap3A_1622 = arith.constant 0 : i32
      %swap3A_1623 = arith.constant 0 : i32
      %swap3A_1624 = tpu.memref_slice %arg9[%scan3A_1066, %swap3A_1622, %swap3A_1623] : memref<8x128x64xf32, #tpu.memory_space<vmem>> -> memref<1x128x64xf32, #tpu.memory_space<vmem>>
      %swap3A_1625 = tpu.memref_squeeze %swap3A_1624 : memref<1x128x64xf32, #tpu.memory_space<vmem>> -> memref<128x64xf32, #tpu.memory_space<vmem>>
      %swap3A_1626 = arith.index_cast %add3A_1608 : i32 to index
      %swap3A_1627 = arith.constant 32 : index
      %swap3A_1628 = tpu.vector_load %swap3A_1625[%swap3A_1626, %swap3A_1627] {strides = array<i32>} : memref<128x64xf32, #tpu.memory_space<vmem>>, vector<1x16xf32>,
      %swap3A_1629 = vector.shape_cast %swap3A_1628 : vector<1x16xf32> to vector<16xf32>
      %swap3A_1630 = vector.shape_cast %add3A_1621 : vector<16xf32> to vector<1x16xf32>
      tpu.vector_store %swap3A_1625[%swap3A_1626, %swap3A_1627], %swap3A_1630 {strides = array<i32>} : memref<128x64xf32, #tpu.memory_space<vmem>>, vector<1x16xf32>,
      %add3A_1631 = arith.constant 64 : i32
      %add3A_1632 = arith.addi %add3A_1631, %scan3A_1462 : i32
      %get3A_1633 = arith.constant 0 : i32
      %get3A_1634 = arith.constant 0 : i32
      %get3A_1635 = tpu.memref_slice %arg9[%scan3A_1066, %get3A_1633, %get3A_1634] : memref<8x128x64xf32, #tpu.memory_space<vmem>> -> memref<1x128x64xf32, #tpu.memory_space<vmem>>
      %get3A_1636 = tpu.memref_squeeze %get3A_1635 : memref<1x128x64xf32, #tpu.memory_space<vmem>> -> memref<128x64xf32, #tpu.memory_space<vmem>>
      %get3A_1637 = arith.index_cast %add3A_1632 : i32 to index
      %get3A_1638 = arith.constant 48 : index
      %get3A_1639 = tpu.vector_load %get3A_1636[%get3A_1637, %get3A_1638] {strides = array<i32>} : memref<128x64xf32, #tpu.memory_space<vmem>>, vector<1x16xf32>,
      %get3A_1640 = vector.shape_cast %get3A_1639 : vector<1x16xf32> to vector<16xf32>
      %get3A_1641 = arith.index_cast %scan3A_1462 : i32 to index
      %get3A_1642 = arith.constant 48 : index
      %get3A_1643 = tpu.vector_load %arg8[%get3A_1641, %get3A_1642] {strides = array<i32>} : memref<64x64xf32, #tpu.memory_space<vmem>>, vector<1x16xf32>,
      %get3A_1644 = vector.shape_cast %get3A_1643 : vector<1x16xf32> to vector<16xf32>
      %add3A_1645 = arith.addf %get3A_1640, %get3A_1644 : vector<16xf32>
      %swap3A_1646 = arith.constant 0 : i32
      %swap3A_1647 = arith.constant 0 : i32
      %swap3A_1648 = tpu.memref_slice %arg9[%scan3A_1066, %swap3A_1646, %swap3A_1647] : memref<8x128x64xf32, #tpu.memory_space<vmem>> -> memref<1x128x64xf32, #tpu.memory_space<vmem>>
      %swap3A_1649 = tpu.memref_squeeze %swap3A_1648 : memref<1x128x64xf32, #tpu.memory_space<vmem>> -> memref<128x64xf32, #tpu.memory_space<vmem>>
      %swap3A_1650 = arith.index_cast %add3A_1632 : i32 to index
      %swap3A_1651 = arith.constant 48 : index
      %swap3A_1652 = tpu.vector_load %swap3A_1649[%swap3A_1650, %swap3A_1651] {strides = array<i32>} : memref<128x64xf32, #tpu.memory_space<vmem>>, vector<1x16xf32>,
      %swap3A_1653 = vector.shape_cast %swap3A_1652 : vector<1x16xf32> to vector<16xf32>
      %swap3A_1654 = vector.shape_cast %add3A_1645 : vector<16xf32> to vector<1x16xf32>
      tpu.vector_store %swap3A_1649[%swap3A_1650, %swap3A_1651], %swap3A_1654 {strides = array<i32>} : memref<128x64xf32, #tpu.memory_space<vmem>>, vector<1x16xf32>,
    }
    %scan3A_1071 = arith.constant 64 : i32
    %dma_start3A_1072 = arith.constant 5 : i32
    %dma_start3A_1073 = arith.constant 10 : i32
    %dma_start3A_1074 = arith.constant 0 : i32
    %dma_start3A_1075 = arith.constant 0 : i32
    %dma_start3A_1076 = tpu.memref_slice %arg9[%dma_start3A_1072, %dma_start3A_1074, %dma_start3A_1075] : memref<8x128x64xf32, #tpu.memory_space<vmem>> -> memref<1x64x64xf32, #tpu.memory_space<vmem>>
    %dma_start3A_1077 = tpu.memref_squeeze %dma_start3A_1076 : memref<1x64x64xf32, #tpu.memory_space<vmem>> -> memref<64x64xf32, #tpu.memory_space<vmem>>
    %dma_start3A_1078 = arith.constant 0 : i32
    %dma_start3A_1079 = tpu.memref_slice %arg5[%dma_start3A_1073, %mul3A_2, %dma_start3A_1078] : memref<16x2048x64xf32, #tpu.memory_space<hbm>> -> memref<1x64x64xf32, #tpu.memory_space<hbm>>
    %dma_start3A_1080 = tpu.memref_squeeze %dma_start3A_1079 : memref<1x64x64xf32, #tpu.memory_space<hbm>> -> memref<64x64xf32, #tpu.memory_space<hbm>>
    %dma_start3A_1081 = arith.constant 0 : i32
    %dma_start3A_1082 = tpu.memref_slice %arg5[%dma_start3A_1073, %mul3A_2, %dma_start3A_1081] : memref<16x2048x64xf32, #tpu.memory_space<hbm>> -> memref<1x64x64xf32, #tpu.memory_space<hbm>>
    %dma_start3A_1083 = tpu.memref_squeeze %dma_start3A_1082 : memref<1x64x64xf32, #tpu.memory_space<hbm>> -> memref<64x64xf32, #tpu.memory_space<hbm>>
    %dma_start3A_1084 = arith.constant 0 : i32
    %dma_start3A_1085 = arith.constant 0 : i32
    %dma_start3A_1086 = tpu.memref_slice %arg9[%dma_start3A_1072, %dma_start3A_1084, %dma_start3A_1085] : memref<8x128x64xf32, #tpu.memory_space<vmem>> -> memref<1x64x64xf32, #tpu.memory_space<vmem>>
    %dma_start3A_1087 = tpu.memref_squeeze %dma_start3A_1086 : memref<1x64x64xf32, #tpu.memory_space<vmem>> -> memref<64x64xf32, #tpu.memory_space<vmem>>
    tpu.enqueue_dma source(%dma_start3A_1087 : memref<64x64xf32, #tpu.memory_space<vmem>>) target(%dma_start3A_1083 : memref<64x64xf32, #tpu.memory_space<hbm>>) target_semaphore(%arg19 : memref<!tpu.dma_semaphore, #tpu.memory_space<semaphore_mem>>)
    %dma_start3A_1088 = arith.constant 5 : i32
    %dma_start3A_1089 = arith.constant 11 : i32
    %dma_start3A_1090 = arith.constant 64 : i32
    %dma_start3A_1091 = arith.constant 0 : i32
    %dma_start3A_1092 = tpu.memref_slice %arg9[%dma_start3A_1088, %dma_start3A_1090, %dma_start3A_1091] : memref<8x128x64xf32, #tpu.memory_space<vmem>> -> memref<1x64x64xf32, #tpu.memory_space<vmem>>
    %dma_start3A_1093 = tpu.memref_squeeze %dma_start3A_1092 : memref<1x64x64xf32, #tpu.memory_space<vmem>> -> memref<64x64xf32, #tpu.memory_space<vmem>>
    %dma_start3A_1094 = arith.constant 0 : i32
    %dma_start3A_1095 = tpu.memref_slice %arg5[%dma_start3A_1089, %mul3A_2, %dma_start3A_1094] : memref<16x2048x64xf32, #tpu.memory_space<hbm>> -> memref<1x64x64xf32, #tpu.memory_space<hbm>>
    %dma_start3A_1096 = tpu.memref_squeeze %dma_start3A_1095 : memref<1x64x64xf32, #tpu.memory_space<hbm>> -> memref<64x64xf32, #tpu.memory_space<hbm>>
    %dma_start3A_1097 = arith.constant 0 : i32
    %dma_start3A_1098 = tpu.memref_slice %arg5[%dma_start3A_1089, %mul3A_2, %dma_start3A_1097] : memref<16x2048x64xf32, #tpu.memory_space<hbm>> -> memref<1x64x64xf32, #tpu.memory_space<hbm>>
    %dma_start3A_1099 = tpu.memref_squeeze %dma_start3A_1098 : memref<1x64x64xf32, #tpu.memory_space<hbm>> -> memref<64x64xf32, #tpu.memory_space<hbm>>
    %dma_start3A_1100 = arith.constant 64 : i32
    %dma_start3A_1101 = arith.constant 0 : i32
    %dma_start3A_1102 = tpu.memref_slice %arg9[%dma_start3A_1088, %dma_start3A_1100, %dma_start3A_1101] : memref<8x128x64xf32, #tpu.memory_space<vmem>> -> memref<1x64x64xf32, #tpu.memory_space<vmem>>
    %dma_start3A_1103 = tpu.memref_squeeze %dma_start3A_1102 : memref<1x64x64xf32, #tpu.memory_space<vmem>> -> memref<64x64xf32, #tpu.memory_space<vmem>>
    tpu.enqueue_dma source(%dma_start3A_1103 : memref<64x64xf32, #tpu.memory_space<vmem>>) target(%dma_start3A_1099 : memref<64x64xf32, #tpu.memory_space<hbm>>) target_semaphore(%arg19 : memref<!tpu.dma_semaphore, #tpu.memory_space<semaphore_mem>>)
    %dma_wait3A_1104 = arith.constant 6 : i32
    %dma_wait3A_1105 = arith.constant 6 : i32
    %dma_wait3A_1106 = arith.constant 0 : i32
    %dma_wait3A_1107 = arith.constant 0 : i32
    %dma_wait3A_1108 = tpu.memref_slice %arg9[%dma_wait3A_1105, %dma_wait3A_1106, %dma_wait3A_1107] : memref<8x128x64xf32, #tpu.memory_space<vmem>> -> memref<1x128x64xf32, #tpu.memory_space<vmem>>
    %dma_wait3A_1109 = tpu.memref_squeeze %dma_wait3A_1108 : memref<1x128x64xf32, #tpu.memory_space<vmem>> -> memref<128x64xf32, #tpu.memory_space<vmem>>
    %dma_wait3A_1110 = arith.constant 0 : i32
    %dma_wait3A_1111 = tpu.memref_slice %arg7[%dma_wait3A_1104, %dma_wait3A_1110] : memref<8x128xi32, #tpu.memory_space<vmem>> -> memref<1x128xi32, #tpu.memory_space<vmem>>
    %dma_wait3A_1112 = tpu.memref_squeeze %dma_wait3A_1111 : memref<1x128xi32, #tpu.memory_space<vmem>> -> memref<128xi32, #tpu.memory_space<vmem>>
    %dma_wait3A_1113 = arith.constant 0 : i32
    %dma_wait3A_1114 = arith.constant 0 : i32
    %dma_wait3A_1115 = tpu.memref_slice %arg3[%dma_wait3A_1113, %dma_wait3A_1114] : memref<100000x64xf32, #tpu.memory_space<hbm>> -> memref<100000x64xf32, #tpu.memory_space<hbm>>
    tpu.wait_indirect_dma semaphore(%arg16 : memref<!tpu.dma_semaphore, #tpu.memory_space<semaphore_mem>>) src(%dma_wait3A_1115 : memref<100000x64xf32, #tpu.memory_space<hbm>>) dst(%dma_wait3A_1109 : memref<128x64xf32, #tpu.memory_space<vmem>>)
    %scan3A_1116 = arith.constant 0 : i32
    %scan3A_1117 = arith.constant 6 : i32
    %scan3A_1118 = arith.constant 0 : i32
    %scan3A_1119 = arith.constant 64 : i32
    %scan3A_1120 = arith.addi %scan3A_1118, %scan3A_1119 : i32
    %scan3A_1121 = arith.constant 1 : i32
    scf.for %scan3A_1462 = %scan3A_1118 to %scan3A_1120 step %scan3A_1121  : i32 {
      %add3A_1463 = arith.constant 0 : i32
      %add3A_1464 = arith.addi %add3A_1463, %scan3A_1462 : i32
      %get3A_1465 = arith.constant 0 : i32
      %get3A_1466 = arith.constant 0 : i32
      %get3A_1467 = tpu.memref_slice %arg9[%scan3A_1117, %get3A_1465, %get3A_1466] : memref<8x128x64xf32, #tpu.memory_space<vmem>> -> memref<1x128x64xf32, #tpu.memory_space<vmem>>
      %get3A_1468 = tpu.memref_squeeze %get3A_1467 : memref<1x128x64xf32, #tpu.memory_space<vmem>> -> memref<128x64xf32, #tpu.memory_space<vmem>>
      %get3A_1469 = arith.index_cast %add3A_1464 : i32 to index
      %get3A_1470 = arith.constant 0 : index
      %get3A_1471 = tpu.vector_load %get3A_1468[%get3A_1469, %get3A_1470] {strides = array<i32>} : memref<128x64xf32, #tpu.memory_space<vmem>>, vector<1x16xf32>,
      %get3A_1472 = vector.shape_cast %get3A_1471 : vector<1x16xf32> to vector<16xf32>
      %get3A_1473 = arith.index_cast %scan3A_1462 : i32 to index
      %get3A_1474 = arith.constant 0 : index
      %get3A_1475 = tpu.vector_load %arg8[%get3A_1473, %get3A_1474] {strides = array<i32>} : memref<64x64xf32, #tpu.memory_space<vmem>>, vector<1x16xf32>,
      %get3A_1476 = vector.shape_cast %get3A_1475 : vector<1x16xf32> to vector<16xf32>
      %add3A_1477 = arith.addf %get3A_1472, %get3A_1476 : vector<16xf32>
      %swap3A_1478 = arith.constant 0 : i32
      %swap3A_1479 = arith.constant 0 : i32
      %swap3A_1480 = tpu.memref_slice %arg9[%scan3A_1117, %swap3A_1478, %swap3A_1479] : memref<8x128x64xf32, #tpu.memory_space<vmem>> -> memref<1x128x64xf32, #tpu.memory_space<vmem>>
      %swap3A_1481 = tpu.memref_squeeze %swap3A_1480 : memref<1x128x64xf32, #tpu.memory_space<vmem>> -> memref<128x64xf32, #tpu.memory_space<vmem>>
      %swap3A_1482 = arith.index_cast %add3A_1464 : i32 to index
      %swap3A_1483 = arith.constant 0 : index
      %swap3A_1484 = tpu.vector_load %swap3A_1481[%swap3A_1482, %swap3A_1483] {strides = array<i32>} : memref<128x64xf32, #tpu.memory_space<vmem>>, vector<1x16xf32>,
      %swap3A_1485 = vector.shape_cast %swap3A_1484 : vector<1x16xf32> to vector<16xf32>
      %swap3A_1486 = vector.shape_cast %add3A_1477 : vector<16xf32> to vector<1x16xf32>
      tpu.vector_store %swap3A_1481[%swap3A_1482, %swap3A_1483], %swap3A_1486 {strides = array<i32>} : memref<128x64xf32, #tpu.memory_space<vmem>>, vector<1x16xf32>,
      %add3A_1487 = arith.constant 0 : i32
      %add3A_1488 = arith.addi %add3A_1487, %scan3A_1462 : i32
      %get3A_1489 = arith.constant 0 : i32
      %get3A_1490 = arith.constant 0 : i32
      %get3A_1491 = tpu.memref_slice %arg9[%scan3A_1117, %get3A_1489, %get3A_1490] : memref<8x128x64xf32, #tpu.memory_space<vmem>> -> memref<1x128x64xf32, #tpu.memory_space<vmem>>
      %get3A_1492 = tpu.memref_squeeze %get3A_1491 : memref<1x128x64xf32, #tpu.memory_space<vmem>> -> memref<128x64xf32, #tpu.memory_space<vmem>>
      %get3A_1493 = arith.index_cast %add3A_1488 : i32 to index
      %get3A_1494 = arith.constant 16 : index
      %get3A_1495 = tpu.vector_load %get3A_1492[%get3A_1493, %get3A_1494] {strides = array<i32>} : memref<128x64xf32, #tpu.memory_space<vmem>>, vector<1x16xf32>,
      %get3A_1496 = vector.shape_cast %get3A_1495 : vector<1x16xf32> to vector<16xf32>
      %get3A_1497 = arith.index_cast %scan3A_1462 : i32 to index
      %get3A_1498 = arith.constant 16 : index
      %get3A_1499 = tpu.vector_load %arg8[%get3A_1497, %get3A_1498] {strides = array<i32>} : memref<64x64xf32, #tpu.memory_space<vmem>>, vector<1x16xf32>,
      %get3A_1500 = vector.shape_cast %get3A_1499 : vector<1x16xf32> to vector<16xf32>
      %add3A_1501 = arith.addf %get3A_1496, %get3A_1500 : vector<16xf32>
      %swap3A_1502 = arith.constant 0 : i32
      %swap3A_1503 = arith.constant 0 : i32
      %swap3A_1504 = tpu.memref_slice %arg9[%scan3A_1117, %swap3A_1502, %swap3A_1503] : memref<8x128x64xf32, #tpu.memory_space<vmem>> -> memref<1x128x64xf32, #tpu.memory_space<vmem>>
      %swap3A_1505 = tpu.memref_squeeze %swap3A_1504 : memref<1x128x64xf32, #tpu.memory_space<vmem>> -> memref<128x64xf32, #tpu.memory_space<vmem>>
      %swap3A_1506 = arith.index_cast %add3A_1488 : i32 to index
      %swap3A_1507 = arith.constant 16 : index
      %swap3A_1508 = tpu.vector_load %swap3A_1505[%swap3A_1506, %swap3A_1507] {strides = array<i32>} : memref<128x64xf32, #tpu.memory_space<vmem>>, vector<1x16xf32>,
      %swap3A_1509 = vector.shape_cast %swap3A_1508 : vector<1x16xf32> to vector<16xf32>
      %swap3A_1510 = vector.shape_cast %add3A_1501 : vector<16xf32> to vector<1x16xf32>
      tpu.vector_store %swap3A_1505[%swap3A_1506, %swap3A_1507], %swap3A_1510 {strides = array<i32>} : memref<128x64xf32, #tpu.memory_space<vmem>>, vector<1x16xf32>,
      %add3A_1511 = arith.constant 0 : i32
      %add3A_1512 = arith.addi %add3A_1511, %scan3A_1462 : i32
      %get3A_1513 = arith.constant 0 : i32
      %get3A_1514 = arith.constant 0 : i32
      %get3A_1515 = tpu.memref_slice %arg9[%scan3A_1117, %get3A_1513, %get3A_1514] : memref<8x128x64xf32, #tpu.memory_space<vmem>> -> memref<1x128x64xf32, #tpu.memory_space<vmem>>
      %get3A_1516 = tpu.memref_squeeze %get3A_1515 : memref<1x128x64xf32, #tpu.memory_space<vmem>> -> memref<128x64xf32, #tpu.memory_space<vmem>>
      %get3A_1517 = arith.index_cast %add3A_1512 : i32 to index
      %get3A_1518 = arith.constant 32 : index
      %get3A_1519 = tpu.vector_load %get3A_1516[%get3A_1517, %get3A_1518] {strides = array<i32>} : memref<128x64xf32, #tpu.memory_space<vmem>>, vector<1x16xf32>,
      %get3A_1520 = vector.shape_cast %get3A_1519 : vector<1x16xf32> to vector<16xf32>
      %get3A_1521 = arith.index_cast %scan3A_1462 : i32 to index
      %get3A_1522 = arith.constant 32 : index
      %get3A_1523 = tpu.vector_load %arg8[%get3A_1521, %get3A_1522] {strides = array<i32>} : memref<64x64xf32, #tpu.memory_space<vmem>>, vector<1x16xf32>,
      %get3A_1524 = vector.shape_cast %get3A_1523 : vector<1x16xf32> to vector<16xf32>
      %add3A_1525 = arith.addf %get3A_1520, %get3A_1524 : vector<16xf32>
      %swap3A_1526 = arith.constant 0 : i32
      %swap3A_1527 = arith.constant 0 : i32
      %swap3A_1528 = tpu.memref_slice %arg9[%scan3A_1117, %swap3A_1526, %swap3A_1527] : memref<8x128x64xf32, #tpu.memory_space<vmem>> -> memref<1x128x64xf32, #tpu.memory_space<vmem>>
      %swap3A_1529 = tpu.memref_squeeze %swap3A_1528 : memref<1x128x64xf32, #tpu.memory_space<vmem>> -> memref<128x64xf32, #tpu.memory_space<vmem>>
      %swap3A_1530 = arith.index_cast %add3A_1512 : i32 to index
      %swap3A_1531 = arith.constant 32 : index
      %swap3A_1532 = tpu.vector_load %swap3A_1529[%swap3A_1530, %swap3A_1531] {strides = array<i32>} : memref<128x64xf32, #tpu.memory_space<vmem>>, vector<1x16xf32>,
      %swap3A_1533 = vector.shape_cast %swap3A_1532 : vector<1x16xf32> to vector<16xf32>
      %swap3A_1534 = vector.shape_cast %add3A_1525 : vector<16xf32> to vector<1x16xf32>
      tpu.vector_store %swap3A_1529[%swap3A_1530, %swap3A_1531], %swap3A_1534 {strides = array<i32>} : memref<128x64xf32, #tpu.memory_space<vmem>>, vector<1x16xf32>,
      %add3A_1535 = arith.constant 0 : i32
      %add3A_1536 = arith.addi %add3A_1535, %scan3A_1462 : i32
      %get3A_1537 = arith.constant 0 : i32
      %get3A_1538 = arith.constant 0 : i32
      %get3A_1539 = tpu.memref_slice %arg9[%scan3A_1117, %get3A_1537, %get3A_1538] : memref<8x128x64xf32, #tpu.memory_space<vmem>> -> memref<1x128x64xf32, #tpu.memory_space<vmem>>
      %get3A_1540 = tpu.memref_squeeze %get3A_1539 : memref<1x128x64xf32, #tpu.memory_space<vmem>> -> memref<128x64xf32, #tpu.memory_space<vmem>>
      %get3A_1541 = arith.index_cast %add3A_1536 : i32 to index
      %get3A_1542 = arith.constant 48 : index
      %get3A_1543 = tpu.vector_load %get3A_1540[%get3A_1541, %get3A_1542] {strides = array<i32>} : memref<128x64xf32, #tpu.memory_space<vmem>>, vector<1x16xf32>,
      %get3A_1544 = vector.shape_cast %get3A_1543 : vector<1x16xf32> to vector<16xf32>
      %get3A_1545 = arith.index_cast %scan3A_1462 : i32 to index
      %get3A_1546 = arith.constant 48 : index
      %get3A_1547 = tpu.vector_load %arg8[%get3A_1545, %get3A_1546] {strides = array<i32>} : memref<64x64xf32, #tpu.memory_space<vmem>>, vector<1x16xf32>,
      %get3A_1548 = vector.shape_cast %get3A_1547 : vector<1x16xf32> to vector<16xf32>
      %add3A_1549 = arith.addf %get3A_1544, %get3A_1548 : vector<16xf32>
      %swap3A_1550 = arith.constant 0 : i32
      %swap3A_1551 = arith.constant 0 : i32
      %swap3A_1552 = tpu.memref_slice %arg9[%scan3A_1117, %swap3A_1550, %swap3A_1551] : memref<8x128x64xf32, #tpu.memory_space<vmem>> -> memref<1x128x64xf32, #tpu.memory_space<vmem>>
      %swap3A_1553 = tpu.memref_squeeze %swap3A_1552 : memref<1x128x64xf32, #tpu.memory_space<vmem>> -> memref<128x64xf32, #tpu.memory_space<vmem>>
      %swap3A_1554 = arith.index_cast %add3A_1536 : i32 to index
      %swap3A_1555 = arith.constant 48 : index
      %swap3A_1556 = tpu.vector_load %swap3A_1553[%swap3A_1554, %swap3A_1555] {strides = array<i32>} : memref<128x64xf32, #tpu.memory_space<vmem>>, vector<1x16xf32>,
      %swap3A_1557 = vector.shape_cast %swap3A_1556 : vector<1x16xf32> to vector<16xf32>
      %swap3A_1558 = vector.shape_cast %add3A_1549 : vector<16xf32> to vector<1x16xf32>
      tpu.vector_store %swap3A_1553[%swap3A_1554, %swap3A_1555], %swap3A_1558 {strides = array<i32>} : memref<128x64xf32, #tpu.memory_space<vmem>>, vector<1x16xf32>,
      %add3A_1559 = arith.constant 64 : i32
      %add3A_1560 = arith.addi %add3A_1559, %scan3A_1462 : i32
      %get3A_1561 = arith.constant 0 : i32
      %get3A_1562 = arith.constant 0 : i32
      %get3A_1563 = tpu.memref_slice %arg9[%scan3A_1117, %get3A_1561, %get3A_1562] : memref<8x128x64xf32, #tpu.memory_space<vmem>> -> memref<1x128x64xf32, #tpu.memory_space<vmem>>
      %get3A_1564 = tpu.memref_squeeze %get3A_1563 : memref<1x128x64xf32, #tpu.memory_space<vmem>> -> memref<128x64xf32, #tpu.memory_space<vmem>>
      %get3A_1565 = arith.index_cast %add3A_1560 : i32 to index
      %get3A_1566 = arith.constant 0 : index
      %get3A_1567 = tpu.vector_load %get3A_1564[%get3A_1565, %get3A_1566] {strides = array<i32>} : memref<128x64xf32, #tpu.memory_space<vmem>>, vector<1x16xf32>,
      %get3A_1568 = vector.shape_cast %get3A_1567 : vector<1x16xf32> to vector<16xf32>
      %get3A_1569 = arith.index_cast %scan3A_1462 : i32 to index
      %get3A_1570 = arith.constant 0 : index
      %get3A_1571 = tpu.vector_load %arg8[%get3A_1569, %get3A_1570] {strides = array<i32>} : memref<64x64xf32, #tpu.memory_space<vmem>>, vector<1x16xf32>,
      %get3A_1572 = vector.shape_cast %get3A_1571 : vector<1x16xf32> to vector<16xf32>
      %add3A_1573 = arith.addf %get3A_1568, %get3A_1572 : vector<16xf32>
      %swap3A_1574 = arith.constant 0 : i32
      %swap3A_1575 = arith.constant 0 : i32
      %swap3A_1576 = tpu.memref_slice %arg9[%scan3A_1117, %swap3A_1574, %swap3A_1575] : memref<8x128x64xf32, #tpu.memory_space<vmem>> -> memref<1x128x64xf32, #tpu.memory_space<vmem>>
      %swap3A_1577 = tpu.memref_squeeze %swap3A_1576 : memref<1x128x64xf32, #tpu.memory_space<vmem>> -> memref<128x64xf32, #tpu.memory_space<vmem>>
      %swap3A_1578 = arith.index_cast %add3A_1560 : i32 to index
      %swap3A_1579 = arith.constant 0 : index
      %swap3A_1580 = tpu.vector_load %swap3A_1577[%swap3A_1578, %swap3A_1579] {strides = array<i32>} : memref<128x64xf32, #tpu.memory_space<vmem>>, vector<1x16xf32>,
      %swap3A_1581 = vector.shape_cast %swap3A_1580 : vector<1x16xf32> to vector<16xf32>
      %swap3A_1582 = vector.shape_cast %add3A_1573 : vector<16xf32> to vector<1x16xf32>
      tpu.vector_store %swap3A_1577[%swap3A_1578, %swap3A_1579], %swap3A_1582 {strides = array<i32>} : memref<128x64xf32, #tpu.memory_space<vmem>>, vector<1x16xf32>,
      %add3A_1583 = arith.constant 64 : i32
      %add3A_1584 = arith.addi %add3A_1583, %scan3A_1462 : i32
      %get3A_1585 = arith.constant 0 : i32
      %get3A_1586 = arith.constant 0 : i32
      %get3A_1587 = tpu.memref_slice %arg9[%scan3A_1117, %get3A_1585, %get3A_1586] : memref<8x128x64xf32, #tpu.memory_space<vmem>> -> memref<1x128x64xf32, #tpu.memory_space<vmem>>
      %get3A_1588 = tpu.memref_squeeze %get3A_1587 : memref<1x128x64xf32, #tpu.memory_space<vmem>> -> memref<128x64xf32, #tpu.memory_space<vmem>>
      %get3A_1589 = arith.index_cast %add3A_1584 : i32 to index
      %get3A_1590 = arith.constant 16 : index
      %get3A_1591 = tpu.vector_load %get3A_1588[%get3A_1589, %get3A_1590] {strides = array<i32>} : memref<128x64xf32, #tpu.memory_space<vmem>>, vector<1x16xf32>,
      %get3A_1592 = vector.shape_cast %get3A_1591 : vector<1x16xf32> to vector<16xf32>
      %get3A_1593 = arith.index_cast %scan3A_1462 : i32 to index
      %get3A_1594 = arith.constant 16 : index
      %get3A_1595 = tpu.vector_load %arg8[%get3A_1593, %get3A_1594] {strides = array<i32>} : memref<64x64xf32, #tpu.memory_space<vmem>>, vector<1x16xf32>,
      %get3A_1596 = vector.shape_cast %get3A_1595 : vector<1x16xf32> to vector<16xf32>
      %add3A_1597 = arith.addf %get3A_1592, %get3A_1596 : vector<16xf32>
      %swap3A_1598 = arith.constant 0 : i32
      %swap3A_1599 = arith.constant 0 : i32
      %swap3A_1600 = tpu.memref_slice %arg9[%scan3A_1117, %swap3A_1598, %swap3A_1599] : memref<8x128x64xf32, #tpu.memory_space<vmem>> -> memref<1x128x64xf32, #tpu.memory_space<vmem>>
      %swap3A_1601 = tpu.memref_squeeze %swap3A_1600 : memref<1x128x64xf32, #tpu.memory_space<vmem>> -> memref<128x64xf32, #tpu.memory_space<vmem>>
      %swap3A_1602 = arith.index_cast %add3A_1584 : i32 to index
      %swap3A_1603 = arith.constant 16 : index
      %swap3A_1604 = tpu.vector_load %swap3A_1601[%swap3A_1602, %swap3A_1603] {strides = array<i32>} : memref<128x64xf32, #tpu.memory_space<vmem>>, vector<1x16xf32>,
      %swap3A_1605 = vector.shape_cast %swap3A_1604 : vector<1x16xf32> to vector<16xf32>
      %swap3A_1606 = vector.shape_cast %add3A_1597 : vector<16xf32> to vector<1x16xf32>
      tpu.vector_store %swap3A_1601[%swap3A_1602, %swap3A_1603], %swap3A_1606 {strides = array<i32>} : memref<128x64xf32, #tpu.memory_space<vmem>>, vector<1x16xf32>,
      %add3A_1607 = arith.constant 64 : i32
      %add3A_1608 = arith.addi %add3A_1607, %scan3A_1462 : i32
      %get3A_1609 = arith.constant 0 : i32
      %get3A_1610 = arith.constant 0 : i32
      %get3A_1611 = tpu.memref_slice %arg9[%scan3A_1117, %get3A_1609, %get3A_1610] : memref<8x128x64xf32, #tpu.memory_space<vmem>> -> memref<1x128x64xf32, #tpu.memory_space<vmem>>
      %get3A_1612 = tpu.memref_squeeze %get3A_1611 : memref<1x128x64xf32, #tpu.memory_space<vmem>> -> memref<128x64xf32, #tpu.memory_space<vmem>>
      %get3A_1613 = arith.index_cast %add3A_1608 : i32 to index
      %get3A_1614 = arith.constant 32 : index
      %get3A_1615 = tpu.vector_load %get3A_1612[%get3A_1613, %get3A_1614] {strides = array<i32>} : memref<128x64xf32, #tpu.memory_space<vmem>>, vector<1x16xf32>,
      %get3A_1616 = vector.shape_cast %get3A_1615 : vector<1x16xf32> to vector<16xf32>
      %get3A_1617 = arith.index_cast %scan3A_1462 : i32 to index
      %get3A_1618 = arith.constant 32 : index
      %get3A_1619 = tpu.vector_load %arg8[%get3A_1617, %get3A_1618] {strides = array<i32>} : memref<64x64xf32, #tpu.memory_space<vmem>>, vector<1x16xf32>,
      %get3A_1620 = vector.shape_cast %get3A_1619 : vector<1x16xf32> to vector<16xf32>
      %add3A_1621 = arith.addf %get3A_1616, %get3A_1620 : vector<16xf32>
      %swap3A_1622 = arith.constant 0 : i32
      %swap3A_1623 = arith.constant 0 : i32
      %swap3A_1624 = tpu.memref_slice %arg9[%scan3A_1117, %swap3A_1622, %swap3A_1623] : memref<8x128x64xf32, #tpu.memory_space<vmem>> -> memref<1x128x64xf32, #tpu.memory_space<vmem>>
      %swap3A_1625 = tpu.memref_squeeze %swap3A_1624 : memref<1x128x64xf32, #tpu.memory_space<vmem>> -> memref<128x64xf32, #tpu.memory_space<vmem>>
      %swap3A_1626 = arith.index_cast %add3A_1608 : i32 to index
      %swap3A_1627 = arith.constant 32 : index
      %swap3A_1628 = tpu.vector_load %swap3A_1625[%swap3A_1626, %swap3A_1627] {strides = array<i32>} : memref<128x64xf32, #tpu.memory_space<vmem>>, vector<1x16xf32>,
      %swap3A_1629 = vector.shape_cast %swap3A_1628 : vector<1x16xf32> to vector<16xf32>
      %swap3A_1630 = vector.shape_cast %add3A_1621 : vector<16xf32> to vector<1x16xf32>
      tpu.vector_store %swap3A_1625[%swap3A_1626, %swap3A_1627], %swap3A_1630 {strides = array<i32>} : memref<128x64xf32, #tpu.memory_space<vmem>>, vector<1x16xf32>,
      %add3A_1631 = arith.constant 64 : i32
      %add3A_1632 = arith.addi %add3A_1631, %scan3A_1462 : i32
      %get3A_1633 = arith.constant 0 : i32
      %get3A_1634 = arith.constant 0 : i32
      %get3A_1635 = tpu.memref_slice %arg9[%scan3A_1117, %get3A_1633, %get3A_1634] : memref<8x128x64xf32, #tpu.memory_space<vmem>> -> memref<1x128x64xf32, #tpu.memory_space<vmem>>
      %get3A_1636 = tpu.memref_squeeze %get3A_1635 : memref<1x128x64xf32, #tpu.memory_space<vmem>> -> memref<128x64xf32, #tpu.memory_space<vmem>>
      %get3A_1637 = arith.index_cast %add3A_1632 : i32 to index
      %get3A_1638 = arith.constant 48 : index
      %get3A_1639 = tpu.vector_load %get3A_1636[%get3A_1637, %get3A_1638] {strides = array<i32>} : memref<128x64xf32, #tpu.memory_space<vmem>>, vector<1x16xf32>,
      %get3A_1640 = vector.shape_cast %get3A_1639 : vector<1x16xf32> to vector<16xf32>
      %get3A_1641 = arith.index_cast %scan3A_1462 : i32 to index
      %get3A_1642 = arith.constant 48 : index
      %get3A_1643 = tpu.vector_load %arg8[%get3A_1641, %get3A_1642] {strides = array<i32>} : memref<64x64xf32, #tpu.memory_space<vmem>>, vector<1x16xf32>,
      %get3A_1644 = vector.shape_cast %get3A_1643 : vector<1x16xf32> to vector<16xf32>
      %add3A_1645 = arith.addf %get3A_1640, %get3A_1644 : vector<16xf32>
      %swap3A_1646 = arith.constant 0 : i32
      %swap3A_1647 = arith.constant 0 : i32
      %swap3A_1648 = tpu.memref_slice %arg9[%scan3A_1117, %swap3A_1646, %swap3A_1647] : memref<8x128x64xf32, #tpu.memory_space<vmem>> -> memref<1x128x64xf32, #tpu.memory_space<vmem>>
      %swap3A_1649 = tpu.memref_squeeze %swap3A_1648 : memref<1x128x64xf32, #tpu.memory_space<vmem>> -> memref<128x64xf32, #tpu.memory_space<vmem>>
      %swap3A_1650 = arith.index_cast %add3A_1632 : i32 to index
      %swap3A_1651 = arith.constant 48 : index
      %swap3A_1652 = tpu.vector_load %swap3A_1649[%swap3A_1650, %swap3A_1651] {strides = array<i32>} : memref<128x64xf32, #tpu.memory_space<vmem>>, vector<1x16xf32>,
      %swap3A_1653 = vector.shape_cast %swap3A_1652 : vector<1x16xf32> to vector<16xf32>
      %swap3A_1654 = vector.shape_cast %add3A_1645 : vector<16xf32> to vector<1x16xf32>
      tpu.vector_store %swap3A_1649[%swap3A_1650, %swap3A_1651], %swap3A_1654 {strides = array<i32>} : memref<128x64xf32, #tpu.memory_space<vmem>>, vector<1x16xf32>,
    }
    %scan3A_1122 = arith.constant 64 : i32
    %dma_start3A_1123 = arith.constant 6 : i32
    %dma_start3A_1124 = arith.constant 12 : i32
    %dma_start3A_1125 = arith.constant 0 : i32
    %dma_start3A_1126 = arith.constant 0 : i32
    %dma_start3A_1127 = tpu.memref_slice %arg9[%dma_start3A_1123, %dma_start3A_1125, %dma_start3A_1126] : memref<8x128x64xf32, #tpu.memory_space<vmem>> -> memref<1x64x64xf32, #tpu.memory_space<vmem>>
    %dma_start3A_1128 = tpu.memref_squeeze %dma_start3A_1127 : memref<1x64x64xf32, #tpu.memory_space<vmem>> -> memref<64x64xf32, #tpu.memory_space<vmem>>
    %dma_start3A_1129 = arith.constant 0 : i32
    %dma_start3A_1130 = tpu.memref_slice %arg5[%dma_start3A_1124, %mul3A_2, %dma_start3A_1129] : memref<16x2048x64xf32, #tpu.memory_space<hbm>> -> memref<1x64x64xf32, #tpu.memory_space<hbm>>
    %dma_start3A_1131 = tpu.memref_squeeze %dma_start3A_1130 : memref<1x64x64xf32, #tpu.memory_space<hbm>> -> memref<64x64xf32, #tpu.memory_space<hbm>>
    %dma_start3A_1132 = arith.constant 0 : i32
    %dma_start3A_1133 = tpu.memref_slice %arg5[%dma_start3A_1124, %mul3A_2, %dma_start3A_1132] : memref<16x2048x64xf32, #tpu.memory_space<hbm>> -> memref<1x64x64xf32, #tpu.memory_space<hbm>>
    %dma_start3A_1134 = tpu.memref_squeeze %dma_start3A_1133 : memref<1x64x64xf32, #tpu.memory_space<hbm>> -> memref<64x64xf32, #tpu.memory_space<hbm>>
    %dma_start3A_1135 = arith.constant 0 : i32
    %dma_start3A_1136 = arith.constant 0 : i32
    %dma_start3A_1137 = tpu.memref_slice %arg9[%dma_start3A_1123, %dma_start3A_1135, %dma_start3A_1136] : memref<8x128x64xf32, #tpu.memory_space<vmem>> -> memref<1x64x64xf32, #tpu.memory_space<vmem>>
    %dma_start3A_1138 = tpu.memref_squeeze %dma_start3A_1137 : memref<1x64x64xf32, #tpu.memory_space<vmem>> -> memref<64x64xf32, #tpu.memory_space<vmem>>
    tpu.enqueue_dma source(%dma_start3A_1138 : memref<64x64xf32, #tpu.memory_space<vmem>>) target(%dma_start3A_1134 : memref<64x64xf32, #tpu.memory_space<hbm>>) target_semaphore(%arg18 : memref<!tpu.dma_semaphore, #tpu.memory_space<semaphore_mem>>)
    %dma_start3A_1139 = arith.constant 6 : i32
    %dma_start3A_1140 = arith.constant 13 : i32
    %dma_start3A_1141 = arith.constant 64 : i32
    %dma_start3A_1142 = arith.constant 0 : i32
    %dma_start3A_1143 = tpu.memref_slice %arg9[%dma_start3A_1139, %dma_start3A_1141, %dma_start3A_1142] : memref<8x128x64xf32, #tpu.memory_space<vmem>> -> memref<1x64x64xf32, #tpu.memory_space<vmem>>
    %dma_start3A_1144 = tpu.memref_squeeze %dma_start3A_1143 : memref<1x64x64xf32, #tpu.memory_space<vmem>> -> memref<64x64xf32, #tpu.memory_space<vmem>>
    %dma_start3A_1145 = arith.constant 0 : i32
    %dma_start3A_1146 = tpu.memref_slice %arg5[%dma_start3A_1140, %mul3A_2, %dma_start3A_1145] : memref<16x2048x64xf32, #tpu.memory_space<hbm>> -> memref<1x64x64xf32, #tpu.memory_space<hbm>>
    %dma_start3A_1147 = tpu.memref_squeeze %dma_start3A_1146 : memref<1x64x64xf32, #tpu.memory_space<hbm>> -> memref<64x64xf32, #tpu.memory_space<hbm>>
    %dma_start3A_1148 = arith.constant 0 : i32
    %dma_start3A_1149 = tpu.memref_slice %arg5[%dma_start3A_1140, %mul3A_2, %dma_start3A_1148] : memref<16x2048x64xf32, #tpu.memory_space<hbm>> -> memref<1x64x64xf32, #tpu.memory_space<hbm>>
    %dma_start3A_1150 = tpu.memref_squeeze %dma_start3A_1149 : memref<1x64x64xf32, #tpu.memory_space<hbm>> -> memref<64x64xf32, #tpu.memory_space<hbm>>
    %dma_start3A_1151 = arith.constant 64 : i32
    %dma_start3A_1152 = arith.constant 0 : i32
    %dma_start3A_1153 = tpu.memref_slice %arg9[%dma_start3A_1139, %dma_start3A_1151, %dma_start3A_1152] : memref<8x128x64xf32, #tpu.memory_space<vmem>> -> memref<1x64x64xf32, #tpu.memory_space<vmem>>
    %dma_start3A_1154 = tpu.memref_squeeze %dma_start3A_1153 : memref<1x64x64xf32, #tpu.memory_space<vmem>> -> memref<64x64xf32, #tpu.memory_space<vmem>>
    tpu.enqueue_dma source(%dma_start3A_1154 : memref<64x64xf32, #tpu.memory_space<vmem>>) target(%dma_start3A_1150 : memref<64x64xf32, #tpu.memory_space<hbm>>) target_semaphore(%arg18 : memref<!tpu.dma_semaphore, #tpu.memory_space<semaphore_mem>>)
    %dma_wait3A_1155 = arith.constant 7 : i32
    %dma_wait3A_1156 = arith.constant 7 : i32
    %dma_wait3A_1157 = arith.constant 0 : i32
    %dma_wait3A_1158 = arith.constant 0 : i32
    %dma_wait3A_1159 = tpu.memref_slice %arg9[%dma_wait3A_1156, %dma_wait3A_1157, %dma_wait3A_1158] : memref<8x128x64xf32, #tpu.memory_space<vmem>> -> memref<1x128x64xf32, #tpu.memory_space<vmem>>
    %dma_wait3A_1160 = tpu.memref_squeeze %dma_wait3A_1159 : memref<1x128x64xf32, #tpu.memory_space<vmem>> -> memref<128x64xf32, #tpu.memory_space<vmem>>
    %dma_wait3A_1161 = arith.constant 0 : i32
    %dma_wait3A_1162 = tpu.memref_slice %arg7[%dma_wait3A_1155, %dma_wait3A_1161] : memref<8x128xi32, #tpu.memory_space<vmem>> -> memref<1x128xi32, #tpu.memory_space<vmem>>
    %dma_wait3A_1163 = tpu.memref_squeeze %dma_wait3A_1162 : memref<1x128xi32, #tpu.memory_space<vmem>> -> memref<128xi32, #tpu.memory_space<vmem>>
    %dma_wait3A_1164 = arith.constant 0 : i32
    %dma_wait3A_1165 = arith.constant 0 : i32
    %dma_wait3A_1166 = tpu.memref_slice %arg3[%dma_wait3A_1164, %dma_wait3A_1165] : memref<100000x64xf32, #tpu.memory_space<hbm>> -> memref<100000x64xf32, #tpu.memory_space<hbm>>
    tpu.wait_indirect_dma semaphore(%arg17 : memref<!tpu.dma_semaphore, #tpu.memory_space<semaphore_mem>>) src(%dma_wait3A_1166 : memref<100000x64xf32, #tpu.memory_space<hbm>>) dst(%dma_wait3A_1160 : memref<128x64xf32, #tpu.memory_space<vmem>>)
    %scan3A_1167 = arith.constant 0 : i32
    %scan3A_1168 = arith.constant 7 : i32
    %scan3A_1169 = arith.constant 0 : i32
    %scan3A_1170 = arith.constant 64 : i32
    %scan3A_1171 = arith.addi %scan3A_1169, %scan3A_1170 : i32
    %scan3A_1172 = arith.constant 1 : i32
    scf.for %scan3A_1462 = %scan3A_1169 to %scan3A_1171 step %scan3A_1172  : i32 {
      %add3A_1463 = arith.constant 0 : i32
      %add3A_1464 = arith.addi %add3A_1463, %scan3A_1462 : i32
      %get3A_1465 = arith.constant 0 : i32
      %get3A_1466 = arith.constant 0 : i32
      %get3A_1467 = tpu.memref_slice %arg9[%scan3A_1168, %get3A_1465, %get3A_1466] : memref<8x128x64xf32, #tpu.memory_space<vmem>> -> memref<1x128x64xf32, #tpu.memory_space<vmem>>
      %get3A_1468 = tpu.memref_squeeze %get3A_1467 : memref<1x128x64xf32, #tpu.memory_space<vmem>> -> memref<128x64xf32, #tpu.memory_space<vmem>>
      %get3A_1469 = arith.index_cast %add3A_1464 : i32 to index
      %get3A_1470 = arith.constant 0 : index
      %get3A_1471 = tpu.vector_load %get3A_1468[%get3A_1469, %get3A_1470] {strides = array<i32>} : memref<128x64xf32, #tpu.memory_space<vmem>>, vector<1x16xf32>,
      %get3A_1472 = vector.shape_cast %get3A_1471 : vector<1x16xf32> to vector<16xf32>
      %get3A_1473 = arith.index_cast %scan3A_1462 : i32 to index
      %get3A_1474 = arith.constant 0 : index
      %get3A_1475 = tpu.vector_load %arg8[%get3A_1473, %get3A_1474] {strides = array<i32>} : memref<64x64xf32, #tpu.memory_space<vmem>>, vector<1x16xf32>,
      %get3A_1476 = vector.shape_cast %get3A_1475 : vector<1x16xf32> to vector<16xf32>
      %add3A_1477 = arith.addf %get3A_1472, %get3A_1476 : vector<16xf32>
      %swap3A_1478 = arith.constant 0 : i32
      %swap3A_1479 = arith.constant 0 : i32
      %swap3A_1480 = tpu.memref_slice %arg9[%scan3A_1168, %swap3A_1478, %swap3A_1479] : memref<8x128x64xf32, #tpu.memory_space<vmem>> -> memref<1x128x64xf32, #tpu.memory_space<vmem>>
      %swap3A_1481 = tpu.memref_squeeze %swap3A_1480 : memref<1x128x64xf32, #tpu.memory_space<vmem>> -> memref<128x64xf32, #tpu.memory_space<vmem>>
      %swap3A_1482 = arith.index_cast %add3A_1464 : i32 to index
      %swap3A_1483 = arith.constant 0 : index
      %swap3A_1484 = tpu.vector_load %swap3A_1481[%swap3A_1482, %swap3A_1483] {strides = array<i32>} : memref<128x64xf32, #tpu.memory_space<vmem>>, vector<1x16xf32>,
      %swap3A_1485 = vector.shape_cast %swap3A_1484 : vector<1x16xf32> to vector<16xf32>
      %swap3A_1486 = vector.shape_cast %add3A_1477 : vector<16xf32> to vector<1x16xf32>
      tpu.vector_store %swap3A_1481[%swap3A_1482, %swap3A_1483], %swap3A_1486 {strides = array<i32>} : memref<128x64xf32, #tpu.memory_space<vmem>>, vector<1x16xf32>,
      %add3A_1487 = arith.constant 0 : i32
      %add3A_1488 = arith.addi %add3A_1487, %scan3A_1462 : i32
      %get3A_1489 = arith.constant 0 : i32
      %get3A_1490 = arith.constant 0 : i32
      %get3A_1491 = tpu.memref_slice %arg9[%scan3A_1168, %get3A_1489, %get3A_1490] : memref<8x128x64xf32, #tpu.memory_space<vmem>> -> memref<1x128x64xf32, #tpu.memory_space<vmem>>
      %get3A_1492 = tpu.memref_squeeze %get3A_1491 : memref<1x128x64xf32, #tpu.memory_space<vmem>> -> memref<128x64xf32, #tpu.memory_space<vmem>>
      %get3A_1493 = arith.index_cast %add3A_1488 : i32 to index
      %get3A_1494 = arith.constant 16 : index
      %get3A_1495 = tpu.vector_load %get3A_1492[%get3A_1493, %get3A_1494] {strides = array<i32>} : memref<128x64xf32, #tpu.memory_space<vmem>>, vector<1x16xf32>,
      %get3A_1496 = vector.shape_cast %get3A_1495 : vector<1x16xf32> to vector<16xf32>
      %get3A_1497 = arith.index_cast %scan3A_1462 : i32 to index
      %get3A_1498 = arith.constant 16 : index
      %get3A_1499 = tpu.vector_load %arg8[%get3A_1497, %get3A_1498] {strides = array<i32>} : memref<64x64xf32, #tpu.memory_space<vmem>>, vector<1x16xf32>,
      %get3A_1500 = vector.shape_cast %get3A_1499 : vector<1x16xf32> to vector<16xf32>
      %add3A_1501 = arith.addf %get3A_1496, %get3A_1500 : vector<16xf32>
      %swap3A_1502 = arith.constant 0 : i32
      %swap3A_1503 = arith.constant 0 : i32
      %swap3A_1504 = tpu.memref_slice %arg9[%scan3A_1168, %swap3A_1502, %swap3A_1503] : memref<8x128x64xf32, #tpu.memory_space<vmem>> -> memref<1x128x64xf32, #tpu.memory_space<vmem>>
      %swap3A_1505 = tpu.memref_squeeze %swap3A_1504 : memref<1x128x64xf32, #tpu.memory_space<vmem>> -> memref<128x64xf32, #tpu.memory_space<vmem>>
      %swap3A_1506 = arith.index_cast %add3A_1488 : i32 to index
      %swap3A_1507 = arith.constant 16 : index
      %swap3A_1508 = tpu.vector_load %swap3A_1505[%swap3A_1506, %swap3A_1507] {strides = array<i32>} : memref<128x64xf32, #tpu.memory_space<vmem>>, vector<1x16xf32>,
      %swap3A_1509 = vector.shape_cast %swap3A_1508 : vector<1x16xf32> to vector<16xf32>
      %swap3A_1510 = vector.shape_cast %add3A_1501 : vector<16xf32> to vector<1x16xf32>
      tpu.vector_store %swap3A_1505[%swap3A_1506, %swap3A_1507], %swap3A_1510 {strides = array<i32>} : memref<128x64xf32, #tpu.memory_space<vmem>>, vector<1x16xf32>,
      %add3A_1511 = arith.constant 0 : i32
      %add3A_1512 = arith.addi %add3A_1511, %scan3A_1462 : i32
      %get3A_1513 = arith.constant 0 : i32
      %get3A_1514 = arith.constant 0 : i32
      %get3A_1515 = tpu.memref_slice %arg9[%scan3A_1168, %get3A_1513, %get3A_1514] : memref<8x128x64xf32, #tpu.memory_space<vmem>> -> memref<1x128x64xf32, #tpu.memory_space<vmem>>
      %get3A_1516 = tpu.memref_squeeze %get3A_1515 : memref<1x128x64xf32, #tpu.memory_space<vmem>> -> memref<128x64xf32, #tpu.memory_space<vmem>>
      %get3A_1517 = arith.index_cast %add3A_1512 : i32 to index
      %get3A_1518 = arith.constant 32 : index
      %get3A_1519 = tpu.vector_load %get3A_1516[%get3A_1517, %get3A_1518] {strides = array<i32>} : memref<128x64xf32, #tpu.memory_space<vmem>>, vector<1x16xf32>,
      %get3A_1520 = vector.shape_cast %get3A_1519 : vector<1x16xf32> to vector<16xf32>
      %get3A_1521 = arith.index_cast %scan3A_1462 : i32 to index
      %get3A_1522 = arith.constant 32 : index
      %get3A_1523 = tpu.vector_load %arg8[%get3A_1521, %get3A_1522] {strides = array<i32>} : memref<64x64xf32, #tpu.memory_space<vmem>>, vector<1x16xf32>,
      %get3A_1524 = vector.shape_cast %get3A_1523 : vector<1x16xf32> to vector<16xf32>
      %add3A_1525 = arith.addf %get3A_1520, %get3A_1524 : vector<16xf32>
      %swap3A_1526 = arith.constant 0 : i32
      %swap3A_1527 = arith.constant 0 : i32
      %swap3A_1528 = tpu.memref_slice %arg9[%scan3A_1168, %swap3A_1526, %swap3A_1527] : memref<8x128x64xf32, #tpu.memory_space<vmem>> -> memref<1x128x64xf32, #tpu.memory_space<vmem>>
      %swap3A_1529 = tpu.memref_squeeze %swap3A_1528 : memref<1x128x64xf32, #tpu.memory_space<vmem>> -> memref<128x64xf32, #tpu.memory_space<vmem>>
      %swap3A_1530 = arith.index_cast %add3A_1512 : i32 to index
      %swap3A_1531 = arith.constant 32 : index
      %swap3A_1532 = tpu.vector_load %swap3A_1529[%swap3A_1530, %swap3A_1531] {strides = array<i32>} : memref<128x64xf32, #tpu.memory_space<vmem>>, vector<1x16xf32>,
      %swap3A_1533 = vector.shape_cast %swap3A_1532 : vector<1x16xf32> to vector<16xf32>
      %swap3A_1534 = vector.shape_cast %add3A_1525 : vector<16xf32> to vector<1x16xf32>
      tpu.vector_store %swap3A_1529[%swap3A_1530, %swap3A_1531], %swap3A_1534 {strides = array<i32>} : memref<128x64xf32, #tpu.memory_space<vmem>>, vector<1x16xf32>,
      %add3A_1535 = arith.constant 0 : i32
      %add3A_1536 = arith.addi %add3A_1535, %scan3A_1462 : i32
      %get3A_1537 = arith.constant 0 : i32
      %get3A_1538 = arith.constant 0 : i32
      %get3A_1539 = tpu.memref_slice %arg9[%scan3A_1168, %get3A_1537, %get3A_1538] : memref<8x128x64xf32, #tpu.memory_space<vmem>> -> memref<1x128x64xf32, #tpu.memory_space<vmem>>
      %get3A_1540 = tpu.memref_squeeze %get3A_1539 : memref<1x128x64xf32, #tpu.memory_space<vmem>> -> memref<128x64xf32, #tpu.memory_space<vmem>>
      %get3A_1541 = arith.index_cast %add3A_1536 : i32 to index
      %get3A_1542 = arith.constant 48 : index
      %get3A_1543 = tpu.vector_load %get3A_1540[%get3A_1541, %get3A_1542] {strides = array<i32>} : memref<128x64xf32, #tpu.memory_space<vmem>>, vector<1x16xf32>,
      %get3A_1544 = vector.shape_cast %get3A_1543 : vector<1x16xf32> to vector<16xf32>
      %get3A_1545 = arith.index_cast %scan3A_1462 : i32 to index
      %get3A_1546 = arith.constant 48 : index
      %get3A_1547 = tpu.vector_load %arg8[%get3A_1545, %get3A_1546] {strides = array<i32>} : memref<64x64xf32, #tpu.memory_space<vmem>>, vector<1x16xf32>,
      %get3A_1548 = vector.shape_cast %get3A_1547 : vector<1x16xf32> to vector<16xf32>
      %add3A_1549 = arith.addf %get3A_1544, %get3A_1548 : vector<16xf32>
      %swap3A_1550 = arith.constant 0 : i32
      %swap3A_1551 = arith.constant 0 : i32
      %swap3A_1552 = tpu.memref_slice %arg9[%scan3A_1168, %swap3A_1550, %swap3A_1551] : memref<8x128x64xf32, #tpu.memory_space<vmem>> -> memref<1x128x64xf32, #tpu.memory_space<vmem>>
      %swap3A_1553 = tpu.memref_squeeze %swap3A_1552 : memref<1x128x64xf32, #tpu.memory_space<vmem>> -> memref<128x64xf32, #tpu.memory_space<vmem>>
      %swap3A_1554 = arith.index_cast %add3A_1536 : i32 to index
      %swap3A_1555 = arith.constant 48 : index
      %swap3A_1556 = tpu.vector_load %swap3A_1553[%swap3A_1554, %swap3A_1555] {strides = array<i32>} : memref<128x64xf32, #tpu.memory_space<vmem>>, vector<1x16xf32>,
      %swap3A_1557 = vector.shape_cast %swap3A_1556 : vector<1x16xf32> to vector<16xf32>
      %swap3A_1558 = vector.shape_cast %add3A_1549 : vector<16xf32> to vector<1x16xf32>
      tpu.vector_store %swap3A_1553[%swap3A_1554, %swap3A_1555], %swap3A_1558 {strides = array<i32>} : memref<128x64xf32, #tpu.memory_space<vmem>>, vector<1x16xf32>,
      %add3A_1559 = arith.constant 64 : i32
      %add3A_1560 = arith.addi %add3A_1559, %scan3A_1462 : i32
      %get3A_1561 = arith.constant 0 : i32
      %get3A_1562 = arith.constant 0 : i32
      %get3A_1563 = tpu.memref_slice %arg9[%scan3A_1168, %get3A_1561, %get3A_1562] : memref<8x128x64xf32, #tpu.memory_space<vmem>> -> memref<1x128x64xf32, #tpu.memory_space<vmem>>
      %get3A_1564 = tpu.memref_squeeze %get3A_1563 : memref<1x128x64xf32, #tpu.memory_space<vmem>> -> memref<128x64xf32, #tpu.memory_space<vmem>>
      %get3A_1565 = arith.index_cast %add3A_1560 : i32 to index
      %get3A_1566 = arith.constant 0 : index
      %get3A_1567 = tpu.vector_load %get3A_1564[%get3A_1565, %get3A_1566] {strides = array<i32>} : memref<128x64xf32, #tpu.memory_space<vmem>>, vector<1x16xf32>,
      %get3A_1568 = vector.shape_cast %get3A_1567 : vector<1x16xf32> to vector<16xf32>
      %get3A_1569 = arith.index_cast %scan3A_1462 : i32 to index
      %get3A_1570 = arith.constant 0 : index
      %get3A_1571 = tpu.vector_load %arg8[%get3A_1569, %get3A_1570] {strides = array<i32>} : memref<64x64xf32, #tpu.memory_space<vmem>>, vector<1x16xf32>,
      %get3A_1572 = vector.shape_cast %get3A_1571 : vector<1x16xf32> to vector<16xf32>
      %add3A_1573 = arith.addf %get3A_1568, %get3A_1572 : vector<16xf32>
      %swap3A_1574 = arith.constant 0 : i32
      %swap3A_1575 = arith.constant 0 : i32
      %swap3A_1576 = tpu.memref_slice %arg9[%scan3A_1168, %swap3A_1574, %swap3A_1575] : memref<8x128x64xf32, #tpu.memory_space<vmem>> -> memref<1x128x64xf32, #tpu.memory_space<vmem>>
      %swap3A_1577 = tpu.memref_squeeze %swap3A_1576 : memref<1x128x64xf32, #tpu.memory_space<vmem>> -> memref<128x64xf32, #tpu.memory_space<vmem>>
      %swap3A_1578 = arith.index_cast %add3A_1560 : i32 to index
      %swap3A_1579 = arith.constant 0 : index
      %swap3A_1580 = tpu.vector_load %swap3A_1577[%swap3A_1578, %swap3A_1579] {strides = array<i32>} : memref<128x64xf32, #tpu.memory_space<vmem>>, vector<1x16xf32>,
      %swap3A_1581 = vector.shape_cast %swap3A_1580 : vector<1x16xf32> to vector<16xf32>
      %swap3A_1582 = vector.shape_cast %add3A_1573 : vector<16xf32> to vector<1x16xf32>
      tpu.vector_store %swap3A_1577[%swap3A_1578, %swap3A_1579], %swap3A_1582 {strides = array<i32>} : memref<128x64xf32, #tpu.memory_space<vmem>>, vector<1x16xf32>,
      %add3A_1583 = arith.constant 64 : i32
      %add3A_1584 = arith.addi %add3A_1583, %scan3A_1462 : i32
      %get3A_1585 = arith.constant 0 : i32
      %get3A_1586 = arith.constant 0 : i32
      %get3A_1587 = tpu.memref_slice %arg9[%scan3A_1168, %get3A_1585, %get3A_1586] : memref<8x128x64xf32, #tpu.memory_space<vmem>> -> memref<1x128x64xf32, #tpu.memory_space<vmem>>
      %get3A_1588 = tpu.memref_squeeze %get3A_1587 : memref<1x128x64xf32, #tpu.memory_space<vmem>> -> memref<128x64xf32, #tpu.memory_space<vmem>>
      %get3A_1589 = arith.index_cast %add3A_1584 : i32 to index
      %get3A_1590 = arith.constant 16 : index
      %get3A_1591 = tpu.vector_load %get3A_1588[%get3A_1589, %get3A_1590] {strides = array<i32>} : memref<128x64xf32, #tpu.memory_space<vmem>>, vector<1x16xf32>,
      %get3A_1592 = vector.shape_cast %get3A_1591 : vector<1x16xf32> to vector<16xf32>
      %get3A_1593 = arith.index_cast %scan3A_1462 : i32 to index
      %get3A_1594 = arith.constant 16 : index
      %get3A_1595 = tpu.vector_load %arg8[%get3A_1593, %get3A_1594] {strides = array<i32>} : memref<64x64xf32, #tpu.memory_space<vmem>>, vector<1x16xf32>,
      %get3A_1596 = vector.shape_cast %get3A_1595 : vector<1x16xf32> to vector<16xf32>
      %add3A_1597 = arith.addf %get3A_1592, %get3A_1596 : vector<16xf32>
      %swap3A_1598 = arith.constant 0 : i32
      %swap3A_1599 = arith.constant 0 : i32
      %swap3A_1600 = tpu.memref_slice %arg9[%scan3A_1168, %swap3A_1598, %swap3A_1599] : memref<8x128x64xf32, #tpu.memory_space<vmem>> -> memref<1x128x64xf32, #tpu.memory_space<vmem>>
      %swap3A_1601 = tpu.memref_squeeze %swap3A_1600 : memref<1x128x64xf32, #tpu.memory_space<vmem>> -> memref<128x64xf32, #tpu.memory_space<vmem>>
      %swap3A_1602 = arith.index_cast %add3A_1584 : i32 to index
      %swap3A_1603 = arith.constant 16 : index
      %swap3A_1604 = tpu.vector_load %swap3A_1601[%swap3A_1602, %swap3A_1603] {strides = array<i32>} : memref<128x64xf32, #tpu.memory_space<vmem>>, vector<1x16xf32>,
      %swap3A_1605 = vector.shape_cast %swap3A_1604 : vector<1x16xf32> to vector<16xf32>
      %swap3A_1606 = vector.shape_cast %add3A_1597 : vector<16xf32> to vector<1x16xf32>
      tpu.vector_store %swap3A_1601[%swap3A_1602, %swap3A_1603], %swap3A_1606 {strides = array<i32>} : memref<128x64xf32, #tpu.memory_space<vmem>>, vector<1x16xf32>,
      %add3A_1607 = arith.constant 64 : i32
      %add3A_1608 = arith.addi %add3A_1607, %scan3A_1462 : i32
      %get3A_1609 = arith.constant 0 : i32
      %get3A_1610 = arith.constant 0 : i32
      %get3A_1611 = tpu.memref_slice %arg9[%scan3A_1168, %get3A_1609, %get3A_1610] : memref<8x128x64xf32, #tpu.memory_space<vmem>> -> memref<1x128x64xf32, #tpu.memory_space<vmem>>
      %get3A_1612 = tpu.memref_squeeze %get3A_1611 : memref<1x128x64xf32, #tpu.memory_space<vmem>> -> memref<128x64xf32, #tpu.memory_space<vmem>>
      %get3A_1613 = arith.index_cast %add3A_1608 : i32 to index
      %get3A_1614 = arith.constant 32 : index
      %get3A_1615 = tpu.vector_load %get3A_1612[%get3A_1613, %get3A_1614] {strides = array<i32>} : memref<128x64xf32, #tpu.memory_space<vmem>>, vector<1x16xf32>,
      %get3A_1616 = vector.shape_cast %get3A_1615 : vector<1x16xf32> to vector<16xf32>
      %get3A_1617 = arith.index_cast %scan3A_1462 : i32 to index
      %get3A_1618 = arith.constant 32 : index
      %get3A_1619 = tpu.vector_load %arg8[%get3A_1617, %get3A_1618] {strides = array<i32>} : memref<64x64xf32, #tpu.memory_space<vmem>>, vector<1x16xf32>,
      %get3A_1620 = vector.shape_cast %get3A_1619 : vector<1x16xf32> to vector<16xf32>
      %add3A_1621 = arith.addf %get3A_1616, %get3A_1620 : vector<16xf32>
      %swap3A_1622 = arith.constant 0 : i32
      %swap3A_1623 = arith.constant 0 : i32
      %swap3A_1624 = tpu.memref_slice %arg9[%scan3A_1168, %swap3A_1622, %swap3A_1623] : memref<8x128x64xf32, #tpu.memory_space<vmem>> -> memref<1x128x64xf32, #tpu.memory_space<vmem>>
      %swap3A_1625 = tpu.memref_squeeze %swap3A_1624 : memref<1x128x64xf32, #tpu.memory_space<vmem>> -> memref<128x64xf32, #tpu.memory_space<vmem>>
      %swap3A_1626 = arith.index_cast %add3A_1608 : i32 to index
      %swap3A_1627 = arith.constant 32 : index
      %swap3A_1628 = tpu.vector_load %swap3A_1625[%swap3A_1626, %swap3A_1627] {strides = array<i32>} : memref<128x64xf32, #tpu.memory_space<vmem>>, vector<1x16xf32>,
      %swap3A_1629 = vector.shape_cast %swap3A_1628 : vector<1x16xf32> to vector<16xf32>
      %swap3A_1630 = vector.shape_cast %add3A_1621 : vector<16xf32> to vector<1x16xf32>
      tpu.vector_store %swap3A_1625[%swap3A_1626, %swap3A_1627], %swap3A_1630 {strides = array<i32>} : memref<128x64xf32, #tpu.memory_space<vmem>>, vector<1x16xf32>,
      %add3A_1631 = arith.constant 64 : i32
      %add3A_1632 = arith.addi %add3A_1631, %scan3A_1462 : i32
      %get3A_1633 = arith.constant 0 : i32
      %get3A_1634 = arith.constant 0 : i32
      %get3A_1635 = tpu.memref_slice %arg9[%scan3A_1168, %get3A_1633, %get3A_1634] : memref<8x128x64xf32, #tpu.memory_space<vmem>> -> memref<1x128x64xf32, #tpu.memory_space<vmem>>
      %get3A_1636 = tpu.memref_squeeze %get3A_1635 : memref<1x128x64xf32, #tpu.memory_space<vmem>> -> memref<128x64xf32, #tpu.memory_space<vmem>>
      %get3A_1637 = arith.index_cast %add3A_1632 : i32 to index
      %get3A_1638 = arith.constant 48 : index
      %get3A_1639 = tpu.vector_load %get3A_1636[%get3A_1637, %get3A_1638] {strides = array<i32>} : memref<128x64xf32, #tpu.memory_space<vmem>>, vector<1x16xf32>,
      %get3A_1640 = vector.shape_cast %get3A_1639 : vector<1x16xf32> to vector<16xf32>
      %get3A_1641 = arith.index_cast %scan3A_1462 : i32 to index
      %get3A_1642 = arith.constant 48 : index
      %get3A_1643 = tpu.vector_load %arg8[%get3A_1641, %get3A_1642] {strides = array<i32>} : memref<64x64xf32, #tpu.memory_space<vmem>>, vector<1x16xf32>,
      %get3A_1644 = vector.shape_cast %get3A_1643 : vector<1x16xf32> to vector<16xf32>
      %add3A_1645 = arith.addf %get3A_1640, %get3A_1644 : vector<16xf32>
      %swap3A_1646 = arith.constant 0 : i32
      %swap3A_1647 = arith.constant 0 : i32
      %swap3A_1648 = tpu.memref_slice %arg9[%scan3A_1168, %swap3A_1646, %swap3A_1647] : memref<8x128x64xf32, #tpu.memory_space<vmem>> -> memref<1x128x64xf32, #tpu.memory_space<vmem>>
      %swap3A_1649 = tpu.memref_squeeze %swap3A_1648 : memref<1x128x64xf32, #tpu.memory_space<vmem>> -> memref<128x64xf32, #tpu.memory_space<vmem>>
      %swap3A_1650 = arith.index_cast %add3A_1632 : i32 to index
      %swap3A_1651 = arith.constant 48 : index
      %swap3A_1652 = tpu.vector_load %swap3A_1649[%swap3A_1650, %swap3A_1651] {strides = array<i32>} : memref<128x64xf32, #tpu.memory_space<vmem>>, vector<1x16xf32>,
      %swap3A_1653 = vector.shape_cast %swap3A_1652 : vector<1x16xf32> to vector<16xf32>
      %swap3A_1654 = vector.shape_cast %add3A_1645 : vector<16xf32> to vector<1x16xf32>
      tpu.vector_store %swap3A_1649[%swap3A_1650, %swap3A_1651], %swap3A_1654 {strides = array<i32>} : memref<128x64xf32, #tpu.memory_space<vmem>>, vector<1x16xf32>,
    }
    %scan3A_1173 = arith.constant 64 : i32
    %dma_start3A_1174 = arith.constant 7 : i32
    %dma_start3A_1175 = arith.constant 14 : i32
    %dma_start3A_1176 = arith.constant 0 : i32
    %dma_start3A_1177 = arith.constant 0 : i32
    %dma_start3A_1178 = tpu.memref_slice %arg9[%dma_start3A_1174, %dma_start3A_1176, %dma_start3A_1177] : memref<8x128x64xf32, #tpu.memory_space<vmem>> -> memref<1x64x64xf32, #tpu.memory_space<vmem>>
    %dma_start3A_1179 = tpu.memref_squeeze %dma_start3A_1178 : memref<1x64x64xf32, #tpu.memory_space<vmem>> -> memref<64x64xf32, #tpu.memory_space<vmem>>
    %dma_start3A_1180 = arith.constant 0 : i32
    %dma_start3A_1181 = tpu.memref_slice %arg5[%dma_start3A_1175, %mul3A_2, %dma_start3A_1180] : memref<16x2048x64xf32, #tpu.memory_space<hbm>> -> memref<1x64x64xf32, #tpu.memory_space<hbm>>
    %dma_start3A_1182 = tpu.memref_squeeze %dma_start3A_1181 : memref<1x64x64xf32, #tpu.memory_space<hbm>> -> memref<64x64xf32, #tpu.memory_space<hbm>>
    %dma_start3A_1183 = arith.constant 0 : i32
    %dma_start3A_1184 = tpu.memref_slice %arg5[%dma_start3A_1175, %mul3A_2, %dma_start3A_1183] : memref<16x2048x64xf32, #tpu.memory_space<hbm>> -> memref<1x64x64xf32, #tpu.memory_space<hbm>>
    %dma_start3A_1185 = tpu.memref_squeeze %dma_start3A_1184 : memref<1x64x64xf32, #tpu.memory_space<hbm>> -> memref<64x64xf32, #tpu.memory_space<hbm>>
    %dma_start3A_1186 = arith.constant 0 : i32
    %dma_start3A_1187 = arith.constant 0 : i32
    %dma_start3A_1188 = tpu.memref_slice %arg9[%dma_start3A_1174, %dma_start3A_1186, %dma_start3A_1187] : memref<8x128x64xf32, #tpu.memory_space<vmem>> -> memref<1x64x64xf32, #tpu.memory_space<vmem>>
    %dma_start3A_1189 = tpu.memref_squeeze %dma_start3A_1188 : memref<1x64x64xf32, #tpu.memory_space<vmem>> -> memref<64x64xf32, #tpu.memory_space<vmem>>
    tpu.enqueue_dma source(%dma_start3A_1189 : memref<64x64xf32, #tpu.memory_space<vmem>>) target(%dma_start3A_1185 : memref<64x64xf32, #tpu.memory_space<hbm>>) target_semaphore(%arg19 : memref<!tpu.dma_semaphore, #tpu.memory_space<semaphore_mem>>)
    %dma_start3A_1190 = arith.constant 7 : i32
    %dma_start3A_1191 = arith.constant 15 : i32
    %dma_start3A_1192 = arith.constant 64 : i32
    %dma_start3A_1193 = arith.constant 0 : i32
    %dma_start3A_1194 = tpu.memref_slice %arg9[%dma_start3A_1190, %dma_start3A_1192, %dma_start3A_1193] : memref<8x128x64xf32, #tpu.memory_space<vmem>> -> memref<1x64x64xf32, #tpu.memory_space<vmem>>
    %dma_start3A_1195 = tpu.memref_squeeze %dma_start3A_1194 : memref<1x64x64xf32, #tpu.memory_space<vmem>> -> memref<64x64xf32, #tpu.memory_space<vmem>>
    %dma_start3A_1196 = arith.constant 0 : i32
    %dma_start3A_1197 = tpu.memref_slice %arg5[%dma_start3A_1191, %mul3A_2, %dma_start3A_1196] : memref<16x2048x64xf32, #tpu.memory_space<hbm>> -> memref<1x64x64xf32, #tpu.memory_space<hbm>>
    %dma_start3A_1198 = tpu.memref_squeeze %dma_start3A_1197 : memref<1x64x64xf32, #tpu.memory_space<hbm>> -> memref<64x64xf32, #tpu.memory_space<hbm>>
    %dma_start3A_1199 = arith.constant 0 : i32
    %dma_start3A_1200 = tpu.memref_slice %arg5[%dma_start3A_1191, %mul3A_2, %dma_start3A_1199] : memref<16x2048x64xf32, #tpu.memory_space<hbm>> -> memref<1x64x64xf32, #tpu.memory_space<hbm>>
    %dma_start3A_1201 = tpu.memref_squeeze %dma_start3A_1200 : memref<1x64x64xf32, #tpu.memory_space<hbm>> -> memref<64x64xf32, #tpu.memory_space<hbm>>
    %dma_start3A_1202 = arith.constant 64 : i32
    %dma_start3A_1203 = arith.constant 0 : i32
    %dma_start3A_1204 = tpu.memref_slice %arg9[%dma_start3A_1190, %dma_start3A_1202, %dma_start3A_1203] : memref<8x128x64xf32, #tpu.memory_space<vmem>> -> memref<1x64x64xf32, #tpu.memory_space<vmem>>
    %dma_start3A_1205 = tpu.memref_squeeze %dma_start3A_1204 : memref<1x64x64xf32, #tpu.memory_space<vmem>> -> memref<64x64xf32, #tpu.memory_space<vmem>>
    tpu.enqueue_dma source(%dma_start3A_1205 : memref<64x64xf32, #tpu.memory_space<vmem>>) target(%dma_start3A_1201 : memref<64x64xf32, #tpu.memory_space<hbm>>) target_semaphore(%arg19 : memref<!tpu.dma_semaphore, #tpu.memory_space<semaphore_mem>>)
    %dma_wait3A_1206 = arith.constant 0 : i32
    %dma_wait3A_1207 = arith.constant 0 : i32
    %dma_wait3A_1208 = arith.constant 0 : i32
    %dma_wait3A_1209 = arith.constant 0 : i32
    %dma_wait3A_1210 = tpu.memref_slice %arg9[%dma_wait3A_1206, %dma_wait3A_1208, %dma_wait3A_1209] : memref<8x128x64xf32, #tpu.memory_space<vmem>> -> memref<1x64x64xf32, #tpu.memory_space<vmem>>
    %dma_wait3A_1211 = tpu.memref_squeeze %dma_wait3A_1210 : memref<1x64x64xf32, #tpu.memory_space<vmem>> -> memref<64x64xf32, #tpu.memory_space<vmem>>
    %dma_wait3A_1212 = arith.constant 0 : i32
    %dma_wait3A_1213 = tpu.memref_slice %arg5[%dma_wait3A_1207, %mul3A_2, %dma_wait3A_1212] : memref<16x2048x64xf32, #tpu.memory_space<hbm>> -> memref<1x64x64xf32, #tpu.memory_space<hbm>>
    %dma_wait3A_1214 = tpu.memref_squeeze %dma_wait3A_1213 : memref<1x64x64xf32, #tpu.memory_space<hbm>> -> memref<64x64xf32, #tpu.memory_space<hbm>>
    %dma_wait3A_1215 = arith.constant 0 : i32
    %dma_wait3A_1216 = tpu.memref_slice %arg5[%dma_wait3A_1207, %mul3A_2, %dma_wait3A_1215] : memref<16x2048x64xf32, #tpu.memory_space<hbm>> -> memref<1x64x64xf32, #tpu.memory_space<hbm>>
    %dma_wait3A_1217 = tpu.memref_squeeze %dma_wait3A_1216 : memref<1x64x64xf32, #tpu.memory_space<hbm>> -> memref<64x64xf32, #tpu.memory_space<hbm>>
    %dma_wait3A_1218 = arith.constant 0 : i32
    %dma_wait3A_1219 = arith.constant 0 : i32
    %dma_wait3A_1220 = tpu.memref_slice %arg9[%dma_wait3A_1206, %dma_wait3A_1218, %dma_wait3A_1219] : memref<8x128x64xf32, #tpu.memory_space<vmem>> -> memref<1x64x64xf32, #tpu.memory_space<vmem>>
    %dma_wait3A_1221 = tpu.memref_squeeze %dma_wait3A_1220 : memref<1x64x64xf32, #tpu.memory_space<vmem>> -> memref<64x64xf32, #tpu.memory_space<vmem>>
    tpu.wait_dma2 semaphore(%arg18 : memref<!tpu.dma_semaphore, #tpu.memory_space<semaphore_mem>>) src(%dma_wait3A_1221 : memref<64x64xf32, #tpu.memory_space<vmem>>) dst(%dma_wait3A_1217 : memref<64x64xf32, #tpu.memory_space<hbm>>)
    %dma_wait3A_1222 = arith.constant 0 : i32
    %dma_wait3A_1223 = arith.constant 1 : i32
    %dma_wait3A_1224 = arith.constant 64 : i32
    %dma_wait3A_1225 = arith.constant 0 : i32
    %dma_wait3A_1226 = tpu.memref_slice %arg9[%dma_wait3A_1222, %dma_wait3A_1224, %dma_wait3A_1225] : memref<8x128x64xf32, #tpu.memory_space<vmem>> -> memref<1x64x64xf32, #tpu.memory_space<vmem>>
    %dma_wait3A_1227 = tpu.memref_squeeze %dma_wait3A_1226 : memref<1x64x64xf32, #tpu.memory_space<vmem>> -> memref<64x64xf32, #tpu.memory_space<vmem>>
    %dma_wait3A_1228 = arith.constant 0 : i32
    %dma_wait3A_1229 = tpu.memref_slice %arg5[%dma_wait3A_1223, %mul3A_2, %dma_wait3A_1228] : memref<16x2048x64xf32, #tpu.memory_space<hbm>> -> memref<1x64x64xf32, #tpu.memory_space<hbm>>
    %dma_wait3A_1230 = tpu.memref_squeeze %dma_wait3A_1229 : memref<1x64x64xf32, #tpu.memory_space<hbm>> -> memref<64x64xf32, #tpu.memory_space<hbm>>
    %dma_wait3A_1231 = arith.constant 0 : i32
    %dma_wait3A_1232 = tpu.memref_slice %arg5[%dma_wait3A_1223, %mul3A_2, %dma_wait3A_1231] : memref<16x2048x64xf32, #tpu.memory_space<hbm>> -> memref<1x64x64xf32, #tpu.memory_space<hbm>>
    %dma_wait3A_1233 = tpu.memref_squeeze %dma_wait3A_1232 : memref<1x64x64xf32, #tpu.memory_space<hbm>> -> memref<64x64xf32, #tpu.memory_space<hbm>>
    %dma_wait3A_1234 = arith.constant 64 : i32
    %dma_wait3A_1235 = arith.constant 0 : i32
    %dma_wait3A_1236 = tpu.memref_slice %arg9[%dma_wait3A_1222, %dma_wait3A_1234, %dma_wait3A_1235] : memref<8x128x64xf32, #tpu.memory_space<vmem>> -> memref<1x64x64xf32, #tpu.memory_space<vmem>>
    %dma_wait3A_1237 = tpu.memref_squeeze %dma_wait3A_1236 : memref<1x64x64xf32, #tpu.memory_space<vmem>> -> memref<64x64xf32, #tpu.memory_space<vmem>>
    tpu.wait_dma2 semaphore(%arg18 : memref<!tpu.dma_semaphore, #tpu.memory_space<semaphore_mem>>) src(%dma_wait3A_1237 : memref<64x64xf32, #tpu.memory_space<vmem>>) dst(%dma_wait3A_1233 : memref<64x64xf32, #tpu.memory_space<hbm>>)
    %dma_wait3A_1238 = arith.constant 1 : i32
    %dma_wait3A_1239 = arith.constant 2 : i32
    %dma_wait3A_1240 = arith.constant 0 : i32
    %dma_wait3A_1241 = arith.constant 0 : i32
    %dma_wait3A_1242 = tpu.memref_slice %arg9[%dma_wait3A_1238, %dma_wait3A_1240, %dma_wait3A_1241] : memref<8x128x64xf32, #tpu.memory_space<vmem>> -> memref<1x64x64xf32, #tpu.memory_space<vmem>>
    %dma_wait3A_1243 = tpu.memref_squeeze %dma_wait3A_1242 : memref<1x64x64xf32, #tpu.memory_space<vmem>> -> memref<64x64xf32, #tpu.memory_space<vmem>>
    %dma_wait3A_1244 = arith.constant 0 : i32
    %dma_wait3A_1245 = tpu.memref_slice %arg5[%dma_wait3A_1239, %mul3A_2, %dma_wait3A_1244] : memref<16x2048x64xf32, #tpu.memory_space<hbm>> -> memref<1x64x64xf32, #tpu.memory_space<hbm>>
    %dma_wait3A_1246 = tpu.memref_squeeze %dma_wait3A_1245 : memref<1x64x64xf32, #tpu.memory_space<hbm>> -> memref<64x64xf32, #tpu.memory_space<hbm>>
    %dma_wait3A_1247 = arith.constant 0 : i32
    %dma_wait3A_1248 = tpu.memref_slice %arg5[%dma_wait3A_1239, %mul3A_2, %dma_wait3A_1247] : memref<16x2048x64xf32, #tpu.memory_space<hbm>> -> memref<1x64x64xf32, #tpu.memory_space<hbm>>
    %dma_wait3A_1249 = tpu.memref_squeeze %dma_wait3A_1248 : memref<1x64x64xf32, #tpu.memory_space<hbm>> -> memref<64x64xf32, #tpu.memory_space<hbm>>
    %dma_wait3A_1250 = arith.constant 0 : i32
    %dma_wait3A_1251 = arith.constant 0 : i32
    %dma_wait3A_1252 = tpu.memref_slice %arg9[%dma_wait3A_1238, %dma_wait3A_1250, %dma_wait3A_1251] : memref<8x128x64xf32, #tpu.memory_space<vmem>> -> memref<1x64x64xf32, #tpu.memory_space<vmem>>
    %dma_wait3A_1253 = tpu.memref_squeeze %dma_wait3A_1252 : memref<1x64x64xf32, #tpu.memory_space<vmem>> -> memref<64x64xf32, #tpu.memory_space<vmem>>
    tpu.wait_dma2 semaphore(%arg19 : memref<!tpu.dma_semaphore, #tpu.memory_space<semaphore_mem>>) src(%dma_wait3A_1253 : memref<64x64xf32, #tpu.memory_space<vmem>>) dst(%dma_wait3A_1249 : memref<64x64xf32, #tpu.memory_space<hbm>>)
    %dma_wait3A_1254 = arith.constant 1 : i32
    %dma_wait3A_1255 = arith.constant 3 : i32
    %dma_wait3A_1256 = arith.constant 64 : i32
    %dma_wait3A_1257 = arith.constant 0 : i32
    %dma_wait3A_1258 = tpu.memref_slice %arg9[%dma_wait3A_1254, %dma_wait3A_1256, %dma_wait3A_1257] : memref<8x128x64xf32, #tpu.memory_space<vmem>> -> memref<1x64x64xf32, #tpu.memory_space<vmem>>
    %dma_wait3A_1259 = tpu.memref_squeeze %dma_wait3A_1258 : memref<1x64x64xf32, #tpu.memory_space<vmem>> -> memref<64x64xf32, #tpu.memory_space<vmem>>
    %dma_wait3A_1260 = arith.constant 0 : i32
    %dma_wait3A_1261 = tpu.memref_slice %arg5[%dma_wait3A_1255, %mul3A_2, %dma_wait3A_1260] : memref<16x2048x64xf32, #tpu.memory_space<hbm>> -> memref<1x64x64xf32, #tpu.memory_space<hbm>>
    %dma_wait3A_1262 = tpu.memref_squeeze %dma_wait3A_1261 : memref<1x64x64xf32, #tpu.memory_space<hbm>> -> memref<64x64xf32, #tpu.memory_space<hbm>>
    %dma_wait3A_1263 = arith.constant 0 : i32
    %dma_wait3A_1264 = tpu.memref_slice %arg5[%dma_wait3A_1255, %mul3A_2, %dma_wait3A_1263] : memref<16x2048x64xf32, #tpu.memory_space<hbm>> -> memref<1x64x64xf32, #tpu.memory_space<hbm>>
    %dma_wait3A_1265 = tpu.memref_squeeze %dma_wait3A_1264 : memref<1x64x64xf32, #tpu.memory_space<hbm>> -> memref<64x64xf32, #tpu.memory_space<hbm>>
    %dma_wait3A_1266 = arith.constant 64 : i32
    %dma_wait3A_1267 = arith.constant 0 : i32
    %dma_wait3A_1268 = tpu.memref_slice %arg9[%dma_wait3A_1254, %dma_wait3A_1266, %dma_wait3A_1267] : memref<8x128x64xf32, #tpu.memory_space<vmem>> -> memref<1x64x64xf32, #tpu.memory_space<vmem>>
    %dma_wait3A_1269 = tpu.memref_squeeze %dma_wait3A_1268 : memref<1x64x64xf32, #tpu.memory_space<vmem>> -> memref<64x64xf32, #tpu.memory_space<vmem>>
    tpu.wait_dma2 semaphore(%arg19 : memref<!tpu.dma_semaphore, #tpu.memory_space<semaphore_mem>>) src(%dma_wait3A_1269 : memref<64x64xf32, #tpu.memory_space<vmem>>) dst(%dma_wait3A_1265 : memref<64x64xf32, #tpu.memory_space<hbm>>)
    %dma_wait3A_1270 = arith.constant 2 : i32
    %dma_wait3A_1271 = arith.constant 4 : i32
    %dma_wait3A_1272 = arith.constant 0 : i32
    %dma_wait3A_1273 = arith.constant 0 : i32
    %dma_wait3A_1274 = tpu.memref_slice %arg9[%dma_wait3A_1270, %dma_wait3A_1272, %dma_wait3A_1273] : memref<8x128x64xf32, #tpu.memory_space<vmem>> -> memref<1x64x64xf32, #tpu.memory_space<vmem>>
    %dma_wait3A_1275 = tpu.memref_squeeze %dma_wait3A_1274 : memref<1x64x64xf32, #tpu.memory_space<vmem>> -> memref<64x64xf32, #tpu.memory_space<vmem>>
    %dma_wait3A_1276 = arith.constant 0 : i32
    %dma_wait3A_1277 = tpu.memref_slice %arg5[%dma_wait3A_1271, %mul3A_2, %dma_wait3A_1276] : memref<16x2048x64xf32, #tpu.memory_space<hbm>> -> memref<1x64x64xf32, #tpu.memory_space<hbm>>
    %dma_wait3A_1278 = tpu.memref_squeeze %dma_wait3A_1277 : memref<1x64x64xf32, #tpu.memory_space<hbm>> -> memref<64x64xf32, #tpu.memory_space<hbm>>
    %dma_wait3A_1279 = arith.constant 0 : i32
    %dma_wait3A_1280 = tpu.memref_slice %arg5[%dma_wait3A_1271, %mul3A_2, %dma_wait3A_1279] : memref<16x2048x64xf32, #tpu.memory_space<hbm>> -> memref<1x64x64xf32, #tpu.memory_space<hbm>>
    %dma_wait3A_1281 = tpu.memref_squeeze %dma_wait3A_1280 : memref<1x64x64xf32, #tpu.memory_space<hbm>> -> memref<64x64xf32, #tpu.memory_space<hbm>>
    %dma_wait3A_1282 = arith.constant 0 : i32
    %dma_wait3A_1283 = arith.constant 0 : i32
    %dma_wait3A_1284 = tpu.memref_slice %arg9[%dma_wait3A_1270, %dma_wait3A_1282, %dma_wait3A_1283] : memref<8x128x64xf32, #tpu.memory_space<vmem>> -> memref<1x64x64xf32, #tpu.memory_space<vmem>>
    %dma_wait3A_1285 = tpu.memref_squeeze %dma_wait3A_1284 : memref<1x64x64xf32, #tpu.memory_space<vmem>> -> memref<64x64xf32, #tpu.memory_space<vmem>>
    tpu.wait_dma2 semaphore(%arg18 : memref<!tpu.dma_semaphore, #tpu.memory_space<semaphore_mem>>) src(%dma_wait3A_1285 : memref<64x64xf32, #tpu.memory_space<vmem>>) dst(%dma_wait3A_1281 : memref<64x64xf32, #tpu.memory_space<hbm>>)
    %dma_wait3A_1286 = arith.constant 2 : i32
    %dma_wait3A_1287 = arith.constant 5 : i32
    %dma_wait3A_1288 = arith.constant 64 : i32
    %dma_wait3A_1289 = arith.constant 0 : i32
    %dma_wait3A_1290 = tpu.memref_slice %arg9[%dma_wait3A_1286, %dma_wait3A_1288, %dma_wait3A_1289] : memref<8x128x64xf32, #tpu.memory_space<vmem>> -> memref<1x64x64xf32, #tpu.memory_space<vmem>>
    %dma_wait3A_1291 = tpu.memref_squeeze %dma_wait3A_1290 : memref<1x64x64xf32, #tpu.memory_space<vmem>> -> memref<64x64xf32, #tpu.memory_space<vmem>>
    %dma_wait3A_1292 = arith.constant 0 : i32
    %dma_wait3A_1293 = tpu.memref_slice %arg5[%dma_wait3A_1287, %mul3A_2, %dma_wait3A_1292] : memref<16x2048x64xf32, #tpu.memory_space<hbm>> -> memref<1x64x64xf32, #tpu.memory_space<hbm>>
    %dma_wait3A_1294 = tpu.memref_squeeze %dma_wait3A_1293 : memref<1x64x64xf32, #tpu.memory_space<hbm>> -> memref<64x64xf32, #tpu.memory_space<hbm>>
    %dma_wait3A_1295 = arith.constant 0 : i32
    %dma_wait3A_1296 = tpu.memref_slice %arg5[%dma_wait3A_1287, %mul3A_2, %dma_wait3A_1295] : memref<16x2048x64xf32, #tpu.memory_space<hbm>> -> memref<1x64x64xf32, #tpu.memory_space<hbm>>
    %dma_wait3A_1297 = tpu.memref_squeeze %dma_wait3A_1296 : memref<1x64x64xf32, #tpu.memory_space<hbm>> -> memref<64x64xf32, #tpu.memory_space<hbm>>
    %dma_wait3A_1298 = arith.constant 64 : i32
    %dma_wait3A_1299 = arith.constant 0 : i32
    %dma_wait3A_1300 = tpu.memref_slice %arg9[%dma_wait3A_1286, %dma_wait3A_1298, %dma_wait3A_1299] : memref<8x128x64xf32, #tpu.memory_space<vmem>> -> memref<1x64x64xf32, #tpu.memory_space<vmem>>
    %dma_wait3A_1301 = tpu.memref_squeeze %dma_wait3A_1300 : memref<1x64x64xf32, #tpu.memory_space<vmem>> -> memref<64x64xf32, #tpu.memory_space<vmem>>
    tpu.wait_dma2 semaphore(%arg18 : memref<!tpu.dma_semaphore, #tpu.memory_space<semaphore_mem>>) src(%dma_wait3A_1301 : memref<64x64xf32, #tpu.memory_space<vmem>>) dst(%dma_wait3A_1297 : memref<64x64xf32, #tpu.memory_space<hbm>>)
    %dma_wait3A_1302 = arith.constant 3 : i32
    %dma_wait3A_1303 = arith.constant 6 : i32
    %dma_wait3A_1304 = arith.constant 0 : i32
    %dma_wait3A_1305 = arith.constant 0 : i32
    %dma_wait3A_1306 = tpu.memref_slice %arg9[%dma_wait3A_1302, %dma_wait3A_1304, %dma_wait3A_1305] : memref<8x128x64xf32, #tpu.memory_space<vmem>> -> memref<1x64x64xf32, #tpu.memory_space<vmem>>
    %dma_wait3A_1307 = tpu.memref_squeeze %dma_wait3A_1306 : memref<1x64x64xf32, #tpu.memory_space<vmem>> -> memref<64x64xf32, #tpu.memory_space<vmem>>
    %dma_wait3A_1308 = arith.constant 0 : i32
    %dma_wait3A_1309 = tpu.memref_slice %arg5[%dma_wait3A_1303, %mul3A_2, %dma_wait3A_1308] : memref<16x2048x64xf32, #tpu.memory_space<hbm>> -> memref<1x64x64xf32, #tpu.memory_space<hbm>>
    %dma_wait3A_1310 = tpu.memref_squeeze %dma_wait3A_1309 : memref<1x64x64xf32, #tpu.memory_space<hbm>> -> memref<64x64xf32, #tpu.memory_space<hbm>>
    %dma_wait3A_1311 = arith.constant 0 : i32
    %dma_wait3A_1312 = tpu.memref_slice %arg5[%dma_wait3A_1303, %mul3A_2, %dma_wait3A_1311] : memref<16x2048x64xf32, #tpu.memory_space<hbm>> -> memref<1x64x64xf32, #tpu.memory_space<hbm>>
    %dma_wait3A_1313 = tpu.memref_squeeze %dma_wait3A_1312 : memref<1x64x64xf32, #tpu.memory_space<hbm>> -> memref<64x64xf32, #tpu.memory_space<hbm>>
    %dma_wait3A_1314 = arith.constant 0 : i32
    %dma_wait3A_1315 = arith.constant 0 : i32
    %dma_wait3A_1316 = tpu.memref_slice %arg9[%dma_wait3A_1302, %dma_wait3A_1314, %dma_wait3A_1315] : memref<8x128x64xf32, #tpu.memory_space<vmem>> -> memref<1x64x64xf32, #tpu.memory_space<vmem>>
    %dma_wait3A_1317 = tpu.memref_squeeze %dma_wait3A_1316 : memref<1x64x64xf32, #tpu.memory_space<vmem>> -> memref<64x64xf32, #tpu.memory_space<vmem>>
    tpu.wait_dma2 semaphore(%arg19 : memref<!tpu.dma_semaphore, #tpu.memory_space<semaphore_mem>>) src(%dma_wait3A_1317 : memref<64x64xf32, #tpu.memory_space<vmem>>) dst(%dma_wait3A_1313 : memref<64x64xf32, #tpu.memory_space<hbm>>)
    %dma_wait3A_1318 = arith.constant 3 : i32
    %dma_wait3A_1319 = arith.constant 7 : i32
    %dma_wait3A_1320 = arith.constant 64 : i32
    %dma_wait3A_1321 = arith.constant 0 : i32
    %dma_wait3A_1322 = tpu.memref_slice %arg9[%dma_wait3A_1318, %dma_wait3A_1320, %dma_wait3A_1321] : memref<8x128x64xf32, #tpu.memory_space<vmem>> -> memref<1x64x64xf32, #tpu.memory_space<vmem>>
    %dma_wait3A_1323 = tpu.memref_squeeze %dma_wait3A_1322 : memref<1x64x64xf32, #tpu.memory_space<vmem>> -> memref<64x64xf32, #tpu.memory_space<vmem>>
    %dma_wait3A_1324 = arith.constant 0 : i32
    %dma_wait3A_1325 = tpu.memref_slice %arg5[%dma_wait3A_1319, %mul3A_2, %dma_wait3A_1324] : memref<16x2048x64xf32, #tpu.memory_space<hbm>> -> memref<1x64x64xf32, #tpu.memory_space<hbm>>
    %dma_wait3A_1326 = tpu.memref_squeeze %dma_wait3A_1325 : memref<1x64x64xf32, #tpu.memory_space<hbm>> -> memref<64x64xf32, #tpu.memory_space<hbm>>
    %dma_wait3A_1327 = arith.constant 0 : i32
    %dma_wait3A_1328 = tpu.memref_slice %arg5[%dma_wait3A_1319, %mul3A_2, %dma_wait3A_1327] : memref<16x2048x64xf32, #tpu.memory_space<hbm>> -> memref<1x64x64xf32, #tpu.memory_space<hbm>>
    %dma_wait3A_1329 = tpu.memref_squeeze %dma_wait3A_1328 : memref<1x64x64xf32, #tpu.memory_space<hbm>> -> memref<64x64xf32, #tpu.memory_space<hbm>>
    %dma_wait3A_1330 = arith.constant 64 : i32
    %dma_wait3A_1331 = arith.constant 0 : i32
    %dma_wait3A_1332 = tpu.memref_slice %arg9[%dma_wait3A_1318, %dma_wait3A_1330, %dma_wait3A_1331] : memref<8x128x64xf32, #tpu.memory_space<vmem>> -> memref<1x64x64xf32, #tpu.memory_space<vmem>>
    %dma_wait3A_1333 = tpu.memref_squeeze %dma_wait3A_1332 : memref<1x64x64xf32, #tpu.memory_space<vmem>> -> memref<64x64xf32, #tpu.memory_space<vmem>>
    tpu.wait_dma2 semaphore(%arg19 : memref<!tpu.dma_semaphore, #tpu.memory_space<semaphore_mem>>) src(%dma_wait3A_1333 : memref<64x64xf32, #tpu.memory_space<vmem>>) dst(%dma_wait3A_1329 : memref<64x64xf32, #tpu.memory_space<hbm>>)
    %dma_wait3A_1334 = arith.constant 4 : i32
    %dma_wait3A_1335 = arith.constant 8 : i32
    %dma_wait3A_1336 = arith.constant 0 : i32
    %dma_wait3A_1337 = arith.constant 0 : i32
    %dma_wait3A_1338 = tpu.memref_slice %arg9[%dma_wait3A_1334, %dma_wait3A_1336, %dma_wait3A_1337] : memref<8x128x64xf32, #tpu.memory_space<vmem>> -> memref<1x64x64xf32, #tpu.memory_space<vmem>>
    %dma_wait3A_1339 = tpu.memref_squeeze %dma_wait3A_1338 : memref<1x64x64xf32, #tpu.memory_space<vmem>> -> memref<64x64xf32, #tpu.memory_space<vmem>>
    %dma_wait3A_1340 = arith.constant 0 : i32
    %dma_wait3A_1341 = tpu.memref_slice %arg5[%dma_wait3A_1335, %mul3A_2, %dma_wait3A_1340] : memref<16x2048x64xf32, #tpu.memory_space<hbm>> -> memref<1x64x64xf32, #tpu.memory_space<hbm>>
    %dma_wait3A_1342 = tpu.memref_squeeze %dma_wait3A_1341 : memref<1x64x64xf32, #tpu.memory_space<hbm>> -> memref<64x64xf32, #tpu.memory_space<hbm>>
    %dma_wait3A_1343 = arith.constant 0 : i32
    %dma_wait3A_1344 = tpu.memref_slice %arg5[%dma_wait3A_1335, %mul3A_2, %dma_wait3A_1343] : memref<16x2048x64xf32, #tpu.memory_space<hbm>> -> memref<1x64x64xf32, #tpu.memory_space<hbm>>
    %dma_wait3A_1345 = tpu.memref_squeeze %dma_wait3A_1344 : memref<1x64x64xf32, #tpu.memory_space<hbm>> -> memref<64x64xf32, #tpu.memory_space<hbm>>
    %dma_wait3A_1346 = arith.constant 0 : i32
    %dma_wait3A_1347 = arith.constant 0 : i32
    %dma_wait3A_1348 = tpu.memref_slice %arg9[%dma_wait3A_1334, %dma_wait3A_1346, %dma_wait3A_1347] : memref<8x128x64xf32, #tpu.memory_space<vmem>> -> memref<1x64x64xf32, #tpu.memory_space<vmem>>
    %dma_wait3A_1349 = tpu.memref_squeeze %dma_wait3A_1348 : memref<1x64x64xf32, #tpu.memory_space<vmem>> -> memref<64x64xf32, #tpu.memory_space<vmem>>
    tpu.wait_dma2 semaphore(%arg18 : memref<!tpu.dma_semaphore, #tpu.memory_space<semaphore_mem>>) src(%dma_wait3A_1349 : memref<64x64xf32, #tpu.memory_space<vmem>>) dst(%dma_wait3A_1345 : memref<64x64xf32, #tpu.memory_space<hbm>>)
    %dma_wait3A_1350 = arith.constant 4 : i32
    %dma_wait3A_1351 = arith.constant 9 : i32
    %dma_wait3A_1352 = arith.constant 64 : i32
    %dma_wait3A_1353 = arith.constant 0 : i32
    %dma_wait3A_1354 = tpu.memref_slice %arg9[%dma_wait3A_1350, %dma_wait3A_1352, %dma_wait3A_1353] : memref<8x128x64xf32, #tpu.memory_space<vmem>> -> memref<1x64x64xf32, #tpu.memory_space<vmem>>
    %dma_wait3A_1355 = tpu.memref_squeeze %dma_wait3A_1354 : memref<1x64x64xf32, #tpu.memory_space<vmem>> -> memref<64x64xf32, #tpu.memory_space<vmem>>
    %dma_wait3A_1356 = arith.constant 0 : i32
    %dma_wait3A_1357 = tpu.memref_slice %arg5[%dma_wait3A_1351, %mul3A_2, %dma_wait3A_1356] : memref<16x2048x64xf32, #tpu.memory_space<hbm>> -> memref<1x64x64xf32, #tpu.memory_space<hbm>>
    %dma_wait3A_1358 = tpu.memref_squeeze %dma_wait3A_1357 : memref<1x64x64xf32, #tpu.memory_space<hbm>> -> memref<64x64xf32, #tpu.memory_space<hbm>>
    %dma_wait3A_1359 = arith.constant 0 : i32
    %dma_wait3A_1360 = tpu.memref_slice %arg5[%dma_wait3A_1351, %mul3A_2, %dma_wait3A_1359] : memref<16x2048x64xf32, #tpu.memory_space<hbm>> -> memref<1x64x64xf32, #tpu.memory_space<hbm>>
    %dma_wait3A_1361 = tpu.memref_squeeze %dma_wait3A_1360 : memref<1x64x64xf32, #tpu.memory_space<hbm>> -> memref<64x64xf32, #tpu.memory_space<hbm>>
    %dma_wait3A_1362 = arith.constant 64 : i32
    %dma_wait3A_1363 = arith.constant 0 : i32
    %dma_wait3A_1364 = tpu.memref_slice %arg9[%dma_wait3A_1350, %dma_wait3A_1362, %dma_wait3A_1363] : memref<8x128x64xf32, #tpu.memory_space<vmem>> -> memref<1x64x64xf32, #tpu.memory_space<vmem>>
    %dma_wait3A_1365 = tpu.memref_squeeze %dma_wait3A_1364 : memref<1x64x64xf32, #tpu.memory_space<vmem>> -> memref<64x64xf32, #tpu.memory_space<vmem>>
    tpu.wait_dma2 semaphore(%arg18 : memref<!tpu.dma_semaphore, #tpu.memory_space<semaphore_mem>>) src(%dma_wait3A_1365 : memref<64x64xf32, #tpu.memory_space<vmem>>) dst(%dma_wait3A_1361 : memref<64x64xf32, #tpu.memory_space<hbm>>)
    %dma_wait3A_1366 = arith.constant 5 : i32
    %dma_wait3A_1367 = arith.constant 10 : i32
    %dma_wait3A_1368 = arith.constant 0 : i32
    %dma_wait3A_1369 = arith.constant 0 : i32
    %dma_wait3A_1370 = tpu.memref_slice %arg9[%dma_wait3A_1366, %dma_wait3A_1368, %dma_wait3A_1369] : memref<8x128x64xf32, #tpu.memory_space<vmem>> -> memref<1x64x64xf32, #tpu.memory_space<vmem>>
    %dma_wait3A_1371 = tpu.memref_squeeze %dma_wait3A_1370 : memref<1x64x64xf32, #tpu.memory_space<vmem>> -> memref<64x64xf32, #tpu.memory_space<vmem>>
    %dma_wait3A_1372 = arith.constant 0 : i32
    %dma_wait3A_1373 = tpu.memref_slice %arg5[%dma_wait3A_1367, %mul3A_2, %dma_wait3A_1372] : memref<16x2048x64xf32, #tpu.memory_space<hbm>> -> memref<1x64x64xf32, #tpu.memory_space<hbm>>
    %dma_wait3A_1374 = tpu.memref_squeeze %dma_wait3A_1373 : memref<1x64x64xf32, #tpu.memory_space<hbm>> -> memref<64x64xf32, #tpu.memory_space<hbm>>
    %dma_wait3A_1375 = arith.constant 0 : i32
    %dma_wait3A_1376 = tpu.memref_slice %arg5[%dma_wait3A_1367, %mul3A_2, %dma_wait3A_1375] : memref<16x2048x64xf32, #tpu.memory_space<hbm>> -> memref<1x64x64xf32, #tpu.memory_space<hbm>>
    %dma_wait3A_1377 = tpu.memref_squeeze %dma_wait3A_1376 : memref<1x64x64xf32, #tpu.memory_space<hbm>> -> memref<64x64xf32, #tpu.memory_space<hbm>>
    %dma_wait3A_1378 = arith.constant 0 : i32
    %dma_wait3A_1379 = arith.constant 0 : i32
    %dma_wait3A_1380 = tpu.memref_slice %arg9[%dma_wait3A_1366, %dma_wait3A_1378, %dma_wait3A_1379] : memref<8x128x64xf32, #tpu.memory_space<vmem>> -> memref<1x64x64xf32, #tpu.memory_space<vmem>>
    %dma_wait3A_1381 = tpu.memref_squeeze %dma_wait3A_1380 : memref<1x64x64xf32, #tpu.memory_space<vmem>> -> memref<64x64xf32, #tpu.memory_space<vmem>>
    tpu.wait_dma2 semaphore(%arg19 : memref<!tpu.dma_semaphore, #tpu.memory_space<semaphore_mem>>) src(%dma_wait3A_1381 : memref<64x64xf32, #tpu.memory_space<vmem>>) dst(%dma_wait3A_1377 : memref<64x64xf32, #tpu.memory_space<hbm>>)
    %dma_wait3A_1382 = arith.constant 5 : i32
    %dma_wait3A_1383 = arith.constant 11 : i32
    %dma_wait3A_1384 = arith.constant 64 : i32
    %dma_wait3A_1385 = arith.constant 0 : i32
    %dma_wait3A_1386 = tpu.memref_slice %arg9[%dma_wait3A_1382, %dma_wait3A_1384, %dma_wait3A_1385] : memref<8x128x64xf32, #tpu.memory_space<vmem>> -> memref<1x64x64xf32, #tpu.memory_space<vmem>>
    %dma_wait3A_1387 = tpu.memref_squeeze %dma_wait3A_1386 : memref<1x64x64xf32, #tpu.memory_space<vmem>> -> memref<64x64xf32, #tpu.memory_space<vmem>>
    %dma_wait3A_1388 = arith.constant 0 : i32
    %dma_wait3A_1389 = tpu.memref_slice %arg5[%dma_wait3A_1383, %mul3A_2, %dma_wait3A_1388] : memref<16x2048x64xf32, #tpu.memory_space<hbm>> -> memref<1x64x64xf32, #tpu.memory_space<hbm>>
    %dma_wait3A_1390 = tpu.memref_squeeze %dma_wait3A_1389 : memref<1x64x64xf32, #tpu.memory_space<hbm>> -> memref<64x64xf32, #tpu.memory_space<hbm>>
    %dma_wait3A_1391 = arith.constant 0 : i32
    %dma_wait3A_1392 = tpu.memref_slice %arg5[%dma_wait3A_1383, %mul3A_2, %dma_wait3A_1391] : memref<16x2048x64xf32, #tpu.memory_space<hbm>> -> memref<1x64x64xf32, #tpu.memory_space<hbm>>
    %dma_wait3A_1393 = tpu.memref_squeeze %dma_wait3A_1392 : memref<1x64x64xf32, #tpu.memory_space<hbm>> -> memref<64x64xf32, #tpu.memory_space<hbm>>
    %dma_wait3A_1394 = arith.constant 64 : i32
    %dma_wait3A_1395 = arith.constant 0 : i32
    %dma_wait3A_1396 = tpu.memref_slice %arg9[%dma_wait3A_1382, %dma_wait3A_1394, %dma_wait3A_1395] : memref<8x128x64xf32, #tpu.memory_space<vmem>> -> memref<1x64x64xf32, #tpu.memory_space<vmem>>
    %dma_wait3A_1397 = tpu.memref_squeeze %dma_wait3A_1396 : memref<1x64x64xf32, #tpu.memory_space<vmem>> -> memref<64x64xf32, #tpu.memory_space<vmem>>
    tpu.wait_dma2 semaphore(%arg19 : memref<!tpu.dma_semaphore, #tpu.memory_space<semaphore_mem>>) src(%dma_wait3A_1397 : memref<64x64xf32, #tpu.memory_space<vmem>>) dst(%dma_wait3A_1393 : memref<64x64xf32, #tpu.memory_space<hbm>>)
    %dma_wait3A_1398 = arith.constant 6 : i32
    %dma_wait3A_1399 = arith.constant 12 : i32
    %dma_wait3A_1400 = arith.constant 0 : i32
    %dma_wait3A_1401 = arith.constant 0 : i32
    %dma_wait3A_1402 = tpu.memref_slice %arg9[%dma_wait3A_1398, %dma_wait3A_1400, %dma_wait3A_1401] : memref<8x128x64xf32, #tpu.memory_space<vmem>> -> memref<1x64x64xf32, #tpu.memory_space<vmem>>
    %dma_wait3A_1403 = tpu.memref_squeeze %dma_wait3A_1402 : memref<1x64x64xf32, #tpu.memory_space<vmem>> -> memref<64x64xf32, #tpu.memory_space<vmem>>
    %dma_wait3A_1404 = arith.constant 0 : i32
    %dma_wait3A_1405 = tpu.memref_slice %arg5[%dma_wait3A_1399, %mul3A_2, %dma_wait3A_1404] : memref<16x2048x64xf32, #tpu.memory_space<hbm>> -> memref<1x64x64xf32, #tpu.memory_space<hbm>>
    %dma_wait3A_1406 = tpu.memref_squeeze %dma_wait3A_1405 : memref<1x64x64xf32, #tpu.memory_space<hbm>> -> memref<64x64xf32, #tpu.memory_space<hbm>>
    %dma_wait3A_1407 = arith.constant 0 : i32
    %dma_wait3A_1408 = tpu.memref_slice %arg5[%dma_wait3A_1399, %mul3A_2, %dma_wait3A_1407] : memref<16x2048x64xf32, #tpu.memory_space<hbm>> -> memref<1x64x64xf32, #tpu.memory_space<hbm>>
    %dma_wait3A_1409 = tpu.memref_squeeze %dma_wait3A_1408 : memref<1x64x64xf32, #tpu.memory_space<hbm>> -> memref<64x64xf32, #tpu.memory_space<hbm>>
    %dma_wait3A_1410 = arith.constant 0 : i32
    %dma_wait3A_1411 = arith.constant 0 : i32
    %dma_wait3A_1412 = tpu.memref_slice %arg9[%dma_wait3A_1398, %dma_wait3A_1410, %dma_wait3A_1411] : memref<8x128x64xf32, #tpu.memory_space<vmem>> -> memref<1x64x64xf32, #tpu.memory_space<vmem>>
    %dma_wait3A_1413 = tpu.memref_squeeze %dma_wait3A_1412 : memref<1x64x64xf32, #tpu.memory_space<vmem>> -> memref<64x64xf32, #tpu.memory_space<vmem>>
    tpu.wait_dma2 semaphore(%arg18 : memref<!tpu.dma_semaphore, #tpu.memory_space<semaphore_mem>>) src(%dma_wait3A_1413 : memref<64x64xf32, #tpu.memory_space<vmem>>) dst(%dma_wait3A_1409 : memref<64x64xf32, #tpu.memory_space<hbm>>)
    %dma_wait3A_1414 = arith.constant 6 : i32
    %dma_wait3A_1415 = arith.constant 13 : i32
    %dma_wait3A_1416 = arith.constant 64 : i32
    %dma_wait3A_1417 = arith.constant 0 : i32
    %dma_wait3A_1418 = tpu.memref_slice %arg9[%dma_wait3A_1414, %dma_wait3A_1416, %dma_wait3A_1417] : memref<8x128x64xf32, #tpu.memory_space<vmem>> -> memref<1x64x64xf32, #tpu.memory_space<vmem>>
    %dma_wait3A_1419 = tpu.memref_squeeze %dma_wait3A_1418 : memref<1x64x64xf32, #tpu.memory_space<vmem>> -> memref<64x64xf32, #tpu.memory_space<vmem>>
    %dma_wait3A_1420 = arith.constant 0 : i32
    %dma_wait3A_1421 = tpu.memref_slice %arg5[%dma_wait3A_1415, %mul3A_2, %dma_wait3A_1420] : memref<16x2048x64xf32, #tpu.memory_space<hbm>> -> memref<1x64x64xf32, #tpu.memory_space<hbm>>
    %dma_wait3A_1422 = tpu.memref_squeeze %dma_wait3A_1421 : memref<1x64x64xf32, #tpu.memory_space<hbm>> -> memref<64x64xf32, #tpu.memory_space<hbm>>
    %dma_wait3A_1423 = arith.constant 0 : i32
    %dma_wait3A_1424 = tpu.memref_slice %arg5[%dma_wait3A_1415, %mul3A_2, %dma_wait3A_1423] : memref<16x2048x64xf32, #tpu.memory_space<hbm>> -> memref<1x64x64xf32, #tpu.memory_space<hbm>>
    %dma_wait3A_1425 = tpu.memref_squeeze %dma_wait3A_1424 : memref<1x64x64xf32, #tpu.memory_space<hbm>> -> memref<64x64xf32, #tpu.memory_space<hbm>>
    %dma_wait3A_1426 = arith.constant 64 : i32
    %dma_wait3A_1427 = arith.constant 0 : i32
    %dma_wait3A_1428 = tpu.memref_slice %arg9[%dma_wait3A_1414, %dma_wait3A_1426, %dma_wait3A_1427] : memref<8x128x64xf32, #tpu.memory_space<vmem>> -> memref<1x64x64xf32, #tpu.memory_space<vmem>>
    %dma_wait3A_1429 = tpu.memref_squeeze %dma_wait3A_1428 : memref<1x64x64xf32, #tpu.memory_space<vmem>> -> memref<64x64xf32, #tpu.memory_space<vmem>>
    tpu.wait_dma2 semaphore(%arg18 : memref<!tpu.dma_semaphore, #tpu.memory_space<semaphore_mem>>) src(%dma_wait3A_1429 : memref<64x64xf32, #tpu.memory_space<vmem>>) dst(%dma_wait3A_1425 : memref<64x64xf32, #tpu.memory_space<hbm>>)
    %dma_wait3A_1430 = arith.constant 7 : i32
    %dma_wait3A_1431 = arith.constant 14 : i32
    %dma_wait3A_1432 = arith.constant 0 : i32
    %dma_wait3A_1433 = arith.constant 0 : i32
    %dma_wait3A_1434 = tpu.memref_slice %arg9[%dma_wait3A_1430, %dma_wait3A_1432, %dma_wait3A_1433] : memref<8x128x64xf32, #tpu.memory_space<vmem>> -> memref<1x64x64xf32, #tpu.memory_space<vmem>>
    %dma_wait3A_1435 = tpu.memref_squeeze %dma_wait3A_1434 : memref<1x64x64xf32, #tpu.memory_space<vmem>> -> memref<64x64xf32, #tpu.memory_space<vmem>>
    %dma_wait3A_1436 = arith.constant 0 : i32
    %dma_wait3A_1437 = tpu.memref_slice %arg5[%dma_wait3A_1431, %mul3A_2, %dma_wait3A_1436] : memref<16x2048x64xf32, #tpu.memory_space<hbm>> -> memref<1x64x64xf32, #tpu.memory_space<hbm>>
    %dma_wait3A_1438 = tpu.memref_squeeze %dma_wait3A_1437 : memref<1x64x64xf32, #tpu.memory_space<hbm>> -> memref<64x64xf32, #tpu.memory_space<hbm>>
    %dma_wait3A_1439 = arith.constant 0 : i32
    %dma_wait3A_1440 = tpu.memref_slice %arg5[%dma_wait3A_1431, %mul3A_2, %dma_wait3A_1439] : memref<16x2048x64xf32, #tpu.memory_space<hbm>> -> memref<1x64x64xf32, #tpu.memory_space<hbm>>
    %dma_wait3A_1441 = tpu.memref_squeeze %dma_wait3A_1440 : memref<1x64x64xf32, #tpu.memory_space<hbm>> -> memref<64x64xf32, #tpu.memory_space<hbm>>
    %dma_wait3A_1442 = arith.constant 0 : i32
    %dma_wait3A_1443 = arith.constant 0 : i32
    %dma_wait3A_1444 = tpu.memref_slice %arg9[%dma_wait3A_1430, %dma_wait3A_1442, %dma_wait3A_1443] : memref<8x128x64xf32, #tpu.memory_space<vmem>> -> memref<1x64x64xf32, #tpu.memory_space<vmem>>
    %dma_wait3A_1445 = tpu.memref_squeeze %dma_wait3A_1444 : memref<1x64x64xf32, #tpu.memory_space<vmem>> -> memref<64x64xf32, #tpu.memory_space<vmem>>
    tpu.wait_dma2 semaphore(%arg19 : memref<!tpu.dma_semaphore, #tpu.memory_space<semaphore_mem>>) src(%dma_wait3A_1445 : memref<64x64xf32, #tpu.memory_space<vmem>>) dst(%dma_wait3A_1441 : memref<64x64xf32, #tpu.memory_space<hbm>>)
    %dma_wait3A_1446 = arith.constant 7 : i32
    %dma_wait3A_1447 = arith.constant 15 : i32
    %dma_wait3A_1448 = arith.constant 64 : i32
    %dma_wait3A_1449 = arith.constant 0 : i32
    %dma_wait3A_1450 = tpu.memref_slice %arg9[%dma_wait3A_1446, %dma_wait3A_1448, %dma_wait3A_1449] : memref<8x128x64xf32, #tpu.memory_space<vmem>> -> memref<1x64x64xf32, #tpu.memory_space<vmem>>
    %dma_wait3A_1451 = tpu.memref_squeeze %dma_wait3A_1450 : memref<1x64x64xf32, #tpu.memory_space<vmem>> -> memref<64x64xf32, #tpu.memory_space<vmem>>
    %dma_wait3A_1452 = arith.constant 0 : i32
    %dma_wait3A_1453 = tpu.memref_slice %arg5[%dma_wait3A_1447, %mul3A_2, %dma_wait3A_1452] : memref<16x2048x64xf32, #tpu.memory_space<hbm>> -> memref<1x64x64xf32, #tpu.memory_space<hbm>>
    %dma_wait3A_1454 = tpu.memref_squeeze %dma_wait3A_1453 : memref<1x64x64xf32, #tpu.memory_space<hbm>> -> memref<64x64xf32, #tpu.memory_space<hbm>>
    %dma_wait3A_1455 = arith.constant 0 : i32
    %dma_wait3A_1456 = tpu.memref_slice %arg5[%dma_wait3A_1447, %mul3A_2, %dma_wait3A_1455] : memref<16x2048x64xf32, #tpu.memory_space<hbm>> -> memref<1x64x64xf32, #tpu.memory_space<hbm>>
    %dma_wait3A_1457 = tpu.memref_squeeze %dma_wait3A_1456 : memref<1x64x64xf32, #tpu.memory_space<hbm>> -> memref<64x64xf32, #tpu.memory_space<hbm>>
    %dma_wait3A_1458 = arith.constant 64 : i32
    %dma_wait3A_1459 = arith.constant 0 : i32
    %dma_wait3A_1460 = tpu.memref_slice %arg9[%dma_wait3A_1446, %dma_wait3A_1458, %dma_wait3A_1459] : memref<8x128x64xf32, #tpu.memory_space<vmem>> -> memref<1x64x64xf32, #tpu.memory_space<vmem>>
    %dma_wait3A_1461 = tpu.memref_squeeze %dma_wait3A_1460 : memref<1x64x64xf32, #tpu.memory_space<vmem>> -> memref<64x64xf32, #tpu.memory_space<vmem>>
    tpu.wait_dma2 semaphore(%arg19 : memref<!tpu.dma_semaphore, #tpu.memory_space<semaphore_mem>>) src(%dma_wait3A_1461 : memref<64x64xf32, #tpu.memory_space<vmem>>) dst(%dma_wait3A_1457 : memref<64x64xf32, #tpu.memory_space<hbm>>)
    return
  }
}

</mosaic_0001>

<sc_bundles>
// kernel: kernel.3.cloned.1.call-start
scs
__scs_entry_jumppad:
0x0: {  	(pc) =	sbr.rel $0x88, $3  }
0x1: {  	(tag) =	ssettag $0x0;
	lr =	simm.s32 $0x1  }
0x2: {  	[smem:$0x3F9E] =	sst lr;
	_ =	strace $0xD0000000  }
0x3: {  	_ = 	snop  }
0x4: {  	_ = 	snop  }
0x5: {  	_ = 	snop  }
0x6: {  	_ = 	snop  }
0x7: {  	_ = 	snop  }
__scs_overlays_trampoline_lowered:
0x8: {  	[smem:$0x3FAD] =	sst s0  }
0x9: {  	[smem:$0x3FAE] =	sst s1  }
0xa: {  	[smem:$0x3FAF] =	sst s2  }
0xb: {  	[smem:$0x3FB0] =	sst s3  }
0xc: {  	[smem:$0x3FB1] =	sst s4  }
0xd: {  	[smem:$0x3FB2] =	sst s5  }
0xe: {  	[smem:$0x3FB3] =	sst s6  }
0xf: {  	[smem:$0x3FB4] =	sst s7  }
0x10: {  	[smem:$0x3FB5] =	sst s8  }
0x11: {  	[smem:$0x3FB6] =	sst s9;
	s0 =	simm.s32 @!p0 $0x0  }
0x12: {  	s1 =	sld [smem:$0x3F9C];
	s0 =	simm.s32 @p0 $0x1  }
0x13: {  	[smem:$0x3FB7] =	sst s0;
	s0 =	simm.s32 @!p1 $0x0  }
0x14: {  	s2 =	sld [smem:$0x3F9B];
	s0 =	simm.s32 @p1 $0x1  }
0x15: {  	[smem:$0x3FB8] =	sst s0;
	s0 =	simm.s32 @!p2 $0x0  }
0x16: {  	s3 =	sld [smem:$0x3FDB];
	s0 =	simm.s32 @p2 $0x1  }
0x17: {  	s4 =	simm.s32 $0x1BF5;
	[smem:$0x3FBA] =	sst s0  }
0x18: {  	s0 =	sld [smem:$0x3F9D];
	_ =	swait.ge [sflag:s4], $0x0  }
0x19: {  	s7 =	sld [smem:$0x3F9E]  }
0x1a: {  	s8 =	sadd.s32 $0xFFFFE003, lr  }
0x1b: {  	s9 =	sadd.s32 $0xFFFFFEF7, lr;
	s5 =	simm.s32 $0xFFFFFFFF;
	p2 =	slt.u32 s8, $0xFFFFF086  }
0x1c: {  	p1 =	slt.u32 s9, $0xF7A;
	s5 =	simm.s32 @!p2 $0x0  }
0x1d: {  	s5 =	simm.s32 @p1 $0x1;
	p0 =	seq.s32 s7, s2  }
0x1e: {  	s7 =	smul.u32 @!p0 $0xF7A, s2;
	p2 =	seq.s32 @!p0 s5, $0x0  }
0x1f: {  	s9 =	smul.u32 $0xF7A, s1;
	s8 =	simm.s32 @!p0 $0x1BF5;
	p2 =	por !p2, p0  }
0x20: {  	[sflag:s8] =	ssyncset.s32 @!p0 $0xFFFFF086;
	s6 =	sadd.s32 @!p0 s3, s7;
	s7 =	simm.s32 @!p0 $0x108  }
0x21: {  	s3 =	sadd.s32 s3, s9;
	s6 =	sadd.s32 @!p0 $0x88, s6;
	s7 =	simm.s32 @p2 $0x1082  }
0x22: {  	[simem:s7], [sflag:s8] =	dma.local @!p0 [hbm:s6], $0xF7A  }
0x23: {  	s9 =	sor.u32 $0xD0000000, s2;
	s6 =	simm.s32 $0x108;
	_ =	swait.ge @!p0 [sflag:s8], $0x0  }
0x24: {  	s3 =	sadd.s32 $0x88, s3;
	s6 =	simm.s32 @!p1 $0x1082;
	[sflag:s4] =	ssyncset.s32 $0xFFFFF086  }
0x25: {  	[simem:s6], [sflag:s4] =	dma.local [hbm:s3], $0xF7A  }
0x26: {  	[smem:$0x3F9E] =	sst s1;
	(tag) =	ssettag s2;
	_ =	strace s9  }
0x27: {  	s1 =	sld [smem:$0x3FAE]  }
0x28: {  	s2 =	sld [smem:$0x3FAF]  }
0x29: {  	s4 =	sld [smem:$0x3FB1]  }
0x2a: {  	p0 =	seq.s32 s5, $0x0;
	s5 =	sld [smem:$0x3FB2]  }
0x2b: {  	s6 =	sld [smem:$0x3FB3]  }
0x2c: {  	s7 =	sld [smem:$0x3FB4]  }
0x2d: {  	s3 =	simm.s32 $0x108;
	s8 =	sld [smem:$0x3FB5]  }
0x2e: {  	s3 =	simm.s32 @!p0 $0x1082;
	s9 =	sld [smem:$0x3FB6]  }
0x2f: {  	lr =	sadd.s32 s0, s3;
	s0 =	sld [smem:$0x3FAD]  }
0x30: {  	s3 =	sld [smem:$0x3FB0]  }
0x31: {  	[smem:$0x3FB9] =	sst s10  }
0x32: {  	s10 =	sld [smem:$0x3FB7];
	_ =	sdelay $0x3  }
0x33: {  	p0 =	seq.s32 s10, $0x1;
	s10 =	sld [smem:$0x3FB9];
	_ =	sdelay $0x3  }
0x34: {  	[smem:$0x3FB9] =	sst s10  }
0x35: {  	s10 =	sld [smem:$0x3FB8];
	_ =	sdelay $0x3  }
0x36: {  	p1 =	seq.s32 s10, $0x1;
	s10 =	sld [smem:$0x3FB9];
	_ =	sdelay $0x3  }
0x37: {  	[smem:$0x3FB9] =	sst s10  }
0x38: {  	s10 =	sld [smem:$0x3FBA]  }
0x39: {  	_ = 	snop;
	(pc) =	sbr.ind lr, $3  }
0x3a: {  	_ = 	snop  }
0x3b: {  	_ = 	snop  }
0x3c: {  	p2 =	seq.s32 s10, $0x1;
	s10 =	sld [smem:$0x3FB9]  }
0x3d: {  	_ =	shalt  }
0x3e: {  	_ =	shalt  }
0x3f: {  	_ =	shalt  }
0x40: {  	_ =	shalt  }
0x41: {  	_ =	shalt  }
0x42: {  	_ =	shalt  }
0x43: {  	_ =	shalt  }
0x44: {  	_ =	shalt  }
0x45: {  	_ =	shalt  }
0x46: {  	_ =	shalt  }
0x47: {  	_ =	shalt  }
0x48: {  	_ =	shalt  }
0x49: {  	_ =	shalt  }
0x4a: {  	_ =	shalt  }
0x4b: {  	_ =	shalt  }
0x4c: {  	_ =	shalt  }
0x4d: {  	_ =	shalt  }
0x4e: {  	_ =	shalt  }
0x4f: {  	_ =	shalt  }
0x50: {  	_ =	shalt  }
0x51: {  	_ =	shalt  }
0x52: {  	_ =	shalt  }
0x53: {  	_ =	shalt  }
0x54: {  	_ =	shalt  }
0x55: {  	_ =	shalt  }
0x56: {  	_ =	shalt  }
0x57: {  	_ =	shalt  }
0x58: {  	_ =	shalt  }
0x59: {  	_ =	shalt  }
0x5a: {  	_ =	shalt  }
0x5b: {  	_ =	shalt  }
0x5c: {  	_ =	shalt  }
0x5d: {  	_ =	shalt  }
0x5e: {  	_ =	shalt  }
0x5f: {  	_ =	shalt  }
0x60: {  	_ =	shalt  }
0x61: {  	_ =	shalt  }
0x62: {  	_ =	shalt  }
0x63: {  	_ =	shalt  }
0x64: {  	_ =	shalt  }
0x65: {  	_ =	shalt  }
0x66: {  	_ =	shalt  }
0x67: {  	_ =	shalt  }
0x68: {  	_ =	shalt  }
0x69: {  	_ =	shalt  }
0x6a: {  	_ =	shalt  }
0x6b: {  	_ =	shalt  }
0x6c: {  	_ =	shalt  }
0x6d: {  	_ =	shalt  }
0x6e: {  	_ =	shalt  }
0x6f: {  	_ =	shalt  }
0x70: {  	_ =	shalt  }
0x71: {  	_ =	shalt  }
0x72: {  	_ =	shalt  }
0x73: {  	_ =	shalt  }
0x74: {  	_ =	shalt  }
0x75: {  	_ =	shalt  }
0x76: {  	_ =	shalt  }
0x77: {  	_ =	shalt  }
0x78: {  	_ =	shalt  }
0x79: {  	_ =	shalt  }
0x7a: {  	_ =	shalt  }
0x7b: {  	_ =	shalt  }
0x7c: {  	_ =	shalt  }
0x7d: {  	_ =	shalt  }
0x7e: {  	_ =	shalt  }
0x7f: {  	_ =	shalt  }
0x80: {  	_ =	shalt  }
0x81: {  	_ =	shalt  }
0x82: {  	_ =	shalt  }
0x83: {  	_ =	shalt  }
0x84: {  	_ =	shalt  }
0x85: {  	_ =	shalt  }
0x86: {  	_ =	shalt  }
0x87: {  	_ =	shalt  }
.Lfunc_end0:
.L_simem_size_0:
called_computation_lowered:
.L_overlay_start_0:
0x88: {  	s2 =	sld [smem:$0x3FD9]  }
0x89: {  	s3 =	sld [smem:$0x3FFE];
	_ =	sdelay $0x1  }
0x8a: {  	s1 =	srdreg.scid  }
0x8b: {  	s0 =	sand.u32 $0x1, s1  }
0x8c: {  	s17 =	sshll.u32 s0, $0xA;
	s2 =	sadd.s32 s3, s2  }
0x8d: {  	s2 =	sadd.s32 s2, s17  }
0x8e: {  	[smem:$0x3FC5] =	sst s2  }
0x8f: {  	_ = 	snop  }
0x90: {  	s2 =	sld [smem:$0x3FD0];
	(tm) =	ssettm $0x1  }
0x91: {  	s18 =	sld [smem:$0x3FFB];
	_ =	sdelay $0x3  }
0x92: {  	_ =	strace s18  }
0x93: {  	s3 =	sld [smem:$0x3FFC];
	_ =	sdelay $0x3  }
0x94: {  	_ =	strace s3  }
0x95: {  	s3 =	sld [smem:$0x3FFD];
	_ =	sdelay $0x3  }
0x96: {  	_ =	strace s3  }
0x97: {  	_ =	strace $0x8FFFFFFF  }
0x98: {  	s19 =	sld [smem:$0x3FDB];
	_ =	sdelay $0x1  }
0x99: {  	s4 =	simm.s32 $_scs_section_size  }
0x9a: {  	s5 =	simm.s32 $_size__tile_overlayer_lowered;
	s6 =	simm.s32 $_tile_overlayer_lowered  }
0x9b: {  	s22 =	simm.s32 $0x1BFF;
	s21 =	sshll.u32 s6, $0x1;
	s3 =	sadd.s32 s4, s19  }
0x9c: {  	s7 =	simm.s32 $0x0;
	s20 =	sshll.u32 s5, $0x1;
	s5 =	sadd.s32 s21, s3  }
0x9d: {  	[timem:s7], [sflag:s22] =	dma.local [hbm:s5], s20  }
0x9e: {  	_ =	swait.ge [sflag:s22], s20  }
0x9f: {  	s4 =	ssub.s32 $0x0, s20;
	[sflag:s22] =	ssyncset.done $0x0  }
0xa0: {  	[sflag:s22] =	ssyncadd.s32 s4;
	_ =	sdelay $0x1  }
0xa1: {  	s23 =	simm.s32 $0x1B8B  }
0xa2: {  	_ =	swait.ge [sflag:s23], $0x1  }
0xa3: {  	[sflag:s23] =	ssyncset.done $0x0  }
0xa4: {  	s25 =	simm.s32 $0x1B8E;
	s24 =	sld [smem:$0x3FFE];
	[sflag:s23] =	ssyncadd.s32 $0xFFFFFFFF  }
0xa5: {  	s26 =	simm.s32 $execute0_lowered;
	[smem:$0x3FD2] =	sst s25  }
0xa6: {  	s5 =	sshll.u32 s26, $0x1;
	_ =	strace $0x80000046;
	[dreg:$0x1] =	wrdreg $0xFFFFFFFF  }
0xa7: {  	s28 =	simm.s32 $_size_execute0_lowered;
	s3 =	sadd.s32 s3, s5;
	[dreg:$0x0] =	wrdreg $0x0  }
0xa8: {  	s5 =	sshll.u32 s28, $0x1;
	[dreg:$0x2] =	wrdreg s3  }
0xa9: {  	[dreg:$0x3] =	wrdreg s5  }
0xaa: {  	[dreg:$0x4] =	wrdreg $0xC0  }
0xab: {  	_ =	task [dreg:s7], $0x5FFFF  }
0xac: {  	[dreg:$0x1] =	wrdreg $0xFFFFFFFF  }
0xad: {  	[dreg:$0x0] =	wrdreg $0x60  }
0xae: {  	[dreg:$0x2] =	wrdreg s24  }
0xaf: {  	[dreg:$0x3] =	wrdreg s2  }
0xb0: {  	[dreg:$0x4] =	wrdreg $0x9  }
0xb1: {  	_ =	task.clear_ibuf [dreg:s7], $0x5FFFF;
	_ =	strace $0x90000046  }
0xb2: {  	s29 =	simm.s32 $0x9;
	_ =	strace $0x80000048  }
0xb3: {  	_ =	swait.ge [sflag:s29], $0x1  }
0xb4: {  	[sflag:s29] =	ssyncadd.s32 $0xFFFFFFFF  }
0xb5: {  	_ =	strace $0x90000048  }
0xb6: {  	_ =	sfence  }
0xb7: {  	s30 =	sld [smem:$0x0];
	_ =	sdelay $0x2  }
0xb8: {  	s31 =	sshll.u32 s1, $0xD;
	s1 =	sshrl.u32 s1, $0x2  }
0xb9: {  	s3 =	sand.u32 $0x4000, s31;
	s1 =	sadd.s32 s1, s30  }
0xba: {  	s0 =	sor.u32 s3, s0;
	s1 =	sshll.u32 s1, $0x11  }
0xbb: {  	s0 =	sor.u32 s1, s0  }
0xbc: {  	s0 =	sadd.s32 $0x8F2B, s0  }
0xbd: {  	[sflag:s0] =	ssyncadd.remote.s32 $0x1  }
0xbe: {  	_ =	sfence.sel $0xFFFF  }
0xbf: {  	[dreg:$0x0] =	wrdreg $0xFFFFFFFF;
	(pc) =	sbr.abs _section_cstart, $3  }
0xc0: {  	[dreg:$0x1] =	wrdreg $0xFFFFFFFF  }
0xc1: {  	_ =	task.clear_ibuf [dreg:s7], $0x2FFFF;
	_ =	strace $0x9FFFFFFF  }
0xc2: {  	(tm) =	ssettm $0x7FFFFFFF  }
0xc3: {  	_ =	shalt  }
tec
execute0_lowered:
.L_overlay_start_1:
0x0: {  	(tag) =	ssettag $0x1  }
0x1: {  	s0 =	srdreg.scid  }
0x2: {  	s1 =	rddreg [dreg:$0x0];
	s2 =	stileid.u32  }
0x3: {  	s4 =	rddreg [dreg:$0x1];
	s28 =	simm.s32 $0x7800;
	s0 =	sand.u32 $0x1, s0  }
0x4: {  	s30 =	simm.s32 $0xB800;
	s3 =	sshll.u32 s2, $0x7;
	s5 =	sshll.u32 s0, $0x6  }
0x5: {  	s8 =	simm.s32 $0x4;
	s2 =	simm.s32 $0x0;
	s5 =	sor.u32 s5, s3  }
0x6: {  	[smem:$0x7FF] =	sst s2;
	s3 =	sshrl.u32 s5, $0x3;
	s5 =	sshll.u32 s5, $0x3  }
0x7: {  	s6 =	sadd.s32 s3, s1;
	s3 =	sadd.s32 $0x187200, s1;
	s1 =	sadd.s32 s5, s1  }
0x8: {  	s9 =	simm.s32 $0x5;
	_ =	strace $0x80000047;
	s1 =	sadd.s32 $0x800, s1  }
0x9: {  	s4 =	sadd.s32 s4, s5;
	s17 =	sadd.s32 $0x4800, s6;
	[dreg:$0x3] =	wrdreg s1  }
0xa: {  	s10 =	simm.s32 $0x6;
	s18 =	sadd.s32 $0x4000, s4;
	[dreg:$0x4] =	wrdreg s17  }
0xb: {  	s11 =	simm.s32 $0x7;
	s19 =	sadd.s32 $0x8000, s4;
	[dreg:$0x5] =	wrdreg s18  }
0xc: {  	s12 =	simm.s32 $0x8;
	s20 =	sadd.s32 $0xC000, s4;
	[dreg:$0x6] =	wrdreg s19  }
0xd: {  	s13 =	simm.s32 $0x9;
	s21 =	sadd.s32 $0x10000, s4;
	[dreg:$0x7] =	wrdreg s20  }
0xe: {  	s29 =	simm.s32 $0xA;
	s22 =	sadd.s32 $0x14000, s4;
	[dreg:$0x8] =	wrdreg s21  }
0xf: {  	s14 =	simm.s32 $0x0;
	s23 =	sadd.s32 $0x18000, s4;
	[dreg:$0x9] =	wrdreg s22  }
0x10: {  	s0 =	ssub.s32 $0x2, s0;
	s24 =	sadd.s32 $0x1C000, s4;
	[dreg:$0xa] =	wrdreg s23  }
0x11: {  	s7 =	sshrl.u32 s0, $0x1;
	s25 =	sadd.s32 $0x20000, s4;
	[dreg:$0xb] =	wrdreg s24  }
0x12: {  	s0 =	ssub.s32 s0, s7;
	s26 =	sadd.s32 $0x24000, s4;
	[dreg:$0xc] =	wrdreg s25  }
0x13: {  	s7 =	simm.s32 $0x2;
	s31 =	sadd.s32 $0x28000, s4;
	[dreg:$0xd] =	wrdreg s26  }
0x14: {  	s5 =	simm.s32 $0xF800;
	s6 =	simm.s32 $0x1;
	[dreg:$0xe] =	wrdreg s31  }
0x15: {  	s17 =	sadd.s32 $0x2C000, s4;
	s18 =	sadd.s32 $0x30000, s4;
	s19 =	sadd.s32 $0x34000, s4  }
0x16: {  	s20 =	sadd.s32 $0x38000, s4;
	s21 =	sadd.s32 $0x3C000, s4;
	s22 =	smax.u32 s0, $0x1  }
0x17: {  	s24 =	simm.s32 $0xB;
	s26 =	simm.s32 $0x80;
	s0 =	simm.s32 $0x5800  }
0x18: {  	s1 =	simm.s32 $0x9800;
	s25 =	simm.s32 $0xD800;
	s23 =	simm.s32 $0x3  }
.LBB2_1:
0x19: {  	s15 =	rddreg [dreg:$0x3];
	s16 =	simm.s32 $0x800  }
0x1a: {  	[tilespmem:s16], [sflag:$0xB] =	stream.linear.gather [hbm4b:s15+s2], $0x1000, $0x38;
	[tilespmem:$0x11800] =	vst v63  }
0x1b: {  	_ =	swait.ge [sflag:s24], $0x1000  }
0x1c: {  	[sflag:s24] =	ssyncset.done $0x0  }
0x1d: {  	s31 =	simm.s32 $0x40;
	s15 =	rddreg [dreg:$0x4];
	[sflag:s24] =	ssyncadd.s32 $0xFFFFF000  }
0x1e: {  	[tilespmem:s2], [sflag:$0xB] =	stream.strided.gather [hbm4b:s15+s31], $0x400, s16, s31, $0x38;
	[tilespmem:$0x11800] =	vst v63  }
0x1f: {  	_ =	swait.ge [sflag:s24], $0x400  }
0x20: {  	[sflag:s24] =	ssyncset.done $0x0  }
0x21: {  	[sflag:s24] =	ssyncadd.s32 $0xFFFFFC00  }
0x22: {  	v0 =	vld [tilespmem:$0x0]  }
0x23: {  	v1 =	vld [tilespmem:$0x10]  }
0x24: {  	v2 =	vld [tilespmem:$0x20]  }
0x25: {  	v3 =	vld [tilespmem:$0x30]  }
0x26: {  	v4 =	vld [tilespmem:$0x40]  }
0x27: {  	[tilespmem:$0x400] =	vst v0;
	v0 =	vld [tilespmem:$0x50]  }
0x28: {  	[tilespmem:$0x410] =	vst v1;
	v1 =	vld [tilespmem:$0x60]  }
0x29: {  	[tilespmem:$0x420] =	vst v2;
	v2 =	vld [tilespmem:$0x70]  }
0x2a: {  	[tilespmem:$0x430] =	vst v3;
	v3 =	vld [tilespmem:$0x80]  }
0x2b: {  	[tilespmem:$0x440] =	vst v4;
	v4 =	vld [tilespmem:$0x90]  }
0x2c: {  	[tilespmem:$0x450] =	vst v0;
	v0 =	vld [tilespmem:$0xA0]  }
0x2d: {  	[tilespmem:$0x460] =	vst v1;
	v1 =	vld [tilespmem:$0xB0]  }
0x2e: {  	[tilespmem:$0x470] =	vst v2;
	v2 =	vld [tilespmem:$0xC0]  }
0x2f: {  	[tilespmem:$0x480] =	vst v3;
	v3 =	vld [tilespmem:$0xD0]  }
0x30: {  	[tilespmem:$0x490] =	vst v4;
	v4 =	vld [tilespmem:$0xE0]  }
0x31: {  	[tilespmem:$0x4A0] =	vst v0;
	v0 =	vld [tilespmem:$0xF0]  }
0x32: {  	[tilespmem:$0x4B0] =	vst v1;
	v1 =	vld [tilespmem:$0x100]  }
0x33: {  	[tilespmem:$0x4C0] =	vst v2;
	v2 =	vld [tilespmem:$0x110]  }
0x34: {  	[tilespmem:$0x4D0] =	vst v3;
	v3 =	vld [tilespmem:$0x120]  }
0x35: {  	[tilespmem:$0x4E0] =	vst v4;
	v4 =	vld [tilespmem:$0x130]  }
0x36: {  	[tilespmem:$0x4F0] =	vst v0;
	v0 =	vld [tilespmem:$0x140]  }
0x37: {  	[tilespmem:$0x500] =	vst v1;
	v1 =	vld [tilespmem:$0x150]  }
0x38: {  	[tilespmem:$0x510] =	vst v2;
	v2 =	vld [tilespmem:$0x160]  }
0x39: {  	[tilespmem:$0x520] =	vst v3;
	v3 =	vld [tilespmem:$0x170]  }
0x3a: {  	[tilespmem:$0x530] =	vst v4;
	v4 =	vld [tilespmem:$0x180]  }
0x3b: {  	[tilespmem:$0x540] =	vst v0;
	v0 =	vld [tilespmem:$0x190]  }
0x3c: {  	[tilespmem:$0x550] =	vst v1;
	v1 =	vld [tilespmem:$0x1A0]  }
0x3d: {  	[tilespmem:$0x560] =	vst v2;
	v2 =	vld [tilespmem:$0x1B0]  }
0x3e: {  	[tilespmem:$0x570] =	vst v3;
	v3 =	vld [tilespmem:$0x1C0]  }
0x3f: {  	[tilespmem:$0x580] =	vst v4;
	v4 =	vld [tilespmem:$0x1D0]  }
0x40: {  	[tilespmem:$0x590] =	vst v0;
	v0 =	vld [tilespmem:$0x1E0]  }
0x41: {  	[tilespmem:$0x5A0] =	vst v1;
	v1 =	vld [tilespmem:$0x1F0]  }
0x42: {  	[tilespmem:$0x5B0] =	vst v2;
	v2 =	vld [tilespmem:$0x200]  }
0x43: {  	[tilespmem:$0x5C0] =	vst v3;
	v3 =	vld [tilespmem:$0x210]  }
0x44: {  	[tilespmem:$0x5D0] =	vst v4;
	v4 =	vld [tilespmem:$0x220]  }
0x45: {  	[tilespmem:$0x5E0] =	vst v0;
	v0 =	vld [tilespmem:$0x230]  }
0x46: {  	[tilespmem:$0x5F0] =	vst v1;
	v1 =	vld [tilespmem:$0x240]  }
0x47: {  	[tilespmem:$0x600] =	vst v2;
	v2 =	vld [tilespmem:$0x250]  }
0x48: {  	[tilespmem:$0x610] =	vst v3;
	v3 =	vld [tilespmem:$0x260]  }
0x49: {  	[tilespmem:$0x620] =	vst v4;
	v4 =	vld [tilespmem:$0x270]  }
0x4a: {  	[tilespmem:$0x630] =	vst v0;
	v0 =	vld [tilespmem:$0x280]  }
0x4b: {  	[tilespmem:$0x640] =	vst v1;
	v1 =	vld [tilespmem:$0x290]  }
0x4c: {  	[tilespmem:$0x650] =	vst v2;
	v2 =	vld [tilespmem:$0x2A0]  }
0x4d: {  	[tilespmem:$0x660] =	vst v3;
	v3 =	vld [tilespmem:$0x2B0]  }
0x4e: {  	[tilespmem:$0x670] =	vst v4;
	v4 =	vld [tilespmem:$0x2C0]  }
0x4f: {  	[tilespmem:$0x680] =	vst v0;
	v0 =	vld [tilespmem:$0x2D0]  }
0x50: {  	[tilespmem:$0x690] =	vst v1;
	v1 =	vld [tilespmem:$0x2E0]  }
0x51: {  	[tilespmem:$0x6A0] =	vst v2;
	v2 =	vld [tilespmem:$0x2F0]  }
0x52: {  	[tilespmem:$0x6B0] =	vst v3;
	v3 =	vld [tilespmem:$0x300]  }
0x53: {  	[tilespmem:$0x6C0] =	vst v4;
	v4 =	vld [tilespmem:$0x310]  }
0x54: {  	[tilespmem:$0x6D0] =	vst v0;
	v0 =	vld [tilespmem:$0x320]  }
0x55: {  	[tilespmem:$0x6E0] =	vst v1;
	v1 =	vld [tilespmem:$0x330]  }
0x56: {  	[tilespmem:$0x6F0] =	vst v2;
	v2 =	vld [tilespmem:$0x340]  }
0x57: {  	[tilespmem:$0x700] =	vst v3;
	v3 =	vld [tilespmem:$0x350]  }
0x58: {  	[tilespmem:$0x710] =	vst v4;
	v4 =	vld [tilespmem:$0x360]  }
0x59: {  	[tilespmem:$0x720] =	vst v0;
	v0 =	vld [tilespmem:$0x370]  }
0x5a: {  	[tilespmem:$0x730] =	vst v1;
	v1 =	vld [tilespmem:$0x380]  }
0x5b: {  	[tilespmem:$0x740] =	vst v2;
	v2 =	vld [tilespmem:$0x390]  }
0x5c: {  	[tilespmem:$0x750] =	vst v3;
	v3 =	vld [tilespmem:$0x3A0]  }
0x5d: {  	[tilespmem:$0x760] =	vst v4;
	v4 =	vld [tilespmem:$0x3B0]  }
0x5e: {  	[tilespmem:$0x770] =	vst v0;
	v0 =	vld [tilespmem:$0x3C0]  }
0x5f: {  	[tilespmem:$0x780] =	vst v1;
	v1 =	vld [tilespmem:$0x3D0]  }
0x60: {  	[tilespmem:$0x790] =	vst v2;
	v2 =	vld [tilespmem:$0x3E0]  }
0x61: {  	[tilespmem:$0x7A0] =	vst v3;
	v3 =	vld [tilespmem:$0x3F0]  }
0x62: {  	[tilespmem:$0x7B0] =	vst v4  }
0x63: {  	[tilespmem:$0x7C0] =	vst v0  }
0x64: {  	[tilespmem:$0x7D0] =	vst v1  }
0x65: {  	[tilespmem:$0x7E0] =	vst v2  }
0x66: {  	s15 =	simm.s32 $0x400;
	s16 =	simm.s32 $0x1800;
	[tilespmem:$0x7F0] =	vst v3  }
0x67: {  	[tilespmem:s16], [sflag:$0x1] =	stream.indirect.gather [hbm4b:s3+s26], $0x40, s15, s26, $0xb8;
	[tilespmem:$0x11800] =	vst v63  }
0x68: {  	s15 =	simm.s32 $0x480;
	s16 =	simm.s32 $0x3800  }
0x69: {  	[tilespmem:s16], [sflag:$0x2] =	stream.indirect.gather [hbm4b:s3+s26], $0x40, s15, s26, $0xb8;
	[tilespmem:$0x11800] =	vst v63  }
0x6a: {  	s16 =	simm.s32 $0x500  }
0x6b: {  	[tilespmem:s0], [sflag:$0x3] =	stream.indirect.gather [hbm4b:s3+s26], $0x40, s16, s26, $0xb8;
	[tilespmem:$0x11800] =	vst v63  }
0x6c: {  	s16 =	simm.s32 $0x580  }
0x6d: {  	[tilespmem:s28], [sflag:$0x4] =	stream.indirect.gather [hbm4b:s3+s26], $0x40, s16, s26, $0xb8;
	[tilespmem:$0x11800] =	vst v63  }
0x6e: {  	s16 =	simm.s32 $0x600  }
0x6f: {  	[tilespmem:s1], [sflag:$0x5] =	stream.indirect.gather [hbm4b:s3+s26], $0x40, s16, s26, $0xb8;
	[tilespmem:$0x11800] =	vst v63  }
0x70: {  	s16 =	simm.s32 $0x680  }
0x71: {  	[tilespmem:s30], [sflag:$0x6] =	stream.indirect.gather [hbm4b:s3+s26], $0x40, s16, s26, $0xb8;
	[tilespmem:$0x11800] =	vst v63  }
0x72: {  	s16 =	simm.s32 $0x700  }
0x73: {  	[tilespmem:s25], [sflag:$0x7] =	stream.indirect.gather [hbm4b:s3+s26], $0x40, s16, s26, $0xb8;
	[tilespmem:$0x11800] =	vst v63  }
0x74: {  	s16 =	simm.s32 $0x780  }
0x75: {  	[tilespmem:s5], [sflag:$0x8] =	stream.indirect.gather [hbm4b:s3+s26], $0x40, s16, s26, $0xb8;
	[tilespmem:$0x11800] =	vst v63  }
0x76: {  	_ =	swait.ge [sflag:s6], $0x2000  }
0x77: {  	[sflag:s6] =	ssyncset.done $0x0  }
0x78: {  	s15 =	simm.s32 $0x0;
	[sflag:s6] =	ssyncadd.s32 $0xFFFFE000  }
0x79: {  	v4 =	vld [tilespmem:s15+$0x800]  }
0x7a: {  	v2 =	vld [tilespmem:s15+$0x810]  }
0x7b: {  	v1 =	vld [tilespmem:s15+$0x820]  }
0x7c: {  	v3 =	vld [tilespmem:s15+$0x830]  }
0x7d: {  	v0 =	vld [tilespmem:s15+$0x830]  }
0x7e: {  	v6 =	vld [tilespmem:s15+$0x1800]  }
0x7f: {  	v10 =	vld [tilespmem:s15+$0x1810]  }
0x80: {  	v9 =	vld [tilespmem:s15+$0x1820]  }
0x81: {  	v8 =	vld [tilespmem:s15+$0x1830]  }
0x82: {  	v7 =	vld [tilespmem:s15+$0x2800]  }
0x83: {  	v5 =	vld [tilespmem:s15+$0x2810];
	v11 =	vadd.f32 v4, v6  }
0x84: {  	s31 =	simm.s32 $0x100;
	v10 =	vadd.f32 v2, v10;
	v6 =	vld [tilespmem:s15+$0x2820]  }
.LBB2_2:
0x85: {  	s16 =	sshra.s32 s31, $0x2;
	p0 =	sne.s32 s31, $0x3F00;
	[tilespmem:s15+$0x1800] =	vst v11;
	v9 =	vadd.f32 v1, v9;
	v11 =	vld [tilespmem:s15+$0x2830]  }
0x86: {  	v12 =	vld [tilespmem:s16+$0x800];
	[tilespmem:s15+$0x1810] =	vst v10;
	v3 =	vadd.f32 v3, v8  }
0x87: {  	v8 =	vld [tilespmem:s16+$0x810];
	[tilespmem:s15+$0x1820] =	vst v9;
	v4 =	vadd.f32 v4, v7  }
0x88: {  	v7 =	vld [tilespmem:s16+$0x820];
	[tilespmem:s15+$0x1830] =	vst v3;
	v2 =	vadd.f32 v2, v5  }
0x89: {  	v3 =	vld [tilespmem:s16+$0x830];
	[tilespmem:s15+$0x2800] =	vst v4;
	v1 =	vadd.f32 v1, v6  }
0x8a: {  	[tilespmem:s15+$0x2810] =	vst v2;
	v9 =	vadd.f32 v0, v11;
	v0 =	vld [tilespmem:s16+$0x830]  }
0x8b: {  	v5 =	vld [tilespmem:s16+$0x1800];
	[tilespmem:s15+$0x2820] =	vst v1;
	v4 =	vmov v12  }
0x8c: {  	v6 =	vld [tilespmem:s16+$0x1810];
	[tilespmem:s15+$0x2830] =	vst v9;
	v2 =	vmov v8;
	s15 =	smov.u32 s16  }
.Ltmp0:
0x8d: {  	v9 =	vld [tilespmem:s15+$0x1820];
	v1 =	vmov v7;
	(pc) =	sbr.rel @p0 .LBB2_2-.Ltmp0, $4  }
0x8e: {  	v8 =	vld [tilespmem:s15+$0x1830]  }
0x8f: {  	v7 =	vld [tilespmem:s15+$0x2800]  }
0x90: {  	v11 =	vadd.f32 v4, v5;
	v5 =	vld [tilespmem:s15+$0x2810]  }
0x91: {  	s31 =	sadd.s32 $0x100, s31;
	v10 =	vadd.f32 v2, v6;
	v6 =	vld [tilespmem:s15+$0x2820]  }
0x92: {  	[tilespmem:s15+$0x1800] =	vst v11;
	v9 =	vadd.f32 v1, v9;
	v11 =	vld [tilespmem:s15+$0x2830]  }
0x93: {  	[tilespmem:s15+$0x1810] =	vst v10;
	v3 =	vadd.f32 v3, v8  }
0x94: {  	[tilespmem:s15+$0x1820] =	vst v9;
	v4 =	vadd.f32 v4, v7  }
0x95: {  	[tilespmem:s15+$0x1830] =	vst v3;
	v2 =	vadd.f32 v2, v5  }
0x96: {  	[tilespmem:s15+$0x2800] =	vst v4;
	v1 =	vadd.f32 v1, v6  }
0x97: {  	[tilespmem:s15+$0x2810] =	vst v2;
	v0 =	vadd.f32 v0, v11  }
0x98: {  	[tilespmem:s15+$0x2820] =	vst v1  }
0x99: {  	s16 =	simm.s32 $0x1800;
	[tilespmem:s15+$0x2830] =	vst v0;
	s15 =	simm.s32 $0x0  }
0x9a: {  	[hbm4b:s4+s15] =	stream.linear.scatter [tilespmem:s16], [sflag:$0x9], $0x1000, $0x38;
	[tilespmem:$0x11800] =	vst v63  }
0x9b: {  	s31 =	simm.s32 $0x2800;
	s16 =	rddreg [dreg:$0x5]  }
0x9c: {  	[hbm4b:s16+s15] =	stream.linear.scatter [tilespmem:s31], [sflag:$0x9], $0x1000, $0x38;
	[tilespmem:$0x11800] =	vst v63  }
0x9d: {  	_ =	swait.ge [sflag:s7], $0x2000  }
0x9e: {  	[sflag:s7] =	ssyncset.done $0x0  }
0x9f: {  	s15 =	simm.s32 $0x0;
	[sflag:s7] =	ssyncadd.s32 $0xFFFFE000  }
0xa0: {  	v4 =	vld [tilespmem:s15+$0x800]  }
0xa1: {  	v2 =	vld [tilespmem:s15+$0x810]  }
0xa2: {  	v1 =	vld [tilespmem:s15+$0x820]  }
0xa3: {  	v3 =	vld [tilespmem:s15+$0x830]  }
0xa4: {  	v0 =	vld [tilespmem:s15+$0x830]  }
0xa5: {  	v6 =	vld [tilespmem:s15+$0x3800]  }
0xa6: {  	v10 =	vld [tilespmem:s15+$0x3810]  }
0xa7: {  	v9 =	vld [tilespmem:s15+$0x3820]  }
0xa8: {  	v8 =	vld [tilespmem:s15+$0x3830]  }
0xa9: {  	v7 =	vld [tilespmem:s15+$0x4800]  }
0xaa: {  	v5 =	vld [tilespmem:s15+$0x4810];
	v11 =	vadd.f32 v4, v6  }
0xab: {  	s31 =	simm.s32 $0x100;
	v10 =	vadd.f32 v2, v10;
	v6 =	vld [tilespmem:s15+$0x4820]  }
.LBB2_4:
0xac: {  	s16 =	sshra.s32 s31, $0x2;
	p0 =	sne.s32 s31, $0x3F00;
	[tilespmem:s15+$0x3800] =	vst v11;
	v9 =	vadd.f32 v1, v9;
	v11 =	vld [tilespmem:s15+$0x4830]  }
0xad: {  	v12 =	vld [tilespmem:s16+$0x800];
	[tilespmem:s15+$0x3810] =	vst v10;
	v3 =	vadd.f32 v3, v8  }
0xae: {  	v8 =	vld [tilespmem:s16+$0x810];
	[tilespmem:s15+$0x3820] =	vst v9;
	v4 =	vadd.f32 v4, v7  }
0xaf: {  	v7 =	vld [tilespmem:s16+$0x820];
	[tilespmem:s15+$0x3830] =	vst v3;
	v2 =	vadd.f32 v2, v5  }
0xb0: {  	v3 =	vld [tilespmem:s16+$0x830];
	[tilespmem:s15+$0x4800] =	vst v4;
	v1 =	vadd.f32 v1, v6  }
0xb1: {  	[tilespmem:s15+$0x4810] =	vst v2;
	v9 =	vadd.f32 v0, v11;
	v0 =	vld [tilespmem:s16+$0x830]  }
0xb2: {  	v5 =	vld [tilespmem:s16+$0x3800];
	[tilespmem:s15+$0x4820] =	vst v1;
	v4 =	vmov v12  }
0xb3: {  	v6 =	vld [tilespmem:s16+$0x3810];
	[tilespmem:s15+$0x4830] =	vst v9;
	v2 =	vmov v8;
	s15 =	smov.u32 s16  }
.Ltmp1:
0xb4: {  	v9 =	vld [tilespmem:s15+$0x3820];
	v1 =	vmov v7;
	(pc) =	sbr.rel @p0 .LBB2_4-.Ltmp1, $4  }
0xb5: {  	v8 =	vld [tilespmem:s15+$0x3830]  }
0xb6: {  	v7 =	vld [tilespmem:s15+$0x4800]  }
0xb7: {  	v11 =	vadd.f32 v4, v5;
	v5 =	vld [tilespmem:s15+$0x4810]  }
0xb8: {  	s31 =	sadd.s32 $0x100, s31;
	v10 =	vadd.f32 v2, v6;
	v6 =	vld [tilespmem:s15+$0x4820]  }
0xb9: {  	[tilespmem:s15+$0x3800] =	vst v11;
	v9 =	vadd.f32 v1, v9;
	v11 =	vld [tilespmem:s15+$0x4830]  }
0xba: {  	[tilespmem:s15+$0x3810] =	vst v10;
	v3 =	vadd.f32 v3, v8  }
0xbb: {  	[tilespmem:s15+$0x3820] =	vst v9;
	v4 =	vadd.f32 v4, v7  }
0xbc: {  	[tilespmem:s15+$0x3830] =	vst v3;
	v2 =	vadd.f32 v2, v5  }
0xbd: {  	[tilespmem:s15+$0x4800] =	vst v4;
	v1 =	vadd.f32 v1, v6  }
0xbe: {  	[tilespmem:s15+$0x4810] =	vst v2;
	v0 =	vadd.f32 v0, v11  }
0xbf: {  	[tilespmem:s15+$0x4820] =	vst v1  }
0xc0: {  	s16 =	rddreg [dreg:$0x6];
	s31 =	simm.s32 $0x3800;
	[tilespmem:s15+$0x4830] =	vst v0;
	s15 =	simm.s32 $0x0  }
0xc1: {  	[hbm4b:s16+s15] =	stream.linear.scatter [tilespmem:s31], [sflag:$0xA], $0x1000, $0x38;
	[tilespmem:$0x11800] =	vst v63  }
0xc2: {  	s16 =	rddreg [dreg:$0x7];
	s31 =	simm.s32 $0x4800  }
0xc3: {  	[hbm4b:s16+s15] =	stream.linear.scatter [tilespmem:s31], [sflag:$0xA], $0x1000, $0x38;
	[tilespmem:$0x11800] =	vst v63  }
0xc4: {  	_ =	swait.ge [sflag:s23], $0x2000  }
0xc5: {  	[sflag:s23] =	ssyncset.done $0x0  }
0xc6: {  	s15 =	simm.s32 $0x0;
	[sflag:s23] =	ssyncadd.s32 $0xFFFFE000  }
0xc7: {  	v4 =	vld [tilespmem:s15+$0x800]  }
0xc8: {  	v2 =	vld [tilespmem:s15+$0x810]  }
0xc9: {  	v1 =	vld [tilespmem:s15+$0x820]  }
0xca: {  	v3 =	vld [tilespmem:s15+$0x830]  }
0xcb: {  	v0 =	vld [tilespmem:s15+$0x830]  }
0xcc: {  	v6 =	vld [tilespmem:s15+$0x5800]  }
0xcd: {  	v10 =	vld [tilespmem:s15+$0x5810]  }
0xce: {  	v9 =	vld [tilespmem:s15+$0x5820]  }
0xcf: {  	v8 =	vld [tilespmem:s15+$0x5830]  }
0xd0: {  	v7 =	vld [tilespmem:s15+$0x6800]  }
0xd1: {  	v5 =	vld [tilespmem:s15+$0x6810];
	v11 =	vadd.f32 v4, v6  }
0xd2: {  	s31 =	simm.s32 $0x100;
	v10 =	vadd.f32 v2, v10;
	v6 =	vld [tilespmem:s15+$0x6820]  }
.LBB2_6:
0xd3: {  	s16 =	sshra.s32 s31, $0x2;
	p0 =	sne.s32 s31, $0x3F00;
	[tilespmem:s15+$0x5800] =	vst v11;
	v9 =	vadd.f32 v1, v9;
	v11 =	vld [tilespmem:s15+$0x6830]  }
0xd4: {  	v12 =	vld [tilespmem:s16+$0x800];
	[tilespmem:s15+$0x5810] =	vst v10;
	v3 =	vadd.f32 v3, v8  }
0xd5: {  	v8 =	vld [tilespmem:s16+$0x810];
	[tilespmem:s15+$0x5820] =	vst v9;
	v4 =	vadd.f32 v4, v7  }
0xd6: {  	v7 =	vld [tilespmem:s16+$0x820];
	[tilespmem:s15+$0x5830] =	vst v3;
	v2 =	vadd.f32 v2, v5  }
0xd7: {  	v3 =	vld [tilespmem:s16+$0x830];
	[tilespmem:s15+$0x6800] =	vst v4;
	v1 =	vadd.f32 v1, v6  }
0xd8: {  	[tilespmem:s15+$0x6810] =	vst v2;
	v9 =	vadd.f32 v0, v11;
	v0 =	vld [tilespmem:s16+$0x830]  }
0xd9: {  	v5 =	vld [tilespmem:s16+$0x5800];
	[tilespmem:s15+$0x6820] =	vst v1;
	v4 =	vmov v12  }
0xda: {  	v6 =	vld [tilespmem:s16+$0x5810];
	[tilespmem:s15+$0x6830] =	vst v9;
	v2 =	vmov v8;
	s15 =	smov.u32 s16  }
.Ltmp2:
0xdb: {  	v9 =	vld [tilespmem:s15+$0x5820];
	v1 =	vmov v7;
	(pc) =	sbr.rel @p0 .LBB2_6-.Ltmp2, $4  }
0xdc: {  	v8 =	vld [tilespmem:s15+$0x5830]  }
0xdd: {  	v7 =	vld [tilespmem:s15+$0x6800]  }
0xde: {  	v11 =	vadd.f32 v4, v5;
	v5 =	vld [tilespmem:s15+$0x6810]  }
0xdf: {  	s31 =	sadd.s32 $0x100, s31;
	v10 =	vadd.f32 v2, v6;
	v6 =	vld [tilespmem:s15+$0x6820]  }
0xe0: {  	[tilespmem:s15+$0x5800] =	vst v11;
	v9 =	vadd.f32 v1, v9;
	v11 =	vld [tilespmem:s15+$0x6830]  }
0xe1: {  	[tilespmem:s15+$0x5810] =	vst v10;
	v3 =	vadd.f32 v3, v8  }
0xe2: {  	[tilespmem:s15+$0x5820] =	vst v9;
	v4 =	vadd.f32 v4, v7  }
0xe3: {  	[tilespmem:s15+$0x5830] =	vst v3;
	v2 =	vadd.f32 v2, v5  }
0xe4: {  	[tilespmem:s15+$0x6800] =	vst v4;
	v1 =	vadd.f32 v1, v6  }
0xe5: {  	[tilespmem:s15+$0x6810] =	vst v2;
	v0 =	vadd.f32 v0, v11  }
0xe6: {  	[tilespmem:s15+$0x6820] =	vst v1  }
0xe7: {  	s16 =	rddreg [dreg:$0x8];
	[tilespmem:s15+$0x6830] =	vst v0;
	s15 =	simm.s32 $0x0  }
0xe8: {  	[hbm4b:s16+s15] =	stream.linear.scatter [tilespmem:s0], [sflag:$0x9], $0x1000, $0x38;
	[tilespmem:$0x11800] =	vst v63  }
0xe9: {  	s31 =	simm.s32 $0x6800;
	s16 =	rddreg [dreg:$0x9]  }
0xea: {  	[hbm4b:s16+s15] =	stream.linear.scatter [tilespmem:s31], [sflag:$0x9], $0x1000, $0x38;
	[tilespmem:$0x11800] =	vst v63  }
0xeb: {  	_ =	swait.ge [sflag:s8], $0x2000  }
0xec: {  	[sflag:s8] =	ssyncset.done $0x0  }
0xed: {  	s15 =	simm.s32 $0x0;
	[sflag:s8] =	ssyncadd.s32 $0xFFFFE000  }
0xee: {  	v4 =	vld [tilespmem:s15+$0x800]  }
0xef: {  	v2 =	vld [tilespmem:s15+$0x810]  }
0xf0: {  	v1 =	vld [tilespmem:s15+$0x820]  }
0xf1: {  	v3 =	vld [tilespmem:s15+$0x830]  }
0xf2: {  	v0 =	vld [tilespmem:s15+$0x830]  }
0xf3: {  	v6 =	vld [tilespmem:s15+$0x7800]  }
0xf4: {  	v10 =	vld [tilespmem:s15+$0x7810]  }
0xf5: {  	v9 =	vld [tilespmem:s15+$0x7820]  }
0xf6: {  	v8 =	vld [tilespmem:s15+$0x7830]  }
0xf7: {  	v7 =	vld [tilespmem:s15+$0x8800]  }
0xf8: {  	v5 =	vld [tilespmem:s15+$0x8810];
	v11 =	vadd.f32 v4, v6  }
0xf9: {  	s31 =	simm.s32 $0x100;
	v10 =	vadd.f32 v2, v10;
	v6 =	vld [tilespmem:s15+$0x8820]  }
.LBB2_8:
0xfa: {  	s16 =	sshra.s32 s31, $0x2;
	p0 =	sne.s32 s31, $0x3F00;
	[tilespmem:s15+$0x7800] =	vst v11;
	v9 =	vadd.f32 v1, v9;
	v11 =	vld [tilespmem:s15+$0x8830]  }
0xfb: {  	v12 =	vld [tilespmem:s16+$0x800];
	[tilespmem:s15+$0x7810] =	vst v10;
	v3 =	vadd.f32 v3, v8  }
0xfc: {  	v8 =	vld [tilespmem:s16+$0x810];
	[tilespmem:s15+$0x7820] =	vst v9;
	v4 =	vadd.f32 v4, v7  }
0xfd: {  	v7 =	vld [tilespmem:s16+$0x820];
	[tilespmem:s15+$0x7830] =	vst v3;
	v2 =	vadd.f32 v2, v5  }
0xfe: {  	v3 =	vld [tilespmem:s16+$0x830];
	[tilespmem:s15+$0x8800] =	vst v4;
	v1 =	vadd.f32 v1, v6  }
0xff: {  	[tilespmem:s15+$0x8810] =	vst v2;
	v9 =	vadd.f32 v0, v11;
	v0 =	vld [tilespmem:s16+$0x830]  }
0x100: {  	v5 =	vld [tilespmem:s16+$0x7800];
	[tilespmem:s15+$0x8820] =	vst v1;
	v4 =	vmov v12  }
0x101: {  	v6 =	vld [tilespmem:s16+$0x7810];
	[tilespmem:s15+$0x8830] =	vst v9;
	v2 =	vmov v8;
	s15 =	smov.u32 s16  }
.Ltmp3:
0x102: {  	v9 =	vld [tilespmem:s15+$0x7820];
	v1 =	vmov v7;
	(pc) =	sbr.rel @p0 .LBB2_8-.Ltmp3, $4  }
0x103: {  	v8 =	vld [tilespmem:s15+$0x7830]  }
0x104: {  	v7 =	vld [tilespmem:s15+$0x8800]  }
0x105: {  	v11 =	vadd.f32 v4, v5;
	v5 =	vld [tilespmem:s15+$0x8810]  }
0x106: {  	s31 =	sadd.s32 $0x100, s31;
	v10 =	vadd.f32 v2, v6;
	v6 =	vld [tilespmem:s15+$0x8820]  }
0x107: {  	[tilespmem:s15+$0x7800] =	vst v11;
	v9 =	vadd.f32 v1, v9;
	v11 =	vld [tilespmem:s15+$0x8830]  }
0x108: {  	[tilespmem:s15+$0x7810] =	vst v10;
	v3 =	vadd.f32 v3, v8  }
0x109: {  	[tilespmem:s15+$0x7820] =	vst v9;
	v4 =	vadd.f32 v4, v7  }
0x10a: {  	[tilespmem:s15+$0x7830] =	vst v3;
	v2 =	vadd.f32 v2, v5  }
0x10b: {  	[tilespmem:s15+$0x8800] =	vst v4;
	v1 =	vadd.f32 v1, v6  }
0x10c: {  	[tilespmem:s15+$0x8810] =	vst v2;
	v0 =	vadd.f32 v0, v11  }
0x10d: {  	[tilespmem:s15+$0x8820] =	vst v1  }
0x10e: {  	s16 =	rddreg [dreg:$0xa];
	[tilespmem:s15+$0x8830] =	vst v0;
	s15 =	simm.s32 $0x0  }
0x10f: {  	[hbm4b:s16+s15] =	stream.linear.scatter [tilespmem:s28], [sflag:$0xA], $0x1000, $0x38;
	[tilespmem:$0x11800] =	vst v63  }
0x110: {  	s31 =	simm.s32 $0x8800;
	s16 =	rddreg [dreg:$0xb]  }
0x111: {  	[hbm4b:s16+s15] =	stream.linear.scatter [tilespmem:s31], [sflag:$0xA], $0x1000, $0x38;
	[tilespmem:$0x11800] =	vst v63  }
0x112: {  	_ =	swait.ge [sflag:s9], $0x2000  }
0x113: {  	[sflag:s9] =	ssyncset.done $0x0  }
0x114: {  	s15 =	simm.s32 $0x0;
	[sflag:s9] =	ssyncadd.s32 $0xFFFFE000  }
0x115: {  	v4 =	vld [tilespmem:s15+$0x800]  }
0x116: {  	v2 =	vld [tilespmem:s15+$0x810]  }
0x117: {  	v1 =	vld [tilespmem:s15+$0x820]  }
0x118: {  	v3 =	vld [tilespmem:s15+$0x830]  }
0x119: {  	v0 =	vld [tilespmem:s15+$0x830]  }
0x11a: {  	v6 =	vld [tilespmem:s15+$0x9800]  }
0x11b: {  	v10 =	vld [tilespmem:s15+$0x9810]  }
0x11c: {  	v9 =	vld [tilespmem:s15+$0x9820]  }
0x11d: {  	v8 =	vld [tilespmem:s15+$0x9830]  }
0x11e: {  	v7 =	vld [tilespmem:s15+$0xA800]  }
0x11f: {  	v5 =	vld [tilespmem:s15+$0xA810];
	v11 =	vadd.f32 v4, v6  }
0x120: {  	s31 =	simm.s32 $0x100;
	v10 =	vadd.f32 v2, v10;
	v6 =	vld [tilespmem:s15+$0xA820]  }
.LBB2_10:
0x121: {  	s16 =	sshra.s32 s31, $0x2;
	p0 =	sne.s32 s31, $0x3F00;
	[tilespmem:s15+$0x9800] =	vst v11;
	v9 =	vadd.f32 v1, v9;
	v11 =	vld [tilespmem:s15+$0xA830]  }
0x122: {  	v12 =	vld [tilespmem:s16+$0x800];
	[tilespmem:s15+$0x9810] =	vst v10;
	v3 =	vadd.f32 v3, v8  }
0x123: {  	v8 =	vld [tilespmem:s16+$0x810];
	[tilespmem:s15+$0x9820] =	vst v9;
	v4 =	vadd.f32 v4, v7  }
0x124: {  	v7 =	vld [tilespmem:s16+$0x820];
	[tilespmem:s15+$0x9830] =	vst v3;
	v2 =	vadd.f32 v2, v5  }
0x125: {  	v3 =	vld [tilespmem:s16+$0x830];
	[tilespmem:s15+$0xA800] =	vst v4;
	v1 =	vadd.f32 v1, v6  }
0x126: {  	[tilespmem:s15+$0xA810] =	vst v2;
	v9 =	vadd.f32 v0, v11;
	v0 =	vld [tilespmem:s16+$0x830]  }
0x127: {  	v5 =	vld [tilespmem:s16+$0x9800];
	[tilespmem:s15+$0xA820] =	vst v1;
	v4 =	vmov v12  }
0x128: {  	v6 =	vld [tilespmem:s16+$0x9810];
	[tilespmem:s15+$0xA830] =	vst v9;
	v2 =	vmov v8;
	s15 =	smov.u32 s16  }
.Ltmp4:
0x129: {  	v9 =	vld [tilespmem:s15+$0x9820];
	v1 =	vmov v7;
	(pc) =	sbr.rel @p0 .LBB2_10-.Ltmp4, $4  }
0x12a: {  	v8 =	vld [tilespmem:s15+$0x9830]  }
0x12b: {  	v7 =	vld [tilespmem:s15+$0xA800]  }
0x12c: {  	v11 =	vadd.f32 v4, v5;
	v5 =	vld [tilespmem:s15+$0xA810]  }
0x12d: {  	s31 =	sadd.s32 $0x100, s31;
	v10 =	vadd.f32 v2, v6;
	v6 =	vld [tilespmem:s15+$0xA820]  }
0x12e: {  	[tilespmem:s15+$0x9800] =	vst v11;
	v9 =	vadd.f32 v1, v9;
	v11 =	vld [tilespmem:s15+$0xA830]  }
0x12f: {  	[tilespmem:s15+$0x9810] =	vst v10;
	v3 =	vadd.f32 v3, v8  }
0x130: {  	[tilespmem:s15+$0x9820] =	vst v9;
	v4 =	vadd.f32 v4, v7  }
0x131: {  	[tilespmem:s15+$0x9830] =	vst v3;
	v2 =	vadd.f32 v2, v5  }
0x132: {  	[tilespmem:s15+$0xA800] =	vst v4;
	v1 =	vadd.f32 v1, v6  }
0x133: {  	[tilespmem:s15+$0xA810] =	vst v2;
	v0 =	vadd.f32 v0, v11  }
0x134: {  	[tilespmem:s15+$0xA820] =	vst v1  }
0x135: {  	s16 =	rddreg [dreg:$0xc];
	[tilespmem:s15+$0xA830] =	vst v0;
	s15 =	simm.s32 $0x0  }
0x136: {  	[hbm4b:s16+s15] =	stream.linear.scatter [tilespmem:s1], [sflag:$0x9], $0x1000, $0x38;
	[tilespmem:$0x11800] =	vst v63  }
0x137: {  	s31 =	simm.s32 $0xA800;
	s16 =	rddreg [dreg:$0xd]  }
0x138: {  	[hbm4b:s16+s15] =	stream.linear.scatter [tilespmem:s31], [sflag:$0x9], $0x1000, $0x38;
	[tilespmem:$0x11800] =	vst v63  }
0x139: {  	_ =	swait.ge [sflag:s10], $0x2000  }
0x13a: {  	[sflag:s10] =	ssyncset.done $0x0  }
0x13b: {  	s15 =	simm.s32 $0x0;
	[sflag:s10] =	ssyncadd.s32 $0xFFFFE000  }
0x13c: {  	v4 =	vld [tilespmem:s15+$0x800]  }
0x13d: {  	v2 =	vld [tilespmem:s15+$0x810]  }
0x13e: {  	v1 =	vld [tilespmem:s15+$0x820]  }
0x13f: {  	v3 =	vld [tilespmem:s15+$0x830]  }
0x140: {  	v0 =	vld [tilespmem:s15+$0x830]  }
0x141: {  	v6 =	vld [tilespmem:s15+$0xB800]  }
0x142: {  	v10 =	vld [tilespmem:s15+$0xB810]  }
0x143: {  	v9 =	vld [tilespmem:s15+$0xB820]  }
0x144: {  	v8 =	vld [tilespmem:s15+$0xB830]  }
0x145: {  	v7 =	vld [tilespmem:s15+$0xC800]  }
0x146: {  	v5 =	vld [tilespmem:s15+$0xC810];
	v11 =	vadd.f32 v4, v6  }
0x147: {  	s31 =	simm.s32 $0x100;
	v10 =	vadd.f32 v2, v10;
	v6 =	vld [tilespmem:s15+$0xC820]  }
.LBB2_12:
0x148: {  	s16 =	sshra.s32 s31, $0x2;
	p0 =	sne.s32 s31, $0x3F00;
	[tilespmem:s15+$0xB800] =	vst v11;
	v9 =	vadd.f32 v1, v9;
	v11 =	vld [tilespmem:s15+$0xC830]  }
0x149: {  	v12 =	vld [tilespmem:s16+$0x800];
	[tilespmem:s15+$0xB810] =	vst v10;
	v3 =	vadd.f32 v3, v8  }
0x14a: {  	v8 =	vld [tilespmem:s16+$0x810];
	[tilespmem:s15+$0xB820] =	vst v9;
	v4 =	vadd.f32 v4, v7  }
0x14b: {  	v7 =	vld [tilespmem:s16+$0x820];
	[tilespmem:s15+$0xB830] =	vst v3;
	v2 =	vadd.f32 v2, v5  }
0x14c: {  	v3 =	vld [tilespmem:s16+$0x830];
	[tilespmem:s15+$0xC800] =	vst v4;
	v1 =	vadd.f32 v1, v6  }
0x14d: {  	[tilespmem:s15+$0xC810] =	vst v2;
	v9 =	vadd.f32 v0, v11;
	v0 =	vld [tilespmem:s16+$0x830]  }
0x14e: {  	v5 =	vld [tilespmem:s16+$0xB800];
	[tilespmem:s15+$0xC820] =	vst v1;
	v4 =	vmov v12  }
0x14f: {  	v6 =	vld [tilespmem:s16+$0xB810];
	[tilespmem:s15+$0xC830] =	vst v9;
	v2 =	vmov v8;
	s15 =	smov.u32 s16  }
.Ltmp5:
0x150: {  	v9 =	vld [tilespmem:s15+$0xB820];
	v1 =	vmov v7;
	(pc) =	sbr.rel @p0 .LBB2_12-.Ltmp5, $4  }
0x151: {  	v8 =	vld [tilespmem:s15+$0xB830]  }
0x152: {  	v7 =	vld [tilespmem:s15+$0xC800]  }
0x153: {  	v11 =	vadd.f32 v4, v5;
	v5 =	vld [tilespmem:s15+$0xC810]  }
0x154: {  	s31 =	sadd.s32 $0x100, s31;
	v10 =	vadd.f32 v2, v6;
	v6 =	vld [tilespmem:s15+$0xC820]  }
0x155: {  	[tilespmem:s15+$0xB800] =	vst v11;
	v9 =	vadd.f32 v1, v9;
	v11 =	vld [tilespmem:s15+$0xC830]  }
0x156: {  	[tilespmem:s15+$0xB810] =	vst v10;
	v3 =	vadd.f32 v3, v8  }
0x157: {  	[tilespmem:s15+$0xB820] =	vst v9;
	v4 =	vadd.f32 v4, v7  }
0x158: {  	[tilespmem:s15+$0xB830] =	vst v3;
	v2 =	vadd.f32 v2, v5  }
0x159: {  	[tilespmem:s15+$0xC800] =	vst v4;
	v1 =	vadd.f32 v1, v6  }
0x15a: {  	[tilespmem:s15+$0xC810] =	vst v2;
	v0 =	vadd.f32 v0, v11  }
0x15b: {  	[tilespmem:s15+$0xC820] =	vst v1  }
0x15c: {  	s16 =	rddreg [dreg:$0xe];
	[tilespmem:s15+$0xC830] =	vst v0;
	s15 =	simm.s32 $0x0  }
0x15d: {  	[hbm4b:s16+s15] =	stream.linear.scatter [tilespmem:s30], [sflag:$0xA], $0x1000, $0x38;
	[tilespmem:$0x11800] =	vst v63  }
0x15e: {  	s16 =	simm.s32 $0xC800  }
0x15f: {  	[hbm4b:s17+s15] =	stream.linear.scatter [tilespmem:s16], [sflag:$0xA], $0x1000, $0x38;
	[tilespmem:$0x11800] =	vst v63  }
0x160: {  	_ =	swait.ge [sflag:s11], $0x2000  }
0x161: {  	[sflag:s11] =	ssyncset.done $0x0  }
0x162: {  	s15 =	simm.s32 $0x0;
	[sflag:s11] =	ssyncadd.s32 $0xFFFFE000  }
0x163: {  	v4 =	vld [tilespmem:s15+$0x800]  }
0x164: {  	v2 =	vld [tilespmem:s15+$0x810]  }
0x165: {  	v1 =	vld [tilespmem:s15+$0x820]  }
0x166: {  	v3 =	vld [tilespmem:s15+$0x830]  }
0x167: {  	v0 =	vld [tilespmem:s15+$0x830]  }
0x168: {  	v6 =	vld [tilespmem:s15+$0xD800]  }
0x169: {  	v10 =	vld [tilespmem:s15+$0xD810]  }
0x16a: {  	v9 =	vld [tilespmem:s15+$0xD820]  }
0x16b: {  	v8 =	vld [tilespmem:s15+$0xD830]  }
0x16c: {  	v7 =	vld [tilespmem:s15+$0xE800]  }
0x16d: {  	v5 =	vld [tilespmem:s15+$0xE810];
	v11 =	vadd.f32 v4, v6  }
0x16e: {  	s31 =	simm.s32 $0x100;
	v10 =	vadd.f32 v2, v10;
	v6 =	vld [tilespmem:s15+$0xE820]  }
.LBB2_14:
0x16f: {  	s16 =	sshra.s32 s31, $0x2;
	p0 =	sne.s32 s31, $0x3F00;
	[tilespmem:s15+$0xD800] =	vst v11;
	v9 =	vadd.f32 v1, v9;
	v11 =	vld [tilespmem:s15+$0xE830]  }
0x170: {  	v12 =	vld [tilespmem:s16+$0x800];
	[tilespmem:s15+$0xD810] =	vst v10;
	v3 =	vadd.f32 v3, v8  }
0x171: {  	v8 =	vld [tilespmem:s16+$0x810];
	[tilespmem:s15+$0xD820] =	vst v9;
	v4 =	vadd.f32 v4, v7  }
0x172: {  	v7 =	vld [tilespmem:s16+$0x820];
	[tilespmem:s15+$0xD830] =	vst v3;
	v2 =	vadd.f32 v2, v5  }
0x173: {  	v3 =	vld [tilespmem:s16+$0x830];
	[tilespmem:s15+$0xE800] =	vst v4;
	v1 =	vadd.f32 v1, v6  }
0x174: {  	[tilespmem:s15+$0xE810] =	vst v2;
	v9 =	vadd.f32 v0, v11;
	v0 =	vld [tilespmem:s16+$0x830]  }
0x175: {  	v5 =	vld [tilespmem:s16+$0xD800];
	[tilespmem:s15+$0xE820] =	vst v1;
	v4 =	vmov v12  }
0x176: {  	v6 =	vld [tilespmem:s16+$0xD810];
	[tilespmem:s15+$0xE830] =	vst v9;
	v2 =	vmov v8;
	s15 =	smov.u32 s16  }
.Ltmp6:
0x177: {  	v9 =	vld [tilespmem:s15+$0xD820];
	v1 =	vmov v7;
	(pc) =	sbr.rel @p0 .LBB2_14-.Ltmp6, $4  }
0x178: {  	v8 =	vld [tilespmem:s15+$0xD830]  }
0x179: {  	v7 =	vld [tilespmem:s15+$0xE800]  }
0x17a: {  	v11 =	vadd.f32 v4, v5;
	v5 =	vld [tilespmem:s15+$0xE810]  }
0x17b: {  	s31 =	sadd.s32 $0x100, s31;
	v10 =	vadd.f32 v2, v6;
	v6 =	vld [tilespmem:s15+$0xE820]  }
0x17c: {  	[tilespmem:s15+$0xD800] =	vst v11;
	v9 =	vadd.f32 v1, v9;
	v11 =	vld [tilespmem:s15+$0xE830]  }
0x17d: {  	[tilespmem:s15+$0xD810] =	vst v10;
	v3 =	vadd.f32 v3, v8  }
0x17e: {  	[tilespmem:s15+$0xD820] =	vst v9;
	v4 =	vadd.f32 v4, v7  }
0x17f: {  	[tilespmem:s15+$0xD830] =	vst v3;
	v2 =	vadd.f32 v2, v5  }
0x180: {  	[tilespmem:s15+$0xE800] =	vst v4;
	v1 =	vadd.f32 v1, v6  }
0x181: {  	[tilespmem:s15+$0xE810] =	vst v2;
	v0 =	vadd.f32 v0, v11  }
0x182: {  	[tilespmem:s15+$0xE820] =	vst v1  }
0x183: {  	[tilespmem:s15+$0xE830] =	vst v0;
	s15 =	simm.s32 $0x0  }
0x184: {  	[hbm4b:s18+s15] =	stream.linear.scatter [tilespmem:s25], [sflag:$0x9], $0x1000, $0x38;
	[tilespmem:$0x11800] =	vst v63  }
0x185: {  	s16 =	simm.s32 $0xE800  }
0x186: {  	[hbm4b:s19+s15] =	stream.linear.scatter [tilespmem:s16], [sflag:$0x9], $0x1000, $0x38;
	[tilespmem:$0x11800] =	vst v63  }
0x187: {  	_ =	swait.ge [sflag:s12], $0x2000  }
0x188: {  	[sflag:s12] =	ssyncset.done $0x0  }
0x189: {  	s15 =	simm.s32 $0x0;
	[sflag:s12] =	ssyncadd.s32 $0xFFFFE000  }
0x18a: {  	v4 =	vld [tilespmem:s15+$0x800]  }
0x18b: {  	v2 =	vld [tilespmem:s15+$0x810]  }
0x18c: {  	v1 =	vld [tilespmem:s15+$0x820]  }
0x18d: {  	v3 =	vld [tilespmem:s15+$0x830]  }
0x18e: {  	v0 =	vld [tilespmem:s15+$0x830]  }
0x18f: {  	v6 =	vld [tilespmem:s15+$0xF800]  }
0x190: {  	v10 =	vld [tilespmem:s15+$0xF810]  }
0x191: {  	v9 =	vld [tilespmem:s15+$0xF820]  }
0x192: {  	v8 =	vld [tilespmem:s15+$0xF830]  }
0x193: {  	v7 =	vld [tilespmem:s15+$0x10800]  }
0x194: {  	v5 =	vld [tilespmem:s15+$0x10810];
	v11 =	vadd.f32 v4, v6  }
0x195: {  	s31 =	simm.s32 $0x100;
	v10 =	vadd.f32 v2, v10;
	v6 =	vld [tilespmem:s15+$0x10820]  }
.LBB2_16:
0x196: {  	s16 =	sshra.s32 s31, $0x2;
	p0 =	sne.s32 s31, $0x3F00;
	[tilespmem:s15+$0xF800] =	vst v11;
	v9 =	vadd.f32 v1, v9;
	v11 =	vld [tilespmem:s15+$0x10830]  }
0x197: {  	v12 =	vld [tilespmem:s16+$0x800];
	[tilespmem:s15+$0xF810] =	vst v10;
	v3 =	vadd.f32 v3, v8  }
0x198: {  	v8 =	vld [tilespmem:s16+$0x810];
	[tilespmem:s15+$0xF820] =	vst v9;
	v4 =	vadd.f32 v4, v7  }
0x199: {  	v7 =	vld [tilespmem:s16+$0x820];
	[tilespmem:s15+$0xF830] =	vst v3;
	v2 =	vadd.f32 v2, v5  }
0x19a: {  	v3 =	vld [tilespmem:s16+$0x830];
	[tilespmem:s15+$0x10800] =	vst v4;
	v1 =	vadd.f32 v1, v6  }
0x19b: {  	[tilespmem:s15+$0x10810] =	vst v2;
	v9 =	vadd.f32 v0, v11;
	v0 =	vld [tilespmem:s16+$0x830]  }
0x19c: {  	v5 =	vld [tilespmem:s16+$0xF800];
	[tilespmem:s15+$0x10820] =	vst v1;
	v4 =	vmov v12  }
0x19d: {  	v6 =	vld [tilespmem:s16+$0xF810];
	[tilespmem:s15+$0x10830] =	vst v9;
	v2 =	vmov v8;
	s15 =	smov.u32 s16  }
.Ltmp7:
0x19e: {  	v9 =	vld [tilespmem:s15+$0xF820];
	v1 =	vmov v7;
	(pc) =	sbr.rel @p0 .LBB2_16-.Ltmp7, $4  }
0x19f: {  	v8 =	vld [tilespmem:s15+$0xF830]  }
0x1a0: {  	v7 =	vld [tilespmem:s15+$0x10800]  }
0x1a1: {  	v11 =	vadd.f32 v4, v5;
	v5 =	vld [tilespmem:s15+$0x10810]  }
0x1a2: {  	s31 =	sadd.s32 $0x100, s31;
	v10 =	vadd.f32 v2, v6;
	v6 =	vld [tilespmem:s15+$0x10820]  }
0x1a3: {  	[tilespmem:s15+$0xF800] =	vst v11;
	v9 =	vadd.f32 v1, v9;
	v62 =	vld [tilespmem:s15+$0x10830]  }
0x1a4: {  	[tilespmem:s15+$0xF810] =	vst v10;
	v3 =	vadd.f32 v3, v8  }
0x1a5: {  	[tilespmem:s15+$0xF820] =	vst v9;
	v4 =	vadd.f32 v4, v7  }
0x1a6: {  	[tilespmem:s15+$0xF830] =	vst v3;
	v2 =	vadd.f32 v2, v5  }
0x1a7: {  	[tilespmem:s15+$0x10800] =	vst v4;
	v63 =	vadd.f32 v1, v6  }
0x1a8: {  	[tilespmem:s15+$0x10810] =	vst v2;
	v0 =	vadd.f32 v0, v62  }
0x1a9: {  	[tilespmem:s15+$0x10820] =	vst v63  }
0x1aa: {  	[tilespmem:s15+$0x10830] =	vst v0  }
0x1ab: {  	[hbm4b:s20+s2] =	stream.linear.scatter [tilespmem:s5], [sflag:$0xA], $0x1000, $0x38;
	[tilespmem:$0x11800] =	vst v63  }
0x1ac: {  	s31 =	simm.s32 $0x10800  }
0x1ad: {  	[hbm4b:s21+s2] =	stream.linear.scatter [tilespmem:s31], [sflag:$0xA], $0x1000, $0x38;
	[tilespmem:$0x11800] =	vst v63  }
0x1ae: {  	_ =	swait.ge [sflag:s13], $0x1000  }
0x1af: {  	[sflag:s13] =	ssyncset.done $0x0  }
0x1b0: {  	[sflag:s13] =	ssyncadd.s32 $0xFFFFF000  }
0x1b1: {  	_ =	swait.ge [sflag:s13], $0x1000  }
0x1b2: {  	[sflag:s13] =	ssyncset.done $0x0  }
0x1b3: {  	[sflag:s13] =	ssyncadd.s32 $0xFFFFF000  }
0x1b4: {  	_ =	swait.ge [sflag:s29], $0x1000  }
0x1b5: {  	[sflag:s29] =	ssyncset.done $0x0  }
0x1b6: {  	[sflag:s29] =	ssyncadd.s32 $0xFFFFF000  }
0x1b7: {  	_ =	swait.ge [sflag:s29], $0x1000  }
0x1b8: {  	[sflag:s29] =	ssyncset.done $0x0  }
0x1b9: {  	[sflag:s29] =	ssyncadd.s32 $0xFFFFF000  }
0x1ba: {  	_ =	swait.ge [sflag:s13], $0x1000  }
0x1bb: {  	[sflag:s13] =	ssyncset.done $0x0  }
0x1bc: {  	[sflag:s13] =	ssyncadd.s32 $0xFFFFF000  }
0x1bd: {  	_ =	swait.ge [sflag:s13], $0x1000  }
0x1be: {  	[sflag:s13] =	ssyncset.done $0x0  }
0x1bf: {  	[sflag:s13] =	ssyncadd.s32 $0xFFFFF000  }
0x1c0: {  	_ =	swait.ge [sflag:s29], $0x1000  }
0x1c1: {  	[sflag:s29] =	ssyncset.done $0x0  }
0x1c2: {  	[sflag:s29] =	ssyncadd.s32 $0xFFFFF000  }
0x1c3: {  	_ =	swait.ge [sflag:s29], $0x1000  }
0x1c4: {  	[sflag:s29] =	ssyncset.done $0x0  }
0x1c5: {  	[sflag:s29] =	ssyncadd.s32 $0xFFFFF000  }
0x1c6: {  	_ =	swait.ge [sflag:s13], $0x1000  }
0x1c7: {  	[sflag:s13] =	ssyncset.done $0x0  }
0x1c8: {  	[sflag:s13] =	ssyncadd.s32 $0xFFFFF000  }
0x1c9: {  	_ =	swait.ge [sflag:s13], $0x1000  }
0x1ca: {  	[sflag:s13] =	ssyncset.done $0x0  }
0x1cb: {  	[sflag:s13] =	ssyncadd.s32 $0xFFFFF000  }
0x1cc: {  	_ =	swait.ge [sflag:s29], $0x1000  }
0x1cd: {  	[sflag:s29] =	ssyncset.done $0x0  }
0x1ce: {  	[sflag:s29] =	ssyncadd.s32 $0xFFFFF000  }
0x1cf: {  	_ =	swait.ge [sflag:s29], $0x1000  }
0x1d0: {  	[sflag:s29] =	ssyncset.done $0x0  }
0x1d1: {  	[sflag:s29] =	ssyncadd.s32 $0xFFFFF000  }
0x1d2: {  	_ =	swait.ge [sflag:s13], $0x1000  }
0x1d3: {  	[sflag:s13] =	ssyncset.done $0x0  }
0x1d4: {  	[sflag:s13] =	ssyncadd.s32 $0xFFFFF000  }
0x1d5: {  	_ =	swait.ge [sflag:s13], $0x1000  }
0x1d6: {  	[sflag:s13] =	ssyncset.done $0x0  }
0x1d7: {  	s14 =	sadd.s32 $0x1, s14;
	[sflag:s13] =	ssyncadd.s32 $0xFFFFF000  }
0x1d8: {  	p0 =	sne.s32 s14, s22;
	_ =	swait.ge [sflag:s29], $0x1000  }
.Ltmp8:
0x1d9: {  	[sflag:s29] =	ssyncset.done $0x0;
	(pc) =	sbr.rel @p0 .LBB2_1-.Ltmp8, $4  }
0x1da: {  	[sflag:s29] =	ssyncadd.s32 $0xFFFFF000  }
0x1db: {  	_ =	swait.ge [sflag:s29], $0x1000  }
0x1dc: {  	[sflag:s29] =	ssyncset.done $0x0  }
0x1dd: {  	[sflag:s29] =	ssyncadd.s32 $0xFFFFF000  }
0x1de: {  	_ =	sfence.sel $0x180000  }
0x1df: {  	[bflag:$0x0] =	sbarrier.arrive $0xFFFF  }
0x1e0: {  	_ =	strace $0x90000047  }
0x1e1: {  	s0 =	stileid.u32;
	[bflag:$0x2] =	sbarrier.arrive $0xFFFF  }
0x1e2: {  	p0 =	sne.s32 s0, $0x0;
	s0 =	rddreg [dreg:$0x2]  }
0x1e3: {  	s0 =	sadd.s32 @!p0 $0x100000, s0  }
0x1e4: {  	[sflag:s0] =	ssyncadd.tile.s32 @!p0 $0x1;
	_ =	shalt  }
.Lfunc_end2:
_tile_overlayer_lowered:
.L_overlay_start_2:
0x1e5: {  	(tag) =	ssettag $0x2  }
0x1e6: {  	s0 =	rddreg [dreg:$0x0];
	s2 =	stileid.u32  }
0x1e7: {  	s1 =	rddreg [dreg:$0x1];
	p0 =	sne.s32 s2, $0x0  }
0x1e8: {  	s3 =	rddreg [dreg:$0x2];
	[bflag:$0x3] =	sbarrier.arrive $0xFFFF;
	s2 =	simm.s32 @!p0 $0x1C0B  }
0x1e9: {  	[timem:s3], [sflag:s2] =	dma.local @!p0 [hbm:s0], s1  }
0x1ea: {  	s0 =	simm.s32 @!p0 $0xB  }
0x1eb: {  	_ =	swait.ge @!p0 [sflag:s0], s1  }
0x1ec: {  	s1 =	ssub.s32 @!p0 $0x0, s1;
	[sflag:s0] =	ssyncset.done @!p0 $0x0  }
0x1ed: {  	[sflag:s0] =	ssyncadd.s32 @!p0 s1  }
0x1ee: {  	[bflag:$0x3] =	sbarrier.arrive $0xFFFF  }
0x1ef: {  	_ =	shalt  }

</sc_bundles>
